<compile_context>
chip_gen: v7x
topology: tpu7x:2x2x1
jax: 0.10.2.dev20260603
libtpu: 0.0.44.dev20260713+nightly
codegen_flags: <defaults>
</compile_context>

<pallas_src>
import functools

import jax
import jax.numpy as jnp
from jax import lax
from jax.experimental import pallas as pl
from jax.experimental.pallas import tpu as pltpu
from jax.experimental.pallas import tpu_sc as plsc

N_ = 10000
E_ = 320000
D_ = 128
NS_ = 0.5

NPAD = 10240
CHUNK = 128
GRP = 16
PERW = 10240
RBLK = 1000

_NC = 2
_NSS = 16


def _leaky(h):
    return jnp.where(h >= 0.0, h, NS_ * h)


def _mm_stage(x, Wl, Wr, b):

    def body(x_ref, wl_ref, wr_ref, b_ref, z_ref, r_ref):
        xv = x_ref[...]
        z_ref[...] = jnp.dot(xv, wl_ref[...], preferred_element_type=jnp.float32)
        r_ref[...] = (
            jnp.dot(xv, wr_ref[...], preferred_element_type=jnp.float32)
            + b_ref[...]
        )

    return pl.pallas_call(
        body,
        grid=(N_ // RBLK,),
        in_specs=[
            pl.BlockSpec((RBLK, D_), lambda n: (n, 0)),
            pl.BlockSpec((D_, D_), lambda n: (0, 0)),
            pl.BlockSpec((D_, D_), lambda n: (0, 0)),
            pl.BlockSpec((1, D_), lambda n: (0, 0)),
        ],
        out_specs=[
            pl.BlockSpec((RBLK, D_), lambda n: (n, 0)),
            pl.BlockSpec((RBLK, D_), lambda n: (n, 0)),
        ],
        out_shape=[
            jax.ShapeDtypeStruct((N_, D_), jnp.float32),
            jax.ShapeDtypeStruct((N_, D_), jnp.float32),
        ],
    )(x, Wl, Wr, b.reshape(1, D_))


def _combine_mm_stage(parts, pdeg, r_in, Wl, Wr, b):

    def body(p_ref, pd_ref, r_ref, wl_ref, wr_ref, b_ref, z_ref, r2_ref):
        s = p_ref[0] + p_ref[1]
        deg = jnp.maximum(pd_ref[0] + pd_ref[1], 1.0)
        h = _leaky(s / deg + r_ref[...])
        z_ref[...] = jnp.dot(h, wl_ref[...], preferred_element_type=jnp.float32)
        r2_ref[...] = (
            jnp.dot(h, wr_ref[...], preferred_element_type=jnp.float32)
            + b_ref[...]
        )

    return pl.pallas_call(
        body,
        grid=(N_ // RBLK,),
        in_specs=[
            pl.BlockSpec((_NC, RBLK, D_), lambda n: (0, n, 0)),
            pl.BlockSpec((_NC, RBLK, 1), lambda n: (0, n, 0)),
            pl.BlockSpec((RBLK, D_), lambda n: (n, 0)),
            pl.BlockSpec((D_, D_), lambda n: (0, 0)),
            pl.BlockSpec((D_, D_), lambda n: (0, 0)),
            pl.BlockSpec((1, D_), lambda n: (0, 0)),
        ],
        out_specs=[
            pl.BlockSpec((RBLK, D_), lambda n: (n, 0)),
            pl.BlockSpec((RBLK, D_), lambda n: (n, 0)),
        ],
        out_shape=[
            jax.ShapeDtypeStruct((N_, D_), jnp.float32),
            jax.ShapeDtypeStruct((N_, D_), jnp.float32),
        ],
    )(parts, pdeg, r_in, Wl, Wr, b.reshape(1, D_))


def _finish_stage(parts, pdeg, r_in):

    def body(p_ref, pd_ref, r_ref, o_ref):
        s = p_ref[0] + p_ref[1]
        deg = jnp.maximum(pd_ref[0] + pd_ref[1], 1.0)
        o_ref[...] = _leaky(s / deg + r_ref[...])

    return pl.pallas_call(
        body,
        grid=(N_ // RBLK,),
        in_specs=[
            pl.BlockSpec((_NC, RBLK, D_), lambda n: (0, n, 0)),
            pl.BlockSpec((_NC, RBLK, 1), lambda n: (0, n, 0)),
            pl.BlockSpec((RBLK, D_), lambda n: (n, 0)),
        ],
        out_specs=pl.BlockSpec((RBLK, D_), lambda n: (n, 0)),
        out_shape=jax.ShapeDtypeStruct((N_, D_), jnp.float32),
    )(parts, pdeg, r_in)


def _sc_segsum(z, src3, dst3, with_deg):
    n_chunks = PERW // CHUNK
    n_groups = n_chunks // GRP
    rows_per_tile = NPAD // _NSS
    mesh = plsc.VectorSubcoreMesh(core_axis_name="c", subcore_axis_name="s")

    out_type = [jax.ShapeDtypeStruct((_NC, NPAD, D_), jnp.float32)]
    scratch = [
        pltpu.VMEM((GRP, CHUNK), jnp.int32),
        pltpu.VMEM((GRP, CHUNK), jnp.int32),
        pltpu.VMEM((GRP, CHUNK), jnp.int32),
        pltpu.VMEM((GRP, CHUNK), jnp.int32),
        pltpu.VMEM((CHUNK, D_), jnp.float32),
        pltpu.VMEM((CHUNK, D_), jnp.float32),
        pltpu.VMEM_SHARED((NPAD, D_), jnp.float32),
        pltpu.SemaphoreType.DMA,
        pltpu.SemaphoreType.DMA,
        pltpu.SemaphoreType.DMA,
        pltpu.SemaphoreType.DMA,
    ]
    if with_deg:
        out_type.append(jax.ShapeDtypeStruct((_NC, NPAD), jnp.float32))
        scratch += [
            pltpu.VMEM((CHUNK,), jnp.float32),
            pltpu.VMEM((rows_per_tile,), jnp.float32),
            pltpu.VMEM_SHARED((NPAD,), jnp.float32),
        ]

    @functools.partial(
        pl.kernel, mesh=mesh, out_type=out_type, scratch_types=scratch
    )
    def k(z_hbm, src_hbm, dst_hbm, feat_hbm, *rest):
        if with_deg:
            (deg_hbm, srci0, srci1, dsti0, dsti1, rows_a, rows_b, acc_sh,
             sem_a, sem_b, sem_i, sem_d, ones_v, degrow_v, dacc_sh) = rest
        else:
            (srci0, srci1, dsti0, dsti1, rows_a, rows_b, acc_sh,
             sem_a, sem_b, sem_i, sem_d) = rest
        cid = lax.axis_index("c")
        sid = lax.axis_index("s")
        wid = cid * _NSS + sid

        pltpu.async_copy(src_hbm.at[wid, 0], srci0, sem_i)
        pltpu.async_copy(dst_hbm.at[wid, 0], dsti0, sem_i)
        zv = jnp.zeros((16,), jnp.float32)

        def zrow(r, carry):
            def zcol(j, carry2):
                rows_b[r, pl.ds(j * 16, 16)] = zv
                return carry2

            return lax.fori_loop(0, D_ // 16, zcol, carry)

        lax.fori_loop(0, CHUNK, zrow, 0)
        pltpu.make_async_copy(src_hbm.at[wid, 0], srci0, sem_i).wait()
        pltpu.make_async_copy(dst_hbm.at[wid, 0], dsti0, sem_i).wait()
        pltpu.async_copy(z_hbm.at[srci0.at[0]], rows_a, sem_a)
        for t in range(rows_per_tile // CHUNK):
            pltpu.sync_copy(
                rows_b, acc_sh.at[pl.ds(sid * rows_per_tile + t * CHUNK, CHUNK)]
            )
        if with_deg:
            ov = jnp.ones((16,), jnp.float32)

            def fill1(j, carry):
                ones_v[pl.ds(j * 16, 16)] = ov
                return carry

            lax.fori_loop(0, CHUNK // 16, fill1, 0)

            def filld(j, carry):
                degrow_v[pl.ds(j * 16, 16)] = zv
                return carry

            lax.fori_loop(0, rows_per_tile // 16, filld, 0)
            pltpu.sync_copy(
                degrow_v, dacc_sh.at[pl.ds(sid * rows_per_tile, rows_per_tile)]
            )
        plsc.subcore_barrier()

        def fire(si, c, buf, sem):
            pltpu.async_copy(z_hbm.at[si.at[c]], buf, sem)

        def drain(buf, sem):
            pltpu.make_async_copy(z_hbm.at[pl.ds(0, CHUNK)], buf, sem).wait()

        def scat(di, c, buf):
            pltpu.sync_copy(buf, acc_sh.at[di.at[c]], add=True)
            if with_deg:
                pltpu.async_copy(ones_v, dacc_sh.at[di.at[c]], sem_d, add=True)

        gbufs = [(srci0, dsti0), (srci1, dsti1)]

        for g in range(n_groups):
            si, di = gbufs[g % 2]
            sn, dn = gbufs[(g + 1) % 2]
            if g + 1 < n_groups:
                pltpu.async_copy(src_hbm.at[wid, g + 1], sn, sem_i)
                pltpu.async_copy(dst_hbm.at[wid, g + 1], dn, sem_i)

            def body(j, carry, si=si, di=di):
                c = j * 2
                fire(si, c + 1, rows_b, sem_b)
                drain(rows_a, sem_a)
                scat(di, c, rows_a)
                fire(si, c + 2, rows_a, sem_a)
                drain(rows_b, sem_b)
                scat(di, c + 1, rows_b)
                return carry

            lax.fori_loop(0, GRP // 2 - 1, body, 0)
            fire(si, GRP - 1, rows_b, sem_b)
            drain(rows_a, sem_a)
            scat(di, GRP - 2, rows_a)
            if g + 1 < n_groups:
                pltpu.make_async_copy(src_hbm.at[wid, g + 1], sn, sem_i).wait()
                pltpu.make_async_copy(dst_hbm.at[wid, g + 1], dn, sem_i).wait()
                fire(sn, 0, rows_a, sem_a)
            drain(rows_b, sem_b)
            scat(di, GRP - 1, rows_b)
        if with_deg:
            def ddrain(j, carry):
                pltpu.make_async_copy(
                    deg_hbm.at[cid, pl.ds(0, CHUNK)], ones_v, sem_d).wait()
                return carry

            lax.fori_loop(0, n_chunks, ddrain, 0)
        plsc.subcore_barrier()

        for t in range(rows_per_tile // CHUNK):
            off = sid * rows_per_tile + t * CHUNK
            pltpu.sync_copy(
                acc_sh.at[pl.ds(off, CHUNK)], feat_hbm.at[cid, pl.ds(off, CHUNK)]
            )
        if with_deg:
            off = sid * rows_per_tile
            pltpu.sync_copy(
                dacc_sh.at[pl.ds(off, rows_per_tile)],
                deg_hbm.at[cid, pl.ds(off, rows_per_tile)],
            )

    return k(z, src3, dst3)


def kernel(x, edge_index, W1_l, b1, W1_r, W2_l, b2, W2_r):
    nw = _NC * _NSS
    per_w = E_ // nw
    pad = PERW - per_w
    n_chunks = PERW // CHUNK
    pad_dst = (N_ + (jnp.arange(pad, dtype=jnp.int32)[None, :]
                     + 8 * jnp.arange(nw, dtype=jnp.int32)[:, None]) % (NPAD - N_))
    pad_src = ((jnp.arange(pad, dtype=jnp.int32)[None, :] * 37
                + 313 * jnp.arange(nw, dtype=jnp.int32)[:, None]) % N_)
    src3 = jnp.concatenate(
        [edge_index[0].reshape(nw, per_w),
         pad_src.astype(jnp.int32)], axis=1
    ).reshape(nw, n_chunks // GRP, GRP, CHUNK)
    dst3 = jnp.concatenate(
        [edge_index[1].reshape(nw, per_w),
         pad_dst.astype(jnp.int32)], axis=1
    ).reshape(nw, n_chunks // GRP, GRP, CHUNK)
    z1, r1 = _mm_stage(x, W1_l, W1_r, b1)
    p1, pdeg = _sc_segsum(z1, src3, dst3, True)
    pdeg = pdeg.reshape(_NC, NPAD, 1)
    z2, r2 = _combine_mm_stage(p1, pdeg, r1, W2_l, W2_r, b2)
    p2, _ = _sc_segsum(z2, src3, dst3, True)
    return _finish_stage(p2, pdeg, r2)

# --- scband reference (transcript-rebuilt; emitter-appended) ---
"""Pipeline reference for scband-encoder-15324443312556 (READ-ONLY COPY).

The authoritative reference and input builder live on the scoring server;
editing this copy changes nothing except your own understanding.
"""

import jax, jax.numpy as jnp
import numpy as np

N = 10000
E = 320000
D = 128
NS = 0.5


def setup_inputs(seed: int = 0) -> dict:
    key = jax.random.key(seed)
    ks = jax.random.split(key, 8)
    x = jax.random.normal(ks[0], (N, D), dtype=jnp.float32)
    edge_index = jax.random.randint(ks[1], (2, E), 0, N, dtype=jnp.int32)
    s = 1.0 / np.sqrt(D)
    W1_l = jax.random.normal(ks[2], (D, D), dtype=jnp.float32) * s
    b1 = jnp.zeros((D,), dtype=jnp.float32)
    W1_r = jax.random.normal(ks[3], (D, D), dtype=jnp.float32) * s
    W2_l = jax.random.normal(ks[4], (D, D), dtype=jnp.float32) * s
    b2 = jnp.zeros((D,), dtype=jnp.float32)
    W2_r = jax.random.normal(ks[5], (D, D), dtype=jnp.float32) * s
    return {"x": x, "edge_index": edge_index, "W1_l": W1_l, "b1": b1, "W1_r": W1_r, "W2_l": W2_l, "b2": b2, "W2_r": W2_r}


def _sage_conv(x, edge_index, Wl, b, Wr):
    # PyG SAGEConv with mean aggregation: out = lin_l(mean_j x_j) + lin_r(x_i)
    src = edge_index[0]
    dst = edge_index[1]
    msg = jnp.take(x, src, axis=0)
    agg = jax.ops.segment_sum(msg, dst, num_segments=N)
    deg = jax.ops.segment_sum(jnp.ones((msg.shape[0],), dtype=x.dtype), dst, num_segments=N)
    agg = agg / jnp.maximum(deg, 1.0)[:, None]
    return agg @ Wl + b + x @ Wr


def _leaky_relu(h, ns):
    return jnp.where(h >= 0, h, ns * h)


def reference(x, edge_index, W1_l, b1, W1_r, W2_l, b2, W2_r):
    # dropout p=0.0 -> identity
    h = _sage_conv(x, edge_index, W1_l, b1, W1_r)
    h = _leaky_relu(h, NS)
    h = _sage_conv(h, edge_index, W2_l, b2, W2_r)
    h = _leaky_relu(h, NS)
    return h

if __name__ == "__main__":
    import jax
    _d = setup_inputs()
    print(jax.jit(kernel)(*tuple(_d.values())))

</pallas_src>

<mosaic_0001>
#map = affine_map<(d0, d1) -> (0, 0)>
#map1 = affine_map<(d0, d1) -> (0, 0, 0, 0)>
#map2 = affine_map<(d0, d1) -> (0, 0, 0)>
module attributes {stable_mosaic.version = 14 : i64} {
  func.func @k(%arg0: i32, %arg1: i32, %arg2: memref<10000x128xf32, #tpu.memory_space<hbm>>, %arg3: memref<32x5x16x128xi32, #tpu.memory_space<hbm>>, %arg4: memref<32x5x16x128xi32, #tpu.memory_space<hbm>>, %arg5: memref<2x10240x128xf32, #tpu.memory_space<hbm>>, %arg6: memref<2x10240xf32, #tpu.memory_space<hbm>>, %arg7: memref<16x128xi32, #tpu.memory_space<vmem>>, %arg8: memref<16x128xi32, #tpu.memory_space<vmem>>, %arg9: memref<16x128xi32, #tpu.memory_space<vmem>>, %arg10: memref<16x128xi32, #tpu.memory_space<vmem>>, %arg11: memref<128x128xf32, #tpu.memory_space<vmem>>, %arg12: memref<128x128xf32, #tpu.memory_space<vmem>>, %arg13: memref<10240x128xf32, #tpu.memory_space<vmem_shared>>, %arg14: memref<!tpu.dma_semaphore, #tpu.memory_space<semaphore_mem>>, %arg15: memref<!tpu.dma_semaphore, #tpu.memory_space<semaphore_mem>>, %arg16: memref<!tpu.dma_semaphore, #tpu.memory_space<semaphore_mem>>, %arg17: memref<!tpu.dma_semaphore, #tpu.memory_space<semaphore_mem>>, %arg18: memref<128xf32, #tpu.memory_space<vmem>>, %arg19: memref<640xf32, #tpu.memory_space<vmem>>, %arg20: memref<10240xf32, #tpu.memory_space<vmem_shared>>) attributes {dimension_semantics = [#tpu.dimension_semantics<core_parallel>, #tpu.dimension_semantics<subcore_parallel>], iteration_bounds = array<i64: 2, 16>, scalar_prefetch = 0 : i64, scratch_operands = 14 : i64, tpu.core_type = #tpu.core_type<sc_vector_subcore>, window_params = [{transform_indices = #map}, {transform_indices = #map1}, {transform_indices = #map1}, {transform_indices = #map2}, {transform_indices = #map}]} {
    %mul3A = arith.constant 16 : i32
    %mul3A_0 = arith.muli %arg0, %mul3A : i32
    %add3A = arith.addi %mul3A_0, %arg1 : i32
    %dma_start3A = arith.constant 0 : i32
    %dma_start3A_1 = arith.constant 0 : i32
    %dma_start3A_2 = arith.constant 0 : i32
    %dma_start3A_3 = tpu.memref_slice %arg3[%add3A, %dma_start3A, %dma_start3A_1, %dma_start3A_2] : memref<32x5x16x128xi32, #tpu.memory_space<hbm>> -> memref<1x1x16x128xi32, #tpu.memory_space<hbm>>
    %dma_start3A_4 = tpu.memref_squeeze %dma_start3A_3 : memref<1x1x16x128xi32, #tpu.memory_space<hbm>> -> memref<16x128xi32, #tpu.memory_space<hbm>>
    %dma_start3A_5 = arith.constant 0 : i32
    %dma_start3A_6 = arith.constant 0 : i32
    %dma_start3A_7 = tpu.memref_slice %arg3[%add3A, %dma_start3A, %dma_start3A_5, %dma_start3A_6] : memref<32x5x16x128xi32, #tpu.memory_space<hbm>> -> memref<1x1x16x128xi32, #tpu.memory_space<hbm>>
    %dma_start3A_8 = tpu.memref_squeeze %dma_start3A_7 : memref<1x1x16x128xi32, #tpu.memory_space<hbm>> -> memref<16x128xi32, #tpu.memory_space<hbm>>
    tpu.enqueue_dma source(%dma_start3A_8 : memref<16x128xi32, #tpu.memory_space<hbm>>) target(%arg7 : memref<16x128xi32, #tpu.memory_space<vmem>>) target_semaphore(%arg16 : memref<!tpu.dma_semaphore, #tpu.memory_space<semaphore_mem>>)
    %dma_start3A_9 = arith.constant 0 : i32
    %dma_start3A_10 = arith.constant 0 : i32
    %dma_start3A_11 = arith.constant 0 : i32
    %dma_start3A_12 = tpu.memref_slice %arg4[%add3A, %dma_start3A_9, %dma_start3A_10, %dma_start3A_11] : memref<32x5x16x128xi32, #tpu.memory_space<hbm>> -> memref<1x1x16x128xi32, #tpu.memory_space<hbm>>
    %dma_start3A_13 = tpu.memref_squeeze %dma_start3A_12 : memref<1x1x16x128xi32, #tpu.memory_space<hbm>> -> memref<16x128xi32, #tpu.memory_space<hbm>>
    %dma_start3A_14 = arith.constant 0 : i32
    %dma_start3A_15 = arith.constant 0 : i32
    %dma_start3A_16 = tpu.memref_slice %arg4[%add3A, %dma_start3A_9, %dma_start3A_14, %dma_start3A_15] : memref<32x5x16x128xi32, #tpu.memory_space<hbm>> -> memref<1x1x16x128xi32, #tpu.memory_space<hbm>>
    %dma_start3A_17 = tpu.memref_squeeze %dma_start3A_16 : memref<1x1x16x128xi32, #tpu.memory_space<hbm>> -> memref<16x128xi32, #tpu.memory_space<hbm>>
    tpu.enqueue_dma source(%dma_start3A_17 : memref<16x128xi32, #tpu.memory_space<hbm>>) target(%arg9 : memref<16x128xi32, #tpu.memory_space<vmem>>) target_semaphore(%arg16 : memref<!tpu.dma_semaphore, #tpu.memory_space<semaphore_mem>>)
    %broadcast_in_dim3A = arith.constant 0.000000e+00 : f32
    %broadcast_in_dim3A_18 = vector.broadcast %broadcast_in_dim3A : f32 to vector<16xf32>
    %scan3A = arith.constant 0 : i32
    %scan3A_19 = arith.constant 0 : i32
    %scan3A_20 = arith.constant 128 : i32
    %scan3A_21 = arith.addi %scan3A_19, %scan3A_20 : i32
    %scan3A_22 = arith.constant 1 : i32
    scf.for %scan3A_479 = %scan3A_19 to %scan3A_21 step %scan3A_22  : i32 {
      %scan3A_480 = arith.constant 0 : i32
      %scan3A_481 = arith.constant 8 : i32
      %scan3A_482 = arith.addi %scan3A_480, %scan3A_481 : i32
      %scan3A_483 = arith.constant 1 : i32
      scf.for %scan3A_485 = %scan3A_480 to %scan3A_482 step %scan3A_483  : i32 {
        %mul3A_486 = arith.constant 16 : i32
        %mul3A_487 = arith.muli %scan3A_485, %mul3A_486 : i32
        %swap3A = arith.index_cast %scan3A_479 : i32 to index
        %swap3A_488 = arith.index_cast %mul3A_487 : i32 to index
        %swap3A_489 = tpu.vector_load %arg12[%swap3A, %swap3A_488] {strides = array<i32>} : memref<128x128xf32, #tpu.memory_space<vmem>>, vector<1x16xf32>,
        %swap3A_490 = vector.shape_cast %swap3A_489 : vector<1x16xf32> to vector<16xf32>
        %swap3A_491 = vector.shape_cast %broadcast_in_dim3A_18 : vector<16xf32> to vector<1x16xf32>
        tpu.vector_store %arg12[%swap3A, %swap3A_488], %swap3A_491 {strides = array<i32>} : memref<128x128xf32, #tpu.memory_space<vmem>>, vector<1x16xf32>,
      }
      %scan3A_484 = arith.constant 8 : i32
    }
    %scan3A_23 = arith.constant 128 : i32
    %dma_wait3A = arith.constant 0 : i32
    %dma_wait3A_24 = arith.constant 0 : i32
    %dma_wait3A_25 = arith.constant 0 : i32
    %dma_wait3A_26 = tpu.memref_slice %arg3[%add3A, %dma_wait3A, %dma_wait3A_24, %dma_wait3A_25] : memref<32x5x16x128xi32, #tpu.memory_space<hbm>> -> memref<1x1x16x128xi32, #tpu.memory_space<hbm>>
    %dma_wait3A_27 = tpu.memref_squeeze %dma_wait3A_26 : memref<1x1x16x128xi32, #tpu.memory_space<hbm>> -> memref<16x128xi32, #tpu.memory_space<hbm>>
    %dma_wait3A_28 = arith.constant 0 : i32
    %dma_wait3A_29 = arith.constant 0 : i32
    %dma_wait3A_30 = tpu.memref_slice %arg3[%add3A, %dma_wait3A, %dma_wait3A_28, %dma_wait3A_29] : memref<32x5x16x128xi32, #tpu.memory_space<hbm>> -> memref<1x1x16x128xi32, #tpu.memory_space<hbm>>
    %dma_wait3A_31 = tpu.memref_squeeze %dma_wait3A_30 : memref<1x1x16x128xi32, #tpu.memory_space<hbm>> -> memref<16x128xi32, #tpu.memory_space<hbm>>
    tpu.wait_dma2 semaphore(%arg16 : memref<!tpu.dma_semaphore, #tpu.memory_space<semaphore_mem>>) src(%dma_wait3A_31 : memref<16x128xi32, #tpu.memory_space<hbm>>) dst(%arg7 : memref<16x128xi32, #tpu.memory_space<vmem>>)
    %dma_wait3A_32 = arith.constant 0 : i32
    %dma_wait3A_33 = arith.constant 0 : i32
    %dma_wait3A_34 = arith.constant 0 : i32
    %dma_wait3A_35 = tpu.memref_slice %arg4[%add3A, %dma_wait3A_32, %dma_wait3A_33, %dma_wait3A_34] : memref<32x5x16x128xi32, #tpu.memory_space<hbm>> -> memref<1x1x16x128xi32, #tpu.memory_space<hbm>>
    %dma_wait3A_36 = tpu.memref_squeeze %dma_wait3A_35 : memref<1x1x16x128xi32, #tpu.memory_space<hbm>> -> memref<16x128xi32, #tpu.memory_space<hbm>>
    %dma_wait3A_37 = arith.constant 0 : i32
    %dma_wait3A_38 = arith.constant 0 : i32
    %dma_wait3A_39 = tpu.memref_slice %arg4[%add3A, %dma_wait3A_32, %dma_wait3A_37, %dma_wait3A_38] : memref<32x5x16x128xi32, #tpu.memory_space<hbm>> -> memref<1x1x16x128xi32, #tpu.memory_space<hbm>>
    %dma_wait3A_40 = tpu.memref_squeeze %dma_wait3A_39 : memref<1x1x16x128xi32, #tpu.memory_space<hbm>> -> memref<16x128xi32, #tpu.memory_space<hbm>>
    tpu.wait_dma2 semaphore(%arg16 : memref<!tpu.dma_semaphore, #tpu.memory_space<semaphore_mem>>) src(%dma_wait3A_40 : memref<16x128xi32, #tpu.memory_space<hbm>>) dst(%arg9 : memref<16x128xi32, #tpu.memory_space<vmem>>)
    %dma_start3A_41 = arith.constant 0 : i32
    %dma_start3A_42 = arith.constant 0 : i32
    %dma_start3A_43 = tpu.memref_slice %arg7[%dma_start3A_41, %dma_start3A_42] : memref<16x128xi32, #tpu.memory_space<vmem>> -> memref<1x128xi32, #tpu.memory_space<vmem>>
    %dma_start3A_44 = tpu.memref_squeeze %dma_start3A_43 : memref<1x128xi32, #tpu.memory_space<vmem>> -> memref<128xi32, #tpu.memory_space<vmem>>
    %dma_start3A_45 = arith.constant 0 : i32
    %dma_start3A_46 = arith.constant 0 : i32
    %dma_start3A_47 = tpu.memref_slice %arg2[%dma_start3A_45, %dma_start3A_46] : memref<10000x128xf32, #tpu.memory_space<hbm>> -> memref<10000x128xf32, #tpu.memory_space<hbm>>
    tpu.enqueue_indirect_dma source(%dma_start3A_47 : memref<10000x128xf32, #tpu.memory_space<hbm>>) target(%arg11 : memref<128x128xf32, #tpu.memory_space<vmem>>) offsets(%dma_start3A_44 : memref<128xi32, #tpu.memory_space<vmem>>) semaphore(%arg14 : memref<!tpu.dma_semaphore, #tpu.memory_space<semaphore_mem>>)
    %mul3A_48 = arith.constant 640 : i32
    %mul3A_49 = arith.muli %arg1, %mul3A_48 : i32
    %add3A_50 = arith.constant 0 : i32
    %add3A_51 = arith.addi %mul3A_49, %add3A_50 : i32
    "tpu.region"() ({
      %run_scoped3A_479 = tpu.sem_alloc : memref<!tpu.dma_semaphore, #tpu.memory_space<semaphore_mem>>
      %dma_start3A_480 = arith.constant 0 : i32
      %dma_start3A_481 = tpu.memref_slice %arg13[%add3A_51, %dma_start3A_480] : memref<10240x128xf32, #tpu.memory_space<vmem_shared>> -> memref<128x128xf32, #tpu.memory_space<vmem_shared>>
      %dma_start3A_482 = arith.constant 0 : i32
      %dma_start3A_483 = tpu.memref_slice %arg13[%add3A_51, %dma_start3A_482] : memref<10240x128xf32, #tpu.memory_space<vmem_shared>> -> memref<128x128xf32, #tpu.memory_space<vmem_shared>>
      tpu.enqueue_dma source(%arg12 : memref<128x128xf32, #tpu.memory_space<vmem>>) target(%dma_start3A_483 : memref<128x128xf32, #tpu.memory_space<vmem_shared>>) target_semaphore(%run_scoped3A_479 : memref<!tpu.dma_semaphore, #tpu.memory_space<semaphore_mem>>)
      %dma_wait3A_484 = arith.constant 0 : i32
      %dma_wait3A_485 = tpu.memref_slice %arg13[%add3A_51, %dma_wait3A_484] : memref<10240x128xf32, #tpu.memory_space<vmem_shared>> -> memref<128x128xf32, #tpu.memory_space<vmem_shared>>
      %dma_wait3A_486 = arith.constant 0 : i32
      %dma_wait3A_487 = tpu.memref_slice %arg13[%add3A_51, %dma_wait3A_486] : memref<10240x128xf32, #tpu.memory_space<vmem_shared>> -> memref<128x128xf32, #tpu.memory_space<vmem_shared>>
      tpu.wait_dma2 semaphore(%run_scoped3A_479 : memref<!tpu.dma_semaphore, #tpu.memory_space<semaphore_mem>>) src(%arg12 : memref<128x128xf32, #tpu.memory_space<vmem>>) dst(%dma_wait3A_487 : memref<128x128xf32, #tpu.memory_space<vmem_shared>>)
      tpu.yield
    }) : () -> ()
    %mul3A_52 = arith.constant 640 : i32
    %mul3A_53 = arith.muli %arg1, %mul3A_52 : i32
    %add3A_54 = arith.constant 128 : i32
    %add3A_55 = arith.addi %mul3A_53, %add3A_54 : i32
    "tpu.region"() ({
      %run_scoped3A_479 = tpu.sem_alloc : memref<!tpu.dma_semaphore, #tpu.memory_space<semaphore_mem>>
      %dma_start3A_480 = arith.constant 0 : i32
      %dma_start3A_481 = tpu.memref_slice %arg13[%add3A_55, %dma_start3A_480] : memref<10240x128xf32, #tpu.memory_space<vmem_shared>> -> memref<128x128xf32, #tpu.memory_space<vmem_shared>>
      %dma_start3A_482 = arith.constant 0 : i32
      %dma_start3A_483 = tpu.memref_slice %arg13[%add3A_55, %dma_start3A_482] : memref<10240x128xf32, #tpu.memory_space<vmem_shared>> -> memref<128x128xf32, #tpu.memory_space<vmem_shared>>
      tpu.enqueue_dma source(%arg12 : memref<128x128xf32, #tpu.memory_space<vmem>>) target(%dma_start3A_483 : memref<128x128xf32, #tpu.memory_space<vmem_shared>>) target_semaphore(%run_scoped3A_479 : memref<!tpu.dma_semaphore, #tpu.memory_space<semaphore_mem>>)
      %dma_wait3A_484 = arith.constant 0 : i32
      %dma_wait3A_485 = tpu.memref_slice %arg13[%add3A_55, %dma_wait3A_484] : memref<10240x128xf32, #tpu.memory_space<vmem_shared>> -> memref<128x128xf32, #tpu.memory_space<vmem_shared>>
      %dma_wait3A_486 = arith.constant 0 : i32
      %dma_wait3A_487 = tpu.memref_slice %arg13[%add3A_55, %dma_wait3A_486] : memref<10240x128xf32, #tpu.memory_space<vmem_shared>> -> memref<128x128xf32, #tpu.memory_space<vmem_shared>>
      tpu.wait_dma2 semaphore(%run_scoped3A_479 : memref<!tpu.dma_semaphore, #tpu.memory_space<semaphore_mem>>) src(%arg12 : memref<128x128xf32, #tpu.memory_space<vmem>>) dst(%dma_wait3A_487 : memref<128x128xf32, #tpu.memory_space<vmem_shared>>)
      tpu.yield
    }) : () -> ()
    %mul3A_56 = arith.constant 640 : i32
    %mul3A_57 = arith.muli %arg1, %mul3A_56 : i32
    %add3A_58 = arith.constant 256 : i32
    %add3A_59 = arith.addi %mul3A_57, %add3A_58 : i32
    "tpu.region"() ({
      %run_scoped3A_479 = tpu.sem_alloc : memref<!tpu.dma_semaphore, #tpu.memory_space<semaphore_mem>>
      %dma_start3A_480 = arith.constant 0 : i32
      %dma_start3A_481 = tpu.memref_slice %arg13[%add3A_59, %dma_start3A_480] : memref<10240x128xf32, #tpu.memory_space<vmem_shared>> -> memref<128x128xf32, #tpu.memory_space<vmem_shared>>
      %dma_start3A_482 = arith.constant 0 : i32
      %dma_start3A_483 = tpu.memref_slice %arg13[%add3A_59, %dma_start3A_482] : memref<10240x128xf32, #tpu.memory_space<vmem_shared>> -> memref<128x128xf32, #tpu.memory_space<vmem_shared>>
      tpu.enqueue_dma source(%arg12 : memref<128x128xf32, #tpu.memory_space<vmem>>) target(%dma_start3A_483 : memref<128x128xf32, #tpu.memory_space<vmem_shared>>) target_semaphore(%run_scoped3A_479 : memref<!tpu.dma_semaphore, #tpu.memory_space<semaphore_mem>>)
      %dma_wait3A_484 = arith.constant 0 : i32
      %dma_wait3A_485 = tpu.memref_slice %arg13[%add3A_59, %dma_wait3A_484] : memref<10240x128xf32, #tpu.memory_space<vmem_shared>> -> memref<128x128xf32, #tpu.memory_space<vmem_shared>>
      %dma_wait3A_486 = arith.constant 0 : i32
      %dma_wait3A_487 = tpu.memref_slice %arg13[%add3A_59, %dma_wait3A_486] : memref<10240x128xf32, #tpu.memory_space<vmem_shared>> -> memref<128x128xf32, #tpu.memory_space<vmem_shared>>
      tpu.wait_dma2 semaphore(%run_scoped3A_479 : memref<!tpu.dma_semaphore, #tpu.memory_space<semaphore_mem>>) src(%arg12 : memref<128x128xf32, #tpu.memory_space<vmem>>) dst(%dma_wait3A_487 : memref<128x128xf32, #tpu.memory_space<vmem_shared>>)
      tpu.yield
    }) : () -> ()
    %mul3A_60 = arith.constant 640 : i32
    %mul3A_61 = arith.muli %arg1, %mul3A_60 : i32
    %add3A_62 = arith.constant 384 : i32
    %add3A_63 = arith.addi %mul3A_61, %add3A_62 : i32
    "tpu.region"() ({
      %run_scoped3A_479 = tpu.sem_alloc : memref<!tpu.dma_semaphore, #tpu.memory_space<semaphore_mem>>
      %dma_start3A_480 = arith.constant 0 : i32
      %dma_start3A_481 = tpu.memref_slice %arg13[%add3A_63, %dma_start3A_480] : memref<10240x128xf32, #tpu.memory_space<vmem_shared>> -> memref<128x128xf32, #tpu.memory_space<vmem_shared>>
      %dma_start3A_482 = arith.constant 0 : i32
      %dma_start3A_483 = tpu.memref_slice %arg13[%add3A_63, %dma_start3A_482] : memref<10240x128xf32, #tpu.memory_space<vmem_shared>> -> memref<128x128xf32, #tpu.memory_space<vmem_shared>>
      tpu.enqueue_dma source(%arg12 : memref<128x128xf32, #tpu.memory_space<vmem>>) target(%dma_start3A_483 : memref<128x128xf32, #tpu.memory_space<vmem_shared>>) target_semaphore(%run_scoped3A_479 : memref<!tpu.dma_semaphore, #tpu.memory_space<semaphore_mem>>)
      %dma_wait3A_484 = arith.constant 0 : i32
      %dma_wait3A_485 = tpu.memref_slice %arg13[%add3A_63, %dma_wait3A_484] : memref<10240x128xf32, #tpu.memory_space<vmem_shared>> -> memref<128x128xf32, #tpu.memory_space<vmem_shared>>
      %dma_wait3A_486 = arith.constant 0 : i32
      %dma_wait3A_487 = tpu.memref_slice %arg13[%add3A_63, %dma_wait3A_486] : memref<10240x128xf32, #tpu.memory_space<vmem_shared>> -> memref<128x128xf32, #tpu.memory_space<vmem_shared>>
      tpu.wait_dma2 semaphore(%run_scoped3A_479 : memref<!tpu.dma_semaphore, #tpu.memory_space<semaphore_mem>>) src(%arg12 : memref<128x128xf32, #tpu.memory_space<vmem>>) dst(%dma_wait3A_487 : memref<128x128xf32, #tpu.memory_space<vmem_shared>>)
      tpu.yield
    }) : () -> ()
    %mul3A_64 = arith.constant 640 : i32
    %mul3A_65 = arith.muli %arg1, %mul3A_64 : i32
    %add3A_66 = arith.constant 512 : i32
    %add3A_67 = arith.addi %mul3A_65, %add3A_66 : i32
    "tpu.region"() ({
      %run_scoped3A_479 = tpu.sem_alloc : memref<!tpu.dma_semaphore, #tpu.memory_space<semaphore_mem>>
      %dma_start3A_480 = arith.constant 0 : i32
      %dma_start3A_481 = tpu.memref_slice %arg13[%add3A_67, %dma_start3A_480] : memref<10240x128xf32, #tpu.memory_space<vmem_shared>> -> memref<128x128xf32, #tpu.memory_space<vmem_shared>>
      %dma_start3A_482 = arith.constant 0 : i32
      %dma_start3A_483 = tpu.memref_slice %arg13[%add3A_67, %dma_start3A_482] : memref<10240x128xf32, #tpu.memory_space<vmem_shared>> -> memref<128x128xf32, #tpu.memory_space<vmem_shared>>
      tpu.enqueue_dma source(%arg12 : memref<128x128xf32, #tpu.memory_space<vmem>>) target(%dma_start3A_483 : memref<128x128xf32, #tpu.memory_space<vmem_shared>>) target_semaphore(%run_scoped3A_479 : memref<!tpu.dma_semaphore, #tpu.memory_space<semaphore_mem>>)
      %dma_wait3A_484 = arith.constant 0 : i32
      %dma_wait3A_485 = tpu.memref_slice %arg13[%add3A_67, %dma_wait3A_484] : memref<10240x128xf32, #tpu.memory_space<vmem_shared>> -> memref<128x128xf32, #tpu.memory_space<vmem_shared>>
      %dma_wait3A_486 = arith.constant 0 : i32
      %dma_wait3A_487 = tpu.memref_slice %arg13[%add3A_67, %dma_wait3A_486] : memref<10240x128xf32, #tpu.memory_space<vmem_shared>> -> memref<128x128xf32, #tpu.memory_space<vmem_shared>>
      tpu.wait_dma2 semaphore(%run_scoped3A_479 : memref<!tpu.dma_semaphore, #tpu.memory_space<semaphore_mem>>) src(%arg12 : memref<128x128xf32, #tpu.memory_space<vmem>>) dst(%dma_wait3A_487 : memref<128x128xf32, #tpu.memory_space<vmem_shared>>)
      tpu.yield
    }) : () -> ()
    %broadcast_in_dim3A_68 = arith.constant 1.000000e+00 : f32
    %broadcast_in_dim3A_69 = vector.broadcast %broadcast_in_dim3A_68 : f32 to vector<16xf32>
    %scan3A_70 = arith.constant 0 : i32
    %scan3A_71 = arith.constant 0 : i32
    %scan3A_72 = arith.constant 8 : i32
    %scan3A_73 = arith.addi %scan3A_71, %scan3A_72 : i32
    %scan3A_74 = arith.constant 1 : i32
    scf.for %scan3A_479 = %scan3A_71 to %scan3A_73 step %scan3A_74  : i32 {
      %mul3A_480 = arith.constant 16 : i32
      %mul3A_481 = arith.muli %scan3A_479, %mul3A_480 : i32
      %swap3A = arith.index_cast %mul3A_481 : i32 to index
      %swap3A_482 = tpu.vector_load %arg18[%swap3A] {strides = array<i32>} : memref<128xf32, #tpu.memory_space<vmem>>, vector<16xf32>,
      %swap3A_483 = vector.shape_cast %swap3A_482 : vector<16xf32> to vector<16xf32>
      %swap3A_484 = vector.shape_cast %broadcast_in_dim3A_69 : vector<16xf32> to vector<16xf32>
      tpu.vector_store %arg18[%swap3A], %swap3A_484 {strides = array<i32>} : memref<128xf32, #tpu.memory_space<vmem>>, vector<16xf32>,
    }
    %scan3A_75 = arith.constant 8 : i32
    %scan3A_76 = arith.constant 0 : i32
    %scan3A_77 = arith.constant 0 : i32
    %scan3A_78 = arith.constant 40 : i32
    %scan3A_79 = arith.addi %scan3A_77, %scan3A_78 : i32
    %scan3A_80 = arith.constant 1 : i32
    scf.for %scan3A_479 = %scan3A_77 to %scan3A_79 step %scan3A_80  : i32 {
      %mul3A_480 = arith.constant 16 : i32
      %mul3A_481 = arith.muli %scan3A_479, %mul3A_480 : i32
      %swap3A = arith.index_cast %mul3A_481 : i32 to index
      %swap3A_482 = tpu.vector_load %arg19[%swap3A] {strides = array<i32>} : memref<640xf32, #tpu.memory_space<vmem>>, vector<16xf32>,
      %swap3A_483 = vector.shape_cast %swap3A_482 : vector<16xf32> to vector<16xf32>
      %swap3A_484 = vector.shape_cast %broadcast_in_dim3A_18 : vector<16xf32> to vector<16xf32>
      tpu.vector_store %arg19[%swap3A], %swap3A_484 {strides = array<i32>} : memref<640xf32, #tpu.memory_space<vmem>>, vector<16xf32>,
    }
    %scan3A_81 = arith.constant 40 : i32
    %mul3A_82 = arith.constant 640 : i32
    %mul3A_83 = arith.muli %arg1, %mul3A_82 : i32
    "tpu.region"() ({
      %run_scoped3A_479 = tpu.sem_alloc : memref<!tpu.dma_semaphore, #tpu.memory_space<semaphore_mem>>
      %dma_start3A_480 = tpu.memref_slice %arg20[%mul3A_83] : memref<10240xf32, #tpu.memory_space<vmem_shared>> -> memref<640xf32, #tpu.memory_space<vmem_shared>>
      %dma_start3A_481 = tpu.memref_slice %arg20[%mul3A_83] : memref<10240xf32, #tpu.memory_space<vmem_shared>> -> memref<640xf32, #tpu.memory_space<vmem_shared>>
      tpu.enqueue_dma source(%arg19 : memref<640xf32, #tpu.memory_space<vmem>>) target(%dma_start3A_481 : memref<640xf32, #tpu.memory_space<vmem_shared>>) target_semaphore(%run_scoped3A_479 : memref<!tpu.dma_semaphore, #tpu.memory_space<semaphore_mem>>)
      %dma_wait3A_482 = tpu.memref_slice %arg20[%mul3A_83] : memref<10240xf32, #tpu.memory_space<vmem_shared>> -> memref<640xf32, #tpu.memory_space<vmem_shared>>
      %dma_wait3A_483 = tpu.memref_slice %arg20[%mul3A_83] : memref<10240xf32, #tpu.memory_space<vmem_shared>> -> memref<640xf32, #tpu.memory_space<vmem_shared>>
      tpu.wait_dma2 semaphore(%run_scoped3A_479 : memref<!tpu.dma_semaphore, #tpu.memory_space<semaphore_mem>>) src(%arg19 : memref<640xf32, #tpu.memory_space<vmem>>) dst(%dma_wait3A_483 : memref<640xf32, #tpu.memory_space<vmem_shared>>)
      tpu.yield
    }) : () -> ()
    %barrier3A = arith.constant 0 : index
    tpu.barrier barrier_id(%barrier3A)
    %dma_start3A_84 = arith.constant 1 : i32
    %dma_start3A_85 = arith.constant 0 : i32
    %dma_start3A_86 = arith.constant 0 : i32
    %dma_start3A_87 = tpu.memref_slice %arg3[%add3A, %dma_start3A_84, %dma_start3A_85, %dma_start3A_86] : memref<32x5x16x128xi32, #tpu.memory_space<hbm>> -> memref<1x1x16x128xi32, #tpu.memory_space<hbm>>
    %dma_start3A_88 = tpu.memref_squeeze %dma_start3A_87 : memref<1x1x16x128xi32, #tpu.memory_space<hbm>> -> memref<16x128xi32, #tpu.memory_space<hbm>>
    %dma_start3A_89 = arith.constant 0 : i32
    %dma_start3A_90 = arith.constant 0 : i32
    %dma_start3A_91 = tpu.memref_slice %arg3[%add3A, %dma_start3A_84, %dma_start3A_89, %dma_start3A_90] : memref<32x5x16x128xi32, #tpu.memory_space<hbm>> -> memref<1x1x16x128xi32, #tpu.memory_space<hbm>>
    %dma_start3A_92 = tpu.memref_squeeze %dma_start3A_91 : memref<1x1x16x128xi32, #tpu.memory_space<hbm>> -> memref<16x128xi32, #tpu.memory_space<hbm>>
    tpu.enqueue_dma source(%dma_start3A_92 : memref<16x128xi32, #tpu.memory_space<hbm>>) target(%arg8 : memref<16x128xi32, #tpu.memory_space<vmem>>) target_semaphore(%arg16 : memref<!tpu.dma_semaphore, #tpu.memory_space<semaphore_mem>>)
    %dma_start3A_93 = arith.constant 1 : i32
    %dma_start3A_94 = arith.constant 0 : i32
    %dma_start3A_95 = arith.constant 0 : i32
    %dma_start3A_96 = tpu.memref_slice %arg4[%add3A, %dma_start3A_93, %dma_start3A_94, %dma_start3A_95] : memref<32x5x16x128xi32, #tpu.memory_space<hbm>> -> memref<1x1x16x128xi32, #tpu.memory_space<hbm>>
    %dma_start3A_97 = tpu.memref_squeeze %dma_start3A_96 : memref<1x1x16x128xi32, #tpu.memory_space<hbm>> -> memref<16x128xi32, #tpu.memory_space<hbm>>
    %dma_start3A_98 = arith.constant 0 : i32
    %dma_start3A_99 = arith.constant 0 : i32
    %dma_start3A_100 = tpu.memref_slice %arg4[%add3A, %dma_start3A_93, %dma_start3A_98, %dma_start3A_99] : memref<32x5x16x128xi32, #tpu.memory_space<hbm>> -> memref<1x1x16x128xi32, #tpu.memory_space<hbm>>
    %dma_start3A_101 = tpu.memref_squeeze %dma_start3A_100 : memref<1x1x16x128xi32, #tpu.memory_space<hbm>> -> memref<16x128xi32, #tpu.memory_space<hbm>>
    tpu.enqueue_dma source(%dma_start3A_101 : memref<16x128xi32, #tpu.memory_space<hbm>>) target(%arg10 : memref<16x128xi32, #tpu.memory_space<vmem>>) target_semaphore(%arg16 : memref<!tpu.dma_semaphore, #tpu.memory_space<semaphore_mem>>)
    %scan3A_102 = arith.constant 0 : i32
    %scan3A_103 = arith.constant 0 : i32
    %scan3A_104 = arith.constant 7 : i32
    %scan3A_105 = arith.addi %scan3A_103, %scan3A_104 : i32
    %scan3A_106 = arith.constant 1 : i32
    scf.for %scan3A_479 = %scan3A_103 to %scan3A_105 step %scan3A_106  : i32 {
      %mul3A_480 = arith.constant 2 : i32
      %mul3A_481 = arith.muli %scan3A_479, %mul3A_480 : i32
      %add3A_482 = arith.constant 1 : i32
      %add3A_483 = arith.addi %mul3A_481, %add3A_482 : i32
      %dma_start3A_484 = arith.constant 0 : i32
      %dma_start3A_485 = tpu.memref_slice %arg7[%add3A_483, %dma_start3A_484] : memref<16x128xi32, #tpu.memory_space<vmem>> -> memref<1x128xi32, #tpu.memory_space<vmem>>
      %dma_start3A_486 = tpu.memref_squeeze %dma_start3A_485 : memref<1x128xi32, #tpu.memory_space<vmem>> -> memref<128xi32, #tpu.memory_space<vmem>>
      %dma_start3A_487 = arith.constant 0 : i32
      %dma_start3A_488 = arith.constant 0 : i32
      %dma_start3A_489 = tpu.memref_slice %arg2[%dma_start3A_487, %dma_start3A_488] : memref<10000x128xf32, #tpu.memory_space<hbm>> -> memref<10000x128xf32, #tpu.memory_space<hbm>>
      tpu.enqueue_indirect_dma source(%dma_start3A_489 : memref<10000x128xf32, #tpu.memory_space<hbm>>) target(%arg12 : memref<128x128xf32, #tpu.memory_space<vmem>>) offsets(%dma_start3A_486 : memref<128xi32, #tpu.memory_space<vmem>>) semaphore(%arg15 : memref<!tpu.dma_semaphore, #tpu.memory_space<semaphore_mem>>)
      %dma_wait3A_490 = arith.constant 0 : i32
      %dma_wait3A_491 = arith.constant 0 : i32
      %dma_wait3A_492 = tpu.memref_slice %arg2[%dma_wait3A_490, %dma_wait3A_491] : memref<10000x128xf32, #tpu.memory_space<hbm>> -> memref<128x128xf32, #tpu.memory_space<hbm>>
      %dma_wait3A_493 = arith.constant 0 : i32
      %dma_wait3A_494 = arith.constant 0 : i32
      %dma_wait3A_495 = tpu.memref_slice %arg2[%dma_wait3A_493, %dma_wait3A_494] : memref<10000x128xf32, #tpu.memory_space<hbm>> -> memref<128x128xf32, #tpu.memory_space<hbm>>
      tpu.wait_dma2 semaphore(%arg14 : memref<!tpu.dma_semaphore, #tpu.memory_space<semaphore_mem>>) src(%dma_wait3A_495 : memref<128x128xf32, #tpu.memory_space<hbm>>) dst(%arg11 : memref<128x128xf32, #tpu.memory_space<vmem>>)
      "tpu.region"() ({
        %run_scoped3A_522 = tpu.sem_alloc : memref<!tpu.dma_semaphore, #tpu.memory_space<semaphore_mem>>
        %dma_start3A_523 = arith.constant 0 : i32
        %dma_start3A_524 = tpu.memref_slice %arg9[%mul3A_481, %dma_start3A_523] : memref<16x128xi32, #tpu.memory_space<vmem>> -> memref<1x128xi32, #tpu.memory_space<vmem>>
        %dma_start3A_525 = tpu.memref_squeeze %dma_start3A_524 : memref<1x128xi32, #tpu.memory_space<vmem>> -> memref<128xi32, #tpu.memory_space<vmem>>
        %dma_start3A_526 = arith.constant 0 : i32
        %dma_start3A_527 = arith.constant 0 : i32
        %dma_start3A_528 = tpu.memref_slice %arg13[%dma_start3A_526, %dma_start3A_527] : memref<10240x128xf32, #tpu.memory_space<vmem_shared>> -> memref<10240x128xf32, #tpu.memory_space<vmem_shared>>
        tpu.enqueue_indirect_dma source(%arg11 : memref<128x128xf32, #tpu.memory_space<vmem>>) target(%dma_start3A_528 : memref<10240x128xf32, #tpu.memory_space<vmem_shared>>) offsets(%dma_start3A_525 : memref<128xi32, #tpu.memory_space<vmem>>) semaphore(%run_scoped3A_522 : memref<!tpu.dma_semaphore, #tpu.memory_space<semaphore_mem>>) {add = true}
        %dma_wait3A_529 = arith.constant 0 : i32
        %dma_wait3A_530 = tpu.memref_slice %arg9[%mul3A_481, %dma_wait3A_529] : memref<16x128xi32, #tpu.memory_space<vmem>> -> memref<1x128xi32, #tpu.memory_space<vmem>>
        %dma_wait3A_531 = tpu.memref_squeeze %dma_wait3A_530 : memref<1x128xi32, #tpu.memory_space<vmem>> -> memref<128xi32, #tpu.memory_space<vmem>>
        %dma_wait3A_532 = arith.constant 0 : i32
        %dma_wait3A_533 = arith.constant 0 : i32
        %dma_wait3A_534 = tpu.memref_slice %arg13[%dma_wait3A_532, %dma_wait3A_533] : memref<10240x128xf32, #tpu.memory_space<vmem_shared>> -> memref<10240x128xf32, #tpu.memory_space<vmem_shared>>
        tpu.wait_indirect_dma semaphore(%run_scoped3A_522 : memref<!tpu.dma_semaphore, #tpu.memory_space<semaphore_mem>>) src(%arg11 : memref<128x128xf32, #tpu.memory_space<vmem>>) dst(%dma_wait3A_534 : memref<10240x128xf32, #tpu.memory_space<vmem_shared>>)
        tpu.yield
      }) : () -> ()
      %dma_start3A_496 = arith.constant 0 : i32
      %dma_start3A_497 = tpu.memref_slice %arg9[%mul3A_481, %dma_start3A_496] : memref<16x128xi32, #tpu.memory_space<vmem>> -> memref<1x128xi32, #tpu.memory_space<vmem>>
      %dma_start3A_498 = tpu.memref_squeeze %dma_start3A_497 : memref<1x128xi32, #tpu.memory_space<vmem>> -> memref<128xi32, #tpu.memory_space<vmem>>
      %dma_start3A_499 = arith.constant 0 : i32
      %dma_start3A_500 = tpu.memref_slice %arg20[%dma_start3A_499] : memref<10240xf32, #tpu.memory_space<vmem_shared>> -> memref<10240xf32, #tpu.memory_space<vmem_shared>>
      tpu.enqueue_indirect_dma source(%arg18 : memref<128xf32, #tpu.memory_space<vmem>>) target(%dma_start3A_500 : memref<10240xf32, #tpu.memory_space<vmem_shared>>) offsets(%dma_start3A_498 : memref<128xi32, #tpu.memory_space<vmem>>) semaphore(%arg17 : memref<!tpu.dma_semaphore, #tpu.memory_space<semaphore_mem>>) {add = true}
      %add3A_501 = arith.constant 2 : i32
      %add3A_502 = arith.addi %mul3A_481, %add3A_501 : i32
      %dma_start3A_503 = arith.constant 0 : i32
      %dma_start3A_504 = tpu.memref_slice %arg7[%add3A_502, %dma_start3A_503] : memref<16x128xi32, #tpu.memory_space<vmem>> -> memref<1x128xi32, #tpu.memory_space<vmem>>
      %dma_start3A_505 = tpu.memref_squeeze %dma_start3A_504 : memref<1x128xi32, #tpu.memory_space<vmem>> -> memref<128xi32, #tpu.memory_space<vmem>>
      %dma_start3A_506 = arith.constant 0 : i32
      %dma_start3A_507 = arith.constant 0 : i32
      %dma_start3A_508 = tpu.memref_slice %arg2[%dma_start3A_506, %dma_start3A_507] : memref<10000x128xf32, #tpu.memory_space<hbm>> -> memref<10000x128xf32, #tpu.memory_space<hbm>>
      tpu.enqueue_indirect_dma source(%dma_start3A_508 : memref<10000x128xf32, #tpu.memory_space<hbm>>) target(%arg11 : memref<128x128xf32, #tpu.memory_space<vmem>>) offsets(%dma_start3A_505 : memref<128xi32, #tpu.memory_space<vmem>>) semaphore(%arg14 : memref<!tpu.dma_semaphore, #tpu.memory_space<semaphore_mem>>)
      %dma_wait3A_509 = arith.constant 0 : i32
      %dma_wait3A_510 = arith.constant 0 : i32
      %dma_wait3A_511 = tpu.memref_slice %arg2[%dma_wait3A_509, %dma_wait3A_510] : memref<10000x128xf32, #tpu.memory_space<hbm>> -> memref<128x128xf32, #tpu.memory_space<hbm>>
      %dma_wait3A_512 = arith.constant 0 : i32
      %dma_wait3A_513 = arith.constant 0 : i32
      %dma_wait3A_514 = tpu.memref_slice %arg2[%dma_wait3A_512, %dma_wait3A_513] : memref<10000x128xf32, #tpu.memory_space<hbm>> -> memref<128x128xf32, #tpu.memory_space<hbm>>
      tpu.wait_dma2 semaphore(%arg15 : memref<!tpu.dma_semaphore, #tpu.memory_space<semaphore_mem>>) src(%dma_wait3A_514 : memref<128x128xf32, #tpu.memory_space<hbm>>) dst(%arg12 : memref<128x128xf32, #tpu.memory_space<vmem>>)
      %add3A_515 = arith.constant 1 : i32
      %add3A_516 = arith.addi %mul3A_481, %add3A_515 : i32
      "tpu.region"() ({
        %run_scoped3A_522 = tpu.sem_alloc : memref<!tpu.dma_semaphore, #tpu.memory_space<semaphore_mem>>
        %dma_start3A_523 = arith.constant 0 : i32
        %dma_start3A_524 = tpu.memref_slice %arg9[%add3A_516, %dma_start3A_523] : memref<16x128xi32, #tpu.memory_space<vmem>> -> memref<1x128xi32, #tpu.memory_space<vmem>>
        %dma_start3A_525 = tpu.memref_squeeze %dma_start3A_524 : memref<1x128xi32, #tpu.memory_space<vmem>> -> memref<128xi32, #tpu.memory_space<vmem>>
        %dma_start3A_526 = arith.constant 0 : i32
        %dma_start3A_527 = arith.constant 0 : i32
        %dma_start3A_528 = tpu.memref_slice %arg13[%dma_start3A_526, %dma_start3A_527] : memref<10240x128xf32, #tpu.memory_space<vmem_shared>> -> memref<10240x128xf32, #tpu.memory_space<vmem_shared>>
        tpu.enqueue_indirect_dma source(%arg12 : memref<128x128xf32, #tpu.memory_space<vmem>>) target(%dma_start3A_528 : memref<10240x128xf32, #tpu.memory_space<vmem_shared>>) offsets(%dma_start3A_525 : memref<128xi32, #tpu.memory_space<vmem>>) semaphore(%run_scoped3A_522 : memref<!tpu.dma_semaphore, #tpu.memory_space<semaphore_mem>>) {add = true}
        %dma_wait3A_529 = arith.constant 0 : i32
        %dma_wait3A_530 = tpu.memref_slice %arg9[%add3A_516, %dma_wait3A_529] : memref<16x128xi32, #tpu.memory_space<vmem>> -> memref<1x128xi32, #tpu.memory_space<vmem>>
        %dma_wait3A_531 = tpu.memref_squeeze %dma_wait3A_530 : memref<1x128xi32, #tpu.memory_space<vmem>> -> memref<128xi32, #tpu.memory_space<vmem>>
        %dma_wait3A_532 = arith.constant 0 : i32
        %dma_wait3A_533 = arith.constant 0 : i32
        %dma_wait3A_534 = tpu.memref_slice %arg13[%dma_wait3A_532, %dma_wait3A_533] : memref<10240x128xf32, #tpu.memory_space<vmem_shared>> -> memref<10240x128xf32, #tpu.memory_space<vmem_shared>>
        tpu.wait_indirect_dma semaphore(%run_scoped3A_522 : memref<!tpu.dma_semaphore, #tpu.memory_space<semaphore_mem>>) src(%arg12 : memref<128x128xf32, #tpu.memory_space<vmem>>) dst(%dma_wait3A_534 : memref<10240x128xf32, #tpu.memory_space<vmem_shared>>)
        tpu.yield
      }) : () -> ()
      %dma_start3A_517 = arith.constant 0 : i32
      %dma_start3A_518 = tpu.memref_slice %arg9[%add3A_516, %dma_start3A_517] : memref<16x128xi32, #tpu.memory_space<vmem>> -> memref<1x128xi32, #tpu.memory_space<vmem>>
      %dma_start3A_519 = tpu.memref_squeeze %dma_start3A_518 : memref<1x128xi32, #tpu.memory_space<vmem>> -> memref<128xi32, #tpu.memory_space<vmem>>
      %dma_start3A_520 = arith.constant 0 : i32
      %dma_start3A_521 = tpu.memref_slice %arg20[%dma_start3A_520] : memref<10240xf32, #tpu.memory_space<vmem_shared>> -> memref<10240xf32, #tpu.memory_space<vmem_shared>>
      tpu.enqueue_indirect_dma source(%arg18 : memref<128xf32, #tpu.memory_space<vmem>>) target(%dma_start3A_521 : memref<10240xf32, #tpu.memory_space<vmem_shared>>) offsets(%dma_start3A_519 : memref<128xi32, #tpu.memory_space<vmem>>) semaphore(%arg17 : memref<!tpu.dma_semaphore, #tpu.memory_space<semaphore_mem>>) {add = true}
    }
    %scan3A_107 = arith.constant 7 : i32
    %dma_start3A_108 = arith.constant 15 : i32
    %dma_start3A_109 = arith.constant 0 : i32
    %dma_start3A_110 = tpu.memref_slice %arg7[%dma_start3A_108, %dma_start3A_109] : memref<16x128xi32, #tpu.memory_space<vmem>> -> memref<1x128xi32, #tpu.memory_space<vmem>>
    %dma_start3A_111 = tpu.memref_squeeze %dma_start3A_110 : memref<1x128xi32, #tpu.memory_space<vmem>> -> memref<128xi32, #tpu.memory_space<vmem>>
    %dma_start3A_112 = arith.constant 0 : i32
    %dma_start3A_113 = arith.constant 0 : i32
    %dma_start3A_114 = tpu.memref_slice %arg2[%dma_start3A_112, %dma_start3A_113] : memref<10000x128xf32, #tpu.memory_space<hbm>> -> memref<10000x128xf32, #tpu.memory_space<hbm>>
    tpu.enqueue_indirect_dma source(%dma_start3A_114 : memref<10000x128xf32, #tpu.memory_space<hbm>>) target(%arg12 : memref<128x128xf32, #tpu.memory_space<vmem>>) offsets(%dma_start3A_111 : memref<128xi32, #tpu.memory_space<vmem>>) semaphore(%arg15 : memref<!tpu.dma_semaphore, #tpu.memory_space<semaphore_mem>>)
    %dma_wait3A_115 = arith.constant 0 : i32
    %dma_wait3A_116 = arith.constant 0 : i32
    %dma_wait3A_117 = tpu.memref_slice %arg2[%dma_wait3A_115, %dma_wait3A_116] : memref<10000x128xf32, #tpu.memory_space<hbm>> -> memref<128x128xf32, #tpu.memory_space<hbm>>
    %dma_wait3A_118 = arith.constant 0 : i32
    %dma_wait3A_119 = arith.constant 0 : i32
    %dma_wait3A_120 = tpu.memref_slice %arg2[%dma_wait3A_118, %dma_wait3A_119] : memref<10000x128xf32, #tpu.memory_space<hbm>> -> memref<128x128xf32, #tpu.memory_space<hbm>>
    tpu.wait_dma2 semaphore(%arg14 : memref<!tpu.dma_semaphore, #tpu.memory_space<semaphore_mem>>) src(%dma_wait3A_120 : memref<128x128xf32, #tpu.memory_space<hbm>>) dst(%arg11 : memref<128x128xf32, #tpu.memory_space<vmem>>)
    %run_scoped3A = arith.constant 14 : i32
    "tpu.region"() ({
      %run_scoped3A_479 = tpu.sem_alloc : memref<!tpu.dma_semaphore, #tpu.memory_space<semaphore_mem>>
      %dma_start3A_480 = arith.constant 0 : i32
      %dma_start3A_481 = tpu.memref_slice %arg9[%run_scoped3A, %dma_start3A_480] : memref<16x128xi32, #tpu.memory_space<vmem>> -> memref<1x128xi32, #tpu.memory_space<vmem>>
      %dma_start3A_482 = tpu.memref_squeeze %dma_start3A_481 : memref<1x128xi32, #tpu.memory_space<vmem>> -> memref<128xi32, #tpu.memory_space<vmem>>
      %dma_start3A_483 = arith.constant 0 : i32
      %dma_start3A_484 = arith.constant 0 : i32
      %dma_start3A_485 = tpu.memref_slice %arg13[%dma_start3A_483, %dma_start3A_484] : memref<10240x128xf32, #tpu.memory_space<vmem_shared>> -> memref<10240x128xf32, #tpu.memory_space<vmem_shared>>
      tpu.enqueue_indirect_dma source(%arg11 : memref<128x128xf32, #tpu.memory_space<vmem>>) target(%dma_start3A_485 : memref<10240x128xf32, #tpu.memory_space<vmem_shared>>) offsets(%dma_start3A_482 : memref<128xi32, #tpu.memory_space<vmem>>) semaphore(%run_scoped3A_479 : memref<!tpu.dma_semaphore, #tpu.memory_space<semaphore_mem>>) {add = true}
      %dma_wait3A_486 = arith.constant 0 : i32
      %dma_wait3A_487 = tpu.memref_slice %arg9[%run_scoped3A, %dma_wait3A_486] : memref<16x128xi32, #tpu.memory_space<vmem>> -> memref<1x128xi32, #tpu.memory_space<vmem>>
      %dma_wait3A_488 = tpu.memref_squeeze %dma_wait3A_487 : memref<1x128xi32, #tpu.memory_space<vmem>> -> memref<128xi32, #tpu.memory_space<vmem>>
      %dma_wait3A_489 = arith.constant 0 : i32
      %dma_wait3A_490 = arith.constant 0 : i32
      %dma_wait3A_491 = tpu.memref_slice %arg13[%dma_wait3A_489, %dma_wait3A_490] : memref<10240x128xf32, #tpu.memory_space<vmem_shared>> -> memref<10240x128xf32, #tpu.memory_space<vmem_shared>>
      tpu.wait_indirect_dma semaphore(%run_scoped3A_479 : memref<!tpu.dma_semaphore, #tpu.memory_space<semaphore_mem>>) src(%arg11 : memref<128x128xf32, #tpu.memory_space<vmem>>) dst(%dma_wait3A_491 : memref<10240x128xf32, #tpu.memory_space<vmem_shared>>)
      tpu.yield
    }) : () -> ()
    %dma_start3A_121 = arith.constant 14 : i32
    %dma_start3A_122 = arith.constant 0 : i32
    %dma_start3A_123 = tpu.memref_slice %arg9[%dma_start3A_121, %dma_start3A_122] : memref<16x128xi32, #tpu.memory_space<vmem>> -> memref<1x128xi32, #tpu.memory_space<vmem>>
    %dma_start3A_124 = tpu.memref_squeeze %dma_start3A_123 : memref<1x128xi32, #tpu.memory_space<vmem>> -> memref<128xi32, #tpu.memory_space<vmem>>
    %dma_start3A_125 = arith.constant 0 : i32
    %dma_start3A_126 = tpu.memref_slice %arg20[%dma_start3A_125] : memref<10240xf32, #tpu.memory_space<vmem_shared>> -> memref<10240xf32, #tpu.memory_space<vmem_shared>>
    tpu.enqueue_indirect_dma source(%arg18 : memref<128xf32, #tpu.memory_space<vmem>>) target(%dma_start3A_126 : memref<10240xf32, #tpu.memory_space<vmem_shared>>) offsets(%dma_start3A_124 : memref<128xi32, #tpu.memory_space<vmem>>) semaphore(%arg17 : memref<!tpu.dma_semaphore, #tpu.memory_space<semaphore_mem>>) {add = true}
    %dma_wait3A_127 = arith.constant 1 : i32
    %dma_wait3A_128 = arith.constant 0 : i32
    %dma_wait3A_129 = arith.constant 0 : i32
    %dma_wait3A_130 = tpu.memref_slice %arg3[%add3A, %dma_wait3A_127, %dma_wait3A_128, %dma_wait3A_129] : memref<32x5x16x128xi32, #tpu.memory_space<hbm>> -> memref<1x1x16x128xi32, #tpu.memory_space<hbm>>
    %dma_wait3A_131 = tpu.memref_squeeze %dma_wait3A_130 : memref<1x1x16x128xi32, #tpu.memory_space<hbm>> -> memref<16x128xi32, #tpu.memory_space<hbm>>
    %dma_wait3A_132 = arith.constant 0 : i32
    %dma_wait3A_133 = arith.constant 0 : i32
    %dma_wait3A_134 = tpu.memref_slice %arg3[%add3A, %dma_wait3A_127, %dma_wait3A_132, %dma_wait3A_133] : memref<32x5x16x128xi32, #tpu.memory_space<hbm>> -> memref<1x1x16x128xi32, #tpu.memory_space<hbm>>
    %dma_wait3A_135 = tpu.memref_squeeze %dma_wait3A_134 : memref<1x1x16x128xi32, #tpu.memory_space<hbm>> -> memref<16x128xi32, #tpu.memory_space<hbm>>
    tpu.wait_dma2 semaphore(%arg16 : memref<!tpu.dma_semaphore, #tpu.memory_space<semaphore_mem>>) src(%dma_wait3A_135 : memref<16x128xi32, #tpu.memory_space<hbm>>) dst(%arg8 : memref<16x128xi32, #tpu.memory_space<vmem>>)
    %dma_wait3A_136 = arith.constant 1 : i32
    %dma_wait3A_137 = arith.constant 0 : i32
    %dma_wait3A_138 = arith.constant 0 : i32
    %dma_wait3A_139 = tpu.memref_slice %arg4[%add3A, %dma_wait3A_136, %dma_wait3A_137, %dma_wait3A_138] : memref<32x5x16x128xi32, #tpu.memory_space<hbm>> -> memref<1x1x16x128xi32, #tpu.memory_space<hbm>>
    %dma_wait3A_140 = tpu.memref_squeeze %dma_wait3A_139 : memref<1x1x16x128xi32, #tpu.memory_space<hbm>> -> memref<16x128xi32, #tpu.memory_space<hbm>>
    %dma_wait3A_141 = arith.constant 0 : i32
    %dma_wait3A_142 = arith.constant 0 : i32
    %dma_wait3A_143 = tpu.memref_slice %arg4[%add3A, %dma_wait3A_136, %dma_wait3A_141, %dma_wait3A_142] : memref<32x5x16x128xi32, #tpu.memory_space<hbm>> -> memref<1x1x16x128xi32, #tpu.memory_space<hbm>>
    %dma_wait3A_144 = tpu.memref_squeeze %dma_wait3A_143 : memref<1x1x16x128xi32, #tpu.memory_space<hbm>> -> memref<16x128xi32, #tpu.memory_space<hbm>>
    tpu.wait_dma2 semaphore(%arg16 : memref<!tpu.dma_semaphore, #tpu.memory_space<semaphore_mem>>) src(%dma_wait3A_144 : memref<16x128xi32, #tpu.memory_space<hbm>>) dst(%arg10 : memref<16x128xi32, #tpu.memory_space<vmem>>)
    %dma_start3A_145 = arith.constant 0 : i32
    %dma_start3A_146 = arith.constant 0 : i32
    %dma_start3A_147 = tpu.memref_slice %arg8[%dma_start3A_145, %dma_start3A_146] : memref<16x128xi32, #tpu.memory_space<vmem>> -> memref<1x128xi32, #tpu.memory_space<vmem>>
    %dma_start3A_148 = tpu.memref_squeeze %dma_start3A_147 : memref<1x128xi32, #tpu.memory_space<vmem>> -> memref<128xi32, #tpu.memory_space<vmem>>
    %dma_start3A_149 = arith.constant 0 : i32
    %dma_start3A_150 = arith.constant 0 : i32
    %dma_start3A_151 = tpu.memref_slice %arg2[%dma_start3A_149, %dma_start3A_150] : memref<10000x128xf32, #tpu.memory_space<hbm>> -> memref<10000x128xf32, #tpu.memory_space<hbm>>
    tpu.enqueue_indirect_dma source(%dma_start3A_151 : memref<10000x128xf32, #tpu.memory_space<hbm>>) target(%arg11 : memref<128x128xf32, #tpu.memory_space<vmem>>) offsets(%dma_start3A_148 : memref<128xi32, #tpu.memory_space<vmem>>) semaphore(%arg14 : memref<!tpu.dma_semaphore, #tpu.memory_space<semaphore_mem>>)
    %dma_wait3A_152 = arith.constant 0 : i32
    %dma_wait3A_153 = arith.constant 0 : i32
    %dma_wait3A_154 = tpu.memref_slice %arg2[%dma_wait3A_152, %dma_wait3A_153] : memref<10000x128xf32, #tpu.memory_space<hbm>> -> memref<128x128xf32, #tpu.memory_space<hbm>>
    %dma_wait3A_155 = arith.constant 0 : i32
    %dma_wait3A_156 = arith.constant 0 : i32
    %dma_wait3A_157 = tpu.memref_slice %arg2[%dma_wait3A_155, %dma_wait3A_156] : memref<10000x128xf32, #tpu.memory_space<hbm>> -> memref<128x128xf32, #tpu.memory_space<hbm>>
    tpu.wait_dma2 semaphore(%arg15 : memref<!tpu.dma_semaphore, #tpu.memory_space<semaphore_mem>>) src(%dma_wait3A_157 : memref<128x128xf32, #tpu.memory_space<hbm>>) dst(%arg12 : memref<128x128xf32, #tpu.memory_space<vmem>>)
    %run_scoped3A_158 = arith.constant 15 : i32
    "tpu.region"() ({
      %run_scoped3A_479 = tpu.sem_alloc : memref<!tpu.dma_semaphore, #tpu.memory_space<semaphore_mem>>
      %dma_start3A_480 = arith.constant 0 : i32
      %dma_start3A_481 = tpu.memref_slice %arg9[%run_scoped3A_158, %dma_start3A_480] : memref<16x128xi32, #tpu.memory_space<vmem>> -> memref<1x128xi32, #tpu.memory_space<vmem>>
      %dma_start3A_482 = tpu.memref_squeeze %dma_start3A_481 : memref<1x128xi32, #tpu.memory_space<vmem>> -> memref<128xi32, #tpu.memory_space<vmem>>
      %dma_start3A_483 = arith.constant 0 : i32
      %dma_start3A_484 = arith.constant 0 : i32
      %dma_start3A_485 = tpu.memref_slice %arg13[%dma_start3A_483, %dma_start3A_484] : memref<10240x128xf32, #tpu.memory_space<vmem_shared>> -> memref<10240x128xf32, #tpu.memory_space<vmem_shared>>
      tpu.enqueue_indirect_dma source(%arg12 : memref<128x128xf32, #tpu.memory_space<vmem>>) target(%dma_start3A_485 : memref<10240x128xf32, #tpu.memory_space<vmem_shared>>) offsets(%dma_start3A_482 : memref<128xi32, #tpu.memory_space<vmem>>) semaphore(%run_scoped3A_479 : memref<!tpu.dma_semaphore, #tpu.memory_space<semaphore_mem>>) {add = true}
      %dma_wait3A_486 = arith.constant 0 : i32
      %dma_wait3A_487 = tpu.memref_slice %arg9[%run_scoped3A_158, %dma_wait3A_486] : memref<16x128xi32, #tpu.memory_space<vmem>> -> memref<1x128xi32, #tpu.memory_space<vmem>>
      %dma_wait3A_488 = tpu.memref_squeeze %dma_wait3A_487 : memref<1x128xi32, #tpu.memory_space<vmem>> -> memref<128xi32, #tpu.memory_space<vmem>>
      %dma_wait3A_489 = arith.constant 0 : i32
      %dma_wait3A_490 = arith.constant 0 : i32
      %dma_wait3A_491 = tpu.memref_slice %arg13[%dma_wait3A_489, %dma_wait3A_490] : memref<10240x128xf32, #tpu.memory_space<vmem_shared>> -> memref<10240x128xf32, #tpu.memory_space<vmem_shared>>
      tpu.wait_indirect_dma semaphore(%run_scoped3A_479 : memref<!tpu.dma_semaphore, #tpu.memory_space<semaphore_mem>>) src(%arg12 : memref<128x128xf32, #tpu.memory_space<vmem>>) dst(%dma_wait3A_491 : memref<10240x128xf32, #tpu.memory_space<vmem_shared>>)
      tpu.yield
    }) : () -> ()
    %dma_start3A_159 = arith.constant 15 : i32
    %dma_start3A_160 = arith.constant 0 : i32
    %dma_start3A_161 = tpu.memref_slice %arg9[%dma_start3A_159, %dma_start3A_160] : memref<16x128xi32, #tpu.memory_space<vmem>> -> memref<1x128xi32, #tpu.memory_space<vmem>>
    %dma_start3A_162 = tpu.memref_squeeze %dma_start3A_161 : memref<1x128xi32, #tpu.memory_space<vmem>> -> memref<128xi32, #tpu.memory_space<vmem>>
    %dma_start3A_163 = arith.constant 0 : i32
    %dma_start3A_164 = tpu.memref_slice %arg20[%dma_start3A_163] : memref<10240xf32, #tpu.memory_space<vmem_shared>> -> memref<10240xf32, #tpu.memory_space<vmem_shared>>
    tpu.enqueue_indirect_dma source(%arg18 : memref<128xf32, #tpu.memory_space<vmem>>) target(%dma_start3A_164 : memref<10240xf32, #tpu.memory_space<vmem_shared>>) offsets(%dma_start3A_162 : memref<128xi32, #tpu.memory_space<vmem>>) semaphore(%arg17 : memref<!tpu.dma_semaphore, #tpu.memory_space<semaphore_mem>>) {add = true}
    %dma_start3A_165 = arith.constant 2 : i32
    %dma_start3A_166 = arith.constant 0 : i32
    %dma_start3A_167 = arith.constant 0 : i32
    %dma_start3A_168 = tpu.memref_slice %arg3[%add3A, %dma_start3A_165, %dma_start3A_166, %dma_start3A_167] : memref<32x5x16x128xi32, #tpu.memory_space<hbm>> -> memref<1x1x16x128xi32, #tpu.memory_space<hbm>>
    %dma_start3A_169 = tpu.memref_squeeze %dma_start3A_168 : memref<1x1x16x128xi32, #tpu.memory_space<hbm>> -> memref<16x128xi32, #tpu.memory_space<hbm>>
    %dma_start3A_170 = arith.constant 0 : i32
    %dma_start3A_171 = arith.constant 0 : i32
    %dma_start3A_172 = tpu.memref_slice %arg3[%add3A, %dma_start3A_165, %dma_start3A_170, %dma_start3A_171] : memref<32x5x16x128xi32, #tpu.memory_space<hbm>> -> memref<1x1x16x128xi32, #tpu.memory_space<hbm>>
    %dma_start3A_173 = tpu.memref_squeeze %dma_start3A_172 : memref<1x1x16x128xi32, #tpu.memory_space<hbm>> -> memref<16x128xi32, #tpu.memory_space<hbm>>
    tpu.enqueue_dma source(%dma_start3A_173 : memref<16x128xi32, #tpu.memory_space<hbm>>) target(%arg7 : memref<16x128xi32, #tpu.memory_space<vmem>>) target_semaphore(%arg16 : memref<!tpu.dma_semaphore, #tpu.memory_space<semaphore_mem>>)
    %dma_start3A_174 = arith.constant 2 : i32
    %dma_start3A_175 = arith.constant 0 : i32
    %dma_start3A_176 = arith.constant 0 : i32
    %dma_start3A_177 = tpu.memref_slice %arg4[%add3A, %dma_start3A_174, %dma_start3A_175, %dma_start3A_176] : memref<32x5x16x128xi32, #tpu.memory_space<hbm>> -> memref<1x1x16x128xi32, #tpu.memory_space<hbm>>
    %dma_start3A_178 = tpu.memref_squeeze %dma_start3A_177 : memref<1x1x16x128xi32, #tpu.memory_space<hbm>> -> memref<16x128xi32, #tpu.memory_space<hbm>>
    %dma_start3A_179 = arith.constant 0 : i32
    %dma_start3A_180 = arith.constant 0 : i32
    %dma_start3A_181 = tpu.memref_slice %arg4[%add3A, %dma_start3A_174, %dma_start3A_179, %dma_start3A_180] : memref<32x5x16x128xi32, #tpu.memory_space<hbm>> -> memref<1x1x16x128xi32, #tpu.memory_space<hbm>>
    %dma_start3A_182 = tpu.memref_squeeze %dma_start3A_181 : memref<1x1x16x128xi32, #tpu.memory_space<hbm>> -> memref<16x128xi32, #tpu.memory_space<hbm>>
    tpu.enqueue_dma source(%dma_start3A_182 : memref<16x128xi32, #tpu.memory_space<hbm>>) target(%arg9 : memref<16x128xi32, #tpu.memory_space<vmem>>) target_semaphore(%arg16 : memref<!tpu.dma_semaphore, #tpu.memory_space<semaphore_mem>>)
    %scan3A_183 = arith.constant 0 : i32
    %scan3A_184 = arith.constant 0 : i32
    %scan3A_185 = arith.constant 7 : i32
    %scan3A_186 = arith.addi %scan3A_184, %scan3A_185 : i32
    %scan3A_187 = arith.constant 1 : i32
    scf.for %scan3A_479 = %scan3A_184 to %scan3A_186 step %scan3A_187  : i32 {
      %mul3A_480 = arith.constant 2 : i32
      %mul3A_481 = arith.muli %scan3A_479, %mul3A_480 : i32
      %add3A_482 = arith.constant 1 : i32
      %add3A_483 = arith.addi %mul3A_481, %add3A_482 : i32
      %dma_start3A_484 = arith.constant 0 : i32
      %dma_start3A_485 = tpu.memref_slice %arg8[%add3A_483, %dma_start3A_484] : memref<16x128xi32, #tpu.memory_space<vmem>> -> memref<1x128xi32, #tpu.memory_space<vmem>>
      %dma_start3A_486 = tpu.memref_squeeze %dma_start3A_485 : memref<1x128xi32, #tpu.memory_space<vmem>> -> memref<128xi32, #tpu.memory_space<vmem>>
      %dma_start3A_487 = arith.constant 0 : i32
      %dma_start3A_488 = arith.constant 0 : i32
      %dma_start3A_489 = tpu.memref_slice %arg2[%dma_start3A_487, %dma_start3A_488] : memref<10000x128xf32, #tpu.memory_space<hbm>> -> memref<10000x128xf32, #tpu.memory_space<hbm>>
      tpu.enqueue_indirect_dma source(%dma_start3A_489 : memref<10000x128xf32, #tpu.memory_space<hbm>>) target(%arg12 : memref<128x128xf32, #tpu.memory_space<vmem>>) offsets(%dma_start3A_486 : memref<128xi32, #tpu.memory_space<vmem>>) semaphore(%arg15 : memref<!tpu.dma_semaphore, #tpu.memory_space<semaphore_mem>>)
      %dma_wait3A_490 = arith.constant 0 : i32
      %dma_wait3A_491 = arith.constant 0 : i32
      %dma_wait3A_492 = tpu.memref_slice %arg2[%dma_wait3A_490, %dma_wait3A_491] : memref<10000x128xf32, #tpu.memory_space<hbm>> -> memref<128x128xf32, #tpu.memory_space<hbm>>
      %dma_wait3A_493 = arith.constant 0 : i32
      %dma_wait3A_494 = arith.constant 0 : i32
      %dma_wait3A_495 = tpu.memref_slice %arg2[%dma_wait3A_493, %dma_wait3A_494] : memref<10000x128xf32, #tpu.memory_space<hbm>> -> memref<128x128xf32, #tpu.memory_space<hbm>>
      tpu.wait_dma2 semaphore(%arg14 : memref<!tpu.dma_semaphore, #tpu.memory_space<semaphore_mem>>) src(%dma_wait3A_495 : memref<128x128xf32, #tpu.memory_space<hbm>>) dst(%arg11 : memref<128x128xf32, #tpu.memory_space<vmem>>)
      "tpu.region"() ({
        %run_scoped3A_522 = tpu.sem_alloc : memref<!tpu.dma_semaphore, #tpu.memory_space<semaphore_mem>>
        %dma_start3A_523 = arith.constant 0 : i32
        %dma_start3A_524 = tpu.memref_slice %arg10[%mul3A_481, %dma_start3A_523] : memref<16x128xi32, #tpu.memory_space<vmem>> -> memref<1x128xi32, #tpu.memory_space<vmem>>
        %dma_start3A_525 = tpu.memref_squeeze %dma_start3A_524 : memref<1x128xi32, #tpu.memory_space<vmem>> -> memref<128xi32, #tpu.memory_space<vmem>>
        %dma_start3A_526 = arith.constant 0 : i32
        %dma_start3A_527 = arith.constant 0 : i32
        %dma_start3A_528 = tpu.memref_slice %arg13[%dma_start3A_526, %dma_start3A_527] : memref<10240x128xf32, #tpu.memory_space<vmem_shared>> -> memref<10240x128xf32, #tpu.memory_space<vmem_shared>>
        tpu.enqueue_indirect_dma source(%arg11 : memref<128x128xf32, #tpu.memory_space<vmem>>) target(%dma_start3A_528 : memref<10240x128xf32, #tpu.memory_space<vmem_shared>>) offsets(%dma_start3A_525 : memref<128xi32, #tpu.memory_space<vmem>>) semaphore(%run_scoped3A_522 : memref<!tpu.dma_semaphore, #tpu.memory_space<semaphore_mem>>) {add = true}
        %dma_wait3A_529 = arith.constant 0 : i32
        %dma_wait3A_530 = tpu.memref_slice %arg10[%mul3A_481, %dma_wait3A_529] : memref<16x128xi32, #tpu.memory_space<vmem>> -> memref<1x128xi32, #tpu.memory_space<vmem>>
        %dma_wait3A_531 = tpu.memref_squeeze %dma_wait3A_530 : memref<1x128xi32, #tpu.memory_space<vmem>> -> memref<128xi32, #tpu.memory_space<vmem>>
        %dma_wait3A_532 = arith.constant 0 : i32
        %dma_wait3A_533 = arith.constant 0 : i32
        %dma_wait3A_534 = tpu.memref_slice %arg13[%dma_wait3A_532, %dma_wait3A_533] : memref<10240x128xf32, #tpu.memory_space<vmem_shared>> -> memref<10240x128xf32, #tpu.memory_space<vmem_shared>>
        tpu.wait_indirect_dma semaphore(%run_scoped3A_522 : memref<!tpu.dma_semaphore, #tpu.memory_space<semaphore_mem>>) src(%arg11 : memref<128x128xf32, #tpu.memory_space<vmem>>) dst(%dma_wait3A_534 : memref<10240x128xf32, #tpu.memory_space<vmem_shared>>)
        tpu.yield
      }) : () -> ()
      %dma_start3A_496 = arith.constant 0 : i32
      %dma_start3A_497 = tpu.memref_slice %arg10[%mul3A_481, %dma_start3A_496] : memref<16x128xi32, #tpu.memory_space<vmem>> -> memref<1x128xi32, #tpu.memory_space<vmem>>
      %dma_start3A_498 = tpu.memref_squeeze %dma_start3A_497 : memref<1x128xi32, #tpu.memory_space<vmem>> -> memref<128xi32, #tpu.memory_space<vmem>>
      %dma_start3A_499 = arith.constant 0 : i32
      %dma_start3A_500 = tpu.memref_slice %arg20[%dma_start3A_499] : memref<10240xf32, #tpu.memory_space<vmem_shared>> -> memref<10240xf32, #tpu.memory_space<vmem_shared>>
      tpu.enqueue_indirect_dma source(%arg18 : memref<128xf32, #tpu.memory_space<vmem>>) target(%dma_start3A_500 : memref<10240xf32, #tpu.memory_space<vmem_shared>>) offsets(%dma_start3A_498 : memref<128xi32, #tpu.memory_space<vmem>>) semaphore(%arg17 : memref<!tpu.dma_semaphore, #tpu.memory_space<semaphore_mem>>) {add = true}
      %add3A_501 = arith.constant 2 : i32
      %add3A_502 = arith.addi %mul3A_481, %add3A_501 : i32
      %dma_start3A_503 = arith.constant 0 : i32
      %dma_start3A_504 = tpu.memref_slice %arg8[%add3A_502, %dma_start3A_503] : memref<16x128xi32, #tpu.memory_space<vmem>> -> memref<1x128xi32, #tpu.memory_space<vmem>>
      %dma_start3A_505 = tpu.memref_squeeze %dma_start3A_504 : memref<1x128xi32, #tpu.memory_space<vmem>> -> memref<128xi32, #tpu.memory_space<vmem>>
      %dma_start3A_506 = arith.constant 0 : i32
      %dma_start3A_507 = arith.constant 0 : i32
      %dma_start3A_508 = tpu.memref_slice %arg2[%dma_start3A_506, %dma_start3A_507] : memref<10000x128xf32, #tpu.memory_space<hbm>> -> memref<10000x128xf32, #tpu.memory_space<hbm>>
      tpu.enqueue_indirect_dma source(%dma_start3A_508 : memref<10000x128xf32, #tpu.memory_space<hbm>>) target(%arg11 : memref<128x128xf32, #tpu.memory_space<vmem>>) offsets(%dma_start3A_505 : memref<128xi32, #tpu.memory_space<vmem>>) semaphore(%arg14 : memref<!tpu.dma_semaphore, #tpu.memory_space<semaphore_mem>>)
      %dma_wait3A_509 = arith.constant 0 : i32
      %dma_wait3A_510 = arith.constant 0 : i32
      %dma_wait3A_511 = tpu.memref_slice %arg2[%dma_wait3A_509, %dma_wait3A_510] : memref<10000x128xf32, #tpu.memory_space<hbm>> -> memref<128x128xf32, #tpu.memory_space<hbm>>
      %dma_wait3A_512 = arith.constant 0 : i32
      %dma_wait3A_513 = arith.constant 0 : i32
      %dma_wait3A_514 = tpu.memref_slice %arg2[%dma_wait3A_512, %dma_wait3A_513] : memref<10000x128xf32, #tpu.memory_space<hbm>> -> memref<128x128xf32, #tpu.memory_space<hbm>>
      tpu.wait_dma2 semaphore(%arg15 : memref<!tpu.dma_semaphore, #tpu.memory_space<semaphore_mem>>) src(%dma_wait3A_514 : memref<128x128xf32, #tpu.memory_space<hbm>>) dst(%arg12 : memref<128x128xf32, #tpu.memory_space<vmem>>)
      %add3A_515 = arith.constant 1 : i32
      %add3A_516 = arith.addi %mul3A_481, %add3A_515 : i32
      "tpu.region"() ({
        %run_scoped3A_522 = tpu.sem_alloc : memref<!tpu.dma_semaphore, #tpu.memory_space<semaphore_mem>>
        %dma_start3A_523 = arith.constant 0 : i32
        %dma_start3A_524 = tpu.memref_slice %arg10[%add3A_516, %dma_start3A_523] : memref<16x128xi32, #tpu.memory_space<vmem>> -> memref<1x128xi32, #tpu.memory_space<vmem>>
        %dma_start3A_525 = tpu.memref_squeeze %dma_start3A_524 : memref<1x128xi32, #tpu.memory_space<vmem>> -> memref<128xi32, #tpu.memory_space<vmem>>
        %dma_start3A_526 = arith.constant 0 : i32
        %dma_start3A_527 = arith.constant 0 : i32
        %dma_start3A_528 = tpu.memref_slice %arg13[%dma_start3A_526, %dma_start3A_527] : memref<10240x128xf32, #tpu.memory_space<vmem_shared>> -> memref<10240x128xf32, #tpu.memory_space<vmem_shared>>
        tpu.enqueue_indirect_dma source(%arg12 : memref<128x128xf32, #tpu.memory_space<vmem>>) target(%dma_start3A_528 : memref<10240x128xf32, #tpu.memory_space<vmem_shared>>) offsets(%dma_start3A_525 : memref<128xi32, #tpu.memory_space<vmem>>) semaphore(%run_scoped3A_522 : memref<!tpu.dma_semaphore, #tpu.memory_space<semaphore_mem>>) {add = true}
        %dma_wait3A_529 = arith.constant 0 : i32
        %dma_wait3A_530 = tpu.memref_slice %arg10[%add3A_516, %dma_wait3A_529] : memref<16x128xi32, #tpu.memory_space<vmem>> -> memref<1x128xi32, #tpu.memory_space<vmem>>
        %dma_wait3A_531 = tpu.memref_squeeze %dma_wait3A_530 : memref<1x128xi32, #tpu.memory_space<vmem>> -> memref<128xi32, #tpu.memory_space<vmem>>
        %dma_wait3A_532 = arith.constant 0 : i32
        %dma_wait3A_533 = arith.constant 0 : i32
        %dma_wait3A_534 = tpu.memref_slice %arg13[%dma_wait3A_532, %dma_wait3A_533] : memref<10240x128xf32, #tpu.memory_space<vmem_shared>> -> memref<10240x128xf32, #tpu.memory_space<vmem_shared>>
        tpu.wait_indirect_dma semaphore(%run_scoped3A_522 : memref<!tpu.dma_semaphore, #tpu.memory_space<semaphore_mem>>) src(%arg12 : memref<128x128xf32, #tpu.memory_space<vmem>>) dst(%dma_wait3A_534 : memref<10240x128xf32, #tpu.memory_space<vmem_shared>>)
        tpu.yield
      }) : () -> ()
      %dma_start3A_517 = arith.constant 0 : i32
      %dma_start3A_518 = tpu.memref_slice %arg10[%add3A_516, %dma_start3A_517] : memref<16x128xi32, #tpu.memory_space<vmem>> -> memref<1x128xi32, #tpu.memory_space<vmem>>
      %dma_start3A_519 = tpu.memref_squeeze %dma_start3A_518 : memref<1x128xi32, #tpu.memory_space<vmem>> -> memref<128xi32, #tpu.memory_space<vmem>>
      %dma_start3A_520 = arith.constant 0 : i32
      %dma_start3A_521 = tpu.memref_slice %arg20[%dma_start3A_520] : memref<10240xf32, #tpu.memory_space<vmem_shared>> -> memref<10240xf32, #tpu.memory_space<vmem_shared>>
      tpu.enqueue_indirect_dma source(%arg18 : memref<128xf32, #tpu.memory_space<vmem>>) target(%dma_start3A_521 : memref<10240xf32, #tpu.memory_space<vmem_shared>>) offsets(%dma_start3A_519 : memref<128xi32, #tpu.memory_space<vmem>>) semaphore(%arg17 : memref<!tpu.dma_semaphore, #tpu.memory_space<semaphore_mem>>) {add = true}
    }
    %scan3A_188 = arith.constant 7 : i32
    %dma_start3A_189 = arith.constant 15 : i32
    %dma_start3A_190 = arith.constant 0 : i32
    %dma_start3A_191 = tpu.memref_slice %arg8[%dma_start3A_189, %dma_start3A_190] : memref<16x128xi32, #tpu.memory_space<vmem>> -> memref<1x128xi32, #tpu.memory_space<vmem>>
    %dma_start3A_192 = tpu.memref_squeeze %dma_start3A_191 : memref<1x128xi32, #tpu.memory_space<vmem>> -> memref<128xi32, #tpu.memory_space<vmem>>
    %dma_start3A_193 = arith.constant 0 : i32
    %dma_start3A_194 = arith.constant 0 : i32
    %dma_start3A_195 = tpu.memref_slice %arg2[%dma_start3A_193, %dma_start3A_194] : memref<10000x128xf32, #tpu.memory_space<hbm>> -> memref<10000x128xf32, #tpu.memory_space<hbm>>
    tpu.enqueue_indirect_dma source(%dma_start3A_195 : memref<10000x128xf32, #tpu.memory_space<hbm>>) target(%arg12 : memref<128x128xf32, #tpu.memory_space<vmem>>) offsets(%dma_start3A_192 : memref<128xi32, #tpu.memory_space<vmem>>) semaphore(%arg15 : memref<!tpu.dma_semaphore, #tpu.memory_space<semaphore_mem>>)
    %dma_wait3A_196 = arith.constant 0 : i32
    %dma_wait3A_197 = arith.constant 0 : i32
    %dma_wait3A_198 = tpu.memref_slice %arg2[%dma_wait3A_196, %dma_wait3A_197] : memref<10000x128xf32, #tpu.memory_space<hbm>> -> memref<128x128xf32, #tpu.memory_space<hbm>>
    %dma_wait3A_199 = arith.constant 0 : i32
    %dma_wait3A_200 = arith.constant 0 : i32
    %dma_wait3A_201 = tpu.memref_slice %arg2[%dma_wait3A_199, %dma_wait3A_200] : memref<10000x128xf32, #tpu.memory_space<hbm>> -> memref<128x128xf32, #tpu.memory_space<hbm>>
    tpu.wait_dma2 semaphore(%arg14 : memref<!tpu.dma_semaphore, #tpu.memory_space<semaphore_mem>>) src(%dma_wait3A_201 : memref<128x128xf32, #tpu.memory_space<hbm>>) dst(%arg11 : memref<128x128xf32, #tpu.memory_space<vmem>>)
    %run_scoped3A_202 = arith.constant 14 : i32
    "tpu.region"() ({
      %run_scoped3A_479 = tpu.sem_alloc : memref<!tpu.dma_semaphore, #tpu.memory_space<semaphore_mem>>
      %dma_start3A_480 = arith.constant 0 : i32
      %dma_start3A_481 = tpu.memref_slice %arg10[%run_scoped3A_202, %dma_start3A_480] : memref<16x128xi32, #tpu.memory_space<vmem>> -> memref<1x128xi32, #tpu.memory_space<vmem>>
      %dma_start3A_482 = tpu.memref_squeeze %dma_start3A_481 : memref<1x128xi32, #tpu.memory_space<vmem>> -> memref<128xi32, #tpu.memory_space<vmem>>
      %dma_start3A_483 = arith.constant 0 : i32
      %dma_start3A_484 = arith.constant 0 : i32
      %dma_start3A_485 = tpu.memref_slice %arg13[%dma_start3A_483, %dma_start3A_484] : memref<10240x128xf32, #tpu.memory_space<vmem_shared>> -> memref<10240x128xf32, #tpu.memory_space<vmem_shared>>
      tpu.enqueue_indirect_dma source(%arg11 : memref<128x128xf32, #tpu.memory_space<vmem>>) target(%dma_start3A_485 : memref<10240x128xf32, #tpu.memory_space<vmem_shared>>) offsets(%dma_start3A_482 : memref<128xi32, #tpu.memory_space<vmem>>) semaphore(%run_scoped3A_479 : memref<!tpu.dma_semaphore, #tpu.memory_space<semaphore_mem>>) {add = true}
      %dma_wait3A_486 = arith.constant 0 : i32
      %dma_wait3A_487 = tpu.memref_slice %arg10[%run_scoped3A_202, %dma_wait3A_486] : memref<16x128xi32, #tpu.memory_space<vmem>> -> memref<1x128xi32, #tpu.memory_space<vmem>>
      %dma_wait3A_488 = tpu.memref_squeeze %dma_wait3A_487 : memref<1x128xi32, #tpu.memory_space<vmem>> -> memref<128xi32, #tpu.memory_space<vmem>>
      %dma_wait3A_489 = arith.constant 0 : i32
      %dma_wait3A_490 = arith.constant 0 : i32
      %dma_wait3A_491 = tpu.memref_slice %arg13[%dma_wait3A_489, %dma_wait3A_490] : memref<10240x128xf32, #tpu.memory_space<vmem_shared>> -> memref<10240x128xf32, #tpu.memory_space<vmem_shared>>
      tpu.wait_indirect_dma semaphore(%run_scoped3A_479 : memref<!tpu.dma_semaphore, #tpu.memory_space<semaphore_mem>>) src(%arg11 : memref<128x128xf32, #tpu.memory_space<vmem>>) dst(%dma_wait3A_491 : memref<10240x128xf32, #tpu.memory_space<vmem_shared>>)
      tpu.yield
    }) : () -> ()
    %dma_start3A_203 = arith.constant 14 : i32
    %dma_start3A_204 = arith.constant 0 : i32
    %dma_start3A_205 = tpu.memref_slice %arg10[%dma_start3A_203, %dma_start3A_204] : memref<16x128xi32, #tpu.memory_space<vmem>> -> memref<1x128xi32, #tpu.memory_space<vmem>>
    %dma_start3A_206 = tpu.memref_squeeze %dma_start3A_205 : memref<1x128xi32, #tpu.memory_space<vmem>> -> memref<128xi32, #tpu.memory_space<vmem>>
    %dma_start3A_207 = arith.constant 0 : i32
    %dma_start3A_208 = tpu.memref_slice %arg20[%dma_start3A_207] : memref<10240xf32, #tpu.memory_space<vmem_shared>> -> memref<10240xf32, #tpu.memory_space<vmem_shared>>
    tpu.enqueue_indirect_dma source(%arg18 : memref<128xf32, #tpu.memory_space<vmem>>) target(%dma_start3A_208 : memref<10240xf32, #tpu.memory_space<vmem_shared>>) offsets(%dma_start3A_206 : memref<128xi32, #tpu.memory_space<vmem>>) semaphore(%arg17 : memref<!tpu.dma_semaphore, #tpu.memory_space<semaphore_mem>>) {add = true}
    %dma_wait3A_209 = arith.constant 2 : i32
    %dma_wait3A_210 = arith.constant 0 : i32
    %dma_wait3A_211 = arith.constant 0 : i32
    %dma_wait3A_212 = tpu.memref_slice %arg3[%add3A, %dma_wait3A_209, %dma_wait3A_210, %dma_wait3A_211] : memref<32x5x16x128xi32, #tpu.memory_space<hbm>> -> memref<1x1x16x128xi32, #tpu.memory_space<hbm>>
    %dma_wait3A_213 = tpu.memref_squeeze %dma_wait3A_212 : memref<1x1x16x128xi32, #tpu.memory_space<hbm>> -> memref<16x128xi32, #tpu.memory_space<hbm>>
    %dma_wait3A_214 = arith.constant 0 : i32
    %dma_wait3A_215 = arith.constant 0 : i32
    %dma_wait3A_216 = tpu.memref_slice %arg3[%add3A, %dma_wait3A_209, %dma_wait3A_214, %dma_wait3A_215] : memref<32x5x16x128xi32, #tpu.memory_space<hbm>> -> memref<1x1x16x128xi32, #tpu.memory_space<hbm>>
    %dma_wait3A_217 = tpu.memref_squeeze %dma_wait3A_216 : memref<1x1x16x128xi32, #tpu.memory_space<hbm>> -> memref<16x128xi32, #tpu.memory_space<hbm>>
    tpu.wait_dma2 semaphore(%arg16 : memref<!tpu.dma_semaphore, #tpu.memory_space<semaphore_mem>>) src(%dma_wait3A_217 : memref<16x128xi32, #tpu.memory_space<hbm>>) dst(%arg7 : memref<16x128xi32, #tpu.memory_space<vmem>>)
    %dma_wait3A_218 = arith.constant 2 : i32
    %dma_wait3A_219 = arith.constant 0 : i32
    %dma_wait3A_220 = arith.constant 0 : i32
    %dma_wait3A_221 = tpu.memref_slice %arg4[%add3A, %dma_wait3A_218, %dma_wait3A_219, %dma_wait3A_220] : memref<32x5x16x128xi32, #tpu.memory_space<hbm>> -> memref<1x1x16x128xi32, #tpu.memory_space<hbm>>
    %dma_wait3A_222 = tpu.memref_squeeze %dma_wait3A_221 : memref<1x1x16x128xi32, #tpu.memory_space<hbm>> -> memref<16x128xi32, #tpu.memory_space<hbm>>
    %dma_wait3A_223 = arith.constant 0 : i32
    %dma_wait3A_224 = arith.constant 0 : i32
    %dma_wait3A_225 = tpu.memref_slice %arg4[%add3A, %dma_wait3A_218, %dma_wait3A_223, %dma_wait3A_224] : memref<32x5x16x128xi32, #tpu.memory_space<hbm>> -> memref<1x1x16x128xi32, #tpu.memory_space<hbm>>
    %dma_wait3A_226 = tpu.memref_squeeze %dma_wait3A_225 : memref<1x1x16x128xi32, #tpu.memory_space<hbm>> -> memref<16x128xi32, #tpu.memory_space<hbm>>
    tpu.wait_dma2 semaphore(%arg16 : memref<!tpu.dma_semaphore, #tpu.memory_space<semaphore_mem>>) src(%dma_wait3A_226 : memref<16x128xi32, #tpu.memory_space<hbm>>) dst(%arg9 : memref<16x128xi32, #tpu.memory_space<vmem>>)
    %dma_start3A_227 = arith.constant 0 : i32
    %dma_start3A_228 = arith.constant 0 : i32
    %dma_start3A_229 = tpu.memref_slice %arg7[%dma_start3A_227, %dma_start3A_228] : memref<16x128xi32, #tpu.memory_space<vmem>> -> memref<1x128xi32, #tpu.memory_space<vmem>>
    %dma_start3A_230 = tpu.memref_squeeze %dma_start3A_229 : memref<1x128xi32, #tpu.memory_space<vmem>> -> memref<128xi32, #tpu.memory_space<vmem>>
    %dma_start3A_231 = arith.constant 0 : i32
    %dma_start3A_232 = arith.constant 0 : i32
    %dma_start3A_233 = tpu.memref_slice %arg2[%dma_start3A_231, %dma_start3A_232] : memref<10000x128xf32, #tpu.memory_space<hbm>> -> memref<10000x128xf32, #tpu.memory_space<hbm>>
    tpu.enqueue_indirect_dma source(%dma_start3A_233 : memref<10000x128xf32, #tpu.memory_space<hbm>>) target(%arg11 : memref<128x128xf32, #tpu.memory_space<vmem>>) offsets(%dma_start3A_230 : memref<128xi32, #tpu.memory_space<vmem>>) semaphore(%arg14 : memref<!tpu.dma_semaphore, #tpu.memory_space<semaphore_mem>>)
    %dma_wait3A_234 = arith.constant 0 : i32
    %dma_wait3A_235 = arith.constant 0 : i32
    %dma_wait3A_236 = tpu.memref_slice %arg2[%dma_wait3A_234, %dma_wait3A_235] : memref<10000x128xf32, #tpu.memory_space<hbm>> -> memref<128x128xf32, #tpu.memory_space<hbm>>
    %dma_wait3A_237 = arith.constant 0 : i32
    %dma_wait3A_238 = arith.constant 0 : i32
    %dma_wait3A_239 = tpu.memref_slice %arg2[%dma_wait3A_237, %dma_wait3A_238] : memref<10000x128xf32, #tpu.memory_space<hbm>> -> memref<128x128xf32, #tpu.memory_space<hbm>>
    tpu.wait_dma2 semaphore(%arg15 : memref<!tpu.dma_semaphore, #tpu.memory_space<semaphore_mem>>) src(%dma_wait3A_239 : memref<128x128xf32, #tpu.memory_space<hbm>>) dst(%arg12 : memref<128x128xf32, #tpu.memory_space<vmem>>)
    %run_scoped3A_240 = arith.constant 15 : i32
    "tpu.region"() ({
      %run_scoped3A_479 = tpu.sem_alloc : memref<!tpu.dma_semaphore, #tpu.memory_space<semaphore_mem>>
      %dma_start3A_480 = arith.constant 0 : i32
      %dma_start3A_481 = tpu.memref_slice %arg10[%run_scoped3A_240, %dma_start3A_480] : memref<16x128xi32, #tpu.memory_space<vmem>> -> memref<1x128xi32, #tpu.memory_space<vmem>>
      %dma_start3A_482 = tpu.memref_squeeze %dma_start3A_481 : memref<1x128xi32, #tpu.memory_space<vmem>> -> memref<128xi32, #tpu.memory_space<vmem>>
      %dma_start3A_483 = arith.constant 0 : i32
      %dma_start3A_484 = arith.constant 0 : i32
      %dma_start3A_485 = tpu.memref_slice %arg13[%dma_start3A_483, %dma_start3A_484] : memref<10240x128xf32, #tpu.memory_space<vmem_shared>> -> memref<10240x128xf32, #tpu.memory_space<vmem_shared>>
      tpu.enqueue_indirect_dma source(%arg12 : memref<128x128xf32, #tpu.memory_space<vmem>>) target(%dma_start3A_485 : memref<10240x128xf32, #tpu.memory_space<vmem_shared>>) offsets(%dma_start3A_482 : memref<128xi32, #tpu.memory_space<vmem>>) semaphore(%run_scoped3A_479 : memref<!tpu.dma_semaphore, #tpu.memory_space<semaphore_mem>>) {add = true}
      %dma_wait3A_486 = arith.constant 0 : i32
      %dma_wait3A_487 = tpu.memref_slice %arg10[%run_scoped3A_240, %dma_wait3A_486] : memref<16x128xi32, #tpu.memory_space<vmem>> -> memref<1x128xi32, #tpu.memory_space<vmem>>
      %dma_wait3A_488 = tpu.memref_squeeze %dma_wait3A_487 : memref<1x128xi32, #tpu.memory_space<vmem>> -> memref<128xi32, #tpu.memory_space<vmem>>
      %dma_wait3A_489 = arith.constant 0 : i32
      %dma_wait3A_490 = arith.constant 0 : i32
      %dma_wait3A_491 = tpu.memref_slice %arg13[%dma_wait3A_489, %dma_wait3A_490] : memref<10240x128xf32, #tpu.memory_space<vmem_shared>> -> memref<10240x128xf32, #tpu.memory_space<vmem_shared>>
      tpu.wait_indirect_dma semaphore(%run_scoped3A_479 : memref<!tpu.dma_semaphore, #tpu.memory_space<semaphore_mem>>) src(%arg12 : memref<128x128xf32, #tpu.memory_space<vmem>>) dst(%dma_wait3A_491 : memref<10240x128xf32, #tpu.memory_space<vmem_shared>>)
      tpu.yield
    }) : () -> ()
    %dma_start3A_241 = arith.constant 15 : i32
    %dma_start3A_242 = arith.constant 0 : i32
    %dma_start3A_243 = tpu.memref_slice %arg10[%dma_start3A_241, %dma_start3A_242] : memref<16x128xi32, #tpu.memory_space<vmem>> -> memref<1x128xi32, #tpu.memory_space<vmem>>
    %dma_start3A_244 = tpu.memref_squeeze %dma_start3A_243 : memref<1x128xi32, #tpu.memory_space<vmem>> -> memref<128xi32, #tpu.memory_space<vmem>>
    %dma_start3A_245 = arith.constant 0 : i32
    %dma_start3A_246 = tpu.memref_slice %arg20[%dma_start3A_245] : memref<10240xf32, #tpu.memory_space<vmem_shared>> -> memref<10240xf32, #tpu.memory_space<vmem_shared>>
    tpu.enqueue_indirect_dma source(%arg18 : memref<128xf32, #tpu.memory_space<vmem>>) target(%dma_start3A_246 : memref<10240xf32, #tpu.memory_space<vmem_shared>>) offsets(%dma_start3A_244 : memref<128xi32, #tpu.memory_space<vmem>>) semaphore(%arg17 : memref<!tpu.dma_semaphore, #tpu.memory_space<semaphore_mem>>) {add = true}
    %dma_start3A_247 = arith.constant 3 : i32
    %dma_start3A_248 = arith.constant 0 : i32
    %dma_start3A_249 = arith.constant 0 : i32
    %dma_start3A_250 = tpu.memref_slice %arg3[%add3A, %dma_start3A_247, %dma_start3A_248, %dma_start3A_249] : memref<32x5x16x128xi32, #tpu.memory_space<hbm>> -> memref<1x1x16x128xi32, #tpu.memory_space<hbm>>
    %dma_start3A_251 = tpu.memref_squeeze %dma_start3A_250 : memref<1x1x16x128xi32, #tpu.memory_space<hbm>> -> memref<16x128xi32, #tpu.memory_space<hbm>>
    %dma_start3A_252 = arith.constant 0 : i32
    %dma_start3A_253 = arith.constant 0 : i32
    %dma_start3A_254 = tpu.memref_slice %arg3[%add3A, %dma_start3A_247, %dma_start3A_252, %dma_start3A_253] : memref<32x5x16x128xi32, #tpu.memory_space<hbm>> -> memref<1x1x16x128xi32, #tpu.memory_space<hbm>>
    %dma_start3A_255 = tpu.memref_squeeze %dma_start3A_254 : memref<1x1x16x128xi32, #tpu.memory_space<hbm>> -> memref<16x128xi32, #tpu.memory_space<hbm>>
    tpu.enqueue_dma source(%dma_start3A_255 : memref<16x128xi32, #tpu.memory_space<hbm>>) target(%arg8 : memref<16x128xi32, #tpu.memory_space<vmem>>) target_semaphore(%arg16 : memref<!tpu.dma_semaphore, #tpu.memory_space<semaphore_mem>>)
    %dma_start3A_256 = arith.constant 3 : i32
    %dma_start3A_257 = arith.constant 0 : i32
    %dma_start3A_258 = arith.constant 0 : i32
    %dma_start3A_259 = tpu.memref_slice %arg4[%add3A, %dma_start3A_256, %dma_start3A_257, %dma_start3A_258] : memref<32x5x16x128xi32, #tpu.memory_space<hbm>> -> memref<1x1x16x128xi32, #tpu.memory_space<hbm>>
    %dma_start3A_260 = tpu.memref_squeeze %dma_start3A_259 : memref<1x1x16x128xi32, #tpu.memory_space<hbm>> -> memref<16x128xi32, #tpu.memory_space<hbm>>
    %dma_start3A_261 = arith.constant 0 : i32
    %dma_start3A_262 = arith.constant 0 : i32
    %dma_start3A_263 = tpu.memref_slice %arg4[%add3A, %dma_start3A_256, %dma_start3A_261, %dma_start3A_262] : memref<32x5x16x128xi32, #tpu.memory_space<hbm>> -> memref<1x1x16x128xi32, #tpu.memory_space<hbm>>
    %dma_start3A_264 = tpu.memref_squeeze %dma_start3A_263 : memref<1x1x16x128xi32, #tpu.memory_space<hbm>> -> memref<16x128xi32, #tpu.memory_space<hbm>>
    tpu.enqueue_dma source(%dma_start3A_264 : memref<16x128xi32, #tpu.memory_space<hbm>>) target(%arg10 : memref<16x128xi32, #tpu.memory_space<vmem>>) target_semaphore(%arg16 : memref<!tpu.dma_semaphore, #tpu.memory_space<semaphore_mem>>)
    %scan3A_265 = arith.constant 0 : i32
    %scan3A_266 = arith.constant 0 : i32
    %scan3A_267 = arith.constant 7 : i32
    %scan3A_268 = arith.addi %scan3A_266, %scan3A_267 : i32
    %scan3A_269 = arith.constant 1 : i32
    scf.for %scan3A_479 = %scan3A_266 to %scan3A_268 step %scan3A_269  : i32 {
      %mul3A_480 = arith.constant 2 : i32
      %mul3A_481 = arith.muli %scan3A_479, %mul3A_480 : i32
      %add3A_482 = arith.constant 1 : i32
      %add3A_483 = arith.addi %mul3A_481, %add3A_482 : i32
      %dma_start3A_484 = arith.constant 0 : i32
      %dma_start3A_485 = tpu.memref_slice %arg7[%add3A_483, %dma_start3A_484] : memref<16x128xi32, #tpu.memory_space<vmem>> -> memref<1x128xi32, #tpu.memory_space<vmem>>
      %dma_start3A_486 = tpu.memref_squeeze %dma_start3A_485 : memref<1x128xi32, #tpu.memory_space<vmem>> -> memref<128xi32, #tpu.memory_space<vmem>>
      %dma_start3A_487 = arith.constant 0 : i32
      %dma_start3A_488 = arith.constant 0 : i32
      %dma_start3A_489 = tpu.memref_slice %arg2[%dma_start3A_487, %dma_start3A_488] : memref<10000x128xf32, #tpu.memory_space<hbm>> -> memref<10000x128xf32, #tpu.memory_space<hbm>>
      tpu.enqueue_indirect_dma source(%dma_start3A_489 : memref<10000x128xf32, #tpu.memory_space<hbm>>) target(%arg12 : memref<128x128xf32, #tpu.memory_space<vmem>>) offsets(%dma_start3A_486 : memref<128xi32, #tpu.memory_space<vmem>>) semaphore(%arg15 : memref<!tpu.dma_semaphore, #tpu.memory_space<semaphore_mem>>)
      %dma_wait3A_490 = arith.constant 0 : i32
      %dma_wait3A_491 = arith.constant 0 : i32
      %dma_wait3A_492 = tpu.memref_slice %arg2[%dma_wait3A_490, %dma_wait3A_491] : memref<10000x128xf32, #tpu.memory_space<hbm>> -> memref<128x128xf32, #tpu.memory_space<hbm>>
      %dma_wait3A_493 = arith.constant 0 : i32
      %dma_wait3A_494 = arith.constant 0 : i32
      %dma_wait3A_495 = tpu.memref_slice %arg2[%dma_wait3A_493, %dma_wait3A_494] : memref<10000x128xf32, #tpu.memory_space<hbm>> -> memref<128x128xf32, #tpu.memory_space<hbm>>
      tpu.wait_dma2 semaphore(%arg14 : memref<!tpu.dma_semaphore, #tpu.memory_space<semaphore_mem>>) src(%dma_wait3A_495 : memref<128x128xf32, #tpu.memory_space<hbm>>) dst(%arg11 : memref<128x128xf32, #tpu.memory_space<vmem>>)
      "tpu.region"() ({
        %run_scoped3A_522 = tpu.sem_alloc : memref<!tpu.dma_semaphore, #tpu.memory_space<semaphore_mem>>
        %dma_start3A_523 = arith.constant 0 : i32
        %dma_start3A_524 = tpu.memref_slice %arg9[%mul3A_481, %dma_start3A_523] : memref<16x128xi32, #tpu.memory_space<vmem>> -> memref<1x128xi32, #tpu.memory_space<vmem>>
        %dma_start3A_525 = tpu.memref_squeeze %dma_start3A_524 : memref<1x128xi32, #tpu.memory_space<vmem>> -> memref<128xi32, #tpu.memory_space<vmem>>
        %dma_start3A_526 = arith.constant 0 : i32
        %dma_start3A_527 = arith.constant 0 : i32
        %dma_start3A_528 = tpu.memref_slice %arg13[%dma_start3A_526, %dma_start3A_527] : memref<10240x128xf32, #tpu.memory_space<vmem_shared>> -> memref<10240x128xf32, #tpu.memory_space<vmem_shared>>
        tpu.enqueue_indirect_dma source(%arg11 : memref<128x128xf32, #tpu.memory_space<vmem>>) target(%dma_start3A_528 : memref<10240x128xf32, #tpu.memory_space<vmem_shared>>) offsets(%dma_start3A_525 : memref<128xi32, #tpu.memory_space<vmem>>) semaphore(%run_scoped3A_522 : memref<!tpu.dma_semaphore, #tpu.memory_space<semaphore_mem>>) {add = true}
        %dma_wait3A_529 = arith.constant 0 : i32
        %dma_wait3A_530 = tpu.memref_slice %arg9[%mul3A_481, %dma_wait3A_529] : memref<16x128xi32, #tpu.memory_space<vmem>> -> memref<1x128xi32, #tpu.memory_space<vmem>>
        %dma_wait3A_531 = tpu.memref_squeeze %dma_wait3A_530 : memref<1x128xi32, #tpu.memory_space<vmem>> -> memref<128xi32, #tpu.memory_space<vmem>>
        %dma_wait3A_532 = arith.constant 0 : i32
        %dma_wait3A_533 = arith.constant 0 : i32
        %dma_wait3A_534 = tpu.memref_slice %arg13[%dma_wait3A_532, %dma_wait3A_533] : memref<10240x128xf32, #tpu.memory_space<vmem_shared>> -> memref<10240x128xf32, #tpu.memory_space<vmem_shared>>
        tpu.wait_indirect_dma semaphore(%run_scoped3A_522 : memref<!tpu.dma_semaphore, #tpu.memory_space<semaphore_mem>>) src(%arg11 : memref<128x128xf32, #tpu.memory_space<vmem>>) dst(%dma_wait3A_534 : memref<10240x128xf32, #tpu.memory_space<vmem_shared>>)
        tpu.yield
      }) : () -> ()
      %dma_start3A_496 = arith.constant 0 : i32
      %dma_start3A_497 = tpu.memref_slice %arg9[%mul3A_481, %dma_start3A_496] : memref<16x128xi32, #tpu.memory_space<vmem>> -> memref<1x128xi32, #tpu.memory_space<vmem>>
      %dma_start3A_498 = tpu.memref_squeeze %dma_start3A_497 : memref<1x128xi32, #tpu.memory_space<vmem>> -> memref<128xi32, #tpu.memory_space<vmem>>
      %dma_start3A_499 = arith.constant 0 : i32
      %dma_start3A_500 = tpu.memref_slice %arg20[%dma_start3A_499] : memref<10240xf32, #tpu.memory_space<vmem_shared>> -> memref<10240xf32, #tpu.memory_space<vmem_shared>>
      tpu.enqueue_indirect_dma source(%arg18 : memref<128xf32, #tpu.memory_space<vmem>>) target(%dma_start3A_500 : memref<10240xf32, #tpu.memory_space<vmem_shared>>) offsets(%dma_start3A_498 : memref<128xi32, #tpu.memory_space<vmem>>) semaphore(%arg17 : memref<!tpu.dma_semaphore, #tpu.memory_space<semaphore_mem>>) {add = true}
      %add3A_501 = arith.constant 2 : i32
      %add3A_502 = arith.addi %mul3A_481, %add3A_501 : i32
      %dma_start3A_503 = arith.constant 0 : i32
      %dma_start3A_504 = tpu.memref_slice %arg7[%add3A_502, %dma_start3A_503] : memref<16x128xi32, #tpu.memory_space<vmem>> -> memref<1x128xi32, #tpu.memory_space<vmem>>
      %dma_start3A_505 = tpu.memref_squeeze %dma_start3A_504 : memref<1x128xi32, #tpu.memory_space<vmem>> -> memref<128xi32, #tpu.memory_space<vmem>>
      %dma_start3A_506 = arith.constant 0 : i32
      %dma_start3A_507 = arith.constant 0 : i32
      %dma_start3A_508 = tpu.memref_slice %arg2[%dma_start3A_506, %dma_start3A_507] : memref<10000x128xf32, #tpu.memory_space<hbm>> -> memref<10000x128xf32, #tpu.memory_space<hbm>>
      tpu.enqueue_indirect_dma source(%dma_start3A_508 : memref<10000x128xf32, #tpu.memory_space<hbm>>) target(%arg11 : memref<128x128xf32, #tpu.memory_space<vmem>>) offsets(%dma_start3A_505 : memref<128xi32, #tpu.memory_space<vmem>>) semaphore(%arg14 : memref<!tpu.dma_semaphore, #tpu.memory_space<semaphore_mem>>)
      %dma_wait3A_509 = arith.constant 0 : i32
      %dma_wait3A_510 = arith.constant 0 : i32
      %dma_wait3A_511 = tpu.memref_slice %arg2[%dma_wait3A_509, %dma_wait3A_510] : memref<10000x128xf32, #tpu.memory_space<hbm>> -> memref<128x128xf32, #tpu.memory_space<hbm>>
      %dma_wait3A_512 = arith.constant 0 : i32
      %dma_wait3A_513 = arith.constant 0 : i32
      %dma_wait3A_514 = tpu.memref_slice %arg2[%dma_wait3A_512, %dma_wait3A_513] : memref<10000x128xf32, #tpu.memory_space<hbm>> -> memref<128x128xf32, #tpu.memory_space<hbm>>
      tpu.wait_dma2 semaphore(%arg15 : memref<!tpu.dma_semaphore, #tpu.memory_space<semaphore_mem>>) src(%dma_wait3A_514 : memref<128x128xf32, #tpu.memory_space<hbm>>) dst(%arg12 : memref<128x128xf32, #tpu.memory_space<vmem>>)
      %add3A_515 = arith.constant 1 : i32
      %add3A_516 = arith.addi %mul3A_481, %add3A_515 : i32
      "tpu.region"() ({
        %run_scoped3A_522 = tpu.sem_alloc : memref<!tpu.dma_semaphore, #tpu.memory_space<semaphore_mem>>
        %dma_start3A_523 = arith.constant 0 : i32
        %dma_start3A_524 = tpu.memref_slice %arg9[%add3A_516, %dma_start3A_523] : memref<16x128xi32, #tpu.memory_space<vmem>> -> memref<1x128xi32, #tpu.memory_space<vmem>>
        %dma_start3A_525 = tpu.memref_squeeze %dma_start3A_524 : memref<1x128xi32, #tpu.memory_space<vmem>> -> memref<128xi32, #tpu.memory_space<vmem>>
        %dma_start3A_526 = arith.constant 0 : i32
        %dma_start3A_527 = arith.constant 0 : i32
        %dma_start3A_528 = tpu.memref_slice %arg13[%dma_start3A_526, %dma_start3A_527] : memref<10240x128xf32, #tpu.memory_space<vmem_shared>> -> memref<10240x128xf32, #tpu.memory_space<vmem_shared>>
        tpu.enqueue_indirect_dma source(%arg12 : memref<128x128xf32, #tpu.memory_space<vmem>>) target(%dma_start3A_528 : memref<10240x128xf32, #tpu.memory_space<vmem_shared>>) offsets(%dma_start3A_525 : memref<128xi32, #tpu.memory_space<vmem>>) semaphore(%run_scoped3A_522 : memref<!tpu.dma_semaphore, #tpu.memory_space<semaphore_mem>>) {add = true}
        %dma_wait3A_529 = arith.constant 0 : i32
        %dma_wait3A_530 = tpu.memref_slice %arg9[%add3A_516, %dma_wait3A_529] : memref<16x128xi32, #tpu.memory_space<vmem>> -> memref<1x128xi32, #tpu.memory_space<vmem>>
        %dma_wait3A_531 = tpu.memref_squeeze %dma_wait3A_530 : memref<1x128xi32, #tpu.memory_space<vmem>> -> memref<128xi32, #tpu.memory_space<vmem>>
        %dma_wait3A_532 = arith.constant 0 : i32
        %dma_wait3A_533 = arith.constant 0 : i32
        %dma_wait3A_534 = tpu.memref_slice %arg13[%dma_wait3A_532, %dma_wait3A_533] : memref<10240x128xf32, #tpu.memory_space<vmem_shared>> -> memref<10240x128xf32, #tpu.memory_space<vmem_shared>>
        tpu.wait_indirect_dma semaphore(%run_scoped3A_522 : memref<!tpu.dma_semaphore, #tpu.memory_space<semaphore_mem>>) src(%arg12 : memref<128x128xf32, #tpu.memory_space<vmem>>) dst(%dma_wait3A_534 : memref<10240x128xf32, #tpu.memory_space<vmem_shared>>)
        tpu.yield
      }) : () -> ()
      %dma_start3A_517 = arith.constant 0 : i32
      %dma_start3A_518 = tpu.memref_slice %arg9[%add3A_516, %dma_start3A_517] : memref<16x128xi32, #tpu.memory_space<vmem>> -> memref<1x128xi32, #tpu.memory_space<vmem>>
      %dma_start3A_519 = tpu.memref_squeeze %dma_start3A_518 : memref<1x128xi32, #tpu.memory_space<vmem>> -> memref<128xi32, #tpu.memory_space<vmem>>
      %dma_start3A_520 = arith.constant 0 : i32
      %dma_start3A_521 = tpu.memref_slice %arg20[%dma_start3A_520] : memref<10240xf32, #tpu.memory_space<vmem_shared>> -> memref<10240xf32, #tpu.memory_space<vmem_shared>>
      tpu.enqueue_indirect_dma source(%arg18 : memref<128xf32, #tpu.memory_space<vmem>>) target(%dma_start3A_521 : memref<10240xf32, #tpu.memory_space<vmem_shared>>) offsets(%dma_start3A_519 : memref<128xi32, #tpu.memory_space<vmem>>) semaphore(%arg17 : memref<!tpu.dma_semaphore, #tpu.memory_space<semaphore_mem>>) {add = true}
    }
    %scan3A_270 = arith.constant 7 : i32
    %dma_start3A_271 = arith.constant 15 : i32
    %dma_start3A_272 = arith.constant 0 : i32
    %dma_start3A_273 = tpu.memref_slice %arg7[%dma_start3A_271, %dma_start3A_272] : memref<16x128xi32, #tpu.memory_space<vmem>> -> memref<1x128xi32, #tpu.memory_space<vmem>>
    %dma_start3A_274 = tpu.memref_squeeze %dma_start3A_273 : memref<1x128xi32, #tpu.memory_space<vmem>> -> memref<128xi32, #tpu.memory_space<vmem>>
    %dma_start3A_275 = arith.constant 0 : i32
    %dma_start3A_276 = arith.constant 0 : i32
    %dma_start3A_277 = tpu.memref_slice %arg2[%dma_start3A_275, %dma_start3A_276] : memref<10000x128xf32, #tpu.memory_space<hbm>> -> memref<10000x128xf32, #tpu.memory_space<hbm>>
    tpu.enqueue_indirect_dma source(%dma_start3A_277 : memref<10000x128xf32, #tpu.memory_space<hbm>>) target(%arg12 : memref<128x128xf32, #tpu.memory_space<vmem>>) offsets(%dma_start3A_274 : memref<128xi32, #tpu.memory_space<vmem>>) semaphore(%arg15 : memref<!tpu.dma_semaphore, #tpu.memory_space<semaphore_mem>>)
    %dma_wait3A_278 = arith.constant 0 : i32
    %dma_wait3A_279 = arith.constant 0 : i32
    %dma_wait3A_280 = tpu.memref_slice %arg2[%dma_wait3A_278, %dma_wait3A_279] : memref<10000x128xf32, #tpu.memory_space<hbm>> -> memref<128x128xf32, #tpu.memory_space<hbm>>
    %dma_wait3A_281 = arith.constant 0 : i32
    %dma_wait3A_282 = arith.constant 0 : i32
    %dma_wait3A_283 = tpu.memref_slice %arg2[%dma_wait3A_281, %dma_wait3A_282] : memref<10000x128xf32, #tpu.memory_space<hbm>> -> memref<128x128xf32, #tpu.memory_space<hbm>>
    tpu.wait_dma2 semaphore(%arg14 : memref<!tpu.dma_semaphore, #tpu.memory_space<semaphore_mem>>) src(%dma_wait3A_283 : memref<128x128xf32, #tpu.memory_space<hbm>>) dst(%arg11 : memref<128x128xf32, #tpu.memory_space<vmem>>)
    %run_scoped3A_284 = arith.constant 14 : i32
    "tpu.region"() ({
      %run_scoped3A_479 = tpu.sem_alloc : memref<!tpu.dma_semaphore, #tpu.memory_space<semaphore_mem>>
      %dma_start3A_480 = arith.constant 0 : i32
      %dma_start3A_481 = tpu.memref_slice %arg9[%run_scoped3A_284, %dma_start3A_480] : memref<16x128xi32, #tpu.memory_space<vmem>> -> memref<1x128xi32, #tpu.memory_space<vmem>>
      %dma_start3A_482 = tpu.memref_squeeze %dma_start3A_481 : memref<1x128xi32, #tpu.memory_space<vmem>> -> memref<128xi32, #tpu.memory_space<vmem>>
      %dma_start3A_483 = arith.constant 0 : i32
      %dma_start3A_484 = arith.constant 0 : i32
      %dma_start3A_485 = tpu.memref_slice %arg13[%dma_start3A_483, %dma_start3A_484] : memref<10240x128xf32, #tpu.memory_space<vmem_shared>> -> memref<10240x128xf32, #tpu.memory_space<vmem_shared>>
      tpu.enqueue_indirect_dma source(%arg11 : memref<128x128xf32, #tpu.memory_space<vmem>>) target(%dma_start3A_485 : memref<10240x128xf32, #tpu.memory_space<vmem_shared>>) offsets(%dma_start3A_482 : memref<128xi32, #tpu.memory_space<vmem>>) semaphore(%run_scoped3A_479 : memref<!tpu.dma_semaphore, #tpu.memory_space<semaphore_mem>>) {add = true}
      %dma_wait3A_486 = arith.constant 0 : i32
      %dma_wait3A_487 = tpu.memref_slice %arg9[%run_scoped3A_284, %dma_wait3A_486] : memref<16x128xi32, #tpu.memory_space<vmem>> -> memref<1x128xi32, #tpu.memory_space<vmem>>
      %dma_wait3A_488 = tpu.memref_squeeze %dma_wait3A_487 : memref<1x128xi32, #tpu.memory_space<vmem>> -> memref<128xi32, #tpu.memory_space<vmem>>
      %dma_wait3A_489 = arith.constant 0 : i32
      %dma_wait3A_490 = arith.constant 0 : i32
      %dma_wait3A_491 = tpu.memref_slice %arg13[%dma_wait3A_489, %dma_wait3A_490] : memref<10240x128xf32, #tpu.memory_space<vmem_shared>> -> memref<10240x128xf32, #tpu.memory_space<vmem_shared>>
      tpu.wait_indirect_dma semaphore(%run_scoped3A_479 : memref<!tpu.dma_semaphore, #tpu.memory_space<semaphore_mem>>) src(%arg11 : memref<128x128xf32, #tpu.memory_space<vmem>>) dst(%dma_wait3A_491 : memref<10240x128xf32, #tpu.memory_space<vmem_shared>>)
      tpu.yield
    }) : () -> ()
    %dma_start3A_285 = arith.constant 14 : i32
    %dma_start3A_286 = arith.constant 0 : i32
    %dma_start3A_287 = tpu.memref_slice %arg9[%dma_start3A_285, %dma_start3A_286] : memref<16x128xi32, #tpu.memory_space<vmem>> -> memref<1x128xi32, #tpu.memory_space<vmem>>
    %dma_start3A_288 = tpu.memref_squeeze %dma_start3A_287 : memref<1x128xi32, #tpu.memory_space<vmem>> -> memref<128xi32, #tpu.memory_space<vmem>>
    %dma_start3A_289 = arith.constant 0 : i32
    %dma_start3A_290 = tpu.memref_slice %arg20[%dma_start3A_289] : memref<10240xf32, #tpu.memory_space<vmem_shared>> -> memref<10240xf32, #tpu.memory_space<vmem_shared>>
    tpu.enqueue_indirect_dma source(%arg18 : memref<128xf32, #tpu.memory_space<vmem>>) target(%dma_start3A_290 : memref<10240xf32, #tpu.memory_space<vmem_shared>>) offsets(%dma_start3A_288 : memref<128xi32, #tpu.memory_space<vmem>>) semaphore(%arg17 : memref<!tpu.dma_semaphore, #tpu.memory_space<semaphore_mem>>) {add = true}
    %dma_wait3A_291 = arith.constant 3 : i32
    %dma_wait3A_292 = arith.constant 0 : i32
    %dma_wait3A_293 = arith.constant 0 : i32
    %dma_wait3A_294 = tpu.memref_slice %arg3[%add3A, %dma_wait3A_291, %dma_wait3A_292, %dma_wait3A_293] : memref<32x5x16x128xi32, #tpu.memory_space<hbm>> -> memref<1x1x16x128xi32, #tpu.memory_space<hbm>>
    %dma_wait3A_295 = tpu.memref_squeeze %dma_wait3A_294 : memref<1x1x16x128xi32, #tpu.memory_space<hbm>> -> memref<16x128xi32, #tpu.memory_space<hbm>>
    %dma_wait3A_296 = arith.constant 0 : i32
    %dma_wait3A_297 = arith.constant 0 : i32
    %dma_wait3A_298 = tpu.memref_slice %arg3[%add3A, %dma_wait3A_291, %dma_wait3A_296, %dma_wait3A_297] : memref<32x5x16x128xi32, #tpu.memory_space<hbm>> -> memref<1x1x16x128xi32, #tpu.memory_space<hbm>>
    %dma_wait3A_299 = tpu.memref_squeeze %dma_wait3A_298 : memref<1x1x16x128xi32, #tpu.memory_space<hbm>> -> memref<16x128xi32, #tpu.memory_space<hbm>>
    tpu.wait_dma2 semaphore(%arg16 : memref<!tpu.dma_semaphore, #tpu.memory_space<semaphore_mem>>) src(%dma_wait3A_299 : memref<16x128xi32, #tpu.memory_space<hbm>>) dst(%arg8 : memref<16x128xi32, #tpu.memory_space<vmem>>)
    %dma_wait3A_300 = arith.constant 3 : i32
    %dma_wait3A_301 = arith.constant 0 : i32
    %dma_wait3A_302 = arith.constant 0 : i32
    %dma_wait3A_303 = tpu.memref_slice %arg4[%add3A, %dma_wait3A_300, %dma_wait3A_301, %dma_wait3A_302] : memref<32x5x16x128xi32, #tpu.memory_space<hbm>> -> memref<1x1x16x128xi32, #tpu.memory_space<hbm>>
    %dma_wait3A_304 = tpu.memref_squeeze %dma_wait3A_303 : memref<1x1x16x128xi32, #tpu.memory_space<hbm>> -> memref<16x128xi32, #tpu.memory_space<hbm>>
    %dma_wait3A_305 = arith.constant 0 : i32
    %dma_wait3A_306 = arith.constant 0 : i32
    %dma_wait3A_307 = tpu.memref_slice %arg4[%add3A, %dma_wait3A_300, %dma_wait3A_305, %dma_wait3A_306] : memref<32x5x16x128xi32, #tpu.memory_space<hbm>> -> memref<1x1x16x128xi32, #tpu.memory_space<hbm>>
    %dma_wait3A_308 = tpu.memref_squeeze %dma_wait3A_307 : memref<1x1x16x128xi32, #tpu.memory_space<hbm>> -> memref<16x128xi32, #tpu.memory_space<hbm>>
    tpu.wait_dma2 semaphore(%arg16 : memref<!tpu.dma_semaphore, #tpu.memory_space<semaphore_mem>>) src(%dma_wait3A_308 : memref<16x128xi32, #tpu.memory_space<hbm>>) dst(%arg10 : memref<16x128xi32, #tpu.memory_space<vmem>>)
    %dma_start3A_309 = arith.constant 0 : i32
    %dma_start3A_310 = arith.constant 0 : i32
    %dma_start3A_311 = tpu.memref_slice %arg8[%dma_start3A_309, %dma_start3A_310] : memref<16x128xi32, #tpu.memory_space<vmem>> -> memref<1x128xi32, #tpu.memory_space<vmem>>
    %dma_start3A_312 = tpu.memref_squeeze %dma_start3A_311 : memref<1x128xi32, #tpu.memory_space<vmem>> -> memref<128xi32, #tpu.memory_space<vmem>>
    %dma_start3A_313 = arith.constant 0 : i32
    %dma_start3A_314 = arith.constant 0 : i32
    %dma_start3A_315 = tpu.memref_slice %arg2[%dma_start3A_313, %dma_start3A_314] : memref<10000x128xf32, #tpu.memory_space<hbm>> -> memref<10000x128xf32, #tpu.memory_space<hbm>>
    tpu.enqueue_indirect_dma source(%dma_start3A_315 : memref<10000x128xf32, #tpu.memory_space<hbm>>) target(%arg11 : memref<128x128xf32, #tpu.memory_space<vmem>>) offsets(%dma_start3A_312 : memref<128xi32, #tpu.memory_space<vmem>>) semaphore(%arg14 : memref<!tpu.dma_semaphore, #tpu.memory_space<semaphore_mem>>)
    %dma_wait3A_316 = arith.constant 0 : i32
    %dma_wait3A_317 = arith.constant 0 : i32
    %dma_wait3A_318 = tpu.memref_slice %arg2[%dma_wait3A_316, %dma_wait3A_317] : memref<10000x128xf32, #tpu.memory_space<hbm>> -> memref<128x128xf32, #tpu.memory_space<hbm>>
    %dma_wait3A_319 = arith.constant 0 : i32
    %dma_wait3A_320 = arith.constant 0 : i32
    %dma_wait3A_321 = tpu.memref_slice %arg2[%dma_wait3A_319, %dma_wait3A_320] : memref<10000x128xf32, #tpu.memory_space<hbm>> -> memref<128x128xf32, #tpu.memory_space<hbm>>
    tpu.wait_dma2 semaphore(%arg15 : memref<!tpu.dma_semaphore, #tpu.memory_space<semaphore_mem>>) src(%dma_wait3A_321 : memref<128x128xf32, #tpu.memory_space<hbm>>) dst(%arg12 : memref<128x128xf32, #tpu.memory_space<vmem>>)
    %run_scoped3A_322 = arith.constant 15 : i32
    "tpu.region"() ({
      %run_scoped3A_479 = tpu.sem_alloc : memref<!tpu.dma_semaphore, #tpu.memory_space<semaphore_mem>>
      %dma_start3A_480 = arith.constant 0 : i32
      %dma_start3A_481 = tpu.memref_slice %arg9[%run_scoped3A_322, %dma_start3A_480] : memref<16x128xi32, #tpu.memory_space<vmem>> -> memref<1x128xi32, #tpu.memory_space<vmem>>
      %dma_start3A_482 = tpu.memref_squeeze %dma_start3A_481 : memref<1x128xi32, #tpu.memory_space<vmem>> -> memref<128xi32, #tpu.memory_space<vmem>>
      %dma_start3A_483 = arith.constant 0 : i32
      %dma_start3A_484 = arith.constant 0 : i32
      %dma_start3A_485 = tpu.memref_slice %arg13[%dma_start3A_483, %dma_start3A_484] : memref<10240x128xf32, #tpu.memory_space<vmem_shared>> -> memref<10240x128xf32, #tpu.memory_space<vmem_shared>>
      tpu.enqueue_indirect_dma source(%arg12 : memref<128x128xf32, #tpu.memory_space<vmem>>) target(%dma_start3A_485 : memref<10240x128xf32, #tpu.memory_space<vmem_shared>>) offsets(%dma_start3A_482 : memref<128xi32, #tpu.memory_space<vmem>>) semaphore(%run_scoped3A_479 : memref<!tpu.dma_semaphore, #tpu.memory_space<semaphore_mem>>) {add = true}
      %dma_wait3A_486 = arith.constant 0 : i32
      %dma_wait3A_487 = tpu.memref_slice %arg9[%run_scoped3A_322, %dma_wait3A_486] : memref<16x128xi32, #tpu.memory_space<vmem>> -> memref<1x128xi32, #tpu.memory_space<vmem>>
      %dma_wait3A_488 = tpu.memref_squeeze %dma_wait3A_487 : memref<1x128xi32, #tpu.memory_space<vmem>> -> memref<128xi32, #tpu.memory_space<vmem>>
      %dma_wait3A_489 = arith.constant 0 : i32
      %dma_wait3A_490 = arith.constant 0 : i32
      %dma_wait3A_491 = tpu.memref_slice %arg13[%dma_wait3A_489, %dma_wait3A_490] : memref<10240x128xf32, #tpu.memory_space<vmem_shared>> -> memref<10240x128xf32, #tpu.memory_space<vmem_shared>>
      tpu.wait_indirect_dma semaphore(%run_scoped3A_479 : memref<!tpu.dma_semaphore, #tpu.memory_space<semaphore_mem>>) src(%arg12 : memref<128x128xf32, #tpu.memory_space<vmem>>) dst(%dma_wait3A_491 : memref<10240x128xf32, #tpu.memory_space<vmem_shared>>)
      tpu.yield
    }) : () -> ()
    %dma_start3A_323 = arith.constant 15 : i32
    %dma_start3A_324 = arith.constant 0 : i32
    %dma_start3A_325 = tpu.memref_slice %arg9[%dma_start3A_323, %dma_start3A_324] : memref<16x128xi32, #tpu.memory_space<vmem>> -> memref<1x128xi32, #tpu.memory_space<vmem>>
    %dma_start3A_326 = tpu.memref_squeeze %dma_start3A_325 : memref<1x128xi32, #tpu.memory_space<vmem>> -> memref<128xi32, #tpu.memory_space<vmem>>
    %dma_start3A_327 = arith.constant 0 : i32
    %dma_start3A_328 = tpu.memref_slice %arg20[%dma_start3A_327] : memref<10240xf32, #tpu.memory_space<vmem_shared>> -> memref<10240xf32, #tpu.memory_space<vmem_shared>>
    tpu.enqueue_indirect_dma source(%arg18 : memref<128xf32, #tpu.memory_space<vmem>>) target(%dma_start3A_328 : memref<10240xf32, #tpu.memory_space<vmem_shared>>) offsets(%dma_start3A_326 : memref<128xi32, #tpu.memory_space<vmem>>) semaphore(%arg17 : memref<!tpu.dma_semaphore, #tpu.memory_space<semaphore_mem>>) {add = true}
    %dma_start3A_329 = arith.constant 4 : i32
    %dma_start3A_330 = arith.constant 0 : i32
    %dma_start3A_331 = arith.constant 0 : i32
    %dma_start3A_332 = tpu.memref_slice %arg3[%add3A, %dma_start3A_329, %dma_start3A_330, %dma_start3A_331] : memref<32x5x16x128xi32, #tpu.memory_space<hbm>> -> memref<1x1x16x128xi32, #tpu.memory_space<hbm>>
    %dma_start3A_333 = tpu.memref_squeeze %dma_start3A_332 : memref<1x1x16x128xi32, #tpu.memory_space<hbm>> -> memref<16x128xi32, #tpu.memory_space<hbm>>
    %dma_start3A_334 = arith.constant 0 : i32
    %dma_start3A_335 = arith.constant 0 : i32
    %dma_start3A_336 = tpu.memref_slice %arg3[%add3A, %dma_start3A_329, %dma_start3A_334, %dma_start3A_335] : memref<32x5x16x128xi32, #tpu.memory_space<hbm>> -> memref<1x1x16x128xi32, #tpu.memory_space<hbm>>
    %dma_start3A_337 = tpu.memref_squeeze %dma_start3A_336 : memref<1x1x16x128xi32, #tpu.memory_space<hbm>> -> memref<16x128xi32, #tpu.memory_space<hbm>>
    tpu.enqueue_dma source(%dma_start3A_337 : memref<16x128xi32, #tpu.memory_space<hbm>>) target(%arg7 : memref<16x128xi32, #tpu.memory_space<vmem>>) target_semaphore(%arg16 : memref<!tpu.dma_semaphore, #tpu.memory_space<semaphore_mem>>)
    %dma_start3A_338 = arith.constant 4 : i32
    %dma_start3A_339 = arith.constant 0 : i32
    %dma_start3A_340 = arith.constant 0 : i32
    %dma_start3A_341 = tpu.memref_slice %arg4[%add3A, %dma_start3A_338, %dma_start3A_339, %dma_start3A_340] : memref<32x5x16x128xi32, #tpu.memory_space<hbm>> -> memref<1x1x16x128xi32, #tpu.memory_space<hbm>>
    %dma_start3A_342 = tpu.memref_squeeze %dma_start3A_341 : memref<1x1x16x128xi32, #tpu.memory_space<hbm>> -> memref<16x128xi32, #tpu.memory_space<hbm>>
    %dma_start3A_343 = arith.constant 0 : i32
    %dma_start3A_344 = arith.constant 0 : i32
    %dma_start3A_345 = tpu.memref_slice %arg4[%add3A, %dma_start3A_338, %dma_start3A_343, %dma_start3A_344] : memref<32x5x16x128xi32, #tpu.memory_space<hbm>> -> memref<1x1x16x128xi32, #tpu.memory_space<hbm>>
    %dma_start3A_346 = tpu.memref_squeeze %dma_start3A_345 : memref<1x1x16x128xi32, #tpu.memory_space<hbm>> -> memref<16x128xi32, #tpu.memory_space<hbm>>
    tpu.enqueue_dma source(%dma_start3A_346 : memref<16x128xi32, #tpu.memory_space<hbm>>) target(%arg9 : memref<16x128xi32, #tpu.memory_space<vmem>>) target_semaphore(%arg16 : memref<!tpu.dma_semaphore, #tpu.memory_space<semaphore_mem>>)
    %scan3A_347 = arith.constant 0 : i32
    %scan3A_348 = arith.constant 0 : i32
    %scan3A_349 = arith.constant 7 : i32
    %scan3A_350 = arith.addi %scan3A_348, %scan3A_349 : i32
    %scan3A_351 = arith.constant 1 : i32
    scf.for %scan3A_479 = %scan3A_348 to %scan3A_350 step %scan3A_351  : i32 {
      %mul3A_480 = arith.constant 2 : i32
      %mul3A_481 = arith.muli %scan3A_479, %mul3A_480 : i32
      %add3A_482 = arith.constant 1 : i32
      %add3A_483 = arith.addi %mul3A_481, %add3A_482 : i32
      %dma_start3A_484 = arith.constant 0 : i32
      %dma_start3A_485 = tpu.memref_slice %arg8[%add3A_483, %dma_start3A_484] : memref<16x128xi32, #tpu.memory_space<vmem>> -> memref<1x128xi32, #tpu.memory_space<vmem>>
      %dma_start3A_486 = tpu.memref_squeeze %dma_start3A_485 : memref<1x128xi32, #tpu.memory_space<vmem>> -> memref<128xi32, #tpu.memory_space<vmem>>
      %dma_start3A_487 = arith.constant 0 : i32
      %dma_start3A_488 = arith.constant 0 : i32
      %dma_start3A_489 = tpu.memref_slice %arg2[%dma_start3A_487, %dma_start3A_488] : memref<10000x128xf32, #tpu.memory_space<hbm>> -> memref<10000x128xf32, #tpu.memory_space<hbm>>
      tpu.enqueue_indirect_dma source(%dma_start3A_489 : memref<10000x128xf32, #tpu.memory_space<hbm>>) target(%arg12 : memref<128x128xf32, #tpu.memory_space<vmem>>) offsets(%dma_start3A_486 : memref<128xi32, #tpu.memory_space<vmem>>) semaphore(%arg15 : memref<!tpu.dma_semaphore, #tpu.memory_space<semaphore_mem>>)
      %dma_wait3A_490 = arith.constant 0 : i32
      %dma_wait3A_491 = arith.constant 0 : i32
      %dma_wait3A_492 = tpu.memref_slice %arg2[%dma_wait3A_490, %dma_wait3A_491] : memref<10000x128xf32, #tpu.memory_space<hbm>> -> memref<128x128xf32, #tpu.memory_space<hbm>>
      %dma_wait3A_493 = arith.constant 0 : i32
      %dma_wait3A_494 = arith.constant 0 : i32
      %dma_wait3A_495 = tpu.memref_slice %arg2[%dma_wait3A_493, %dma_wait3A_494] : memref<10000x128xf32, #tpu.memory_space<hbm>> -> memref<128x128xf32, #tpu.memory_space<hbm>>
      tpu.wait_dma2 semaphore(%arg14 : memref<!tpu.dma_semaphore, #tpu.memory_space<semaphore_mem>>) src(%dma_wait3A_495 : memref<128x128xf32, #tpu.memory_space<hbm>>) dst(%arg11 : memref<128x128xf32, #tpu.memory_space<vmem>>)
      "tpu.region"() ({
        %run_scoped3A_522 = tpu.sem_alloc : memref<!tpu.dma_semaphore, #tpu.memory_space<semaphore_mem>>
        %dma_start3A_523 = arith.constant 0 : i32
        %dma_start3A_524 = tpu.memref_slice %arg10[%mul3A_481, %dma_start3A_523] : memref<16x128xi32, #tpu.memory_space<vmem>> -> memref<1x128xi32, #tpu.memory_space<vmem>>
        %dma_start3A_525 = tpu.memref_squeeze %dma_start3A_524 : memref<1x128xi32, #tpu.memory_space<vmem>> -> memref<128xi32, #tpu.memory_space<vmem>>
        %dma_start3A_526 = arith.constant 0 : i32
        %dma_start3A_527 = arith.constant 0 : i32
        %dma_start3A_528 = tpu.memref_slice %arg13[%dma_start3A_526, %dma_start3A_527] : memref<10240x128xf32, #tpu.memory_space<vmem_shared>> -> memref<10240x128xf32, #tpu.memory_space<vmem_shared>>
        tpu.enqueue_indirect_dma source(%arg11 : memref<128x128xf32, #tpu.memory_space<vmem>>) target(%dma_start3A_528 : memref<10240x128xf32, #tpu.memory_space<vmem_shared>>) offsets(%dma_start3A_525 : memref<128xi32, #tpu.memory_space<vmem>>) semaphore(%run_scoped3A_522 : memref<!tpu.dma_semaphore, #tpu.memory_space<semaphore_mem>>) {add = true}
        %dma_wait3A_529 = arith.constant 0 : i32
        %dma_wait3A_530 = tpu.memref_slice %arg10[%mul3A_481, %dma_wait3A_529] : memref<16x128xi32, #tpu.memory_space<vmem>> -> memref<1x128xi32, #tpu.memory_space<vmem>>
        %dma_wait3A_531 = tpu.memref_squeeze %dma_wait3A_530 : memref<1x128xi32, #tpu.memory_space<vmem>> -> memref<128xi32, #tpu.memory_space<vmem>>
        %dma_wait3A_532 = arith.constant 0 : i32
        %dma_wait3A_533 = arith.constant 0 : i32
        %dma_wait3A_534 = tpu.memref_slice %arg13[%dma_wait3A_532, %dma_wait3A_533] : memref<10240x128xf32, #tpu.memory_space<vmem_shared>> -> memref<10240x128xf32, #tpu.memory_space<vmem_shared>>
        tpu.wait_indirect_dma semaphore(%run_scoped3A_522 : memref<!tpu.dma_semaphore, #tpu.memory_space<semaphore_mem>>) src(%arg11 : memref<128x128xf32, #tpu.memory_space<vmem>>) dst(%dma_wait3A_534 : memref<10240x128xf32, #tpu.memory_space<vmem_shared>>)
        tpu.yield
      }) : () -> ()
      %dma_start3A_496 = arith.constant 0 : i32
      %dma_start3A_497 = tpu.memref_slice %arg10[%mul3A_481, %dma_start3A_496] : memref<16x128xi32, #tpu.memory_space<vmem>> -> memref<1x128xi32, #tpu.memory_space<vmem>>
      %dma_start3A_498 = tpu.memref_squeeze %dma_start3A_497 : memref<1x128xi32, #tpu.memory_space<vmem>> -> memref<128xi32, #tpu.memory_space<vmem>>
      %dma_start3A_499 = arith.constant 0 : i32
      %dma_start3A_500 = tpu.memref_slice %arg20[%dma_start3A_499] : memref<10240xf32, #tpu.memory_space<vmem_shared>> -> memref<10240xf32, #tpu.memory_space<vmem_shared>>
      tpu.enqueue_indirect_dma source(%arg18 : memref<128xf32, #tpu.memory_space<vmem>>) target(%dma_start3A_500 : memref<10240xf32, #tpu.memory_space<vmem_shared>>) offsets(%dma_start3A_498 : memref<128xi32, #tpu.memory_space<vmem>>) semaphore(%arg17 : memref<!tpu.dma_semaphore, #tpu.memory_space<semaphore_mem>>) {add = true}
      %add3A_501 = arith.constant 2 : i32
      %add3A_502 = arith.addi %mul3A_481, %add3A_501 : i32
      %dma_start3A_503 = arith.constant 0 : i32
      %dma_start3A_504 = tpu.memref_slice %arg8[%add3A_502, %dma_start3A_503] : memref<16x128xi32, #tpu.memory_space<vmem>> -> memref<1x128xi32, #tpu.memory_space<vmem>>
      %dma_start3A_505 = tpu.memref_squeeze %dma_start3A_504 : memref<1x128xi32, #tpu.memory_space<vmem>> -> memref<128xi32, #tpu.memory_space<vmem>>
      %dma_start3A_506 = arith.constant 0 : i32
      %dma_start3A_507 = arith.constant 0 : i32
      %dma_start3A_508 = tpu.memref_slice %arg2[%dma_start3A_506, %dma_start3A_507] : memref<10000x128xf32, #tpu.memory_space<hbm>> -> memref<10000x128xf32, #tpu.memory_space<hbm>>
      tpu.enqueue_indirect_dma source(%dma_start3A_508 : memref<10000x128xf32, #tpu.memory_space<hbm>>) target(%arg11 : memref<128x128xf32, #tpu.memory_space<vmem>>) offsets(%dma_start3A_505 : memref<128xi32, #tpu.memory_space<vmem>>) semaphore(%arg14 : memref<!tpu.dma_semaphore, #tpu.memory_space<semaphore_mem>>)
      %dma_wait3A_509 = arith.constant 0 : i32
      %dma_wait3A_510 = arith.constant 0 : i32
      %dma_wait3A_511 = tpu.memref_slice %arg2[%dma_wait3A_509, %dma_wait3A_510] : memref<10000x128xf32, #tpu.memory_space<hbm>> -> memref<128x128xf32, #tpu.memory_space<hbm>>
      %dma_wait3A_512 = arith.constant 0 : i32
      %dma_wait3A_513 = arith.constant 0 : i32
      %dma_wait3A_514 = tpu.memref_slice %arg2[%dma_wait3A_512, %dma_wait3A_513] : memref<10000x128xf32, #tpu.memory_space<hbm>> -> memref<128x128xf32, #tpu.memory_space<hbm>>
      tpu.wait_dma2 semaphore(%arg15 : memref<!tpu.dma_semaphore, #tpu.memory_space<semaphore_mem>>) src(%dma_wait3A_514 : memref<128x128xf32, #tpu.memory_space<hbm>>) dst(%arg12 : memref<128x128xf32, #tpu.memory_space<vmem>>)
      %add3A_515 = arith.constant 1 : i32
      %add3A_516 = arith.addi %mul3A_481, %add3A_515 : i32
      "tpu.region"() ({
        %run_scoped3A_522 = tpu.sem_alloc : memref<!tpu.dma_semaphore, #tpu.memory_space<semaphore_mem>>
        %dma_start3A_523 = arith.constant 0 : i32
        %dma_start3A_524 = tpu.memref_slice %arg10[%add3A_516, %dma_start3A_523] : memref<16x128xi32, #tpu.memory_space<vmem>> -> memref<1x128xi32, #tpu.memory_space<vmem>>
        %dma_start3A_525 = tpu.memref_squeeze %dma_start3A_524 : memref<1x128xi32, #tpu.memory_space<vmem>> -> memref<128xi32, #tpu.memory_space<vmem>>
        %dma_start3A_526 = arith.constant 0 : i32
        %dma_start3A_527 = arith.constant 0 : i32
        %dma_start3A_528 = tpu.memref_slice %arg13[%dma_start3A_526, %dma_start3A_527] : memref<10240x128xf32, #tpu.memory_space<vmem_shared>> -> memref<10240x128xf32, #tpu.memory_space<vmem_shared>>
        tpu.enqueue_indirect_dma source(%arg12 : memref<128x128xf32, #tpu.memory_space<vmem>>) target(%dma_start3A_528 : memref<10240x128xf32, #tpu.memory_space<vmem_shared>>) offsets(%dma_start3A_525 : memref<128xi32, #tpu.memory_space<vmem>>) semaphore(%run_scoped3A_522 : memref<!tpu.dma_semaphore, #tpu.memory_space<semaphore_mem>>) {add = true}
        %dma_wait3A_529 = arith.constant 0 : i32
        %dma_wait3A_530 = tpu.memref_slice %arg10[%add3A_516, %dma_wait3A_529] : memref<16x128xi32, #tpu.memory_space<vmem>> -> memref<1x128xi32, #tpu.memory_space<vmem>>
        %dma_wait3A_531 = tpu.memref_squeeze %dma_wait3A_530 : memref<1x128xi32, #tpu.memory_space<vmem>> -> memref<128xi32, #tpu.memory_space<vmem>>
        %dma_wait3A_532 = arith.constant 0 : i32
        %dma_wait3A_533 = arith.constant 0 : i32
        %dma_wait3A_534 = tpu.memref_slice %arg13[%dma_wait3A_532, %dma_wait3A_533] : memref<10240x128xf32, #tpu.memory_space<vmem_shared>> -> memref<10240x128xf32, #tpu.memory_space<vmem_shared>>
        tpu.wait_indirect_dma semaphore(%run_scoped3A_522 : memref<!tpu.dma_semaphore, #tpu.memory_space<semaphore_mem>>) src(%arg12 : memref<128x128xf32, #tpu.memory_space<vmem>>) dst(%dma_wait3A_534 : memref<10240x128xf32, #tpu.memory_space<vmem_shared>>)
        tpu.yield
      }) : () -> ()
      %dma_start3A_517 = arith.constant 0 : i32
      %dma_start3A_518 = tpu.memref_slice %arg10[%add3A_516, %dma_start3A_517] : memref<16x128xi32, #tpu.memory_space<vmem>> -> memref<1x128xi32, #tpu.memory_space<vmem>>
      %dma_start3A_519 = tpu.memref_squeeze %dma_start3A_518 : memref<1x128xi32, #tpu.memory_space<vmem>> -> memref<128xi32, #tpu.memory_space<vmem>>
      %dma_start3A_520 = arith.constant 0 : i32
      %dma_start3A_521 = tpu.memref_slice %arg20[%dma_start3A_520] : memref<10240xf32, #tpu.memory_space<vmem_shared>> -> memref<10240xf32, #tpu.memory_space<vmem_shared>>
      tpu.enqueue_indirect_dma source(%arg18 : memref<128xf32, #tpu.memory_space<vmem>>) target(%dma_start3A_521 : memref<10240xf32, #tpu.memory_space<vmem_shared>>) offsets(%dma_start3A_519 : memref<128xi32, #tpu.memory_space<vmem>>) semaphore(%arg17 : memref<!tpu.dma_semaphore, #tpu.memory_space<semaphore_mem>>) {add = true}
    }
    %scan3A_352 = arith.constant 7 : i32
    %dma_start3A_353 = arith.constant 15 : i32
    %dma_start3A_354 = arith.constant 0 : i32
    %dma_start3A_355 = tpu.memref_slice %arg8[%dma_start3A_353, %dma_start3A_354] : memref<16x128xi32, #tpu.memory_space<vmem>> -> memref<1x128xi32, #tpu.memory_space<vmem>>
    %dma_start3A_356 = tpu.memref_squeeze %dma_start3A_355 : memref<1x128xi32, #tpu.memory_space<vmem>> -> memref<128xi32, #tpu.memory_space<vmem>>
    %dma_start3A_357 = arith.constant 0 : i32
    %dma_start3A_358 = arith.constant 0 : i32
    %dma_start3A_359 = tpu.memref_slice %arg2[%dma_start3A_357, %dma_start3A_358] : memref<10000x128xf32, #tpu.memory_space<hbm>> -> memref<10000x128xf32, #tpu.memory_space<hbm>>
    tpu.enqueue_indirect_dma source(%dma_start3A_359 : memref<10000x128xf32, #tpu.memory_space<hbm>>) target(%arg12 : memref<128x128xf32, #tpu.memory_space<vmem>>) offsets(%dma_start3A_356 : memref<128xi32, #tpu.memory_space<vmem>>) semaphore(%arg15 : memref<!tpu.dma_semaphore, #tpu.memory_space<semaphore_mem>>)
    %dma_wait3A_360 = arith.constant 0 : i32
    %dma_wait3A_361 = arith.constant 0 : i32
    %dma_wait3A_362 = tpu.memref_slice %arg2[%dma_wait3A_360, %dma_wait3A_361] : memref<10000x128xf32, #tpu.memory_space<hbm>> -> memref<128x128xf32, #tpu.memory_space<hbm>>
    %dma_wait3A_363 = arith.constant 0 : i32
    %dma_wait3A_364 = arith.constant 0 : i32
    %dma_wait3A_365 = tpu.memref_slice %arg2[%dma_wait3A_363, %dma_wait3A_364] : memref<10000x128xf32, #tpu.memory_space<hbm>> -> memref<128x128xf32, #tpu.memory_space<hbm>>
    tpu.wait_dma2 semaphore(%arg14 : memref<!tpu.dma_semaphore, #tpu.memory_space<semaphore_mem>>) src(%dma_wait3A_365 : memref<128x128xf32, #tpu.memory_space<hbm>>) dst(%arg11 : memref<128x128xf32, #tpu.memory_space<vmem>>)
    %run_scoped3A_366 = arith.constant 14 : i32
    "tpu.region"() ({
      %run_scoped3A_479 = tpu.sem_alloc : memref<!tpu.dma_semaphore, #tpu.memory_space<semaphore_mem>>
      %dma_start3A_480 = arith.constant 0 : i32
      %dma_start3A_481 = tpu.memref_slice %arg10[%run_scoped3A_366, %dma_start3A_480] : memref<16x128xi32, #tpu.memory_space<vmem>> -> memref<1x128xi32, #tpu.memory_space<vmem>>
      %dma_start3A_482 = tpu.memref_squeeze %dma_start3A_481 : memref<1x128xi32, #tpu.memory_space<vmem>> -> memref<128xi32, #tpu.memory_space<vmem>>
      %dma_start3A_483 = arith.constant 0 : i32
      %dma_start3A_484 = arith.constant 0 : i32
      %dma_start3A_485 = tpu.memref_slice %arg13[%dma_start3A_483, %dma_start3A_484] : memref<10240x128xf32, #tpu.memory_space<vmem_shared>> -> memref<10240x128xf32, #tpu.memory_space<vmem_shared>>
      tpu.enqueue_indirect_dma source(%arg11 : memref<128x128xf32, #tpu.memory_space<vmem>>) target(%dma_start3A_485 : memref<10240x128xf32, #tpu.memory_space<vmem_shared>>) offsets(%dma_start3A_482 : memref<128xi32, #tpu.memory_space<vmem>>) semaphore(%run_scoped3A_479 : memref<!tpu.dma_semaphore, #tpu.memory_space<semaphore_mem>>) {add = true}
      %dma_wait3A_486 = arith.constant 0 : i32
      %dma_wait3A_487 = tpu.memref_slice %arg10[%run_scoped3A_366, %dma_wait3A_486] : memref<16x128xi32, #tpu.memory_space<vmem>> -> memref<1x128xi32, #tpu.memory_space<vmem>>
      %dma_wait3A_488 = tpu.memref_squeeze %dma_wait3A_487 : memref<1x128xi32, #tpu.memory_space<vmem>> -> memref<128xi32, #tpu.memory_space<vmem>>
      %dma_wait3A_489 = arith.constant 0 : i32
      %dma_wait3A_490 = arith.constant 0 : i32
      %dma_wait3A_491 = tpu.memref_slice %arg13[%dma_wait3A_489, %dma_wait3A_490] : memref<10240x128xf32, #tpu.memory_space<vmem_shared>> -> memref<10240x128xf32, #tpu.memory_space<vmem_shared>>
      tpu.wait_indirect_dma semaphore(%run_scoped3A_479 : memref<!tpu.dma_semaphore, #tpu.memory_space<semaphore_mem>>) src(%arg11 : memref<128x128xf32, #tpu.memory_space<vmem>>) dst(%dma_wait3A_491 : memref<10240x128xf32, #tpu.memory_space<vmem_shared>>)
      tpu.yield
    }) : () -> ()
    %dma_start3A_367 = arith.constant 14 : i32
    %dma_start3A_368 = arith.constant 0 : i32
    %dma_start3A_369 = tpu.memref_slice %arg10[%dma_start3A_367, %dma_start3A_368] : memref<16x128xi32, #tpu.memory_space<vmem>> -> memref<1x128xi32, #tpu.memory_space<vmem>>
    %dma_start3A_370 = tpu.memref_squeeze %dma_start3A_369 : memref<1x128xi32, #tpu.memory_space<vmem>> -> memref<128xi32, #tpu.memory_space<vmem>>
    %dma_start3A_371 = arith.constant 0 : i32
    %dma_start3A_372 = tpu.memref_slice %arg20[%dma_start3A_371] : memref<10240xf32, #tpu.memory_space<vmem_shared>> -> memref<10240xf32, #tpu.memory_space<vmem_shared>>
    tpu.enqueue_indirect_dma source(%arg18 : memref<128xf32, #tpu.memory_space<vmem>>) target(%dma_start3A_372 : memref<10240xf32, #tpu.memory_space<vmem_shared>>) offsets(%dma_start3A_370 : memref<128xi32, #tpu.memory_space<vmem>>) semaphore(%arg17 : memref<!tpu.dma_semaphore, #tpu.memory_space<semaphore_mem>>) {add = true}
    %dma_wait3A_373 = arith.constant 4 : i32
    %dma_wait3A_374 = arith.constant 0 : i32
    %dma_wait3A_375 = arith.constant 0 : i32
    %dma_wait3A_376 = tpu.memref_slice %arg3[%add3A, %dma_wait3A_373, %dma_wait3A_374, %dma_wait3A_375] : memref<32x5x16x128xi32, #tpu.memory_space<hbm>> -> memref<1x1x16x128xi32, #tpu.memory_space<hbm>>
    %dma_wait3A_377 = tpu.memref_squeeze %dma_wait3A_376 : memref<1x1x16x128xi32, #tpu.memory_space<hbm>> -> memref<16x128xi32, #tpu.memory_space<hbm>>
    %dma_wait3A_378 = arith.constant 0 : i32
    %dma_wait3A_379 = arith.constant 0 : i32
    %dma_wait3A_380 = tpu.memref_slice %arg3[%add3A, %dma_wait3A_373, %dma_wait3A_378, %dma_wait3A_379] : memref<32x5x16x128xi32, #tpu.memory_space<hbm>> -> memref<1x1x16x128xi32, #tpu.memory_space<hbm>>
    %dma_wait3A_381 = tpu.memref_squeeze %dma_wait3A_380 : memref<1x1x16x128xi32, #tpu.memory_space<hbm>> -> memref<16x128xi32, #tpu.memory_space<hbm>>
    tpu.wait_dma2 semaphore(%arg16 : memref<!tpu.dma_semaphore, #tpu.memory_space<semaphore_mem>>) src(%dma_wait3A_381 : memref<16x128xi32, #tpu.memory_space<hbm>>) dst(%arg7 : memref<16x128xi32, #tpu.memory_space<vmem>>)
    %dma_wait3A_382 = arith.constant 4 : i32
    %dma_wait3A_383 = arith.constant 0 : i32
    %dma_wait3A_384 = arith.constant 0 : i32
    %dma_wait3A_385 = tpu.memref_slice %arg4[%add3A, %dma_wait3A_382, %dma_wait3A_383, %dma_wait3A_384] : memref<32x5x16x128xi32, #tpu.memory_space<hbm>> -> memref<1x1x16x128xi32, #tpu.memory_space<hbm>>
    %dma_wait3A_386 = tpu.memref_squeeze %dma_wait3A_385 : memref<1x1x16x128xi32, #tpu.memory_space<hbm>> -> memref<16x128xi32, #tpu.memory_space<hbm>>
    %dma_wait3A_387 = arith.constant 0 : i32
    %dma_wait3A_388 = arith.constant 0 : i32
    %dma_wait3A_389 = tpu.memref_slice %arg4[%add3A, %dma_wait3A_382, %dma_wait3A_387, %dma_wait3A_388] : memref<32x5x16x128xi32, #tpu.memory_space<hbm>> -> memref<1x1x16x128xi32, #tpu.memory_space<hbm>>
    %dma_wait3A_390 = tpu.memref_squeeze %dma_wait3A_389 : memref<1x1x16x128xi32, #tpu.memory_space<hbm>> -> memref<16x128xi32, #tpu.memory_space<hbm>>
    tpu.wait_dma2 semaphore(%arg16 : memref<!tpu.dma_semaphore, #tpu.memory_space<semaphore_mem>>) src(%dma_wait3A_390 : memref<16x128xi32, #tpu.memory_space<hbm>>) dst(%arg9 : memref<16x128xi32, #tpu.memory_space<vmem>>)
    %dma_start3A_391 = arith.constant 0 : i32
    %dma_start3A_392 = arith.constant 0 : i32
    %dma_start3A_393 = tpu.memref_slice %arg7[%dma_start3A_391, %dma_start3A_392] : memref<16x128xi32, #tpu.memory_space<vmem>> -> memref<1x128xi32, #tpu.memory_space<vmem>>
    %dma_start3A_394 = tpu.memref_squeeze %dma_start3A_393 : memref<1x128xi32, #tpu.memory_space<vmem>> -> memref<128xi32, #tpu.memory_space<vmem>>
    %dma_start3A_395 = arith.constant 0 : i32
    %dma_start3A_396 = arith.constant 0 : i32
    %dma_start3A_397 = tpu.memref_slice %arg2[%dma_start3A_395, %dma_start3A_396] : memref<10000x128xf32, #tpu.memory_space<hbm>> -> memref<10000x128xf32, #tpu.memory_space<hbm>>
    tpu.enqueue_indirect_dma source(%dma_start3A_397 : memref<10000x128xf32, #tpu.memory_space<hbm>>) target(%arg11 : memref<128x128xf32, #tpu.memory_space<vmem>>) offsets(%dma_start3A_394 : memref<128xi32, #tpu.memory_space<vmem>>) semaphore(%arg14 : memref<!tpu.dma_semaphore, #tpu.memory_space<semaphore_mem>>)
    %dma_wait3A_398 = arith.constant 0 : i32
    %dma_wait3A_399 = arith.constant 0 : i32
    %dma_wait3A_400 = tpu.memref_slice %arg2[%dma_wait3A_398, %dma_wait3A_399] : memref<10000x128xf32, #tpu.memory_space<hbm>> -> memref<128x128xf32, #tpu.memory_space<hbm>>
    %dma_wait3A_401 = arith.constant 0 : i32
    %dma_wait3A_402 = arith.constant 0 : i32
    %dma_wait3A_403 = tpu.memref_slice %arg2[%dma_wait3A_401, %dma_wait3A_402] : memref<10000x128xf32, #tpu.memory_space<hbm>> -> memref<128x128xf32, #tpu.memory_space<hbm>>
    tpu.wait_dma2 semaphore(%arg15 : memref<!tpu.dma_semaphore, #tpu.memory_space<semaphore_mem>>) src(%dma_wait3A_403 : memref<128x128xf32, #tpu.memory_space<hbm>>) dst(%arg12 : memref<128x128xf32, #tpu.memory_space<vmem>>)
    %run_scoped3A_404 = arith.constant 15 : i32
    "tpu.region"() ({
      %run_scoped3A_479 = tpu.sem_alloc : memref<!tpu.dma_semaphore, #tpu.memory_space<semaphore_mem>>
      %dma_start3A_480 = arith.constant 0 : i32
      %dma_start3A_481 = tpu.memref_slice %arg10[%run_scoped3A_404, %dma_start3A_480] : memref<16x128xi32, #tpu.memory_space<vmem>> -> memref<1x128xi32, #tpu.memory_space<vmem>>
      %dma_start3A_482 = tpu.memref_squeeze %dma_start3A_481 : memref<1x128xi32, #tpu.memory_space<vmem>> -> memref<128xi32, #tpu.memory_space<vmem>>
      %dma_start3A_483 = arith.constant 0 : i32
      %dma_start3A_484 = arith.constant 0 : i32
      %dma_start3A_485 = tpu.memref_slice %arg13[%dma_start3A_483, %dma_start3A_484] : memref<10240x128xf32, #tpu.memory_space<vmem_shared>> -> memref<10240x128xf32, #tpu.memory_space<vmem_shared>>
      tpu.enqueue_indirect_dma source(%arg12 : memref<128x128xf32, #tpu.memory_space<vmem>>) target(%dma_start3A_485 : memref<10240x128xf32, #tpu.memory_space<vmem_shared>>) offsets(%dma_start3A_482 : memref<128xi32, #tpu.memory_space<vmem>>) semaphore(%run_scoped3A_479 : memref<!tpu.dma_semaphore, #tpu.memory_space<semaphore_mem>>) {add = true}
      %dma_wait3A_486 = arith.constant 0 : i32
      %dma_wait3A_487 = tpu.memref_slice %arg10[%run_scoped3A_404, %dma_wait3A_486] : memref<16x128xi32, #tpu.memory_space<vmem>> -> memref<1x128xi32, #tpu.memory_space<vmem>>
      %dma_wait3A_488 = tpu.memref_squeeze %dma_wait3A_487 : memref<1x128xi32, #tpu.memory_space<vmem>> -> memref<128xi32, #tpu.memory_space<vmem>>
      %dma_wait3A_489 = arith.constant 0 : i32
      %dma_wait3A_490 = arith.constant 0 : i32
      %dma_wait3A_491 = tpu.memref_slice %arg13[%dma_wait3A_489, %dma_wait3A_490] : memref<10240x128xf32, #tpu.memory_space<vmem_shared>> -> memref<10240x128xf32, #tpu.memory_space<vmem_shared>>
      tpu.wait_indirect_dma semaphore(%run_scoped3A_479 : memref<!tpu.dma_semaphore, #tpu.memory_space<semaphore_mem>>) src(%arg12 : memref<128x128xf32, #tpu.memory_space<vmem>>) dst(%dma_wait3A_491 : memref<10240x128xf32, #tpu.memory_space<vmem_shared>>)
      tpu.yield
    }) : () -> ()
    %dma_start3A_405 = arith.constant 15 : i32
    %dma_start3A_406 = arith.constant 0 : i32
    %dma_start3A_407 = tpu.memref_slice %arg10[%dma_start3A_405, %dma_start3A_406] : memref<16x128xi32, #tpu.memory_space<vmem>> -> memref<1x128xi32, #tpu.memory_space<vmem>>
    %dma_start3A_408 = tpu.memref_squeeze %dma_start3A_407 : memref<1x128xi32, #tpu.memory_space<vmem>> -> memref<128xi32, #tpu.memory_space<vmem>>
    %dma_start3A_409 = arith.constant 0 : i32
    %dma_start3A_410 = tpu.memref_slice %arg20[%dma_start3A_409] : memref<10240xf32, #tpu.memory_space<vmem_shared>> -> memref<10240xf32, #tpu.memory_space<vmem_shared>>
    tpu.enqueue_indirect_dma source(%arg18 : memref<128xf32, #tpu.memory_space<vmem>>) target(%dma_start3A_410 : memref<10240xf32, #tpu.memory_space<vmem_shared>>) offsets(%dma_start3A_408 : memref<128xi32, #tpu.memory_space<vmem>>) semaphore(%arg17 : memref<!tpu.dma_semaphore, #tpu.memory_space<semaphore_mem>>) {add = true}
    %scan3A_411 = arith.constant 0 : i32
    %scan3A_412 = arith.constant 0 : i32
    %scan3A_413 = arith.constant 7 : i32
    %scan3A_414 = arith.addi %scan3A_412, %scan3A_413 : i32
    %scan3A_415 = arith.constant 1 : i32
    scf.for %scan3A_479 = %scan3A_412 to %scan3A_414 step %scan3A_415  : i32 {
      %mul3A_480 = arith.constant 2 : i32
      %mul3A_481 = arith.muli %scan3A_479, %mul3A_480 : i32
      %add3A_482 = arith.constant 1 : i32
      %add3A_483 = arith.addi %mul3A_481, %add3A_482 : i32
      %dma_start3A_484 = arith.constant 0 : i32
      %dma_start3A_485 = tpu.memref_slice %arg7[%add3A_483, %dma_start3A_484] : memref<16x128xi32, #tpu.memory_space<vmem>> -> memref<1x128xi32, #tpu.memory_space<vmem>>
      %dma_start3A_486 = tpu.memref_squeeze %dma_start3A_485 : memref<1x128xi32, #tpu.memory_space<vmem>> -> memref<128xi32, #tpu.memory_space<vmem>>
      %dma_start3A_487 = arith.constant 0 : i32
      %dma_start3A_488 = arith.constant 0 : i32
      %dma_start3A_489 = tpu.memref_slice %arg2[%dma_start3A_487, %dma_start3A_488] : memref<10000x128xf32, #tpu.memory_space<hbm>> -> memref<10000x128xf32, #tpu.memory_space<hbm>>
      tpu.enqueue_indirect_dma source(%dma_start3A_489 : memref<10000x128xf32, #tpu.memory_space<hbm>>) target(%arg12 : memref<128x128xf32, #tpu.memory_space<vmem>>) offsets(%dma_start3A_486 : memref<128xi32, #tpu.memory_space<vmem>>) semaphore(%arg15 : memref<!tpu.dma_semaphore, #tpu.memory_space<semaphore_mem>>)
      %dma_wait3A_490 = arith.constant 0 : i32
      %dma_wait3A_491 = arith.constant 0 : i32
      %dma_wait3A_492 = tpu.memref_slice %arg2[%dma_wait3A_490, %dma_wait3A_491] : memref<10000x128xf32, #tpu.memory_space<hbm>> -> memref<128x128xf32, #tpu.memory_space<hbm>>
      %dma_wait3A_493 = arith.constant 0 : i32
      %dma_wait3A_494 = arith.constant 0 : i32
      %dma_wait3A_495 = tpu.memref_slice %arg2[%dma_wait3A_493, %dma_wait3A_494] : memref<10000x128xf32, #tpu.memory_space<hbm>> -> memref<128x128xf32, #tpu.memory_space<hbm>>
      tpu.wait_dma2 semaphore(%arg14 : memref<!tpu.dma_semaphore, #tpu.memory_space<semaphore_mem>>) src(%dma_wait3A_495 : memref<128x128xf32, #tpu.memory_space<hbm>>) dst(%arg11 : memref<128x128xf32, #tpu.memory_space<vmem>>)
      "tpu.region"() ({
        %run_scoped3A_522 = tpu.sem_alloc : memref<!tpu.dma_semaphore, #tpu.memory_space<semaphore_mem>>
        %dma_start3A_523 = arith.constant 0 : i32
        %dma_start3A_524 = tpu.memref_slice %arg9[%mul3A_481, %dma_start3A_523] : memref<16x128xi32, #tpu.memory_space<vmem>> -> memref<1x128xi32, #tpu.memory_space<vmem>>
        %dma_start3A_525 = tpu.memref_squeeze %dma_start3A_524 : memref<1x128xi32, #tpu.memory_space<vmem>> -> memref<128xi32, #tpu.memory_space<vmem>>
        %dma_start3A_526 = arith.constant 0 : i32
        %dma_start3A_527 = arith.constant 0 : i32
        %dma_start3A_528 = tpu.memref_slice %arg13[%dma_start3A_526, %dma_start3A_527] : memref<10240x128xf32, #tpu.memory_space<vmem_shared>> -> memref<10240x128xf32, #tpu.memory_space<vmem_shared>>
        tpu.enqueue_indirect_dma source(%arg11 : memref<128x128xf32, #tpu.memory_space<vmem>>) target(%dma_start3A_528 : memref<10240x128xf32, #tpu.memory_space<vmem_shared>>) offsets(%dma_start3A_525 : memref<128xi32, #tpu.memory_space<vmem>>) semaphore(%run_scoped3A_522 : memref<!tpu.dma_semaphore, #tpu.memory_space<semaphore_mem>>) {add = true}
        %dma_wait3A_529 = arith.constant 0 : i32
        %dma_wait3A_530 = tpu.memref_slice %arg9[%mul3A_481, %dma_wait3A_529] : memref<16x128xi32, #tpu.memory_space<vmem>> -> memref<1x128xi32, #tpu.memory_space<vmem>>
        %dma_wait3A_531 = tpu.memref_squeeze %dma_wait3A_530 : memref<1x128xi32, #tpu.memory_space<vmem>> -> memref<128xi32, #tpu.memory_space<vmem>>
        %dma_wait3A_532 = arith.constant 0 : i32
        %dma_wait3A_533 = arith.constant 0 : i32
        %dma_wait3A_534 = tpu.memref_slice %arg13[%dma_wait3A_532, %dma_wait3A_533] : memref<10240x128xf32, #tpu.memory_space<vmem_shared>> -> memref<10240x128xf32, #tpu.memory_space<vmem_shared>>
        tpu.wait_indirect_dma semaphore(%run_scoped3A_522 : memref<!tpu.dma_semaphore, #tpu.memory_space<semaphore_mem>>) src(%arg11 : memref<128x128xf32, #tpu.memory_space<vmem>>) dst(%dma_wait3A_534 : memref<10240x128xf32, #tpu.memory_space<vmem_shared>>)
        tpu.yield
      }) : () -> ()
      %dma_start3A_496 = arith.constant 0 : i32
      %dma_start3A_497 = tpu.memref_slice %arg9[%mul3A_481, %dma_start3A_496] : memref<16x128xi32, #tpu.memory_space<vmem>> -> memref<1x128xi32, #tpu.memory_space<vmem>>
      %dma_start3A_498 = tpu.memref_squeeze %dma_start3A_497 : memref<1x128xi32, #tpu.memory_space<vmem>> -> memref<128xi32, #tpu.memory_space<vmem>>
      %dma_start3A_499 = arith.constant 0 : i32
      %dma_start3A_500 = tpu.memref_slice %arg20[%dma_start3A_499] : memref<10240xf32, #tpu.memory_space<vmem_shared>> -> memref<10240xf32, #tpu.memory_space<vmem_shared>>
      tpu.enqueue_indirect_dma source(%arg18 : memref<128xf32, #tpu.memory_space<vmem>>) target(%dma_start3A_500 : memref<10240xf32, #tpu.memory_space<vmem_shared>>) offsets(%dma_start3A_498 : memref<128xi32, #tpu.memory_space<vmem>>) semaphore(%arg17 : memref<!tpu.dma_semaphore, #tpu.memory_space<semaphore_mem>>) {add = true}
      %add3A_501 = arith.constant 2 : i32
      %add3A_502 = arith.addi %mul3A_481, %add3A_501 : i32
      %dma_start3A_503 = arith.constant 0 : i32
      %dma_start3A_504 = tpu.memref_slice %arg7[%add3A_502, %dma_start3A_503] : memref<16x128xi32, #tpu.memory_space<vmem>> -> memref<1x128xi32, #tpu.memory_space<vmem>>
      %dma_start3A_505 = tpu.memref_squeeze %dma_start3A_504 : memref<1x128xi32, #tpu.memory_space<vmem>> -> memref<128xi32, #tpu.memory_space<vmem>>
      %dma_start3A_506 = arith.constant 0 : i32
      %dma_start3A_507 = arith.constant 0 : i32
      %dma_start3A_508 = tpu.memref_slice %arg2[%dma_start3A_506, %dma_start3A_507] : memref<10000x128xf32, #tpu.memory_space<hbm>> -> memref<10000x128xf32, #tpu.memory_space<hbm>>
      tpu.enqueue_indirect_dma source(%dma_start3A_508 : memref<10000x128xf32, #tpu.memory_space<hbm>>) target(%arg11 : memref<128x128xf32, #tpu.memory_space<vmem>>) offsets(%dma_start3A_505 : memref<128xi32, #tpu.memory_space<vmem>>) semaphore(%arg14 : memref<!tpu.dma_semaphore, #tpu.memory_space<semaphore_mem>>)
      %dma_wait3A_509 = arith.constant 0 : i32
      %dma_wait3A_510 = arith.constant 0 : i32
      %dma_wait3A_511 = tpu.memref_slice %arg2[%dma_wait3A_509, %dma_wait3A_510] : memref<10000x128xf32, #tpu.memory_space<hbm>> -> memref<128x128xf32, #tpu.memory_space<hbm>>
      %dma_wait3A_512 = arith.constant 0 : i32
      %dma_wait3A_513 = arith.constant 0 : i32
      %dma_wait3A_514 = tpu.memref_slice %arg2[%dma_wait3A_512, %dma_wait3A_513] : memref<10000x128xf32, #tpu.memory_space<hbm>> -> memref<128x128xf32, #tpu.memory_space<hbm>>
      tpu.wait_dma2 semaphore(%arg15 : memref<!tpu.dma_semaphore, #tpu.memory_space<semaphore_mem>>) src(%dma_wait3A_514 : memref<128x128xf32, #tpu.memory_space<hbm>>) dst(%arg12 : memref<128x128xf32, #tpu.memory_space<vmem>>)
      %add3A_515 = arith.constant 1 : i32
      %add3A_516 = arith.addi %mul3A_481, %add3A_515 : i32
      "tpu.region"() ({
        %run_scoped3A_522 = tpu.sem_alloc : memref<!tpu.dma_semaphore, #tpu.memory_space<semaphore_mem>>
        %dma_start3A_523 = arith.constant 0 : i32
        %dma_start3A_524 = tpu.memref_slice %arg9[%add3A_516, %dma_start3A_523] : memref<16x128xi32, #tpu.memory_space<vmem>> -> memref<1x128xi32, #tpu.memory_space<vmem>>
        %dma_start3A_525 = tpu.memref_squeeze %dma_start3A_524 : memref<1x128xi32, #tpu.memory_space<vmem>> -> memref<128xi32, #tpu.memory_space<vmem>>
        %dma_start3A_526 = arith.constant 0 : i32
        %dma_start3A_527 = arith.constant 0 : i32
        %dma_start3A_528 = tpu.memref_slice %arg13[%dma_start3A_526, %dma_start3A_527] : memref<10240x128xf32, #tpu.memory_space<vmem_shared>> -> memref<10240x128xf32, #tpu.memory_space<vmem_shared>>
        tpu.enqueue_indirect_dma source(%arg12 : memref<128x128xf32, #tpu.memory_space<vmem>>) target(%dma_start3A_528 : memref<10240x128xf32, #tpu.memory_space<vmem_shared>>) offsets(%dma_start3A_525 : memref<128xi32, #tpu.memory_space<vmem>>) semaphore(%run_scoped3A_522 : memref<!tpu.dma_semaphore, #tpu.memory_space<semaphore_mem>>) {add = true}
        %dma_wait3A_529 = arith.constant 0 : i32
        %dma_wait3A_530 = tpu.memref_slice %arg9[%add3A_516, %dma_wait3A_529] : memref<16x128xi32, #tpu.memory_space<vmem>> -> memref<1x128xi32, #tpu.memory_space<vmem>>
        %dma_wait3A_531 = tpu.memref_squeeze %dma_wait3A_530 : memref<1x128xi32, #tpu.memory_space<vmem>> -> memref<128xi32, #tpu.memory_space<vmem>>
        %dma_wait3A_532 = arith.constant 0 : i32
        %dma_wait3A_533 = arith.constant 0 : i32
        %dma_wait3A_534 = tpu.memref_slice %arg13[%dma_wait3A_532, %dma_wait3A_533] : memref<10240x128xf32, #tpu.memory_space<vmem_shared>> -> memref<10240x128xf32, #tpu.memory_space<vmem_shared>>
        tpu.wait_indirect_dma semaphore(%run_scoped3A_522 : memref<!tpu.dma_semaphore, #tpu.memory_space<semaphore_mem>>) src(%arg12 : memref<128x128xf32, #tpu.memory_space<vmem>>) dst(%dma_wait3A_534 : memref<10240x128xf32, #tpu.memory_space<vmem_shared>>)
        tpu.yield
      }) : () -> ()
      %dma_start3A_517 = arith.constant 0 : i32
      %dma_start3A_518 = tpu.memref_slice %arg9[%add3A_516, %dma_start3A_517] : memref<16x128xi32, #tpu.memory_space<vmem>> -> memref<1x128xi32, #tpu.memory_space<vmem>>
      %dma_start3A_519 = tpu.memref_squeeze %dma_start3A_518 : memref<1x128xi32, #tpu.memory_space<vmem>> -> memref<128xi32, #tpu.memory_space<vmem>>
      %dma_start3A_520 = arith.constant 0 : i32
      %dma_start3A_521 = tpu.memref_slice %arg20[%dma_start3A_520] : memref<10240xf32, #tpu.memory_space<vmem_shared>> -> memref<10240xf32, #tpu.memory_space<vmem_shared>>
      tpu.enqueue_indirect_dma source(%arg18 : memref<128xf32, #tpu.memory_space<vmem>>) target(%dma_start3A_521 : memref<10240xf32, #tpu.memory_space<vmem_shared>>) offsets(%dma_start3A_519 : memref<128xi32, #tpu.memory_space<vmem>>) semaphore(%arg17 : memref<!tpu.dma_semaphore, #tpu.memory_space<semaphore_mem>>) {add = true}
    }
    %scan3A_416 = arith.constant 7 : i32
    %dma_start3A_417 = arith.constant 15 : i32
    %dma_start3A_418 = arith.constant 0 : i32
    %dma_start3A_419 = tpu.memref_slice %arg7[%dma_start3A_417, %dma_start3A_418] : memref<16x128xi32, #tpu.memory_space<vmem>> -> memref<1x128xi32, #tpu.memory_space<vmem>>
    %dma_start3A_420 = tpu.memref_squeeze %dma_start3A_419 : memref<1x128xi32, #tpu.memory_space<vmem>> -> memref<128xi32, #tpu.memory_space<vmem>>
    %dma_start3A_421 = arith.constant 0 : i32
    %dma_start3A_422 = arith.constant 0 : i32
    %dma_start3A_423 = tpu.memref_slice %arg2[%dma_start3A_421, %dma_start3A_422] : memref<10000x128xf32, #tpu.memory_space<hbm>> -> memref<10000x128xf32, #tpu.memory_space<hbm>>
    tpu.enqueue_indirect_dma source(%dma_start3A_423 : memref<10000x128xf32, #tpu.memory_space<hbm>>) target(%arg12 : memref<128x128xf32, #tpu.memory_space<vmem>>) offsets(%dma_start3A_420 : memref<128xi32, #tpu.memory_space<vmem>>) semaphore(%arg15 : memref<!tpu.dma_semaphore, #tpu.memory_space<semaphore_mem>>)
    %dma_wait3A_424 = arith.constant 0 : i32
    %dma_wait3A_425 = arith.constant 0 : i32
    %dma_wait3A_426 = tpu.memref_slice %arg2[%dma_wait3A_424, %dma_wait3A_425] : memref<10000x128xf32, #tpu.memory_space<hbm>> -> memref<128x128xf32, #tpu.memory_space<hbm>>
    %dma_wait3A_427 = arith.constant 0 : i32
    %dma_wait3A_428 = arith.constant 0 : i32
    %dma_wait3A_429 = tpu.memref_slice %arg2[%dma_wait3A_427, %dma_wait3A_428] : memref<10000x128xf32, #tpu.memory_space<hbm>> -> memref<128x128xf32, #tpu.memory_space<hbm>>
    tpu.wait_dma2 semaphore(%arg14 : memref<!tpu.dma_semaphore, #tpu.memory_space<semaphore_mem>>) src(%dma_wait3A_429 : memref<128x128xf32, #tpu.memory_space<hbm>>) dst(%arg11 : memref<128x128xf32, #tpu.memory_space<vmem>>)
    %run_scoped3A_430 = arith.constant 14 : i32
    "tpu.region"() ({
      %run_scoped3A_479 = tpu.sem_alloc : memref<!tpu.dma_semaphore, #tpu.memory_space<semaphore_mem>>
      %dma_start3A_480 = arith.constant 0 : i32
      %dma_start3A_481 = tpu.memref_slice %arg9[%run_scoped3A_430, %dma_start3A_480] : memref<16x128xi32, #tpu.memory_space<vmem>> -> memref<1x128xi32, #tpu.memory_space<vmem>>
      %dma_start3A_482 = tpu.memref_squeeze %dma_start3A_481 : memref<1x128xi32, #tpu.memory_space<vmem>> -> memref<128xi32, #tpu.memory_space<vmem>>
      %dma_start3A_483 = arith.constant 0 : i32
      %dma_start3A_484 = arith.constant 0 : i32
      %dma_start3A_485 = tpu.memref_slice %arg13[%dma_start3A_483, %dma_start3A_484] : memref<10240x128xf32, #tpu.memory_space<vmem_shared>> -> memref<10240x128xf32, #tpu.memory_space<vmem_shared>>
      tpu.enqueue_indirect_dma source(%arg11 : memref<128x128xf32, #tpu.memory_space<vmem>>) target(%dma_start3A_485 : memref<10240x128xf32, #tpu.memory_space<vmem_shared>>) offsets(%dma_start3A_482 : memref<128xi32, #tpu.memory_space<vmem>>) semaphore(%run_scoped3A_479 : memref<!tpu.dma_semaphore, #tpu.memory_space<semaphore_mem>>) {add = true}
      %dma_wait3A_486 = arith.constant 0 : i32
      %dma_wait3A_487 = tpu.memref_slice %arg9[%run_scoped3A_430, %dma_wait3A_486] : memref<16x128xi32, #tpu.memory_space<vmem>> -> memref<1x128xi32, #tpu.memory_space<vmem>>
      %dma_wait3A_488 = tpu.memref_squeeze %dma_wait3A_487 : memref<1x128xi32, #tpu.memory_space<vmem>> -> memref<128xi32, #tpu.memory_space<vmem>>
      %dma_wait3A_489 = arith.constant 0 : i32
      %dma_wait3A_490 = arith.constant 0 : i32
      %dma_wait3A_491 = tpu.memref_slice %arg13[%dma_wait3A_489, %dma_wait3A_490] : memref<10240x128xf32, #tpu.memory_space<vmem_shared>> -> memref<10240x128xf32, #tpu.memory_space<vmem_shared>>
      tpu.wait_indirect_dma semaphore(%run_scoped3A_479 : memref<!tpu.dma_semaphore, #tpu.memory_space<semaphore_mem>>) src(%arg11 : memref<128x128xf32, #tpu.memory_space<vmem>>) dst(%dma_wait3A_491 : memref<10240x128xf32, #tpu.memory_space<vmem_shared>>)
      tpu.yield
    }) : () -> ()
    %dma_start3A_431 = arith.constant 14 : i32
    %dma_start3A_432 = arith.constant 0 : i32
    %dma_start3A_433 = tpu.memref_slice %arg9[%dma_start3A_431, %dma_start3A_432] : memref<16x128xi32, #tpu.memory_space<vmem>> -> memref<1x128xi32, #tpu.memory_space<vmem>>
    %dma_start3A_434 = tpu.memref_squeeze %dma_start3A_433 : memref<1x128xi32, #tpu.memory_space<vmem>> -> memref<128xi32, #tpu.memory_space<vmem>>
    %dma_start3A_435 = arith.constant 0 : i32
    %dma_start3A_436 = tpu.memref_slice %arg20[%dma_start3A_435] : memref<10240xf32, #tpu.memory_space<vmem_shared>> -> memref<10240xf32, #tpu.memory_space<vmem_shared>>
    tpu.enqueue_indirect_dma source(%arg18 : memref<128xf32, #tpu.memory_space<vmem>>) target(%dma_start3A_436 : memref<10240xf32, #tpu.memory_space<vmem_shared>>) offsets(%dma_start3A_434 : memref<128xi32, #tpu.memory_space<vmem>>) semaphore(%arg17 : memref<!tpu.dma_semaphore, #tpu.memory_space<semaphore_mem>>) {add = true}
    %dma_wait3A_437 = arith.constant 0 : i32
    %dma_wait3A_438 = arith.constant 0 : i32
    %dma_wait3A_439 = tpu.memref_slice %arg2[%dma_wait3A_437, %dma_wait3A_438] : memref<10000x128xf32, #tpu.memory_space<hbm>> -> memref<128x128xf32, #tpu.memory_space<hbm>>
    %dma_wait3A_440 = arith.constant 0 : i32
    %dma_wait3A_441 = arith.constant 0 : i32
    %dma_wait3A_442 = tpu.memref_slice %arg2[%dma_wait3A_440, %dma_wait3A_441] : memref<10000x128xf32, #tpu.memory_space<hbm>> -> memref<128x128xf32, #tpu.memory_space<hbm>>
    tpu.wait_dma2 semaphore(%arg15 : memref<!tpu.dma_semaphore, #tpu.memory_space<semaphore_mem>>) src(%dma_wait3A_442 : memref<128x128xf32, #tpu.memory_space<hbm>>) dst(%arg12 : memref<128x128xf32, #tpu.memory_space<vmem>>)
    %run_scoped3A_443 = arith.constant 15 : i32
    "tpu.region"() ({
      %run_scoped3A_479 = tpu.sem_alloc : memref<!tpu.dma_semaphore, #tpu.memory_space<semaphore_mem>>
      %dma_start3A_480 = arith.constant 0 : i32
      %dma_start3A_481 = tpu.memref_slice %arg9[%run_scoped3A_443, %dma_start3A_480] : memref<16x128xi32, #tpu.memory_space<vmem>> -> memref<1x128xi32, #tpu.memory_space<vmem>>
      %dma_start3A_482 = tpu.memref_squeeze %dma_start3A_481 : memref<1x128xi32, #tpu.memory_space<vmem>> -> memref<128xi32, #tpu.memory_space<vmem>>
      %dma_start3A_483 = arith.constant 0 : i32
      %dma_start3A_484 = arith.constant 0 : i32
      %dma_start3A_485 = tpu.memref_slice %arg13[%dma_start3A_483, %dma_start3A_484] : memref<10240x128xf32, #tpu.memory_space<vmem_shared>> -> memref<10240x128xf32, #tpu.memory_space<vmem_shared>>
      tpu.enqueue_indirect_dma source(%arg12 : memref<128x128xf32, #tpu.memory_space<vmem>>) target(%dma_start3A_485 : memref<10240x128xf32, #tpu.memory_space<vmem_shared>>) offsets(%dma_start3A_482 : memref<128xi32, #tpu.memory_space<vmem>>) semaphore(%run_scoped3A_479 : memref<!tpu.dma_semaphore, #tpu.memory_space<semaphore_mem>>) {add = true}
      %dma_wait3A_486 = arith.constant 0 : i32
      %dma_wait3A_487 = tpu.memref_slice %arg9[%run_scoped3A_443, %dma_wait3A_486] : memref<16x128xi32, #tpu.memory_space<vmem>> -> memref<1x128xi32, #tpu.memory_space<vmem>>
      %dma_wait3A_488 = tpu.memref_squeeze %dma_wait3A_487 : memref<1x128xi32, #tpu.memory_space<vmem>> -> memref<128xi32, #tpu.memory_space<vmem>>
      %dma_wait3A_489 = arith.constant 0 : i32
      %dma_wait3A_490 = arith.constant 0 : i32
      %dma_wait3A_491 = tpu.memref_slice %arg13[%dma_wait3A_489, %dma_wait3A_490] : memref<10240x128xf32, #tpu.memory_space<vmem_shared>> -> memref<10240x128xf32, #tpu.memory_space<vmem_shared>>
      tpu.wait_indirect_dma semaphore(%run_scoped3A_479 : memref<!tpu.dma_semaphore, #tpu.memory_space<semaphore_mem>>) src(%arg12 : memref<128x128xf32, #tpu.memory_space<vmem>>) dst(%dma_wait3A_491 : memref<10240x128xf32, #tpu.memory_space<vmem_shared>>)
      tpu.yield
    }) : () -> ()
    %dma_start3A_444 = arith.constant 15 : i32
    %dma_start3A_445 = arith.constant 0 : i32
    %dma_start3A_446 = tpu.memref_slice %arg9[%dma_start3A_444, %dma_start3A_445] : memref<16x128xi32, #tpu.memory_space<vmem>> -> memref<1x128xi32, #tpu.memory_space<vmem>>
    %dma_start3A_447 = tpu.memref_squeeze %dma_start3A_446 : memref<1x128xi32, #tpu.memory_space<vmem>> -> memref<128xi32, #tpu.memory_space<vmem>>
    %dma_start3A_448 = arith.constant 0 : i32
    %dma_start3A_449 = tpu.memref_slice %arg20[%dma_start3A_448] : memref<10240xf32, #tpu.memory_space<vmem_shared>> -> memref<10240xf32, #tpu.memory_space<vmem_shared>>
    tpu.enqueue_indirect_dma source(%arg18 : memref<128xf32, #tpu.memory_space<vmem>>) target(%dma_start3A_449 : memref<10240xf32, #tpu.memory_space<vmem_shared>>) offsets(%dma_start3A_447 : memref<128xi32, #tpu.memory_space<vmem>>) semaphore(%arg17 : memref<!tpu.dma_semaphore, #tpu.memory_space<semaphore_mem>>) {add = true}
    %scan3A_450 = arith.constant 0 : i32
    %scan3A_451 = arith.constant 0 : i32
    %scan3A_452 = arith.constant 80 : i32
    %scan3A_453 = arith.addi %scan3A_451, %scan3A_452 : i32
    %scan3A_454 = arith.constant 1 : i32
    scf.for %scan3A_479 = %scan3A_451 to %scan3A_453 step %scan3A_454  : i32 {
      %dma_wait3A_480 = arith.constant 0 : i32
      %dma_wait3A_481 = tpu.memref_slice %arg6[%arg0, %dma_wait3A_480] : memref<2x10240xf32, #tpu.memory_space<hbm>> -> memref<1x128xf32, #tpu.memory_space<hbm>>
      %dma_wait3A_482 = tpu.memref_squeeze %dma_wait3A_481 : memref<1x128xf32, #tpu.memory_space<hbm>> -> memref<128xf32, #tpu.memory_space<hbm>>
      %dma_wait3A_483 = arith.constant 0 : i32
      %dma_wait3A_484 = tpu.memref_slice %arg6[%arg0, %dma_wait3A_483] : memref<2x10240xf32, #tpu.memory_space<hbm>> -> memref<1x128xf32, #tpu.memory_space<hbm>>
      %dma_wait3A_485 = tpu.memref_squeeze %dma_wait3A_484 : memref<1x128xf32, #tpu.memory_space<hbm>> -> memref<128xf32, #tpu.memory_space<hbm>>
      tpu.wait_dma2 semaphore(%arg17 : memref<!tpu.dma_semaphore, #tpu.memory_space<semaphore_mem>>) src(%dma_wait3A_485 : memref<128xf32, #tpu.memory_space<hbm>>) dst(%arg18 : memref<128xf32, #tpu.memory_space<vmem>>)
    }
    %scan3A_455 = arith.constant 80 : i32
    %barrier3A_456 = arith.constant 0 : index
    tpu.barrier barrier_id(%barrier3A_456)
    %mul3A_457 = arith.constant 640 : i32
    %mul3A_458 = arith.muli %arg1, %mul3A_457 : i32
    %add3A_459 = arith.constant 0 : i32
    %add3A_460 = arith.addi %mul3A_458, %add3A_459 : i32
    "tpu.region"() ({
      %run_scoped3A_479 = tpu.sem_alloc : memref<!tpu.dma_semaphore, #tpu.memory_space<semaphore_mem>>
      %dma_start3A_480 = arith.constant 0 : i32
      %dma_start3A_481 = tpu.memref_slice %arg5[%arg0, %add3A_460, %dma_start3A_480] : memref<2x10240x128xf32, #tpu.memory_space<hbm>> -> memref<1x128x128xf32, #tpu.memory_space<hbm>>
      %dma_start3A_482 = tpu.memref_squeeze %dma_start3A_481 : memref<1x128x128xf32, #tpu.memory_space<hbm>> -> memref<128x128xf32, #tpu.memory_space<hbm>>
      %dma_start3A_483 = arith.constant 0 : i32
      %dma_start3A_484 = tpu.memref_slice %arg13[%add3A_460, %dma_start3A_483] : memref<10240x128xf32, #tpu.memory_space<vmem_shared>> -> memref<128x128xf32, #tpu.memory_space<vmem_shared>>
      tpu.enqueue_dma source(%dma_start3A_484 : memref<128x128xf32, #tpu.memory_space<vmem_shared>>) target(%dma_start3A_482 : memref<128x128xf32, #tpu.memory_space<hbm>>) target_semaphore(%run_scoped3A_479 : memref<!tpu.dma_semaphore, #tpu.memory_space<semaphore_mem>>)
      %dma_wait3A_485 = arith.constant 0 : i32
      %dma_wait3A_486 = tpu.memref_slice %arg5[%arg0, %add3A_460, %dma_wait3A_485] : memref<2x10240x128xf32, #tpu.memory_space<hbm>> -> memref<1x128x128xf32, #tpu.memory_space<hbm>>
      %dma_wait3A_487 = tpu.memref_squeeze %dma_wait3A_486 : memref<1x128x128xf32, #tpu.memory_space<hbm>> -> memref<128x128xf32, #tpu.memory_space<hbm>>
      %dma_wait3A_488 = arith.constant 0 : i32
      %dma_wait3A_489 = tpu.memref_slice %arg13[%add3A_460, %dma_wait3A_488] : memref<10240x128xf32, #tpu.memory_space<vmem_shared>> -> memref<128x128xf32, #tpu.memory_space<vmem_shared>>
      tpu.wait_dma2 semaphore(%run_scoped3A_479 : memref<!tpu.dma_semaphore, #tpu.memory_space<semaphore_mem>>) src(%dma_wait3A_489 : memref<128x128xf32, #tpu.memory_space<vmem_shared>>) dst(%dma_wait3A_487 : memref<128x128xf32, #tpu.memory_space<hbm>>)
      tpu.yield
    }) : () -> ()
    %mul3A_461 = arith.constant 640 : i32
    %mul3A_462 = arith.muli %arg1, %mul3A_461 : i32
    %add3A_463 = arith.constant 128 : i32
    %add3A_464 = arith.addi %mul3A_462, %add3A_463 : i32
    "tpu.region"() ({
      %run_scoped3A_479 = tpu.sem_alloc : memref<!tpu.dma_semaphore, #tpu.memory_space<semaphore_mem>>
      %dma_start3A_480 = arith.constant 0 : i32
      %dma_start3A_481 = tpu.memref_slice %arg5[%arg0, %add3A_464, %dma_start3A_480] : memref<2x10240x128xf32, #tpu.memory_space<hbm>> -> memref<1x128x128xf32, #tpu.memory_space<hbm>>
      %dma_start3A_482 = tpu.memref_squeeze %dma_start3A_481 : memref<1x128x128xf32, #tpu.memory_space<hbm>> -> memref<128x128xf32, #tpu.memory_space<hbm>>
      %dma_start3A_483 = arith.constant 0 : i32
      %dma_start3A_484 = tpu.memref_slice %arg13[%add3A_464, %dma_start3A_483] : memref<10240x128xf32, #tpu.memory_space<vmem_shared>> -> memref<128x128xf32, #tpu.memory_space<vmem_shared>>
      tpu.enqueue_dma source(%dma_start3A_484 : memref<128x128xf32, #tpu.memory_space<vmem_shared>>) target(%dma_start3A_482 : memref<128x128xf32, #tpu.memory_space<hbm>>) target_semaphore(%run_scoped3A_479 : memref<!tpu.dma_semaphore, #tpu.memory_space<semaphore_mem>>)
      %dma_wait3A_485 = arith.constant 0 : i32
      %dma_wait3A_486 = tpu.memref_slice %arg5[%arg0, %add3A_464, %dma_wait3A_485] : memref<2x10240x128xf32, #tpu.memory_space<hbm>> -> memref<1x128x128xf32, #tpu.memory_space<hbm>>
      %dma_wait3A_487 = tpu.memref_squeeze %dma_wait3A_486 : memref<1x128x128xf32, #tpu.memory_space<hbm>> -> memref<128x128xf32, #tpu.memory_space<hbm>>
      %dma_wait3A_488 = arith.constant 0 : i32
      %dma_wait3A_489 = tpu.memref_slice %arg13[%add3A_464, %dma_wait3A_488] : memref<10240x128xf32, #tpu.memory_space<vmem_shared>> -> memref<128x128xf32, #tpu.memory_space<vmem_shared>>
      tpu.wait_dma2 semaphore(%run_scoped3A_479 : memref<!tpu.dma_semaphore, #tpu.memory_space<semaphore_mem>>) src(%dma_wait3A_489 : memref<128x128xf32, #tpu.memory_space<vmem_shared>>) dst(%dma_wait3A_487 : memref<128x128xf32, #tpu.memory_space<hbm>>)
      tpu.yield
    }) : () -> ()
    %mul3A_465 = arith.constant 640 : i32
    %mul3A_466 = arith.muli %arg1, %mul3A_465 : i32
    %add3A_467 = arith.constant 256 : i32
    %add3A_468 = arith.addi %mul3A_466, %add3A_467 : i32
    "tpu.region"() ({
      %run_scoped3A_479 = tpu.sem_alloc : memref<!tpu.dma_semaphore, #tpu.memory_space<semaphore_mem>>
      %dma_start3A_480 = arith.constant 0 : i32
      %dma_start3A_481 = tpu.memref_slice %arg5[%arg0, %add3A_468, %dma_start3A_480] : memref<2x10240x128xf32, #tpu.memory_space<hbm>> -> memref<1x128x128xf32, #tpu.memory_space<hbm>>
      %dma_start3A_482 = tpu.memref_squeeze %dma_start3A_481 : memref<1x128x128xf32, #tpu.memory_space<hbm>> -> memref<128x128xf32, #tpu.memory_space<hbm>>
      %dma_start3A_483 = arith.constant 0 : i32
      %dma_start3A_484 = tpu.memref_slice %arg13[%add3A_468, %dma_start3A_483] : memref<10240x128xf32, #tpu.memory_space<vmem_shared>> -> memref<128x128xf32, #tpu.memory_space<vmem_shared>>
      tpu.enqueue_dma source(%dma_start3A_484 : memref<128x128xf32, #tpu.memory_space<vmem_shared>>) target(%dma_start3A_482 : memref<128x128xf32, #tpu.memory_space<hbm>>) target_semaphore(%run_scoped3A_479 : memref<!tpu.dma_semaphore, #tpu.memory_space<semaphore_mem>>)
      %dma_wait3A_485 = arith.constant 0 : i32
      %dma_wait3A_486 = tpu.memref_slice %arg5[%arg0, %add3A_468, %dma_wait3A_485] : memref<2x10240x128xf32, #tpu.memory_space<hbm>> -> memref<1x128x128xf32, #tpu.memory_space<hbm>>
      %dma_wait3A_487 = tpu.memref_squeeze %dma_wait3A_486 : memref<1x128x128xf32, #tpu.memory_space<hbm>> -> memref<128x128xf32, #tpu.memory_space<hbm>>
      %dma_wait3A_488 = arith.constant 0 : i32
      %dma_wait3A_489 = tpu.memref_slice %arg13[%add3A_468, %dma_wait3A_488] : memref<10240x128xf32, #tpu.memory_space<vmem_shared>> -> memref<128x128xf32, #tpu.memory_space<vmem_shared>>
      tpu.wait_dma2 semaphore(%run_scoped3A_479 : memref<!tpu.dma_semaphore, #tpu.memory_space<semaphore_mem>>) src(%dma_wait3A_489 : memref<128x128xf32, #tpu.memory_space<vmem_shared>>) dst(%dma_wait3A_487 : memref<128x128xf32, #tpu.memory_space<hbm>>)
      tpu.yield
    }) : () -> ()
    %mul3A_469 = arith.constant 640 : i32
    %mul3A_470 = arith.muli %arg1, %mul3A_469 : i32
    %add3A_471 = arith.constant 384 : i32
    %add3A_472 = arith.addi %mul3A_470, %add3A_471 : i32
    "tpu.region"() ({
      %run_scoped3A_479 = tpu.sem_alloc : memref<!tpu.dma_semaphore, #tpu.memory_space<semaphore_mem>>
      %dma_start3A_480 = arith.constant 0 : i32
      %dma_start3A_481 = tpu.memref_slice %arg5[%arg0, %add3A_472, %dma_start3A_480] : memref<2x10240x128xf32, #tpu.memory_space<hbm>> -> memref<1x128x128xf32, #tpu.memory_space<hbm>>
      %dma_start3A_482 = tpu.memref_squeeze %dma_start3A_481 : memref<1x128x128xf32, #tpu.memory_space<hbm>> -> memref<128x128xf32, #tpu.memory_space<hbm>>
      %dma_start3A_483 = arith.constant 0 : i32
      %dma_start3A_484 = tpu.memref_slice %arg13[%add3A_472, %dma_start3A_483] : memref<10240x128xf32, #tpu.memory_space<vmem_shared>> -> memref<128x128xf32, #tpu.memory_space<vmem_shared>>
      tpu.enqueue_dma source(%dma_start3A_484 : memref<128x128xf32, #tpu.memory_space<vmem_shared>>) target(%dma_start3A_482 : memref<128x128xf32, #tpu.memory_space<hbm>>) target_semaphore(%run_scoped3A_479 : memref<!tpu.dma_semaphore, #tpu.memory_space<semaphore_mem>>)
      %dma_wait3A_485 = arith.constant 0 : i32
      %dma_wait3A_486 = tpu.memref_slice %arg5[%arg0, %add3A_472, %dma_wait3A_485] : memref<2x10240x128xf32, #tpu.memory_space<hbm>> -> memref<1x128x128xf32, #tpu.memory_space<hbm>>
      %dma_wait3A_487 = tpu.memref_squeeze %dma_wait3A_486 : memref<1x128x128xf32, #tpu.memory_space<hbm>> -> memref<128x128xf32, #tpu.memory_space<hbm>>
      %dma_wait3A_488 = arith.constant 0 : i32
      %dma_wait3A_489 = tpu.memref_slice %arg13[%add3A_472, %dma_wait3A_488] : memref<10240x128xf32, #tpu.memory_space<vmem_shared>> -> memref<128x128xf32, #tpu.memory_space<vmem_shared>>
      tpu.wait_dma2 semaphore(%run_scoped3A_479 : memref<!tpu.dma_semaphore, #tpu.memory_space<semaphore_mem>>) src(%dma_wait3A_489 : memref<128x128xf32, #tpu.memory_space<vmem_shared>>) dst(%dma_wait3A_487 : memref<128x128xf32, #tpu.memory_space<hbm>>)
      tpu.yield
    }) : () -> ()
    %mul3A_473 = arith.constant 640 : i32
    %mul3A_474 = arith.muli %arg1, %mul3A_473 : i32
    %add3A_475 = arith.constant 512 : i32
    %add3A_476 = arith.addi %mul3A_474, %add3A_475 : i32
    "tpu.region"() ({
      %run_scoped3A_479 = tpu.sem_alloc : memref<!tpu.dma_semaphore, #tpu.memory_space<semaphore_mem>>
      %dma_start3A_480 = arith.constant 0 : i32
      %dma_start3A_481 = tpu.memref_slice %arg5[%arg0, %add3A_476, %dma_start3A_480] : memref<2x10240x128xf32, #tpu.memory_space<hbm>> -> memref<1x128x128xf32, #tpu.memory_space<hbm>>
      %dma_start3A_482 = tpu.memref_squeeze %dma_start3A_481 : memref<1x128x128xf32, #tpu.memory_space<hbm>> -> memref<128x128xf32, #tpu.memory_space<hbm>>
      %dma_start3A_483 = arith.constant 0 : i32
      %dma_start3A_484 = tpu.memref_slice %arg13[%add3A_476, %dma_start3A_483] : memref<10240x128xf32, #tpu.memory_space<vmem_shared>> -> memref<128x128xf32, #tpu.memory_space<vmem_shared>>
      tpu.enqueue_dma source(%dma_start3A_484 : memref<128x128xf32, #tpu.memory_space<vmem_shared>>) target(%dma_start3A_482 : memref<128x128xf32, #tpu.memory_space<hbm>>) target_semaphore(%run_scoped3A_479 : memref<!tpu.dma_semaphore, #tpu.memory_space<semaphore_mem>>)
      %dma_wait3A_485 = arith.constant 0 : i32
      %dma_wait3A_486 = tpu.memref_slice %arg5[%arg0, %add3A_476, %dma_wait3A_485] : memref<2x10240x128xf32, #tpu.memory_space<hbm>> -> memref<1x128x128xf32, #tpu.memory_space<hbm>>
      %dma_wait3A_487 = tpu.memref_squeeze %dma_wait3A_486 : memref<1x128x128xf32, #tpu.memory_space<hbm>> -> memref<128x128xf32, #tpu.memory_space<hbm>>
      %dma_wait3A_488 = arith.constant 0 : i32
      %dma_wait3A_489 = tpu.memref_slice %arg13[%add3A_476, %dma_wait3A_488] : memref<10240x128xf32, #tpu.memory_space<vmem_shared>> -> memref<128x128xf32, #tpu.memory_space<vmem_shared>>
      tpu.wait_dma2 semaphore(%run_scoped3A_479 : memref<!tpu.dma_semaphore, #tpu.memory_space<semaphore_mem>>) src(%dma_wait3A_489 : memref<128x128xf32, #tpu.memory_space<vmem_shared>>) dst(%dma_wait3A_487 : memref<128x128xf32, #tpu.memory_space<hbm>>)
      tpu.yield
    }) : () -> ()
    %mul3A_477 = arith.constant 640 : i32
    %mul3A_478 = arith.muli %arg1, %mul3A_477 : i32
    "tpu.region"() ({
      %run_scoped3A_479 = tpu.sem_alloc : memref<!tpu.dma_semaphore, #tpu.memory_space<semaphore_mem>>
      %dma_start3A_480 = tpu.memref_slice %arg6[%arg0, %mul3A_478] : memref<2x10240xf32, #tpu.memory_space<hbm>> -> memref<1x640xf32, #tpu.memory_space<hbm>>
      %dma_start3A_481 = tpu.memref_squeeze %dma_start3A_480 : memref<1x640xf32, #tpu.memory_space<hbm>> -> memref<640xf32, #tpu.memory_space<hbm>>
      %dma_start3A_482 = tpu.memref_slice %arg20[%mul3A_478] : memref<10240xf32, #tpu.memory_space<vmem_shared>> -> memref<640xf32, #tpu.memory_space<vmem_shared>>
      tpu.enqueue_dma source(%dma_start3A_482 : memref<640xf32, #tpu.memory_space<vmem_shared>>) target(%dma_start3A_481 : memref<640xf32, #tpu.memory_space<hbm>>) target_semaphore(%run_scoped3A_479 : memref<!tpu.dma_semaphore, #tpu.memory_space<semaphore_mem>>)
      %dma_wait3A_483 = tpu.memref_slice %arg6[%arg0, %mul3A_478] : memref<2x10240xf32, #tpu.memory_space<hbm>> -> memref<1x640xf32, #tpu.memory_space<hbm>>
      %dma_wait3A_484 = tpu.memref_squeeze %dma_wait3A_483 : memref<1x640xf32, #tpu.memory_space<hbm>> -> memref<640xf32, #tpu.memory_space<hbm>>
      %dma_wait3A_485 = tpu.memref_slice %arg20[%mul3A_478] : memref<10240xf32, #tpu.memory_space<vmem_shared>> -> memref<640xf32, #tpu.memory_space<vmem_shared>>
      tpu.wait_dma2 semaphore(%run_scoped3A_479 : memref<!tpu.dma_semaphore, #tpu.memory_space<semaphore_mem>>) src(%dma_wait3A_485 : memref<640xf32, #tpu.memory_space<vmem_shared>>) dst(%dma_wait3A_484 : memref<640xf32, #tpu.memory_space<hbm>>)
      tpu.yield
    }) : () -> ()
    return
  }
}

#map = affine_map<(d0, d1) -> (0, 0)>
#map1 = affine_map<(d0, d1) -> (0, 0, 0, 0)>
#map2 = affine_map<(d0, d1) -> (0, 0, 0)>
module attributes {stable_mosaic.version = 14 : i64} {
  func.func @k(%arg0: i32, %arg1: i32, %arg2: memref<10000x128xf32, #tpu.memory_space<hbm>>, %arg3: memref<32x5x16x128xi32, #tpu.memory_space<hbm>>, %arg4: memref<32x5x16x128xi32, #tpu.memory_space<hbm>>, %arg5: memref<2x10240x128xf32, #tpu.memory_space<hbm>>, %arg6: memref<2x10240xf32, #tpu.memory_space<hbm>>, %arg7: memref<16x128xi32, #tpu.memory_space<vmem>>, %arg8: memref<16x128xi32, #tpu.memory_space<vmem>>, %arg9: memref<16x128xi32, #tpu.memory_space<vmem>>, %arg10: memref<16x128xi32, #tpu.memory_space<vmem>>, %arg11: memref<128x128xf32, #tpu.memory_space<vmem>>, %arg12: memref<128x128xf32, #tpu.memory_space<vmem>>, %arg13: memref<10240x128xf32, #tpu.memory_space<vmem_shared>>, %arg14: memref<!tpu.dma_semaphore, #tpu.memory_space<semaphore_mem>>, %arg15: memref<!tpu.dma_semaphore, #tpu.memory_space<semaphore_mem>>, %arg16: memref<!tpu.dma_semaphore, #tpu.memory_space<semaphore_mem>>, %arg17: memref<!tpu.dma_semaphore, #tpu.memory_space<semaphore_mem>>, %arg18: memref<128xf32, #tpu.memory_space<vmem>>, %arg19: memref<640xf32, #tpu.memory_space<vmem>>, %arg20: memref<10240xf32, #tpu.memory_space<vmem_shared>>) attributes {dimension_semantics = [#tpu.dimension_semantics<core_parallel>, #tpu.dimension_semantics<subcore_parallel>], iteration_bounds = array<i64: 2, 16>, scalar_prefetch = 0 : i64, scratch_operands = 14 : i64, tpu.core_type = #tpu.core_type<sc_vector_subcore>, window_params = [{transform_indices = #map}, {transform_indices = #map1}, {transform_indices = #map1}, {transform_indices = #map2}, {transform_indices = #map}]} {
    %mul3A = arith.constant 16 : i32
    %mul3A_0 = arith.muli %arg0, %mul3A : i32
    %add3A = arith.addi %mul3A_0, %arg1 : i32
    %dma_start3A = arith.constant 0 : i32
    %dma_start3A_1 = arith.constant 0 : i32
    %dma_start3A_2 = arith.constant 0 : i32
    %dma_start3A_3 = tpu.memref_slice %arg3[%add3A, %dma_start3A, %dma_start3A_1, %dma_start3A_2] : memref<32x5x16x128xi32, #tpu.memory_space<hbm>> -> memref<1x1x16x128xi32, #tpu.memory_space<hbm>>
    %dma_start3A_4 = tpu.memref_squeeze %dma_start3A_3 : memref<1x1x16x128xi32, #tpu.memory_space<hbm>> -> memref<16x128xi32, #tpu.memory_space<hbm>>
    %dma_start3A_5 = arith.constant 0 : i32
    %dma_start3A_6 = arith.constant 0 : i32
    %dma_start3A_7 = tpu.memref_slice %arg3[%add3A, %dma_start3A, %dma_start3A_5, %dma_start3A_6] : memref<32x5x16x128xi32, #tpu.memory_space<hbm>> -> memref<1x1x16x128xi32, #tpu.memory_space<hbm>>
    %dma_start3A_8 = tpu.memref_squeeze %dma_start3A_7 : memref<1x1x16x128xi32, #tpu.memory_space<hbm>> -> memref<16x128xi32, #tpu.memory_space<hbm>>
    tpu.enqueue_dma source(%dma_start3A_8 : memref<16x128xi32, #tpu.memory_space<hbm>>) target(%arg7 : memref<16x128xi32, #tpu.memory_space<vmem>>) target_semaphore(%arg16 : memref<!tpu.dma_semaphore, #tpu.memory_space<semaphore_mem>>)
    %dma_start3A_9 = arith.constant 0 : i32
    %dma_start3A_10 = arith.constant 0 : i32
    %dma_start3A_11 = arith.constant 0 : i32
    %dma_start3A_12 = tpu.memref_slice %arg4[%add3A, %dma_start3A_9, %dma_start3A_10, %dma_start3A_11] : memref<32x5x16x128xi32, #tpu.memory_space<hbm>> -> memref<1x1x16x128xi32, #tpu.memory_space<hbm>>
    %dma_start3A_13 = tpu.memref_squeeze %dma_start3A_12 : memref<1x1x16x128xi32, #tpu.memory_space<hbm>> -> memref<16x128xi32, #tpu.memory_space<hbm>>
    %dma_start3A_14 = arith.constant 0 : i32
    %dma_start3A_15 = arith.constant 0 : i32
    %dma_start3A_16 = tpu.memref_slice %arg4[%add3A, %dma_start3A_9, %dma_start3A_14, %dma_start3A_15] : memref<32x5x16x128xi32, #tpu.memory_space<hbm>> -> memref<1x1x16x128xi32, #tpu.memory_space<hbm>>
    %dma_start3A_17 = tpu.memref_squeeze %dma_start3A_16 : memref<1x1x16x128xi32, #tpu.memory_space<hbm>> -> memref<16x128xi32, #tpu.memory_space<hbm>>
    tpu.enqueue_dma source(%dma_start3A_17 : memref<16x128xi32, #tpu.memory_space<hbm>>) target(%arg9 : memref<16x128xi32, #tpu.memory_space<vmem>>) target_semaphore(%arg16 : memref<!tpu.dma_semaphore, #tpu.memory_space<semaphore_mem>>)
    %broadcast_in_dim3A = arith.constant 0.000000e+00 : f32
    %broadcast_in_dim3A_18 = vector.broadcast %broadcast_in_dim3A : f32 to vector<16xf32>
    %scan3A = arith.constant 0 : i32
    %scan3A_19 = arith.constant 0 : i32
    %scan3A_20 = arith.constant 128 : i32
    %scan3A_21 = arith.addi %scan3A_19, %scan3A_20 : i32
    %scan3A_22 = arith.constant 1 : i32
    scf.for %scan3A_479 = %scan3A_19 to %scan3A_21 step %scan3A_22  : i32 {
      %scan3A_480 = arith.constant 0 : i32
      %scan3A_481 = arith.constant 8 : i32
      %scan3A_482 = arith.addi %scan3A_480, %scan3A_481 : i32
      %scan3A_483 = arith.constant 1 : i32
      scf.for %scan3A_485 = %scan3A_480 to %scan3A_482 step %scan3A_483  : i32 {
        %mul3A_486 = arith.constant 16 : i32
        %mul3A_487 = arith.muli %scan3A_485, %mul3A_486 : i32
        %swap3A = arith.index_cast %scan3A_479 : i32 to index
        %swap3A_488 = arith.index_cast %mul3A_487 : i32 to index
        %swap3A_489 = tpu.vector_load %arg12[%swap3A, %swap3A_488] {strides = array<i32>} : memref<128x128xf32, #tpu.memory_space<vmem>>, vector<1x16xf32>,
        %swap3A_490 = vector.shape_cast %swap3A_489 : vector<1x16xf32> to vector<16xf32>
        %swap3A_491 = vector.shape_cast %broadcast_in_dim3A_18 : vector<16xf32> to vector<1x16xf32>
        tpu.vector_store %arg12[%swap3A, %swap3A_488], %swap3A_491 {strides = array<i32>} : memref<128x128xf32, #tpu.memory_space<vmem>>, vector<1x16xf32>,
      }
      %scan3A_484 = arith.constant 8 : i32
    }
    %scan3A_23 = arith.constant 128 : i32
    %dma_wait3A = arith.constant 0 : i32
    %dma_wait3A_24 = arith.constant 0 : i32
    %dma_wait3A_25 = arith.constant 0 : i32
    %dma_wait3A_26 = tpu.memref_slice %arg3[%add3A, %dma_wait3A, %dma_wait3A_24, %dma_wait3A_25] : memref<32x5x16x128xi32, #tpu.memory_space<hbm>> -> memref<1x1x16x128xi32, #tpu.memory_space<hbm>>
    %dma_wait3A_27 = tpu.memref_squeeze %dma_wait3A_26 : memref<1x1x16x128xi32, #tpu.memory_space<hbm>> -> memref<16x128xi32, #tpu.memory_space<hbm>>
    %dma_wait3A_28 = arith.constant 0 : i32
    %dma_wait3A_29 = arith.constant 0 : i32
    %dma_wait3A_30 = tpu.memref_slice %arg3[%add3A, %dma_wait3A, %dma_wait3A_28, %dma_wait3A_29] : memref<32x5x16x128xi32, #tpu.memory_space<hbm>> -> memref<1x1x16x128xi32, #tpu.memory_space<hbm>>
    %dma_wait3A_31 = tpu.memref_squeeze %dma_wait3A_30 : memref<1x1x16x128xi32, #tpu.memory_space<hbm>> -> memref<16x128xi32, #tpu.memory_space<hbm>>
    tpu.wait_dma2 semaphore(%arg16 : memref<!tpu.dma_semaphore, #tpu.memory_space<semaphore_mem>>) src(%dma_wait3A_31 : memref<16x128xi32, #tpu.memory_space<hbm>>) dst(%arg7 : memref<16x128xi32, #tpu.memory_space<vmem>>)
    %dma_wait3A_32 = arith.constant 0 : i32
    %dma_wait3A_33 = arith.constant 0 : i32
    %dma_wait3A_34 = arith.constant 0 : i32
    %dma_wait3A_35 = tpu.memref_slice %arg4[%add3A, %dma_wait3A_32, %dma_wait3A_33, %dma_wait3A_34] : memref<32x5x16x128xi32, #tpu.memory_space<hbm>> -> memref<1x1x16x128xi32, #tpu.memory_space<hbm>>
    %dma_wait3A_36 = tpu.memref_squeeze %dma_wait3A_35 : memref<1x1x16x128xi32, #tpu.memory_space<hbm>> -> memref<16x128xi32, #tpu.memory_space<hbm>>
    %dma_wait3A_37 = arith.constant 0 : i32
    %dma_wait3A_38 = arith.constant 0 : i32
    %dma_wait3A_39 = tpu.memref_slice %arg4[%add3A, %dma_wait3A_32, %dma_wait3A_37, %dma_wait3A_38] : memref<32x5x16x128xi32, #tpu.memory_space<hbm>> -> memref<1x1x16x128xi32, #tpu.memory_space<hbm>>
    %dma_wait3A_40 = tpu.memref_squeeze %dma_wait3A_39 : memref<1x1x16x128xi32, #tpu.memory_space<hbm>> -> memref<16x128xi32, #tpu.memory_space<hbm>>
    tpu.wait_dma2 semaphore(%arg16 : memref<!tpu.dma_semaphore, #tpu.memory_space<semaphore_mem>>) src(%dma_wait3A_40 : memref<16x128xi32, #tpu.memory_space<hbm>>) dst(%arg9 : memref<16x128xi32, #tpu.memory_space<vmem>>)
    %dma_start3A_41 = arith.constant 0 : i32
    %dma_start3A_42 = arith.constant 0 : i32
    %dma_start3A_43 = tpu.memref_slice %arg7[%dma_start3A_41, %dma_start3A_42] : memref<16x128xi32, #tpu.memory_space<vmem>> -> memref<1x128xi32, #tpu.memory_space<vmem>>
    %dma_start3A_44 = tpu.memref_squeeze %dma_start3A_43 : memref<1x128xi32, #tpu.memory_space<vmem>> -> memref<128xi32, #tpu.memory_space<vmem>>
    %dma_start3A_45 = arith.constant 0 : i32
    %dma_start3A_46 = arith.constant 0 : i32
    %dma_start3A_47 = tpu.memref_slice %arg2[%dma_start3A_45, %dma_start3A_46] : memref<10000x128xf32, #tpu.memory_space<hbm>> -> memref<10000x128xf32, #tpu.memory_space<hbm>>
    tpu.enqueue_indirect_dma source(%dma_start3A_47 : memref<10000x128xf32, #tpu.memory_space<hbm>>) target(%arg11 : memref<128x128xf32, #tpu.memory_space<vmem>>) offsets(%dma_start3A_44 : memref<128xi32, #tpu.memory_space<vmem>>) semaphore(%arg14 : memref<!tpu.dma_semaphore, #tpu.memory_space<semaphore_mem>>)
    %mul3A_48 = arith.constant 640 : i32
    %mul3A_49 = arith.muli %arg1, %mul3A_48 : i32
    %add3A_50 = arith.constant 0 : i32
    %add3A_51 = arith.addi %mul3A_49, %add3A_50 : i32
    "tpu.region"() ({
      %run_scoped3A_479 = tpu.sem_alloc : memref<!tpu.dma_semaphore, #tpu.memory_space<semaphore_mem>>
      %dma_start3A_480 = arith.constant 0 : i32
      %dma_start3A_481 = tpu.memref_slice %arg13[%add3A_51, %dma_start3A_480] : memref<10240x128xf32, #tpu.memory_space<vmem_shared>> -> memref<128x128xf32, #tpu.memory_space<vmem_shared>>
      %dma_start3A_482 = arith.constant 0 : i32
      %dma_start3A_483 = tpu.memref_slice %arg13[%add3A_51, %dma_start3A_482] : memref<10240x128xf32, #tpu.memory_space<vmem_shared>> -> memref<128x128xf32, #tpu.memory_space<vmem_shared>>
      tpu.enqueue_dma source(%arg12 : memref<128x128xf32, #tpu.memory_space<vmem>>) target(%dma_start3A_483 : memref<128x128xf32, #tpu.memory_space<vmem_shared>>) target_semaphore(%run_scoped3A_479 : memref<!tpu.dma_semaphore, #tpu.memory_space<semaphore_mem>>)
      %dma_wait3A_484 = arith.constant 0 : i32
      %dma_wait3A_485 = tpu.memref_slice %arg13[%add3A_51, %dma_wait3A_484] : memref<10240x128xf32, #tpu.memory_space<vmem_shared>> -> memref<128x128xf32, #tpu.memory_space<vmem_shared>>
      %dma_wait3A_486 = arith.constant 0 : i32
      %dma_wait3A_487 = tpu.memref_slice %arg13[%add3A_51, %dma_wait3A_486] : memref<10240x128xf32, #tpu.memory_space<vmem_shared>> -> memref<128x128xf32, #tpu.memory_space<vmem_shared>>
      tpu.wait_dma2 semaphore(%run_scoped3A_479 : memref<!tpu.dma_semaphore, #tpu.memory_space<semaphore_mem>>) src(%arg12 : memref<128x128xf32, #tpu.memory_space<vmem>>) dst(%dma_wait3A_487 : memref<128x128xf32, #tpu.memory_space<vmem_shared>>)
      tpu.yield
    }) : () -> ()
    %mul3A_52 = arith.constant 640 : i32
    %mul3A_53 = arith.muli %arg1, %mul3A_52 : i32
    %add3A_54 = arith.constant 128 : i32
    %add3A_55 = arith.addi %mul3A_53, %add3A_54 : i32
    "tpu.region"() ({
      %run_scoped3A_479 = tpu.sem_alloc : memref<!tpu.dma_semaphore, #tpu.memory_space<semaphore_mem>>
      %dma_start3A_480 = arith.constant 0 : i32
      %dma_start3A_481 = tpu.memref_slice %arg13[%add3A_55, %dma_start3A_480] : memref<10240x128xf32, #tpu.memory_space<vmem_shared>> -> memref<128x128xf32, #tpu.memory_space<vmem_shared>>
      %dma_start3A_482 = arith.constant 0 : i32
      %dma_start3A_483 = tpu.memref_slice %arg13[%add3A_55, %dma_start3A_482] : memref<10240x128xf32, #tpu.memory_space<vmem_shared>> -> memref<128x128xf32, #tpu.memory_space<vmem_shared>>
      tpu.enqueue_dma source(%arg12 : memref<128x128xf32, #tpu.memory_space<vmem>>) target(%dma_start3A_483 : memref<128x128xf32, #tpu.memory_space<vmem_shared>>) target_semaphore(%run_scoped3A_479 : memref<!tpu.dma_semaphore, #tpu.memory_space<semaphore_mem>>)
      %dma_wait3A_484 = arith.constant 0 : i32
      %dma_wait3A_485 = tpu.memref_slice %arg13[%add3A_55, %dma_wait3A_484] : memref<10240x128xf32, #tpu.memory_space<vmem_shared>> -> memref<128x128xf32, #tpu.memory_space<vmem_shared>>
      %dma_wait3A_486 = arith.constant 0 : i32
      %dma_wait3A_487 = tpu.memref_slice %arg13[%add3A_55, %dma_wait3A_486] : memref<10240x128xf32, #tpu.memory_space<vmem_shared>> -> memref<128x128xf32, #tpu.memory_space<vmem_shared>>
      tpu.wait_dma2 semaphore(%run_scoped3A_479 : memref<!tpu.dma_semaphore, #tpu.memory_space<semaphore_mem>>) src(%arg12 : memref<128x128xf32, #tpu.memory_space<vmem>>) dst(%dma_wait3A_487 : memref<128x128xf32, #tpu.memory_space<vmem_shared>>)
      tpu.yield
    }) : () -> ()
    %mul3A_56 = arith.constant 640 : i32
    %mul3A_57 = arith.muli %arg1, %mul3A_56 : i32
    %add3A_58 = arith.constant 256 : i32
    %add3A_59 = arith.addi %mul3A_57, %add3A_58 : i32
    "tpu.region"() ({
      %run_scoped3A_479 = tpu.sem_alloc : memref<!tpu.dma_semaphore, #tpu.memory_space<semaphore_mem>>
      %dma_start3A_480 = arith.constant 0 : i32
      %dma_start3A_481 = tpu.memref_slice %arg13[%add3A_59, %dma_start3A_480] : memref<10240x128xf32, #tpu.memory_space<vmem_shared>> -> memref<128x128xf32, #tpu.memory_space<vmem_shared>>
      %dma_start3A_482 = arith.constant 0 : i32
      %dma_start3A_483 = tpu.memref_slice %arg13[%add3A_59, %dma_start3A_482] : memref<10240x128xf32, #tpu.memory_space<vmem_shared>> -> memref<128x128xf32, #tpu.memory_space<vmem_shared>>
      tpu.enqueue_dma source(%arg12 : memref<128x128xf32, #tpu.memory_space<vmem>>) target(%dma_start3A_483 : memref<128x128xf32, #tpu.memory_space<vmem_shared>>) target_semaphore(%run_scoped3A_479 : memref<!tpu.dma_semaphore, #tpu.memory_space<semaphore_mem>>)
      %dma_wait3A_484 = arith.constant 0 : i32
      %dma_wait3A_485 = tpu.memref_slice %arg13[%add3A_59, %dma_wait3A_484] : memref<10240x128xf32, #tpu.memory_space<vmem_shared>> -> memref<128x128xf32, #tpu.memory_space<vmem_shared>>
      %dma_wait3A_486 = arith.constant 0 : i32
      %dma_wait3A_487 = tpu.memref_slice %arg13[%add3A_59, %dma_wait3A_486] : memref<10240x128xf32, #tpu.memory_space<vmem_shared>> -> memref<128x128xf32, #tpu.memory_space<vmem_shared>>
      tpu.wait_dma2 semaphore(%run_scoped3A_479 : memref<!tpu.dma_semaphore, #tpu.memory_space<semaphore_mem>>) src(%arg12 : memref<128x128xf32, #tpu.memory_space<vmem>>) dst(%dma_wait3A_487 : memref<128x128xf32, #tpu.memory_space<vmem_shared>>)
      tpu.yield
    }) : () -> ()
    %mul3A_60 = arith.constant 640 : i32
    %mul3A_61 = arith.muli %arg1, %mul3A_60 : i32
    %add3A_62 = arith.constant 384 : i32
    %add3A_63 = arith.addi %mul3A_61, %add3A_62 : i32
    "tpu.region"() ({
      %run_scoped3A_479 = tpu.sem_alloc : memref<!tpu.dma_semaphore, #tpu.memory_space<semaphore_mem>>
      %dma_start3A_480 = arith.constant 0 : i32
      %dma_start3A_481 = tpu.memref_slice %arg13[%add3A_63, %dma_start3A_480] : memref<10240x128xf32, #tpu.memory_space<vmem_shared>> -> memref<128x128xf32, #tpu.memory_space<vmem_shared>>
      %dma_start3A_482 = arith.constant 0 : i32
      %dma_start3A_483 = tpu.memref_slice %arg13[%add3A_63, %dma_start3A_482] : memref<10240x128xf32, #tpu.memory_space<vmem_shared>> -> memref<128x128xf32, #tpu.memory_space<vmem_shared>>
      tpu.enqueue_dma source(%arg12 : memref<128x128xf32, #tpu.memory_space<vmem>>) target(%dma_start3A_483 : memref<128x128xf32, #tpu.memory_space<vmem_shared>>) target_semaphore(%run_scoped3A_479 : memref<!tpu.dma_semaphore, #tpu.memory_space<semaphore_mem>>)
      %dma_wait3A_484 = arith.constant 0 : i32
      %dma_wait3A_485 = tpu.memref_slice %arg13[%add3A_63, %dma_wait3A_484] : memref<10240x128xf32, #tpu.memory_space<vmem_shared>> -> memref<128x128xf32, #tpu.memory_space<vmem_shared>>
      %dma_wait3A_486 = arith.constant 0 : i32
      %dma_wait3A_487 = tpu.memref_slice %arg13[%add3A_63, %dma_wait3A_486] : memref<10240x128xf32, #tpu.memory_space<vmem_shared>> -> memref<128x128xf32, #tpu.memory_space<vmem_shared>>
      tpu.wait_dma2 semaphore(%run_scoped3A_479 : memref<!tpu.dma_semaphore, #tpu.memory_space<semaphore_mem>>) src(%arg12 : memref<128x128xf32, #tpu.memory_space<vmem>>) dst(%dma_wait3A_487 : memref<128x128xf32, #tpu.memory_space<vmem_shared>>)
      tpu.yield
    }) : () -> ()
    %mul3A_64 = arith.constant 640 : i32
    %mul3A_65 = arith.muli %arg1, %mul3A_64 : i32
    %add3A_66 = arith.constant 512 : i32
    %add3A_67 = arith.addi %mul3A_65, %add3A_66 : i32
    "tpu.region"() ({
      %run_scoped3A_479 = tpu.sem_alloc : memref<!tpu.dma_semaphore, #tpu.memory_space<semaphore_mem>>
      %dma_start3A_480 = arith.constant 0 : i32
      %dma_start3A_481 = tpu.memref_slice %arg13[%add3A_67, %dma_start3A_480] : memref<10240x128xf32, #tpu.memory_space<vmem_shared>> -> memref<128x128xf32, #tpu.memory_space<vmem_shared>>
      %dma_start3A_482 = arith.constant 0 : i32
      %dma_start3A_483 = tpu.memref_slice %arg13[%add3A_67, %dma_start3A_482] : memref<10240x128xf32, #tpu.memory_space<vmem_shared>> -> memref<128x128xf32, #tpu.memory_space<vmem_shared>>
      tpu.enqueue_dma source(%arg12 : memref<128x128xf32, #tpu.memory_space<vmem>>) target(%dma_start3A_483 : memref<128x128xf32, #tpu.memory_space<vmem_shared>>) target_semaphore(%run_scoped3A_479 : memref<!tpu.dma_semaphore, #tpu.memory_space<semaphore_mem>>)
      %dma_wait3A_484 = arith.constant 0 : i32
      %dma_wait3A_485 = tpu.memref_slice %arg13[%add3A_67, %dma_wait3A_484] : memref<10240x128xf32, #tpu.memory_space<vmem_shared>> -> memref<128x128xf32, #tpu.memory_space<vmem_shared>>
      %dma_wait3A_486 = arith.constant 0 : i32
      %dma_wait3A_487 = tpu.memref_slice %arg13[%add3A_67, %dma_wait3A_486] : memref<10240x128xf32, #tpu.memory_space<vmem_shared>> -> memref<128x128xf32, #tpu.memory_space<vmem_shared>>
      tpu.wait_dma2 semaphore(%run_scoped3A_479 : memref<!tpu.dma_semaphore, #tpu.memory_space<semaphore_mem>>) src(%arg12 : memref<128x128xf32, #tpu.memory_space<vmem>>) dst(%dma_wait3A_487 : memref<128x128xf32, #tpu.memory_space<vmem_shared>>)
      tpu.yield
    }) : () -> ()
    %broadcast_in_dim3A_68 = arith.constant 1.000000e+00 : f32
    %broadcast_in_dim3A_69 = vector.broadcast %broadcast_in_dim3A_68 : f32 to vector<16xf32>
    %scan3A_70 = arith.constant 0 : i32
    %scan3A_71 = arith.constant 0 : i32
    %scan3A_72 = arith.constant 8 : i32
    %scan3A_73 = arith.addi %scan3A_71, %scan3A_72 : i32
    %scan3A_74 = arith.constant 1 : i32
    scf.for %scan3A_479 = %scan3A_71 to %scan3A_73 step %scan3A_74  : i32 {
      %mul3A_480 = arith.constant 16 : i32
      %mul3A_481 = arith.muli %scan3A_479, %mul3A_480 : i32
      %swap3A = arith.index_cast %mul3A_481 : i32 to index
      %swap3A_482 = tpu.vector_load %arg18[%swap3A] {strides = array<i32>} : memref<128xf32, #tpu.memory_space<vmem>>, vector<16xf32>,
      %swap3A_483 = vector.shape_cast %swap3A_482 : vector<16xf32> to vector<16xf32>
      %swap3A_484 = vector.shape_cast %broadcast_in_dim3A_69 : vector<16xf32> to vector<16xf32>
      tpu.vector_store %arg18[%swap3A], %swap3A_484 {strides = array<i32>} : memref<128xf32, #tpu.memory_space<vmem>>, vector<16xf32>,
    }
    %scan3A_75 = arith.constant 8 : i32
    %scan3A_76 = arith.constant 0 : i32
    %scan3A_77 = arith.constant 0 : i32
    %scan3A_78 = arith.constant 40 : i32
    %scan3A_79 = arith.addi %scan3A_77, %scan3A_78 : i32
    %scan3A_80 = arith.constant 1 : i32
    scf.for %scan3A_479 = %scan3A_77 to %scan3A_79 step %scan3A_80  : i32 {
      %mul3A_480 = arith.constant 16 : i32
      %mul3A_481 = arith.muli %scan3A_479, %mul3A_480 : i32
      %swap3A = arith.index_cast %mul3A_481 : i32 to index
      %swap3A_482 = tpu.vector_load %arg19[%swap3A] {strides = array<i32>} : memref<640xf32, #tpu.memory_space<vmem>>, vector<16xf32>,
      %swap3A_483 = vector.shape_cast %swap3A_482 : vector<16xf32> to vector<16xf32>
      %swap3A_484 = vector.shape_cast %broadcast_in_dim3A_18 : vector<16xf32> to vector<16xf32>
      tpu.vector_store %arg19[%swap3A], %swap3A_484 {strides = array<i32>} : memref<640xf32, #tpu.memory_space<vmem>>, vector<16xf32>,
    }
    %scan3A_81 = arith.constant 40 : i32
    %mul3A_82 = arith.constant 640 : i32
    %mul3A_83 = arith.muli %arg1, %mul3A_82 : i32
    "tpu.region"() ({
      %run_scoped3A_479 = tpu.sem_alloc : memref<!tpu.dma_semaphore, #tpu.memory_space<semaphore_mem>>
      %dma_start3A_480 = tpu.memref_slice %arg20[%mul3A_83] : memref<10240xf32, #tpu.memory_space<vmem_shared>> -> memref<640xf32, #tpu.memory_space<vmem_shared>>
      %dma_start3A_481 = tpu.memref_slice %arg20[%mul3A_83] : memref<10240xf32, #tpu.memory_space<vmem_shared>> -> memref<640xf32, #tpu.memory_space<vmem_shared>>
      tpu.enqueue_dma source(%arg19 : memref<640xf32, #tpu.memory_space<vmem>>) target(%dma_start3A_481 : memref<640xf32, #tpu.memory_space<vmem_shared>>) target_semaphore(%run_scoped3A_479 : memref<!tpu.dma_semaphore, #tpu.memory_space<semaphore_mem>>)
      %dma_wait3A_482 = tpu.memref_slice %arg20[%mul3A_83] : memref<10240xf32, #tpu.memory_space<vmem_shared>> -> memref<640xf32, #tpu.memory_space<vmem_shared>>
      %dma_wait3A_483 = tpu.memref_slice %arg20[%mul3A_83] : memref<10240xf32, #tpu.memory_space<vmem_shared>> -> memref<640xf32, #tpu.memory_space<vmem_shared>>
      tpu.wait_dma2 semaphore(%run_scoped3A_479 : memref<!tpu.dma_semaphore, #tpu.memory_space<semaphore_mem>>) src(%arg19 : memref<640xf32, #tpu.memory_space<vmem>>) dst(%dma_wait3A_483 : memref<640xf32, #tpu.memory_space<vmem_shared>>)
      tpu.yield
    }) : () -> ()
    %barrier3A = arith.constant 0 : index
    tpu.barrier barrier_id(%barrier3A)
    %dma_start3A_84 = arith.constant 1 : i32
    %dma_start3A_85 = arith.constant 0 : i32
    %dma_start3A_86 = arith.constant 0 : i32
    %dma_start3A_87 = tpu.memref_slice %arg3[%add3A, %dma_start3A_84, %dma_start3A_85, %dma_start3A_86] : memref<32x5x16x128xi32, #tpu.memory_space<hbm>> -> memref<1x1x16x128xi32, #tpu.memory_space<hbm>>
    %dma_start3A_88 = tpu.memref_squeeze %dma_start3A_87 : memref<1x1x16x128xi32, #tpu.memory_space<hbm>> -> memref<16x128xi32, #tpu.memory_space<hbm>>
    %dma_start3A_89 = arith.constant 0 : i32
    %dma_start3A_90 = arith.constant 0 : i32
    %dma_start3A_91 = tpu.memref_slice %arg3[%add3A, %dma_start3A_84, %dma_start3A_89, %dma_start3A_90] : memref<32x5x16x128xi32, #tpu.memory_space<hbm>> -> memref<1x1x16x128xi32, #tpu.memory_space<hbm>>
    %dma_start3A_92 = tpu.memref_squeeze %dma_start3A_91 : memref<1x1x16x128xi32, #tpu.memory_space<hbm>> -> memref<16x128xi32, #tpu.memory_space<hbm>>
    tpu.enqueue_dma source(%dma_start3A_92 : memref<16x128xi32, #tpu.memory_space<hbm>>) target(%arg8 : memref<16x128xi32, #tpu.memory_space<vmem>>) target_semaphore(%arg16 : memref<!tpu.dma_semaphore, #tpu.memory_space<semaphore_mem>>)
    %dma_start3A_93 = arith.constant 1 : i32
    %dma_start3A_94 = arith.constant 0 : i32
    %dma_start3A_95 = arith.constant 0 : i32
    %dma_start3A_96 = tpu.memref_slice %arg4[%add3A, %dma_start3A_93, %dma_start3A_94, %dma_start3A_95] : memref<32x5x16x128xi32, #tpu.memory_space<hbm>> -> memref<1x1x16x128xi32, #tpu.memory_space<hbm>>
    %dma_start3A_97 = tpu.memref_squeeze %dma_start3A_96 : memref<1x1x16x128xi32, #tpu.memory_space<hbm>> -> memref<16x128xi32, #tpu.memory_space<hbm>>
    %dma_start3A_98 = arith.constant 0 : i32
    %dma_start3A_99 = arith.constant 0 : i32
    %dma_start3A_100 = tpu.memref_slice %arg4[%add3A, %dma_start3A_93, %dma_start3A_98, %dma_start3A_99] : memref<32x5x16x128xi32, #tpu.memory_space<hbm>> -> memref<1x1x16x128xi32, #tpu.memory_space<hbm>>
    %dma_start3A_101 = tpu.memref_squeeze %dma_start3A_100 : memref<1x1x16x128xi32, #tpu.memory_space<hbm>> -> memref<16x128xi32, #tpu.memory_space<hbm>>
    tpu.enqueue_dma source(%dma_start3A_101 : memref<16x128xi32, #tpu.memory_space<hbm>>) target(%arg10 : memref<16x128xi32, #tpu.memory_space<vmem>>) target_semaphore(%arg16 : memref<!tpu.dma_semaphore, #tpu.memory_space<semaphore_mem>>)
    %scan3A_102 = arith.constant 0 : i32
    %scan3A_103 = arith.constant 0 : i32
    %scan3A_104 = arith.constant 7 : i32
    %scan3A_105 = arith.addi %scan3A_103, %scan3A_104 : i32
    %scan3A_106 = arith.constant 1 : i32
    scf.for %scan3A_479 = %scan3A_103 to %scan3A_105 step %scan3A_106  : i32 {
      %mul3A_480 = arith.constant 2 : i32
      %mul3A_481 = arith.muli %scan3A_479, %mul3A_480 : i32
      %add3A_482 = arith.constant 1 : i32
      %add3A_483 = arith.addi %mul3A_481, %add3A_482 : i32
      %dma_start3A_484 = arith.constant 0 : i32
      %dma_start3A_485 = tpu.memref_slice %arg7[%add3A_483, %dma_start3A_484] : memref<16x128xi32, #tpu.memory_space<vmem>> -> memref<1x128xi32, #tpu.memory_space<vmem>>
      %dma_start3A_486 = tpu.memref_squeeze %dma_start3A_485 : memref<1x128xi32, #tpu.memory_space<vmem>> -> memref<128xi32, #tpu.memory_space<vmem>>
      %dma_start3A_487 = arith.constant 0 : i32
      %dma_start3A_488 = arith.constant 0 : i32
      %dma_start3A_489 = tpu.memref_slice %arg2[%dma_start3A_487, %dma_start3A_488] : memref<10000x128xf32, #tpu.memory_space<hbm>> -> memref<10000x128xf32, #tpu.memory_space<hbm>>
      tpu.enqueue_indirect_dma source(%dma_start3A_489 : memref<10000x128xf32, #tpu.memory_space<hbm>>) target(%arg12 : memref<128x128xf32, #tpu.memory_space<vmem>>) offsets(%dma_start3A_486 : memref<128xi32, #tpu.memory_space<vmem>>) semaphore(%arg15 : memref<!tpu.dma_semaphore, #tpu.memory_space<semaphore_mem>>)
      %dma_wait3A_490 = arith.constant 0 : i32
      %dma_wait3A_491 = arith.constant 0 : i32
      %dma_wait3A_492 = tpu.memref_slice %arg2[%dma_wait3A_490, %dma_wait3A_491] : memref<10000x128xf32, #tpu.memory_space<hbm>> -> memref<128x128xf32, #tpu.memory_space<hbm>>
      %dma_wait3A_493 = arith.constant 0 : i32
      %dma_wait3A_494 = arith.constant 0 : i32
      %dma_wait3A_495 = tpu.memref_slice %arg2[%dma_wait3A_493, %dma_wait3A_494] : memref<10000x128xf32, #tpu.memory_space<hbm>> -> memref<128x128xf32, #tpu.memory_space<hbm>>
      tpu.wait_dma2 semaphore(%arg14 : memref<!tpu.dma_semaphore, #tpu.memory_space<semaphore_mem>>) src(%dma_wait3A_495 : memref<128x128xf32, #tpu.memory_space<hbm>>) dst(%arg11 : memref<128x128xf32, #tpu.memory_space<vmem>>)
      "tpu.region"() ({
        %run_scoped3A_522 = tpu.sem_alloc : memref<!tpu.dma_semaphore, #tpu.memory_space<semaphore_mem>>
        %dma_start3A_523 = arith.constant 0 : i32
        %dma_start3A_524 = tpu.memref_slice %arg9[%mul3A_481, %dma_start3A_523] : memref<16x128xi32, #tpu.memory_space<vmem>> -> memref<1x128xi32, #tpu.memory_space<vmem>>
        %dma_start3A_525 = tpu.memref_squeeze %dma_start3A_524 : memref<1x128xi32, #tpu.memory_space<vmem>> -> memref<128xi32, #tpu.memory_space<vmem>>
        %dma_start3A_526 = arith.constant 0 : i32
        %dma_start3A_527 = arith.constant 0 : i32
        %dma_start3A_528 = tpu.memref_slice %arg13[%dma_start3A_526, %dma_start3A_527] : memref<10240x128xf32, #tpu.memory_space<vmem_shared>> -> memref<10240x128xf32, #tpu.memory_space<vmem_shared>>
        tpu.enqueue_indirect_dma source(%arg11 : memref<128x128xf32, #tpu.memory_space<vmem>>) target(%dma_start3A_528 : memref<10240x128xf32, #tpu.memory_space<vmem_shared>>) offsets(%dma_start3A_525 : memref<128xi32, #tpu.memory_space<vmem>>) semaphore(%run_scoped3A_522 : memref<!tpu.dma_semaphore, #tpu.memory_space<semaphore_mem>>) {add = true}
        %dma_wait3A_529 = arith.constant 0 : i32
        %dma_wait3A_530 = tpu.memref_slice %arg9[%mul3A_481, %dma_wait3A_529] : memref<16x128xi32, #tpu.memory_space<vmem>> -> memref<1x128xi32, #tpu.memory_space<vmem>>
        %dma_wait3A_531 = tpu.memref_squeeze %dma_wait3A_530 : memref<1x128xi32, #tpu.memory_space<vmem>> -> memref<128xi32, #tpu.memory_space<vmem>>
        %dma_wait3A_532 = arith.constant 0 : i32
        %dma_wait3A_533 = arith.constant 0 : i32
        %dma_wait3A_534 = tpu.memref_slice %arg13[%dma_wait3A_532, %dma_wait3A_533] : memref<10240x128xf32, #tpu.memory_space<vmem_shared>> -> memref<10240x128xf32, #tpu.memory_space<vmem_shared>>
        tpu.wait_indirect_dma semaphore(%run_scoped3A_522 : memref<!tpu.dma_semaphore, #tpu.memory_space<semaphore_mem>>) src(%arg11 : memref<128x128xf32, #tpu.memory_space<vmem>>) dst(%dma_wait3A_534 : memref<10240x128xf32, #tpu.memory_space<vmem_shared>>)
        tpu.yield
      }) : () -> ()
      %dma_start3A_496 = arith.constant 0 : i32
      %dma_start3A_497 = tpu.memref_slice %arg9[%mul3A_481, %dma_start3A_496] : memref<16x128xi32, #tpu.memory_space<vmem>> -> memref<1x128xi32, #tpu.memory_space<vmem>>
      %dma_start3A_498 = tpu.memref_squeeze %dma_start3A_497 : memref<1x128xi32, #tpu.memory_space<vmem>> -> memref<128xi32, #tpu.memory_space<vmem>>
      %dma_start3A_499 = arith.constant 0 : i32
      %dma_start3A_500 = tpu.memref_slice %arg20[%dma_start3A_499] : memref<10240xf32, #tpu.memory_space<vmem_shared>> -> memref<10240xf32, #tpu.memory_space<vmem_shared>>
      tpu.enqueue_indirect_dma source(%arg18 : memref<128xf32, #tpu.memory_space<vmem>>) target(%dma_start3A_500 : memref<10240xf32, #tpu.memory_space<vmem_shared>>) offsets(%dma_start3A_498 : memref<128xi32, #tpu.memory_space<vmem>>) semaphore(%arg17 : memref<!tpu.dma_semaphore, #tpu.memory_space<semaphore_mem>>) {add = true}
      %add3A_501 = arith.constant 2 : i32
      %add3A_502 = arith.addi %mul3A_481, %add3A_501 : i32
      %dma_start3A_503 = arith.constant 0 : i32
      %dma_start3A_504 = tpu.memref_slice %arg7[%add3A_502, %dma_start3A_503] : memref<16x128xi32, #tpu.memory_space<vmem>> -> memref<1x128xi32, #tpu.memory_space<vmem>>
      %dma_start3A_505 = tpu.memref_squeeze %dma_start3A_504 : memref<1x128xi32, #tpu.memory_space<vmem>> -> memref<128xi32, #tpu.memory_space<vmem>>
      %dma_start3A_506 = arith.constant 0 : i32
      %dma_start3A_507 = arith.constant 0 : i32
      %dma_start3A_508 = tpu.memref_slice %arg2[%dma_start3A_506, %dma_start3A_507] : memref<10000x128xf32, #tpu.memory_space<hbm>> -> memref<10000x128xf32, #tpu.memory_space<hbm>>
      tpu.enqueue_indirect_dma source(%dma_start3A_508 : memref<10000x128xf32, #tpu.memory_space<hbm>>) target(%arg11 : memref<128x128xf32, #tpu.memory_space<vmem>>) offsets(%dma_start3A_505 : memref<128xi32, #tpu.memory_space<vmem>>) semaphore(%arg14 : memref<!tpu.dma_semaphore, #tpu.memory_space<semaphore_mem>>)
      %dma_wait3A_509 = arith.constant 0 : i32
      %dma_wait3A_510 = arith.constant 0 : i32
      %dma_wait3A_511 = tpu.memref_slice %arg2[%dma_wait3A_509, %dma_wait3A_510] : memref<10000x128xf32, #tpu.memory_space<hbm>> -> memref<128x128xf32, #tpu.memory_space<hbm>>
      %dma_wait3A_512 = arith.constant 0 : i32
      %dma_wait3A_513 = arith.constant 0 : i32
      %dma_wait3A_514 = tpu.memref_slice %arg2[%dma_wait3A_512, %dma_wait3A_513] : memref<10000x128xf32, #tpu.memory_space<hbm>> -> memref<128x128xf32, #tpu.memory_space<hbm>>
      tpu.wait_dma2 semaphore(%arg15 : memref<!tpu.dma_semaphore, #tpu.memory_space<semaphore_mem>>) src(%dma_wait3A_514 : memref<128x128xf32, #tpu.memory_space<hbm>>) dst(%arg12 : memref<128x128xf32, #tpu.memory_space<vmem>>)
      %add3A_515 = arith.constant 1 : i32
      %add3A_516 = arith.addi %mul3A_481, %add3A_515 : i32
      "tpu.region"() ({
        %run_scoped3A_522 = tpu.sem_alloc : memref<!tpu.dma_semaphore, #tpu.memory_space<semaphore_mem>>
        %dma_start3A_523 = arith.constant 0 : i32
        %dma_start3A_524 = tpu.memref_slice %arg9[%add3A_516, %dma_start3A_523] : memref<16x128xi32, #tpu.memory_space<vmem>> -> memref<1x128xi32, #tpu.memory_space<vmem>>
        %dma_start3A_525 = tpu.memref_squeeze %dma_start3A_524 : memref<1x128xi32, #tpu.memory_space<vmem>> -> memref<128xi32, #tpu.memory_space<vmem>>
        %dma_start3A_526 = arith.constant 0 : i32
        %dma_start3A_527 = arith.constant 0 : i32
        %dma_start3A_528 = tpu.memref_slice %arg13[%dma_start3A_526, %dma_start3A_527] : memref<10240x128xf32, #tpu.memory_space<vmem_shared>> -> memref<10240x128xf32, #tpu.memory_space<vmem_shared>>
        tpu.enqueue_indirect_dma source(%arg12 : memref<128x128xf32, #tpu.memory_space<vmem>>) target(%dma_start3A_528 : memref<10240x128xf32, #tpu.memory_space<vmem_shared>>) offsets(%dma_start3A_525 : memref<128xi32, #tpu.memory_space<vmem>>) semaphore(%run_scoped3A_522 : memref<!tpu.dma_semaphore, #tpu.memory_space<semaphore_mem>>) {add = true}
        %dma_wait3A_529 = arith.constant 0 : i32
        %dma_wait3A_530 = tpu.memref_slice %arg9[%add3A_516, %dma_wait3A_529] : memref<16x128xi32, #tpu.memory_space<vmem>> -> memref<1x128xi32, #tpu.memory_space<vmem>>
        %dma_wait3A_531 = tpu.memref_squeeze %dma_wait3A_530 : memref<1x128xi32, #tpu.memory_space<vmem>> -> memref<128xi32, #tpu.memory_space<vmem>>
        %dma_wait3A_532 = arith.constant 0 : i32
        %dma_wait3A_533 = arith.constant 0 : i32
        %dma_wait3A_534 = tpu.memref_slice %arg13[%dma_wait3A_532, %dma_wait3A_533] : memref<10240x128xf32, #tpu.memory_space<vmem_shared>> -> memref<10240x128xf32, #tpu.memory_space<vmem_shared>>
        tpu.wait_indirect_dma semaphore(%run_scoped3A_522 : memref<!tpu.dma_semaphore, #tpu.memory_space<semaphore_mem>>) src(%arg12 : memref<128x128xf32, #tpu.memory_space<vmem>>) dst(%dma_wait3A_534 : memref<10240x128xf32, #tpu.memory_space<vmem_shared>>)
        tpu.yield
      }) : () -> ()
      %dma_start3A_517 = arith.constant 0 : i32
      %dma_start3A_518 = tpu.memref_slice %arg9[%add3A_516, %dma_start3A_517] : memref<16x128xi32, #tpu.memory_space<vmem>> -> memref<1x128xi32, #tpu.memory_space<vmem>>
      %dma_start3A_519 = tpu.memref_squeeze %dma_start3A_518 : memref<1x128xi32, #tpu.memory_space<vmem>> -> memref<128xi32, #tpu.memory_space<vmem>>
      %dma_start3A_520 = arith.constant 0 : i32
      %dma_start3A_521 = tpu.memref_slice %arg20[%dma_start3A_520] : memref<10240xf32, #tpu.memory_space<vmem_shared>> -> memref<10240xf32, #tpu.memory_space<vmem_shared>>
      tpu.enqueue_indirect_dma source(%arg18 : memref<128xf32, #tpu.memory_space<vmem>>) target(%dma_start3A_521 : memref<10240xf32, #tpu.memory_space<vmem_shared>>) offsets(%dma_start3A_519 : memref<128xi32, #tpu.memory_space<vmem>>) semaphore(%arg17 : memref<!tpu.dma_semaphore, #tpu.memory_space<semaphore_mem>>) {add = true}
    }
    %scan3A_107 = arith.constant 7 : i32
    %dma_start3A_108 = arith.constant 15 : i32
    %dma_start3A_109 = arith.constant 0 : i32
    %dma_start3A_110 = tpu.memref_slice %arg7[%dma_start3A_108, %dma_start3A_109] : memref<16x128xi32, #tpu.memory_space<vmem>> -> memref<1x128xi32, #tpu.memory_space<vmem>>
    %dma_start3A_111 = tpu.memref_squeeze %dma_start3A_110 : memref<1x128xi32, #tpu.memory_space<vmem>> -> memref<128xi32, #tpu.memory_space<vmem>>
    %dma_start3A_112 = arith.constant 0 : i32
    %dma_start3A_113 = arith.constant 0 : i32
    %dma_start3A_114 = tpu.memref_slice %arg2[%dma_start3A_112, %dma_start3A_113] : memref<10000x128xf32, #tpu.memory_space<hbm>> -> memref<10000x128xf32, #tpu.memory_space<hbm>>
    tpu.enqueue_indirect_dma source(%dma_start3A_114 : memref<10000x128xf32, #tpu.memory_space<hbm>>) target(%arg12 : memref<128x128xf32, #tpu.memory_space<vmem>>) offsets(%dma_start3A_111 : memref<128xi32, #tpu.memory_space<vmem>>) semaphore(%arg15 : memref<!tpu.dma_semaphore, #tpu.memory_space<semaphore_mem>>)
    %dma_wait3A_115 = arith.constant 0 : i32
    %dma_wait3A_116 = arith.constant 0 : i32
    %dma_wait3A_117 = tpu.memref_slice %arg2[%dma_wait3A_115, %dma_wait3A_116] : memref<10000x128xf32, #tpu.memory_space<hbm>> -> memref<128x128xf32, #tpu.memory_space<hbm>>
    %dma_wait3A_118 = arith.constant 0 : i32
    %dma_wait3A_119 = arith.constant 0 : i32
    %dma_wait3A_120 = tpu.memref_slice %arg2[%dma_wait3A_118, %dma_wait3A_119] : memref<10000x128xf32, #tpu.memory_space<hbm>> -> memref<128x128xf32, #tpu.memory_space<hbm>>
    tpu.wait_dma2 semaphore(%arg14 : memref<!tpu.dma_semaphore, #tpu.memory_space<semaphore_mem>>) src(%dma_wait3A_120 : memref<128x128xf32, #tpu.memory_space<hbm>>) dst(%arg11 : memref<128x128xf32, #tpu.memory_space<vmem>>)
    %run_scoped3A = arith.constant 14 : i32
    "tpu.region"() ({
      %run_scoped3A_479 = tpu.sem_alloc : memref<!tpu.dma_semaphore, #tpu.memory_space<semaphore_mem>>
      %dma_start3A_480 = arith.constant 0 : i32
      %dma_start3A_481 = tpu.memref_slice %arg9[%run_scoped3A, %dma_start3A_480] : memref<16x128xi32, #tpu.memory_space<vmem>> -> memref<1x128xi32, #tpu.memory_space<vmem>>
      %dma_start3A_482 = tpu.memref_squeeze %dma_start3A_481 : memref<1x128xi32, #tpu.memory_space<vmem>> -> memref<128xi32, #tpu.memory_space<vmem>>
      %dma_start3A_483 = arith.constant 0 : i32
      %dma_start3A_484 = arith.constant 0 : i32
      %dma_start3A_485 = tpu.memref_slice %arg13[%dma_start3A_483, %dma_start3A_484] : memref<10240x128xf32, #tpu.memory_space<vmem_shared>> -> memref<10240x128xf32, #tpu.memory_space<vmem_shared>>
      tpu.enqueue_indirect_dma source(%arg11 : memref<128x128xf32, #tpu.memory_space<vmem>>) target(%dma_start3A_485 : memref<10240x128xf32, #tpu.memory_space<vmem_shared>>) offsets(%dma_start3A_482 : memref<128xi32, #tpu.memory_space<vmem>>) semaphore(%run_scoped3A_479 : memref<!tpu.dma_semaphore, #tpu.memory_space<semaphore_mem>>) {add = true}
      %dma_wait3A_486 = arith.constant 0 : i32
      %dma_wait3A_487 = tpu.memref_slice %arg9[%run_scoped3A, %dma_wait3A_486] : memref<16x128xi32, #tpu.memory_space<vmem>> -> memref<1x128xi32, #tpu.memory_space<vmem>>
      %dma_wait3A_488 = tpu.memref_squeeze %dma_wait3A_487 : memref<1x128xi32, #tpu.memory_space<vmem>> -> memref<128xi32, #tpu.memory_space<vmem>>
      %dma_wait3A_489 = arith.constant 0 : i32
      %dma_wait3A_490 = arith.constant 0 : i32
      %dma_wait3A_491 = tpu.memref_slice %arg13[%dma_wait3A_489, %dma_wait3A_490] : memref<10240x128xf32, #tpu.memory_space<vmem_shared>> -> memref<10240x128xf32, #tpu.memory_space<vmem_shared>>
      tpu.wait_indirect_dma semaphore(%run_scoped3A_479 : memref<!tpu.dma_semaphore, #tpu.memory_space<semaphore_mem>>) src(%arg11 : memref<128x128xf32, #tpu.memory_space<vmem>>) dst(%dma_wait3A_491 : memref<10240x128xf32, #tpu.memory_space<vmem_shared>>)
      tpu.yield
    }) : () -> ()
    %dma_start3A_121 = arith.constant 14 : i32
    %dma_start3A_122 = arith.constant 0 : i32
    %dma_start3A_123 = tpu.memref_slice %arg9[%dma_start3A_121, %dma_start3A_122] : memref<16x128xi32, #tpu.memory_space<vmem>> -> memref<1x128xi32, #tpu.memory_space<vmem>>
    %dma_start3A_124 = tpu.memref_squeeze %dma_start3A_123 : memref<1x128xi32, #tpu.memory_space<vmem>> -> memref<128xi32, #tpu.memory_space<vmem>>
    %dma_start3A_125 = arith.constant 0 : i32
    %dma_start3A_126 = tpu.memref_slice %arg20[%dma_start3A_125] : memref<10240xf32, #tpu.memory_space<vmem_shared>> -> memref<10240xf32, #tpu.memory_space<vmem_shared>>
    tpu.enqueue_indirect_dma source(%arg18 : memref<128xf32, #tpu.memory_space<vmem>>) target(%dma_start3A_126 : memref<10240xf32, #tpu.memory_space<vmem_shared>>) offsets(%dma_start3A_124 : memref<128xi32, #tpu.memory_space<vmem>>) semaphore(%arg17 : memref<!tpu.dma_semaphore, #tpu.memory_space<semaphore_mem>>) {add = true}
    %dma_wait3A_127 = arith.constant 1 : i32
    %dma_wait3A_128 = arith.constant 0 : i32
    %dma_wait3A_129 = arith.constant 0 : i32
    %dma_wait3A_130 = tpu.memref_slice %arg3[%add3A, %dma_wait3A_127, %dma_wait3A_128, %dma_wait3A_129] : memref<32x5x16x128xi32, #tpu.memory_space<hbm>> -> memref<1x1x16x128xi32, #tpu.memory_space<hbm>>
    %dma_wait3A_131 = tpu.memref_squeeze %dma_wait3A_130 : memref<1x1x16x128xi32, #tpu.memory_space<hbm>> -> memref<16x128xi32, #tpu.memory_space<hbm>>
    %dma_wait3A_132 = arith.constant 0 : i32
    %dma_wait3A_133 = arith.constant 0 : i32
    %dma_wait3A_134 = tpu.memref_slice %arg3[%add3A, %dma_wait3A_127, %dma_wait3A_132, %dma_wait3A_133] : memref<32x5x16x128xi32, #tpu.memory_space<hbm>> -> memref<1x1x16x128xi32, #tpu.memory_space<hbm>>
    %dma_wait3A_135 = tpu.memref_squeeze %dma_wait3A_134 : memref<1x1x16x128xi32, #tpu.memory_space<hbm>> -> memref<16x128xi32, #tpu.memory_space<hbm>>
    tpu.wait_dma2 semaphore(%arg16 : memref<!tpu.dma_semaphore, #tpu.memory_space<semaphore_mem>>) src(%dma_wait3A_135 : memref<16x128xi32, #tpu.memory_space<hbm>>) dst(%arg8 : memref<16x128xi32, #tpu.memory_space<vmem>>)
    %dma_wait3A_136 = arith.constant 1 : i32
    %dma_wait3A_137 = arith.constant 0 : i32
    %dma_wait3A_138 = arith.constant 0 : i32
    %dma_wait3A_139 = tpu.memref_slice %arg4[%add3A, %dma_wait3A_136, %dma_wait3A_137, %dma_wait3A_138] : memref<32x5x16x128xi32, #tpu.memory_space<hbm>> -> memref<1x1x16x128xi32, #tpu.memory_space<hbm>>
    %dma_wait3A_140 = tpu.memref_squeeze %dma_wait3A_139 : memref<1x1x16x128xi32, #tpu.memory_space<hbm>> -> memref<16x128xi32, #tpu.memory_space<hbm>>
    %dma_wait3A_141 = arith.constant 0 : i32
    %dma_wait3A_142 = arith.constant 0 : i32
    %dma_wait3A_143 = tpu.memref_slice %arg4[%add3A, %dma_wait3A_136, %dma_wait3A_141, %dma_wait3A_142] : memref<32x5x16x128xi32, #tpu.memory_space<hbm>> -> memref<1x1x16x128xi32, #tpu.memory_space<hbm>>
    %dma_wait3A_144 = tpu.memref_squeeze %dma_wait3A_143 : memref<1x1x16x128xi32, #tpu.memory_space<hbm>> -> memref<16x128xi32, #tpu.memory_space<hbm>>
    tpu.wait_dma2 semaphore(%arg16 : memref<!tpu.dma_semaphore, #tpu.memory_space<semaphore_mem>>) src(%dma_wait3A_144 : memref<16x128xi32, #tpu.memory_space<hbm>>) dst(%arg10 : memref<16x128xi32, #tpu.memory_space<vmem>>)
    %dma_start3A_145 = arith.constant 0 : i32
    %dma_start3A_146 = arith.constant 0 : i32
    %dma_start3A_147 = tpu.memref_slice %arg8[%dma_start3A_145, %dma_start3A_146] : memref<16x128xi32, #tpu.memory_space<vmem>> -> memref<1x128xi32, #tpu.memory_space<vmem>>
    %dma_start3A_148 = tpu.memref_squeeze %dma_start3A_147 : memref<1x128xi32, #tpu.memory_space<vmem>> -> memref<128xi32, #tpu.memory_space<vmem>>
    %dma_start3A_149 = arith.constant 0 : i32
    %dma_start3A_150 = arith.constant 0 : i32
    %dma_start3A_151 = tpu.memref_slice %arg2[%dma_start3A_149, %dma_start3A_150] : memref<10000x128xf32, #tpu.memory_space<hbm>> -> memref<10000x128xf32, #tpu.memory_space<hbm>>
    tpu.enqueue_indirect_dma source(%dma_start3A_151 : memref<10000x128xf32, #tpu.memory_space<hbm>>) target(%arg11 : memref<128x128xf32, #tpu.memory_space<vmem>>) offsets(%dma_start3A_148 : memref<128xi32, #tpu.memory_space<vmem>>) semaphore(%arg14 : memref<!tpu.dma_semaphore, #tpu.memory_space<semaphore_mem>>)
    %dma_wait3A_152 = arith.constant 0 : i32
    %dma_wait3A_153 = arith.constant 0 : i32
    %dma_wait3A_154 = tpu.memref_slice %arg2[%dma_wait3A_152, %dma_wait3A_153] : memref<10000x128xf32, #tpu.memory_space<hbm>> -> memref<128x128xf32, #tpu.memory_space<hbm>>
    %dma_wait3A_155 = arith.constant 0 : i32
    %dma_wait3A_156 = arith.constant 0 : i32
    %dma_wait3A_157 = tpu.memref_slice %arg2[%dma_wait3A_155, %dma_wait3A_156] : memref<10000x128xf32, #tpu.memory_space<hbm>> -> memref<128x128xf32, #tpu.memory_space<hbm>>
    tpu.wait_dma2 semaphore(%arg15 : memref<!tpu.dma_semaphore, #tpu.memory_space<semaphore_mem>>) src(%dma_wait3A_157 : memref<128x128xf32, #tpu.memory_space<hbm>>) dst(%arg12 : memref<128x128xf32, #tpu.memory_space<vmem>>)
    %run_scoped3A_158 = arith.constant 15 : i32
    "tpu.region"() ({
      %run_scoped3A_479 = tpu.sem_alloc : memref<!tpu.dma_semaphore, #tpu.memory_space<semaphore_mem>>
      %dma_start3A_480 = arith.constant 0 : i32
      %dma_start3A_481 = tpu.memref_slice %arg9[%run_scoped3A_158, %dma_start3A_480] : memref<16x128xi32, #tpu.memory_space<vmem>> -> memref<1x128xi32, #tpu.memory_space<vmem>>
      %dma_start3A_482 = tpu.memref_squeeze %dma_start3A_481 : memref<1x128xi32, #tpu.memory_space<vmem>> -> memref<128xi32, #tpu.memory_space<vmem>>
      %dma_start3A_483 = arith.constant 0 : i32
      %dma_start3A_484 = arith.constant 0 : i32
      %dma_start3A_485 = tpu.memref_slice %arg13[%dma_start3A_483, %dma_start3A_484] : memref<10240x128xf32, #tpu.memory_space<vmem_shared>> -> memref<10240x128xf32, #tpu.memory_space<vmem_shared>>
      tpu.enqueue_indirect_dma source(%arg12 : memref<128x128xf32, #tpu.memory_space<vmem>>) target(%dma_start3A_485 : memref<10240x128xf32, #tpu.memory_space<vmem_shared>>) offsets(%dma_start3A_482 : memref<128xi32, #tpu.memory_space<vmem>>) semaphore(%run_scoped3A_479 : memref<!tpu.dma_semaphore, #tpu.memory_space<semaphore_mem>>) {add = true}
      %dma_wait3A_486 = arith.constant 0 : i32
      %dma_wait3A_487 = tpu.memref_slice %arg9[%run_scoped3A_158, %dma_wait3A_486] : memref<16x128xi32, #tpu.memory_space<vmem>> -> memref<1x128xi32, #tpu.memory_space<vmem>>
      %dma_wait3A_488 = tpu.memref_squeeze %dma_wait3A_487 : memref<1x128xi32, #tpu.memory_space<vmem>> -> memref<128xi32, #tpu.memory_space<vmem>>
      %dma_wait3A_489 = arith.constant 0 : i32
      %dma_wait3A_490 = arith.constant 0 : i32
      %dma_wait3A_491 = tpu.memref_slice %arg13[%dma_wait3A_489, %dma_wait3A_490] : memref<10240x128xf32, #tpu.memory_space<vmem_shared>> -> memref<10240x128xf32, #tpu.memory_space<vmem_shared>>
      tpu.wait_indirect_dma semaphore(%run_scoped3A_479 : memref<!tpu.dma_semaphore, #tpu.memory_space<semaphore_mem>>) src(%arg12 : memref<128x128xf32, #tpu.memory_space<vmem>>) dst(%dma_wait3A_491 : memref<10240x128xf32, #tpu.memory_space<vmem_shared>>)
      tpu.yield
    }) : () -> ()
    %dma_start3A_159 = arith.constant 15 : i32
    %dma_start3A_160 = arith.constant 0 : i32
    %dma_start3A_161 = tpu.memref_slice %arg9[%dma_start3A_159, %dma_start3A_160] : memref<16x128xi32, #tpu.memory_space<vmem>> -> memref<1x128xi32, #tpu.memory_space<vmem>>
    %dma_start3A_162 = tpu.memref_squeeze %dma_start3A_161 : memref<1x128xi32, #tpu.memory_space<vmem>> -> memref<128xi32, #tpu.memory_space<vmem>>
    %dma_start3A_163 = arith.constant 0 : i32
    %dma_start3A_164 = tpu.memref_slice %arg20[%dma_start3A_163] : memref<10240xf32, #tpu.memory_space<vmem_shared>> -> memref<10240xf32, #tpu.memory_space<vmem_shared>>
    tpu.enqueue_indirect_dma source(%arg18 : memref<128xf32, #tpu.memory_space<vmem>>) target(%dma_start3A_164 : memref<10240xf32, #tpu.memory_space<vmem_shared>>) offsets(%dma_start3A_162 : memref<128xi32, #tpu.memory_space<vmem>>) semaphore(%arg17 : memref<!tpu.dma_semaphore, #tpu.memory_space<semaphore_mem>>) {add = true}
    %dma_start3A_165 = arith.constant 2 : i32
    %dma_start3A_166 = arith.constant 0 : i32
    %dma_start3A_167 = arith.constant 0 : i32
    %dma_start3A_168 = tpu.memref_slice %arg3[%add3A, %dma_start3A_165, %dma_start3A_166, %dma_start3A_167] : memref<32x5x16x128xi32, #tpu.memory_space<hbm>> -> memref<1x1x16x128xi32, #tpu.memory_space<hbm>>
    %dma_start3A_169 = tpu.memref_squeeze %dma_start3A_168 : memref<1x1x16x128xi32, #tpu.memory_space<hbm>> -> memref<16x128xi32, #tpu.memory_space<hbm>>
    %dma_start3A_170 = arith.constant 0 : i32
    %dma_start3A_171 = arith.constant 0 : i32
    %dma_start3A_172 = tpu.memref_slice %arg3[%add3A, %dma_start3A_165, %dma_start3A_170, %dma_start3A_171] : memref<32x5x16x128xi32, #tpu.memory_space<hbm>> -> memref<1x1x16x128xi32, #tpu.memory_space<hbm>>
    %dma_start3A_173 = tpu.memref_squeeze %dma_start3A_172 : memref<1x1x16x128xi32, #tpu.memory_space<hbm>> -> memref<16x128xi32, #tpu.memory_space<hbm>>
    tpu.enqueue_dma source(%dma_start3A_173 : memref<16x128xi32, #tpu.memory_space<hbm>>) target(%arg7 : memref<16x128xi32, #tpu.memory_space<vmem>>) target_semaphore(%arg16 : memref<!tpu.dma_semaphore, #tpu.memory_space<semaphore_mem>>)
    %dma_start3A_174 = arith.constant 2 : i32
    %dma_start3A_175 = arith.constant 0 : i32
    %dma_start3A_176 = arith.constant 0 : i32
    %dma_start3A_177 = tpu.memref_slice %arg4[%add3A, %dma_start3A_174, %dma_start3A_175, %dma_start3A_176] : memref<32x5x16x128xi32, #tpu.memory_space<hbm>> -> memref<1x1x16x128xi32, #tpu.memory_space<hbm>>
    %dma_start3A_178 = tpu.memref_squeeze %dma_start3A_177 : memref<1x1x16x128xi32, #tpu.memory_space<hbm>> -> memref<16x128xi32, #tpu.memory_space<hbm>>
    %dma_start3A_179 = arith.constant 0 : i32
    %dma_start3A_180 = arith.constant 0 : i32
    %dma_start3A_181 = tpu.memref_slice %arg4[%add3A, %dma_start3A_174, %dma_start3A_179, %dma_start3A_180] : memref<32x5x16x128xi32, #tpu.memory_space<hbm>> -> memref<1x1x16x128xi32, #tpu.memory_space<hbm>>
    %dma_start3A_182 = tpu.memref_squeeze %dma_start3A_181 : memref<1x1x16x128xi32, #tpu.memory_space<hbm>> -> memref<16x128xi32, #tpu.memory_space<hbm>>
    tpu.enqueue_dma source(%dma_start3A_182 : memref<16x128xi32, #tpu.memory_space<hbm>>) target(%arg9 : memref<16x128xi32, #tpu.memory_space<vmem>>) target_semaphore(%arg16 : memref<!tpu.dma_semaphore, #tpu.memory_space<semaphore_mem>>)
    %scan3A_183 = arith.constant 0 : i32
    %scan3A_184 = arith.constant 0 : i32
    %scan3A_185 = arith.constant 7 : i32
    %scan3A_186 = arith.addi %scan3A_184, %scan3A_185 : i32
    %scan3A_187 = arith.constant 1 : i32
    scf.for %scan3A_479 = %scan3A_184 to %scan3A_186 step %scan3A_187  : i32 {
      %mul3A_480 = arith.constant 2 : i32
      %mul3A_481 = arith.muli %scan3A_479, %mul3A_480 : i32
      %add3A_482 = arith.constant 1 : i32
      %add3A_483 = arith.addi %mul3A_481, %add3A_482 : i32
      %dma_start3A_484 = arith.constant 0 : i32
      %dma_start3A_485 = tpu.memref_slice %arg8[%add3A_483, %dma_start3A_484] : memref<16x128xi32, #tpu.memory_space<vmem>> -> memref<1x128xi32, #tpu.memory_space<vmem>>
      %dma_start3A_486 = tpu.memref_squeeze %dma_start3A_485 : memref<1x128xi32, #tpu.memory_space<vmem>> -> memref<128xi32, #tpu.memory_space<vmem>>
      %dma_start3A_487 = arith.constant 0 : i32
      %dma_start3A_488 = arith.constant 0 : i32
      %dma_start3A_489 = tpu.memref_slice %arg2[%dma_start3A_487, %dma_start3A_488] : memref<10000x128xf32, #tpu.memory_space<hbm>> -> memref<10000x128xf32, #tpu.memory_space<hbm>>
      tpu.enqueue_indirect_dma source(%dma_start3A_489 : memref<10000x128xf32, #tpu.memory_space<hbm>>) target(%arg12 : memref<128x128xf32, #tpu.memory_space<vmem>>) offsets(%dma_start3A_486 : memref<128xi32, #tpu.memory_space<vmem>>) semaphore(%arg15 : memref<!tpu.dma_semaphore, #tpu.memory_space<semaphore_mem>>)
      %dma_wait3A_490 = arith.constant 0 : i32
      %dma_wait3A_491 = arith.constant 0 : i32
      %dma_wait3A_492 = tpu.memref_slice %arg2[%dma_wait3A_490, %dma_wait3A_491] : memref<10000x128xf32, #tpu.memory_space<hbm>> -> memref<128x128xf32, #tpu.memory_space<hbm>>
      %dma_wait3A_493 = arith.constant 0 : i32
      %dma_wait3A_494 = arith.constant 0 : i32
      %dma_wait3A_495 = tpu.memref_slice %arg2[%dma_wait3A_493, %dma_wait3A_494] : memref<10000x128xf32, #tpu.memory_space<hbm>> -> memref<128x128xf32, #tpu.memory_space<hbm>>
      tpu.wait_dma2 semaphore(%arg14 : memref<!tpu.dma_semaphore, #tpu.memory_space<semaphore_mem>>) src(%dma_wait3A_495 : memref<128x128xf32, #tpu.memory_space<hbm>>) dst(%arg11 : memref<128x128xf32, #tpu.memory_space<vmem>>)
      "tpu.region"() ({
        %run_scoped3A_522 = tpu.sem_alloc : memref<!tpu.dma_semaphore, #tpu.memory_space<semaphore_mem>>
        %dma_start3A_523 = arith.constant 0 : i32
        %dma_start3A_524 = tpu.memref_slice %arg10[%mul3A_481, %dma_start3A_523] : memref<16x128xi32, #tpu.memory_space<vmem>> -> memref<1x128xi32, #tpu.memory_space<vmem>>
        %dma_start3A_525 = tpu.memref_squeeze %dma_start3A_524 : memref<1x128xi32, #tpu.memory_space<vmem>> -> memref<128xi32, #tpu.memory_space<vmem>>
        %dma_start3A_526 = arith.constant 0 : i32
        %dma_start3A_527 = arith.constant 0 : i32
        %dma_start3A_528 = tpu.memref_slice %arg13[%dma_start3A_526, %dma_start3A_527] : memref<10240x128xf32, #tpu.memory_space<vmem_shared>> -> memref<10240x128xf32, #tpu.memory_space<vmem_shared>>
        tpu.enqueue_indirect_dma source(%arg11 : memref<128x128xf32, #tpu.memory_space<vmem>>) target(%dma_start3A_528 : memref<10240x128xf32, #tpu.memory_space<vmem_shared>>) offsets(%dma_start3A_525 : memref<128xi32, #tpu.memory_space<vmem>>) semaphore(%run_scoped3A_522 : memref<!tpu.dma_semaphore, #tpu.memory_space<semaphore_mem>>) {add = true}
        %dma_wait3A_529 = arith.constant 0 : i32
        %dma_wait3A_530 = tpu.memref_slice %arg10[%mul3A_481, %dma_wait3A_529] : memref<16x128xi32, #tpu.memory_space<vmem>> -> memref<1x128xi32, #tpu.memory_space<vmem>>
        %dma_wait3A_531 = tpu.memref_squeeze %dma_wait3A_530 : memref<1x128xi32, #tpu.memory_space<vmem>> -> memref<128xi32, #tpu.memory_space<vmem>>
        %dma_wait3A_532 = arith.constant 0 : i32
        %dma_wait3A_533 = arith.constant 0 : i32
        %dma_wait3A_534 = tpu.memref_slice %arg13[%dma_wait3A_532, %dma_wait3A_533] : memref<10240x128xf32, #tpu.memory_space<vmem_shared>> -> memref<10240x128xf32, #tpu.memory_space<vmem_shared>>
        tpu.wait_indirect_dma semaphore(%run_scoped3A_522 : memref<!tpu.dma_semaphore, #tpu.memory_space<semaphore_mem>>) src(%arg11 : memref<128x128xf32, #tpu.memory_space<vmem>>) dst(%dma_wait3A_534 : memref<10240x128xf32, #tpu.memory_space<vmem_shared>>)
        tpu.yield
      }) : () -> ()
      %dma_start3A_496 = arith.constant 0 : i32
      %dma_start3A_497 = tpu.memref_slice %arg10[%mul3A_481, %dma_start3A_496] : memref<16x128xi32, #tpu.memory_space<vmem>> -> memref<1x128xi32, #tpu.memory_space<vmem>>
      %dma_start3A_498 = tpu.memref_squeeze %dma_start3A_497 : memref<1x128xi32, #tpu.memory_space<vmem>> -> memref<128xi32, #tpu.memory_space<vmem>>
      %dma_start3A_499 = arith.constant 0 : i32
      %dma_start3A_500 = tpu.memref_slice %arg20[%dma_start3A_499] : memref<10240xf32, #tpu.memory_space<vmem_shared>> -> memref<10240xf32, #tpu.memory_space<vmem_shared>>
      tpu.enqueue_indirect_dma source(%arg18 : memref<128xf32, #tpu.memory_space<vmem>>) target(%dma_start3A_500 : memref<10240xf32, #tpu.memory_space<vmem_shared>>) offsets(%dma_start3A_498 : memref<128xi32, #tpu.memory_space<vmem>>) semaphore(%arg17 : memref<!tpu.dma_semaphore, #tpu.memory_space<semaphore_mem>>) {add = true}
      %add3A_501 = arith.constant 2 : i32
      %add3A_502 = arith.addi %mul3A_481, %add3A_501 : i32
      %dma_start3A_503 = arith.constant 0 : i32
      %dma_start3A_504 = tpu.memref_slice %arg8[%add3A_502, %dma_start3A_503] : memref<16x128xi32, #tpu.memory_space<vmem>> -> memref<1x128xi32, #tpu.memory_space<vmem>>
      %dma_start3A_505 = tpu.memref_squeeze %dma_start3A_504 : memref<1x128xi32, #tpu.memory_space<vmem>> -> memref<128xi32, #tpu.memory_space<vmem>>
      %dma_start3A_506 = arith.constant 0 : i32
      %dma_start3A_507 = arith.constant 0 : i32
      %dma_start3A_508 = tpu.memref_slice %arg2[%dma_start3A_506, %dma_start3A_507] : memref<10000x128xf32, #tpu.memory_space<hbm>> -> memref<10000x128xf32, #tpu.memory_space<hbm>>
      tpu.enqueue_indirect_dma source(%dma_start3A_508 : memref<10000x128xf32, #tpu.memory_space<hbm>>) target(%arg11 : memref<128x128xf32, #tpu.memory_space<vmem>>) offsets(%dma_start3A_505 : memref<128xi32, #tpu.memory_space<vmem>>) semaphore(%arg14 : memref<!tpu.dma_semaphore, #tpu.memory_space<semaphore_mem>>)
      %dma_wait3A_509 = arith.constant 0 : i32
      %dma_wait3A_510 = arith.constant 0 : i32
      %dma_wait3A_511 = tpu.memref_slice %arg2[%dma_wait3A_509, %dma_wait3A_510] : memref<10000x128xf32, #tpu.memory_space<hbm>> -> memref<128x128xf32, #tpu.memory_space<hbm>>
      %dma_wait3A_512 = arith.constant 0 : i32
      %dma_wait3A_513 = arith.constant 0 : i32
      %dma_wait3A_514 = tpu.memref_slice %arg2[%dma_wait3A_512, %dma_wait3A_513] : memref<10000x128xf32, #tpu.memory_space<hbm>> -> memref<128x128xf32, #tpu.memory_space<hbm>>
      tpu.wait_dma2 semaphore(%arg15 : memref<!tpu.dma_semaphore, #tpu.memory_space<semaphore_mem>>) src(%dma_wait3A_514 : memref<128x128xf32, #tpu.memory_space<hbm>>) dst(%arg12 : memref<128x128xf32, #tpu.memory_space<vmem>>)
      %add3A_515 = arith.constant 1 : i32
      %add3A_516 = arith.addi %mul3A_481, %add3A_515 : i32
      "tpu.region"() ({
        %run_scoped3A_522 = tpu.sem_alloc : memref<!tpu.dma_semaphore, #tpu.memory_space<semaphore_mem>>
        %dma_start3A_523 = arith.constant 0 : i32
        %dma_start3A_524 = tpu.memref_slice %arg10[%add3A_516, %dma_start3A_523] : memref<16x128xi32, #tpu.memory_space<vmem>> -> memref<1x128xi32, #tpu.memory_space<vmem>>
        %dma_start3A_525 = tpu.memref_squeeze %dma_start3A_524 : memref<1x128xi32, #tpu.memory_space<vmem>> -> memref<128xi32, #tpu.memory_space<vmem>>
        %dma_start3A_526 = arith.constant 0 : i32
        %dma_start3A_527 = arith.constant 0 : i32
        %dma_start3A_528 = tpu.memref_slice %arg13[%dma_start3A_526, %dma_start3A_527] : memref<10240x128xf32, #tpu.memory_space<vmem_shared>> -> memref<10240x128xf32, #tpu.memory_space<vmem_shared>>
        tpu.enqueue_indirect_dma source(%arg12 : memref<128x128xf32, #tpu.memory_space<vmem>>) target(%dma_start3A_528 : memref<10240x128xf32, #tpu.memory_space<vmem_shared>>) offsets(%dma_start3A_525 : memref<128xi32, #tpu.memory_space<vmem>>) semaphore(%run_scoped3A_522 : memref<!tpu.dma_semaphore, #tpu.memory_space<semaphore_mem>>) {add = true}
        %dma_wait3A_529 = arith.constant 0 : i32
        %dma_wait3A_530 = tpu.memref_slice %arg10[%add3A_516, %dma_wait3A_529] : memref<16x128xi32, #tpu.memory_space<vmem>> -> memref<1x128xi32, #tpu.memory_space<vmem>>
        %dma_wait3A_531 = tpu.memref_squeeze %dma_wait3A_530 : memref<1x128xi32, #tpu.memory_space<vmem>> -> memref<128xi32, #tpu.memory_space<vmem>>
        %dma_wait3A_532 = arith.constant 0 : i32
        %dma_wait3A_533 = arith.constant 0 : i32
        %dma_wait3A_534 = tpu.memref_slice %arg13[%dma_wait3A_532, %dma_wait3A_533] : memref<10240x128xf32, #tpu.memory_space<vmem_shared>> -> memref<10240x128xf32, #tpu.memory_space<vmem_shared>>
        tpu.wait_indirect_dma semaphore(%run_scoped3A_522 : memref<!tpu.dma_semaphore, #tpu.memory_space<semaphore_mem>>) src(%arg12 : memref<128x128xf32, #tpu.memory_space<vmem>>) dst(%dma_wait3A_534 : memref<10240x128xf32, #tpu.memory_space<vmem_shared>>)
        tpu.yield
      }) : () -> ()
      %dma_start3A_517 = arith.constant 0 : i32
      %dma_start3A_518 = tpu.memref_slice %arg10[%add3A_516, %dma_start3A_517] : memref<16x128xi32, #tpu.memory_space<vmem>> -> memref<1x128xi32, #tpu.memory_space<vmem>>
      %dma_start3A_519 = tpu.memref_squeeze %dma_start3A_518 : memref<1x128xi32, #tpu.memory_space<vmem>> -> memref<128xi32, #tpu.memory_space<vmem>>
      %dma_start3A_520 = arith.constant 0 : i32
      %dma_start3A_521 = tpu.memref_slice %arg20[%dma_start3A_520] : memref<10240xf32, #tpu.memory_space<vmem_shared>> -> memref<10240xf32, #tpu.memory_space<vmem_shared>>
      tpu.enqueue_indirect_dma source(%arg18 : memref<128xf32, #tpu.memory_space<vmem>>) target(%dma_start3A_521 : memref<10240xf32, #tpu.memory_space<vmem_shared>>) offsets(%dma_start3A_519 : memref<128xi32, #tpu.memory_space<vmem>>) semaphore(%arg17 : memref<!tpu.dma_semaphore, #tpu.memory_space<semaphore_mem>>) {add = true}
    }
    %scan3A_188 = arith.constant 7 : i32
    %dma_start3A_189 = arith.constant 15 : i32
    %dma_start3A_190 = arith.constant 0 : i32
    %dma_start3A_191 = tpu.memref_slice %arg8[%dma_start3A_189, %dma_start3A_190] : memref<16x128xi32, #tpu.memory_space<vmem>> -> memref<1x128xi32, #tpu.memory_space<vmem>>
    %dma_start3A_192 = tpu.memref_squeeze %dma_start3A_191 : memref<1x128xi32, #tpu.memory_space<vmem>> -> memref<128xi32, #tpu.memory_space<vmem>>
    %dma_start3A_193 = arith.constant 0 : i32
    %dma_start3A_194 = arith.constant 0 : i32
    %dma_start3A_195 = tpu.memref_slice %arg2[%dma_start3A_193, %dma_start3A_194] : memref<10000x128xf32, #tpu.memory_space<hbm>> -> memref<10000x128xf32, #tpu.memory_space<hbm>>
    tpu.enqueue_indirect_dma source(%dma_start3A_195 : memref<10000x128xf32, #tpu.memory_space<hbm>>) target(%arg12 : memref<128x128xf32, #tpu.memory_space<vmem>>) offsets(%dma_start3A_192 : memref<128xi32, #tpu.memory_space<vmem>>) semaphore(%arg15 : memref<!tpu.dma_semaphore, #tpu.memory_space<semaphore_mem>>)
    %dma_wait3A_196 = arith.constant 0 : i32
    %dma_wait3A_197 = arith.constant 0 : i32
    %dma_wait3A_198 = tpu.memref_slice %arg2[%dma_wait3A_196, %dma_wait3A_197] : memref<10000x128xf32, #tpu.memory_space<hbm>> -> memref<128x128xf32, #tpu.memory_space<hbm>>
    %dma_wait3A_199 = arith.constant 0 : i32
    %dma_wait3A_200 = arith.constant 0 : i32
    %dma_wait3A_201 = tpu.memref_slice %arg2[%dma_wait3A_199, %dma_wait3A_200] : memref<10000x128xf32, #tpu.memory_space<hbm>> -> memref<128x128xf32, #tpu.memory_space<hbm>>
    tpu.wait_dma2 semaphore(%arg14 : memref<!tpu.dma_semaphore, #tpu.memory_space<semaphore_mem>>) src(%dma_wait3A_201 : memref<128x128xf32, #tpu.memory_space<hbm>>) dst(%arg11 : memref<128x128xf32, #tpu.memory_space<vmem>>)
    %run_scoped3A_202 = arith.constant 14 : i32
    "tpu.region"() ({
      %run_scoped3A_479 = tpu.sem_alloc : memref<!tpu.dma_semaphore, #tpu.memory_space<semaphore_mem>>
      %dma_start3A_480 = arith.constant 0 : i32
      %dma_start3A_481 = tpu.memref_slice %arg10[%run_scoped3A_202, %dma_start3A_480] : memref<16x128xi32, #tpu.memory_space<vmem>> -> memref<1x128xi32, #tpu.memory_space<vmem>>
      %dma_start3A_482 = tpu.memref_squeeze %dma_start3A_481 : memref<1x128xi32, #tpu.memory_space<vmem>> -> memref<128xi32, #tpu.memory_space<vmem>>
      %dma_start3A_483 = arith.constant 0 : i32
      %dma_start3A_484 = arith.constant 0 : i32
      %dma_start3A_485 = tpu.memref_slice %arg13[%dma_start3A_483, %dma_start3A_484] : memref<10240x128xf32, #tpu.memory_space<vmem_shared>> -> memref<10240x128xf32, #tpu.memory_space<vmem_shared>>
      tpu.enqueue_indirect_dma source(%arg11 : memref<128x128xf32, #tpu.memory_space<vmem>>) target(%dma_start3A_485 : memref<10240x128xf32, #tpu.memory_space<vmem_shared>>) offsets(%dma_start3A_482 : memref<128xi32, #tpu.memory_space<vmem>>) semaphore(%run_scoped3A_479 : memref<!tpu.dma_semaphore, #tpu.memory_space<semaphore_mem>>) {add = true}
      %dma_wait3A_486 = arith.constant 0 : i32
      %dma_wait3A_487 = tpu.memref_slice %arg10[%run_scoped3A_202, %dma_wait3A_486] : memref<16x128xi32, #tpu.memory_space<vmem>> -> memref<1x128xi32, #tpu.memory_space<vmem>>
      %dma_wait3A_488 = tpu.memref_squeeze %dma_wait3A_487 : memref<1x128xi32, #tpu.memory_space<vmem>> -> memref<128xi32, #tpu.memory_space<vmem>>
      %dma_wait3A_489 = arith.constant 0 : i32
      %dma_wait3A_490 = arith.constant 0 : i32
      %dma_wait3A_491 = tpu.memref_slice %arg13[%dma_wait3A_489, %dma_wait3A_490] : memref<10240x128xf32, #tpu.memory_space<vmem_shared>> -> memref<10240x128xf32, #tpu.memory_space<vmem_shared>>
      tpu.wait_indirect_dma semaphore(%run_scoped3A_479 : memref<!tpu.dma_semaphore, #tpu.memory_space<semaphore_mem>>) src(%arg11 : memref<128x128xf32, #tpu.memory_space<vmem>>) dst(%dma_wait3A_491 : memref<10240x128xf32, #tpu.memory_space<vmem_shared>>)
      tpu.yield
    }) : () -> ()
    %dma_start3A_203 = arith.constant 14 : i32
    %dma_start3A_204 = arith.constant 0 : i32
    %dma_start3A_205 = tpu.memref_slice %arg10[%dma_start3A_203, %dma_start3A_204] : memref<16x128xi32, #tpu.memory_space<vmem>> -> memref<1x128xi32, #tpu.memory_space<vmem>>
    %dma_start3A_206 = tpu.memref_squeeze %dma_start3A_205 : memref<1x128xi32, #tpu.memory_space<vmem>> -> memref<128xi32, #tpu.memory_space<vmem>>
    %dma_start3A_207 = arith.constant 0 : i32
    %dma_start3A_208 = tpu.memref_slice %arg20[%dma_start3A_207] : memref<10240xf32, #tpu.memory_space<vmem_shared>> -> memref<10240xf32, #tpu.memory_space<vmem_shared>>
    tpu.enqueue_indirect_dma source(%arg18 : memref<128xf32, #tpu.memory_space<vmem>>) target(%dma_start3A_208 : memref<10240xf32, #tpu.memory_space<vmem_shared>>) offsets(%dma_start3A_206 : memref<128xi32, #tpu.memory_space<vmem>>) semaphore(%arg17 : memref<!tpu.dma_semaphore, #tpu.memory_space<semaphore_mem>>) {add = true}
    %dma_wait3A_209 = arith.constant 2 : i32
    %dma_wait3A_210 = arith.constant 0 : i32
    %dma_wait3A_211 = arith.constant 0 : i32
    %dma_wait3A_212 = tpu.memref_slice %arg3[%add3A, %dma_wait3A_209, %dma_wait3A_210, %dma_wait3A_211] : memref<32x5x16x128xi32, #tpu.memory_space<hbm>> -> memref<1x1x16x128xi32, #tpu.memory_space<hbm>>
    %dma_wait3A_213 = tpu.memref_squeeze %dma_wait3A_212 : memref<1x1x16x128xi32, #tpu.memory_space<hbm>> -> memref<16x128xi32, #tpu.memory_space<hbm>>
    %dma_wait3A_214 = arith.constant 0 : i32
    %dma_wait3A_215 = arith.constant 0 : i32
    %dma_wait3A_216 = tpu.memref_slice %arg3[%add3A, %dma_wait3A_209, %dma_wait3A_214, %dma_wait3A_215] : memref<32x5x16x128xi32, #tpu.memory_space<hbm>> -> memref<1x1x16x128xi32, #tpu.memory_space<hbm>>
    %dma_wait3A_217 = tpu.memref_squeeze %dma_wait3A_216 : memref<1x1x16x128xi32, #tpu.memory_space<hbm>> -> memref<16x128xi32, #tpu.memory_space<hbm>>
    tpu.wait_dma2 semaphore(%arg16 : memref<!tpu.dma_semaphore, #tpu.memory_space<semaphore_mem>>) src(%dma_wait3A_217 : memref<16x128xi32, #tpu.memory_space<hbm>>) dst(%arg7 : memref<16x128xi32, #tpu.memory_space<vmem>>)
    %dma_wait3A_218 = arith.constant 2 : i32
    %dma_wait3A_219 = arith.constant 0 : i32
    %dma_wait3A_220 = arith.constant 0 : i32
    %dma_wait3A_221 = tpu.memref_slice %arg4[%add3A, %dma_wait3A_218, %dma_wait3A_219, %dma_wait3A_220] : memref<32x5x16x128xi32, #tpu.memory_space<hbm>> -> memref<1x1x16x128xi32, #tpu.memory_space<hbm>>
    %dma_wait3A_222 = tpu.memref_squeeze %dma_wait3A_221 : memref<1x1x16x128xi32, #tpu.memory_space<hbm>> -> memref<16x128xi32, #tpu.memory_space<hbm>>
    %dma_wait3A_223 = arith.constant 0 : i32
    %dma_wait3A_224 = arith.constant 0 : i32
    %dma_wait3A_225 = tpu.memref_slice %arg4[%add3A, %dma_wait3A_218, %dma_wait3A_223, %dma_wait3A_224] : memref<32x5x16x128xi32, #tpu.memory_space<hbm>> -> memref<1x1x16x128xi32, #tpu.memory_space<hbm>>
    %dma_wait3A_226 = tpu.memref_squeeze %dma_wait3A_225 : memref<1x1x16x128xi32, #tpu.memory_space<hbm>> -> memref<16x128xi32, #tpu.memory_space<hbm>>
    tpu.wait_dma2 semaphore(%arg16 : memref<!tpu.dma_semaphore, #tpu.memory_space<semaphore_mem>>) src(%dma_wait3A_226 : memref<16x128xi32, #tpu.memory_space<hbm>>) dst(%arg9 : memref<16x128xi32, #tpu.memory_space<vmem>>)
    %dma_start3A_227 = arith.constant 0 : i32
    %dma_start3A_228 = arith.constant 0 : i32
    %dma_start3A_229 = tpu.memref_slice %arg7[%dma_start3A_227, %dma_start3A_228] : memref<16x128xi32, #tpu.memory_space<vmem>> -> memref<1x128xi32, #tpu.memory_space<vmem>>
    %dma_start3A_230 = tpu.memref_squeeze %dma_start3A_229 : memref<1x128xi32, #tpu.memory_space<vmem>> -> memref<128xi32, #tpu.memory_space<vmem>>
    %dma_start3A_231 = arith.constant 0 : i32
    %dma_start3A_232 = arith.constant 0 : i32
    %dma_start3A_233 = tpu.memref_slice %arg2[%dma_start3A_231, %dma_start3A_232] : memref<10000x128xf32, #tpu.memory_space<hbm>> -> memref<10000x128xf32, #tpu.memory_space<hbm>>
    tpu.enqueue_indirect_dma source(%dma_start3A_233 : memref<10000x128xf32, #tpu.memory_space<hbm>>) target(%arg11 : memref<128x128xf32, #tpu.memory_space<vmem>>) offsets(%dma_start3A_230 : memref<128xi32, #tpu.memory_space<vmem>>) semaphore(%arg14 : memref<!tpu.dma_semaphore, #tpu.memory_space<semaphore_mem>>)
    %dma_wait3A_234 = arith.constant 0 : i32
    %dma_wait3A_235 = arith.constant 0 : i32
    %dma_wait3A_236 = tpu.memref_slice %arg2[%dma_wait3A_234, %dma_wait3A_235] : memref<10000x128xf32, #tpu.memory_space<hbm>> -> memref<128x128xf32, #tpu.memory_space<hbm>>
    %dma_wait3A_237 = arith.constant 0 : i32
    %dma_wait3A_238 = arith.constant 0 : i32
    %dma_wait3A_239 = tpu.memref_slice %arg2[%dma_wait3A_237, %dma_wait3A_238] : memref<10000x128xf32, #tpu.memory_space<hbm>> -> memref<128x128xf32, #tpu.memory_space<hbm>>
    tpu.wait_dma2 semaphore(%arg15 : memref<!tpu.dma_semaphore, #tpu.memory_space<semaphore_mem>>) src(%dma_wait3A_239 : memref<128x128xf32, #tpu.memory_space<hbm>>) dst(%arg12 : memref<128x128xf32, #tpu.memory_space<vmem>>)
    %run_scoped3A_240 = arith.constant 15 : i32
    "tpu.region"() ({
      %run_scoped3A_479 = tpu.sem_alloc : memref<!tpu.dma_semaphore, #tpu.memory_space<semaphore_mem>>
      %dma_start3A_480 = arith.constant 0 : i32
      %dma_start3A_481 = tpu.memref_slice %arg10[%run_scoped3A_240, %dma_start3A_480] : memref<16x128xi32, #tpu.memory_space<vmem>> -> memref<1x128xi32, #tpu.memory_space<vmem>>
      %dma_start3A_482 = tpu.memref_squeeze %dma_start3A_481 : memref<1x128xi32, #tpu.memory_space<vmem>> -> memref<128xi32, #tpu.memory_space<vmem>>
      %dma_start3A_483 = arith.constant 0 : i32
      %dma_start3A_484 = arith.constant 0 : i32
      %dma_start3A_485 = tpu.memref_slice %arg13[%dma_start3A_483, %dma_start3A_484] : memref<10240x128xf32, #tpu.memory_space<vmem_shared>> -> memref<10240x128xf32, #tpu.memory_space<vmem_shared>>
      tpu.enqueue_indirect_dma source(%arg12 : memref<128x128xf32, #tpu.memory_space<vmem>>) target(%dma_start3A_485 : memref<10240x128xf32, #tpu.memory_space<vmem_shared>>) offsets(%dma_start3A_482 : memref<128xi32, #tpu.memory_space<vmem>>) semaphore(%run_scoped3A_479 : memref<!tpu.dma_semaphore, #tpu.memory_space<semaphore_mem>>) {add = true}
      %dma_wait3A_486 = arith.constant 0 : i32
      %dma_wait3A_487 = tpu.memref_slice %arg10[%run_scoped3A_240, %dma_wait3A_486] : memref<16x128xi32, #tpu.memory_space<vmem>> -> memref<1x128xi32, #tpu.memory_space<vmem>>
      %dma_wait3A_488 = tpu.memref_squeeze %dma_wait3A_487 : memref<1x128xi32, #tpu.memory_space<vmem>> -> memref<128xi32, #tpu.memory_space<vmem>>
      %dma_wait3A_489 = arith.constant 0 : i32
      %dma_wait3A_490 = arith.constant 0 : i32
      %dma_wait3A_491 = tpu.memref_slice %arg13[%dma_wait3A_489, %dma_wait3A_490] : memref<10240x128xf32, #tpu.memory_space<vmem_shared>> -> memref<10240x128xf32, #tpu.memory_space<vmem_shared>>
      tpu.wait_indirect_dma semaphore(%run_scoped3A_479 : memref<!tpu.dma_semaphore, #tpu.memory_space<semaphore_mem>>) src(%arg12 : memref<128x128xf32, #tpu.memory_space<vmem>>) dst(%dma_wait3A_491 : memref<10240x128xf32, #tpu.memory_space<vmem_shared>>)
      tpu.yield
    }) : () -> ()
    %dma_start3A_241 = arith.constant 15 : i32
    %dma_start3A_242 = arith.constant 0 : i32
    %dma_start3A_243 = tpu.memref_slice %arg10[%dma_start3A_241, %dma_start3A_242] : memref<16x128xi32, #tpu.memory_space<vmem>> -> memref<1x128xi32, #tpu.memory_space<vmem>>
    %dma_start3A_244 = tpu.memref_squeeze %dma_start3A_243 : memref<1x128xi32, #tpu.memory_space<vmem>> -> memref<128xi32, #tpu.memory_space<vmem>>
    %dma_start3A_245 = arith.constant 0 : i32
    %dma_start3A_246 = tpu.memref_slice %arg20[%dma_start3A_245] : memref<10240xf32, #tpu.memory_space<vmem_shared>> -> memref<10240xf32, #tpu.memory_space<vmem_shared>>
    tpu.enqueue_indirect_dma source(%arg18 : memref<128xf32, #tpu.memory_space<vmem>>) target(%dma_start3A_246 : memref<10240xf32, #tpu.memory_space<vmem_shared>>) offsets(%dma_start3A_244 : memref<128xi32, #tpu.memory_space<vmem>>) semaphore(%arg17 : memref<!tpu.dma_semaphore, #tpu.memory_space<semaphore_mem>>) {add = true}
    %dma_start3A_247 = arith.constant 3 : i32
    %dma_start3A_248 = arith.constant 0 : i32
    %dma_start3A_249 = arith.constant 0 : i32
    %dma_start3A_250 = tpu.memref_slice %arg3[%add3A, %dma_start3A_247, %dma_start3A_248, %dma_start3A_249] : memref<32x5x16x128xi32, #tpu.memory_space<hbm>> -> memref<1x1x16x128xi32, #tpu.memory_space<hbm>>
    %dma_start3A_251 = tpu.memref_squeeze %dma_start3A_250 : memref<1x1x16x128xi32, #tpu.memory_space<hbm>> -> memref<16x128xi32, #tpu.memory_space<hbm>>
    %dma_start3A_252 = arith.constant 0 : i32
    %dma_start3A_253 = arith.constant 0 : i32
    %dma_start3A_254 = tpu.memref_slice %arg3[%add3A, %dma_start3A_247, %dma_start3A_252, %dma_start3A_253] : memref<32x5x16x128xi32, #tpu.memory_space<hbm>> -> memref<1x1x16x128xi32, #tpu.memory_space<hbm>>
    %dma_start3A_255 = tpu.memref_squeeze %dma_start3A_254 : memref<1x1x16x128xi32, #tpu.memory_space<hbm>> -> memref<16x128xi32, #tpu.memory_space<hbm>>
    tpu.enqueue_dma source(%dma_start3A_255 : memref<16x128xi32, #tpu.memory_space<hbm>>) target(%arg8 : memref<16x128xi32, #tpu.memory_space<vmem>>) target_semaphore(%arg16 : memref<!tpu.dma_semaphore, #tpu.memory_space<semaphore_mem>>)
    %dma_start3A_256 = arith.constant 3 : i32
    %dma_start3A_257 = arith.constant 0 : i32
    %dma_start3A_258 = arith.constant 0 : i32
    %dma_start3A_259 = tpu.memref_slice %arg4[%add3A, %dma_start3A_256, %dma_start3A_257, %dma_start3A_258] : memref<32x5x16x128xi32, #tpu.memory_space<hbm>> -> memref<1x1x16x128xi32, #tpu.memory_space<hbm>>
    %dma_start3A_260 = tpu.memref_squeeze %dma_start3A_259 : memref<1x1x16x128xi32, #tpu.memory_space<hbm>> -> memref<16x128xi32, #tpu.memory_space<hbm>>
    %dma_start3A_261 = arith.constant 0 : i32
    %dma_start3A_262 = arith.constant 0 : i32
    %dma_start3A_263 = tpu.memref_slice %arg4[%add3A, %dma_start3A_256, %dma_start3A_261, %dma_start3A_262] : memref<32x5x16x128xi32, #tpu.memory_space<hbm>> -> memref<1x1x16x128xi32, #tpu.memory_space<hbm>>
    %dma_start3A_264 = tpu.memref_squeeze %dma_start3A_263 : memref<1x1x16x128xi32, #tpu.memory_space<hbm>> -> memref<16x128xi32, #tpu.memory_space<hbm>>
    tpu.enqueue_dma source(%dma_start3A_264 : memref<16x128xi32, #tpu.memory_space<hbm>>) target(%arg10 : memref<16x128xi32, #tpu.memory_space<vmem>>) target_semaphore(%arg16 : memref<!tpu.dma_semaphore, #tpu.memory_space<semaphore_mem>>)
    %scan3A_265 = arith.constant 0 : i32
    %scan3A_266 = arith.constant 0 : i32
    %scan3A_267 = arith.constant 7 : i32
    %scan3A_268 = arith.addi %scan3A_266, %scan3A_267 : i32
    %scan3A_269 = arith.constant 1 : i32
    scf.for %scan3A_479 = %scan3A_266 to %scan3A_268 step %scan3A_269  : i32 {
      %mul3A_480 = arith.constant 2 : i32
      %mul3A_481 = arith.muli %scan3A_479, %mul3A_480 : i32
      %add3A_482 = arith.constant 1 : i32
      %add3A_483 = arith.addi %mul3A_481, %add3A_482 : i32
      %dma_start3A_484 = arith.constant 0 : i32
      %dma_start3A_485 = tpu.memref_slice %arg7[%add3A_483, %dma_start3A_484] : memref<16x128xi32, #tpu.memory_space<vmem>> -> memref<1x128xi32, #tpu.memory_space<vmem>>
      %dma_start3A_486 = tpu.memref_squeeze %dma_start3A_485 : memref<1x128xi32, #tpu.memory_space<vmem>> -> memref<128xi32, #tpu.memory_space<vmem>>
      %dma_start3A_487 = arith.constant 0 : i32
      %dma_start3A_488 = arith.constant 0 : i32
      %dma_start3A_489 = tpu.memref_slice %arg2[%dma_start3A_487, %dma_start3A_488] : memref<10000x128xf32, #tpu.memory_space<hbm>> -> memref<10000x128xf32, #tpu.memory_space<hbm>>
      tpu.enqueue_indirect_dma source(%dma_start3A_489 : memref<10000x128xf32, #tpu.memory_space<hbm>>) target(%arg12 : memref<128x128xf32, #tpu.memory_space<vmem>>) offsets(%dma_start3A_486 : memref<128xi32, #tpu.memory_space<vmem>>) semaphore(%arg15 : memref<!tpu.dma_semaphore, #tpu.memory_space<semaphore_mem>>)
      %dma_wait3A_490 = arith.constant 0 : i32
      %dma_wait3A_491 = arith.constant 0 : i32
      %dma_wait3A_492 = tpu.memref_slice %arg2[%dma_wait3A_490, %dma_wait3A_491] : memref<10000x128xf32, #tpu.memory_space<hbm>> -> memref<128x128xf32, #tpu.memory_space<hbm>>
      %dma_wait3A_493 = arith.constant 0 : i32
      %dma_wait3A_494 = arith.constant 0 : i32
      %dma_wait3A_495 = tpu.memref_slice %arg2[%dma_wait3A_493, %dma_wait3A_494] : memref<10000x128xf32, #tpu.memory_space<hbm>> -> memref<128x128xf32, #tpu.memory_space<hbm>>
      tpu.wait_dma2 semaphore(%arg14 : memref<!tpu.dma_semaphore, #tpu.memory_space<semaphore_mem>>) src(%dma_wait3A_495 : memref<128x128xf32, #tpu.memory_space<hbm>>) dst(%arg11 : memref<128x128xf32, #tpu.memory_space<vmem>>)
      "tpu.region"() ({
        %run_scoped3A_522 = tpu.sem_alloc : memref<!tpu.dma_semaphore, #tpu.memory_space<semaphore_mem>>
        %dma_start3A_523 = arith.constant 0 : i32
        %dma_start3A_524 = tpu.memref_slice %arg9[%mul3A_481, %dma_start3A_523] : memref<16x128xi32, #tpu.memory_space<vmem>> -> memref<1x128xi32, #tpu.memory_space<vmem>>
        %dma_start3A_525 = tpu.memref_squeeze %dma_start3A_524 : memref<1x128xi32, #tpu.memory_space<vmem>> -> memref<128xi32, #tpu.memory_space<vmem>>
        %dma_start3A_526 = arith.constant 0 : i32
        %dma_start3A_527 = arith.constant 0 : i32
        %dma_start3A_528 = tpu.memref_slice %arg13[%dma_start3A_526, %dma_start3A_527] : memref<10240x128xf32, #tpu.memory_space<vmem_shared>> -> memref<10240x128xf32, #tpu.memory_space<vmem_shared>>
        tpu.enqueue_indirect_dma source(%arg11 : memref<128x128xf32, #tpu.memory_space<vmem>>) target(%dma_start3A_528 : memref<10240x128xf32, #tpu.memory_space<vmem_shared>>) offsets(%dma_start3A_525 : memref<128xi32, #tpu.memory_space<vmem>>) semaphore(%run_scoped3A_522 : memref<!tpu.dma_semaphore, #tpu.memory_space<semaphore_mem>>) {add = true}
        %dma_wait3A_529 = arith.constant 0 : i32
        %dma_wait3A_530 = tpu.memref_slice %arg9[%mul3A_481, %dma_wait3A_529] : memref<16x128xi32, #tpu.memory_space<vmem>> -> memref<1x128xi32, #tpu.memory_space<vmem>>
        %dma_wait3A_531 = tpu.memref_squeeze %dma_wait3A_530 : memref<1x128xi32, #tpu.memory_space<vmem>> -> memref<128xi32, #tpu.memory_space<vmem>>
        %dma_wait3A_532 = arith.constant 0 : i32
        %dma_wait3A_533 = arith.constant 0 : i32
        %dma_wait3A_534 = tpu.memref_slice %arg13[%dma_wait3A_532, %dma_wait3A_533] : memref<10240x128xf32, #tpu.memory_space<vmem_shared>> -> memref<10240x128xf32, #tpu.memory_space<vmem_shared>>
        tpu.wait_indirect_dma semaphore(%run_scoped3A_522 : memref<!tpu.dma_semaphore, #tpu.memory_space<semaphore_mem>>) src(%arg11 : memref<128x128xf32, #tpu.memory_space<vmem>>) dst(%dma_wait3A_534 : memref<10240x128xf32, #tpu.memory_space<vmem_shared>>)
        tpu.yield
      }) : () -> ()
      %dma_start3A_496 = arith.constant 0 : i32
      %dma_start3A_497 = tpu.memref_slice %arg9[%mul3A_481, %dma_start3A_496] : memref<16x128xi32, #tpu.memory_space<vmem>> -> memref<1x128xi32, #tpu.memory_space<vmem>>
      %dma_start3A_498 = tpu.memref_squeeze %dma_start3A_497 : memref<1x128xi32, #tpu.memory_space<vmem>> -> memref<128xi32, #tpu.memory_space<vmem>>
      %dma_start3A_499 = arith.constant 0 : i32
      %dma_start3A_500 = tpu.memref_slice %arg20[%dma_start3A_499] : memref<10240xf32, #tpu.memory_space<vmem_shared>> -> memref<10240xf32, #tpu.memory_space<vmem_shared>>
      tpu.enqueue_indirect_dma source(%arg18 : memref<128xf32, #tpu.memory_space<vmem>>) target(%dma_start3A_500 : memref<10240xf32, #tpu.memory_space<vmem_shared>>) offsets(%dma_start3A_498 : memref<128xi32, #tpu.memory_space<vmem>>) semaphore(%arg17 : memref<!tpu.dma_semaphore, #tpu.memory_space<semaphore_mem>>) {add = true}
      %add3A_501 = arith.constant 2 : i32
      %add3A_502 = arith.addi %mul3A_481, %add3A_501 : i32
      %dma_start3A_503 = arith.constant 0 : i32
      %dma_start3A_504 = tpu.memref_slice %arg7[%add3A_502, %dma_start3A_503] : memref<16x128xi32, #tpu.memory_space<vmem>> -> memref<1x128xi32, #tpu.memory_space<vmem>>
      %dma_start3A_505 = tpu.memref_squeeze %dma_start3A_504 : memref<1x128xi32, #tpu.memory_space<vmem>> -> memref<128xi32, #tpu.memory_space<vmem>>
      %dma_start3A_506 = arith.constant 0 : i32
      %dma_start3A_507 = arith.constant 0 : i32
      %dma_start3A_508 = tpu.memref_slice %arg2[%dma_start3A_506, %dma_start3A_507] : memref<10000x128xf32, #tpu.memory_space<hbm>> -> memref<10000x128xf32, #tpu.memory_space<hbm>>
      tpu.enqueue_indirect_dma source(%dma_start3A_508 : memref<10000x128xf32, #tpu.memory_space<hbm>>) target(%arg11 : memref<128x128xf32, #tpu.memory_space<vmem>>) offsets(%dma_start3A_505 : memref<128xi32, #tpu.memory_space<vmem>>) semaphore(%arg14 : memref<!tpu.dma_semaphore, #tpu.memory_space<semaphore_mem>>)
      %dma_wait3A_509 = arith.constant 0 : i32
      %dma_wait3A_510 = arith.constant 0 : i32
      %dma_wait3A_511 = tpu.memref_slice %arg2[%dma_wait3A_509, %dma_wait3A_510] : memref<10000x128xf32, #tpu.memory_space<hbm>> -> memref<128x128xf32, #tpu.memory_space<hbm>>
      %dma_wait3A_512 = arith.constant 0 : i32
      %dma_wait3A_513 = arith.constant 0 : i32
      %dma_wait3A_514 = tpu.memref_slice %arg2[%dma_wait3A_512, %dma_wait3A_513] : memref<10000x128xf32, #tpu.memory_space<hbm>> -> memref<128x128xf32, #tpu.memory_space<hbm>>
      tpu.wait_dma2 semaphore(%arg15 : memref<!tpu.dma_semaphore, #tpu.memory_space<semaphore_mem>>) src(%dma_wait3A_514 : memref<128x128xf32, #tpu.memory_space<hbm>>) dst(%arg12 : memref<128x128xf32, #tpu.memory_space<vmem>>)
      %add3A_515 = arith.constant 1 : i32
      %add3A_516 = arith.addi %mul3A_481, %add3A_515 : i32
      "tpu.region"() ({
        %run_scoped3A_522 = tpu.sem_alloc : memref<!tpu.dma_semaphore, #tpu.memory_space<semaphore_mem>>
        %dma_start3A_523 = arith.constant 0 : i32
        %dma_start3A_524 = tpu.memref_slice %arg9[%add3A_516, %dma_start3A_523] : memref<16x128xi32, #tpu.memory_space<vmem>> -> memref<1x128xi32, #tpu.memory_space<vmem>>
        %dma_start3A_525 = tpu.memref_squeeze %dma_start3A_524 : memref<1x128xi32, #tpu.memory_space<vmem>> -> memref<128xi32, #tpu.memory_space<vmem>>
        %dma_start3A_526 = arith.constant 0 : i32
        %dma_start3A_527 = arith.constant 0 : i32
        %dma_start3A_528 = tpu.memref_slice %arg13[%dma_start3A_526, %dma_start3A_527] : memref<10240x128xf32, #tpu.memory_space<vmem_shared>> -> memref<10240x128xf32, #tpu.memory_space<vmem_shared>>
        tpu.enqueue_indirect_dma source(%arg12 : memref<128x128xf32, #tpu.memory_space<vmem>>) target(%dma_start3A_528 : memref<10240x128xf32, #tpu.memory_space<vmem_shared>>) offsets(%dma_start3A_525 : memref<128xi32, #tpu.memory_space<vmem>>) semaphore(%run_scoped3A_522 : memref<!tpu.dma_semaphore, #tpu.memory_space<semaphore_mem>>) {add = true}
        %dma_wait3A_529 = arith.constant 0 : i32
        %dma_wait3A_530 = tpu.memref_slice %arg9[%add3A_516, %dma_wait3A_529] : memref<16x128xi32, #tpu.memory_space<vmem>> -> memref<1x128xi32, #tpu.memory_space<vmem>>
        %dma_wait3A_531 = tpu.memref_squeeze %dma_wait3A_530 : memref<1x128xi32, #tpu.memory_space<vmem>> -> memref<128xi32, #tpu.memory_space<vmem>>
        %dma_wait3A_532 = arith.constant 0 : i32
        %dma_wait3A_533 = arith.constant 0 : i32
        %dma_wait3A_534 = tpu.memref_slice %arg13[%dma_wait3A_532, %dma_wait3A_533] : memref<10240x128xf32, #tpu.memory_space<vmem_shared>> -> memref<10240x128xf32, #tpu.memory_space<vmem_shared>>
        tpu.wait_indirect_dma semaphore(%run_scoped3A_522 : memref<!tpu.dma_semaphore, #tpu.memory_space<semaphore_mem>>) src(%arg12 : memref<128x128xf32, #tpu.memory_space<vmem>>) dst(%dma_wait3A_534 : memref<10240x128xf32, #tpu.memory_space<vmem_shared>>)
        tpu.yield
      }) : () -> ()
      %dma_start3A_517 = arith.constant 0 : i32
      %dma_start3A_518 = tpu.memref_slice %arg9[%add3A_516, %dma_start3A_517] : memref<16x128xi32, #tpu.memory_space<vmem>> -> memref<1x128xi32, #tpu.memory_space<vmem>>
      %dma_start3A_519 = tpu.memref_squeeze %dma_start3A_518 : memref<1x128xi32, #tpu.memory_space<vmem>> -> memref<128xi32, #tpu.memory_space<vmem>>
      %dma_start3A_520 = arith.constant 0 : i32
      %dma_start3A_521 = tpu.memref_slice %arg20[%dma_start3A_520] : memref<10240xf32, #tpu.memory_space<vmem_shared>> -> memref<10240xf32, #tpu.memory_space<vmem_shared>>
      tpu.enqueue_indirect_dma source(%arg18 : memref<128xf32, #tpu.memory_space<vmem>>) target(%dma_start3A_521 : memref<10240xf32, #tpu.memory_space<vmem_shared>>) offsets(%dma_start3A_519 : memref<128xi32, #tpu.memory_space<vmem>>) semaphore(%arg17 : memref<!tpu.dma_semaphore, #tpu.memory_space<semaphore_mem>>) {add = true}
    }
    %scan3A_270 = arith.constant 7 : i32
    %dma_start3A_271 = arith.constant 15 : i32
    %dma_start3A_272 = arith.constant 0 : i32
    %dma_start3A_273 = tpu.memref_slice %arg7[%dma_start3A_271, %dma_start3A_272] : memref<16x128xi32, #tpu.memory_space<vmem>> -> memref<1x128xi32, #tpu.memory_space<vmem>>
    %dma_start3A_274 = tpu.memref_squeeze %dma_start3A_273 : memref<1x128xi32, #tpu.memory_space<vmem>> -> memref<128xi32, #tpu.memory_space<vmem>>
    %dma_start3A_275 = arith.constant 0 : i32
    %dma_start3A_276 = arith.constant 0 : i32
    %dma_start3A_277 = tpu.memref_slice %arg2[%dma_start3A_275, %dma_start3A_276] : memref<10000x128xf32, #tpu.memory_space<hbm>> -> memref<10000x128xf32, #tpu.memory_space<hbm>>
    tpu.enqueue_indirect_dma source(%dma_start3A_277 : memref<10000x128xf32, #tpu.memory_space<hbm>>) target(%arg12 : memref<128x128xf32, #tpu.memory_space<vmem>>) offsets(%dma_start3A_274 : memref<128xi32, #tpu.memory_space<vmem>>) semaphore(%arg15 : memref<!tpu.dma_semaphore, #tpu.memory_space<semaphore_mem>>)
    %dma_wait3A_278 = arith.constant 0 : i32
    %dma_wait3A_279 = arith.constant 0 : i32
    %dma_wait3A_280 = tpu.memref_slice %arg2[%dma_wait3A_278, %dma_wait3A_279] : memref<10000x128xf32, #tpu.memory_space<hbm>> -> memref<128x128xf32, #tpu.memory_space<hbm>>
    %dma_wait3A_281 = arith.constant 0 : i32
    %dma_wait3A_282 = arith.constant 0 : i32
    %dma_wait3A_283 = tpu.memref_slice %arg2[%dma_wait3A_281, %dma_wait3A_282] : memref<10000x128xf32, #tpu.memory_space<hbm>> -> memref<128x128xf32, #tpu.memory_space<hbm>>
    tpu.wait_dma2 semaphore(%arg14 : memref<!tpu.dma_semaphore, #tpu.memory_space<semaphore_mem>>) src(%dma_wait3A_283 : memref<128x128xf32, #tpu.memory_space<hbm>>) dst(%arg11 : memref<128x128xf32, #tpu.memory_space<vmem>>)
    %run_scoped3A_284 = arith.constant 14 : i32
    "tpu.region"() ({
      %run_scoped3A_479 = tpu.sem_alloc : memref<!tpu.dma_semaphore, #tpu.memory_space<semaphore_mem>>
      %dma_start3A_480 = arith.constant 0 : i32
      %dma_start3A_481 = tpu.memref_slice %arg9[%run_scoped3A_284, %dma_start3A_480] : memref<16x128xi32, #tpu.memory_space<vmem>> -> memref<1x128xi32, #tpu.memory_space<vmem>>
      %dma_start3A_482 = tpu.memref_squeeze %dma_start3A_481 : memref<1x128xi32, #tpu.memory_space<vmem>> -> memref<128xi32, #tpu.memory_space<vmem>>
      %dma_start3A_483 = arith.constant 0 : i32
      %dma_start3A_484 = arith.constant 0 : i32
      %dma_start3A_485 = tpu.memref_slice %arg13[%dma_start3A_483, %dma_start3A_484] : memref<10240x128xf32, #tpu.memory_space<vmem_shared>> -> memref<10240x128xf32, #tpu.memory_space<vmem_shared>>
      tpu.enqueue_indirect_dma source(%arg11 : memref<128x128xf32, #tpu.memory_space<vmem>>) target(%dma_start3A_485 : memref<10240x128xf32, #tpu.memory_space<vmem_shared>>) offsets(%dma_start3A_482 : memref<128xi32, #tpu.memory_space<vmem>>) semaphore(%run_scoped3A_479 : memref<!tpu.dma_semaphore, #tpu.memory_space<semaphore_mem>>) {add = true}
      %dma_wait3A_486 = arith.constant 0 : i32
      %dma_wait3A_487 = tpu.memref_slice %arg9[%run_scoped3A_284, %dma_wait3A_486] : memref<16x128xi32, #tpu.memory_space<vmem>> -> memref<1x128xi32, #tpu.memory_space<vmem>>
      %dma_wait3A_488 = tpu.memref_squeeze %dma_wait3A_487 : memref<1x128xi32, #tpu.memory_space<vmem>> -> memref<128xi32, #tpu.memory_space<vmem>>
      %dma_wait3A_489 = arith.constant 0 : i32
      %dma_wait3A_490 = arith.constant 0 : i32
      %dma_wait3A_491 = tpu.memref_slice %arg13[%dma_wait3A_489, %dma_wait3A_490] : memref<10240x128xf32, #tpu.memory_space<vmem_shared>> -> memref<10240x128xf32, #tpu.memory_space<vmem_shared>>
      tpu.wait_indirect_dma semaphore(%run_scoped3A_479 : memref<!tpu.dma_semaphore, #tpu.memory_space<semaphore_mem>>) src(%arg11 : memref<128x128xf32, #tpu.memory_space<vmem>>) dst(%dma_wait3A_491 : memref<10240x128xf32, #tpu.memory_space<vmem_shared>>)
      tpu.yield
    }) : () -> ()
    %dma_start3A_285 = arith.constant 14 : i32
    %dma_start3A_286 = arith.constant 0 : i32
    %dma_start3A_287 = tpu.memref_slice %arg9[%dma_start3A_285, %dma_start3A_286] : memref<16x128xi32, #tpu.memory_space<vmem>> -> memref<1x128xi32, #tpu.memory_space<vmem>>
    %dma_start3A_288 = tpu.memref_squeeze %dma_start3A_287 : memref<1x128xi32, #tpu.memory_space<vmem>> -> memref<128xi32, #tpu.memory_space<vmem>>
    %dma_start3A_289 = arith.constant 0 : i32
    %dma_start3A_290 = tpu.memref_slice %arg20[%dma_start3A_289] : memref<10240xf32, #tpu.memory_space<vmem_shared>> -> memref<10240xf32, #tpu.memory_space<vmem_shared>>
    tpu.enqueue_indirect_dma source(%arg18 : memref<128xf32, #tpu.memory_space<vmem>>) target(%dma_start3A_290 : memref<10240xf32, #tpu.memory_space<vmem_shared>>) offsets(%dma_start3A_288 : memref<128xi32, #tpu.memory_space<vmem>>) semaphore(%arg17 : memref<!tpu.dma_semaphore, #tpu.memory_space<semaphore_mem>>) {add = true}
    %dma_wait3A_291 = arith.constant 3 : i32
    %dma_wait3A_292 = arith.constant 0 : i32
    %dma_wait3A_293 = arith.constant 0 : i32
    %dma_wait3A_294 = tpu.memref_slice %arg3[%add3A, %dma_wait3A_291, %dma_wait3A_292, %dma_wait3A_293] : memref<32x5x16x128xi32, #tpu.memory_space<hbm>> -> memref<1x1x16x128xi32, #tpu.memory_space<hbm>>
    %dma_wait3A_295 = tpu.memref_squeeze %dma_wait3A_294 : memref<1x1x16x128xi32, #tpu.memory_space<hbm>> -> memref<16x128xi32, #tpu.memory_space<hbm>>
    %dma_wait3A_296 = arith.constant 0 : i32
    %dma_wait3A_297 = arith.constant 0 : i32
    %dma_wait3A_298 = tpu.memref_slice %arg3[%add3A, %dma_wait3A_291, %dma_wait3A_296, %dma_wait3A_297] : memref<32x5x16x128xi32, #tpu.memory_space<hbm>> -> memref<1x1x16x128xi32, #tpu.memory_space<hbm>>
    %dma_wait3A_299 = tpu.memref_squeeze %dma_wait3A_298 : memref<1x1x16x128xi32, #tpu.memory_space<hbm>> -> memref<16x128xi32, #tpu.memory_space<hbm>>
    tpu.wait_dma2 semaphore(%arg16 : memref<!tpu.dma_semaphore, #tpu.memory_space<semaphore_mem>>) src(%dma_wait3A_299 : memref<16x128xi32, #tpu.memory_space<hbm>>) dst(%arg8 : memref<16x128xi32, #tpu.memory_space<vmem>>)
    %dma_wait3A_300 = arith.constant 3 : i32
    %dma_wait3A_301 = arith.constant 0 : i32
    %dma_wait3A_302 = arith.constant 0 : i32
    %dma_wait3A_303 = tpu.memref_slice %arg4[%add3A, %dma_wait3A_300, %dma_wait3A_301, %dma_wait3A_302] : memref<32x5x16x128xi32, #tpu.memory_space<hbm>> -> memref<1x1x16x128xi32, #tpu.memory_space<hbm>>
    %dma_wait3A_304 = tpu.memref_squeeze %dma_wait3A_303 : memref<1x1x16x128xi32, #tpu.memory_space<hbm>> -> memref<16x128xi32, #tpu.memory_space<hbm>>
    %dma_wait3A_305 = arith.constant 0 : i32
    %dma_wait3A_306 = arith.constant 0 : i32
    %dma_wait3A_307 = tpu.memref_slice %arg4[%add3A, %dma_wait3A_300, %dma_wait3A_305, %dma_wait3A_306] : memref<32x5x16x128xi32, #tpu.memory_space<hbm>> -> memref<1x1x16x128xi32, #tpu.memory_space<hbm>>
    %dma_wait3A_308 = tpu.memref_squeeze %dma_wait3A_307 : memref<1x1x16x128xi32, #tpu.memory_space<hbm>> -> memref<16x128xi32, #tpu.memory_space<hbm>>
    tpu.wait_dma2 semaphore(%arg16 : memref<!tpu.dma_semaphore, #tpu.memory_space<semaphore_mem>>) src(%dma_wait3A_308 : memref<16x128xi32, #tpu.memory_space<hbm>>) dst(%arg10 : memref<16x128xi32, #tpu.memory_space<vmem>>)
    %dma_start3A_309 = arith.constant 0 : i32
    %dma_start3A_310 = arith.constant 0 : i32
    %dma_start3A_311 = tpu.memref_slice %arg8[%dma_start3A_309, %dma_start3A_310] : memref<16x128xi32, #tpu.memory_space<vmem>> -> memref<1x128xi32, #tpu.memory_space<vmem>>
    %dma_start3A_312 = tpu.memref_squeeze %dma_start3A_311 : memref<1x128xi32, #tpu.memory_space<vmem>> -> memref<128xi32, #tpu.memory_space<vmem>>
    %dma_start3A_313 = arith.constant 0 : i32
    %dma_start3A_314 = arith.constant 0 : i32
    %dma_start3A_315 = tpu.memref_slice %arg2[%dma_start3A_313, %dma_start3A_314] : memref<10000x128xf32, #tpu.memory_space<hbm>> -> memref<10000x128xf32, #tpu.memory_space<hbm>>
    tpu.enqueue_indirect_dma source(%dma_start3A_315 : memref<10000x128xf32, #tpu.memory_space<hbm>>) target(%arg11 : memref<128x128xf32, #tpu.memory_space<vmem>>) offsets(%dma_start3A_312 : memref<128xi32, #tpu.memory_space<vmem>>) semaphore(%arg14 : memref<!tpu.dma_semaphore, #tpu.memory_space<semaphore_mem>>)
    %dma_wait3A_316 = arith.constant 0 : i32
    %dma_wait3A_317 = arith.constant 0 : i32
    %dma_wait3A_318 = tpu.memref_slice %arg2[%dma_wait3A_316, %dma_wait3A_317] : memref<10000x128xf32, #tpu.memory_space<hbm>> -> memref<128x128xf32, #tpu.memory_space<hbm>>
    %dma_wait3A_319 = arith.constant 0 : i32
    %dma_wait3A_320 = arith.constant 0 : i32
    %dma_wait3A_321 = tpu.memref_slice %arg2[%dma_wait3A_319, %dma_wait3A_320] : memref<10000x128xf32, #tpu.memory_space<hbm>> -> memref<128x128xf32, #tpu.memory_space<hbm>>
    tpu.wait_dma2 semaphore(%arg15 : memref<!tpu.dma_semaphore, #tpu.memory_space<semaphore_mem>>) src(%dma_wait3A_321 : memref<128x128xf32, #tpu.memory_space<hbm>>) dst(%arg12 : memref<128x128xf32, #tpu.memory_space<vmem>>)
    %run_scoped3A_322 = arith.constant 15 : i32
    "tpu.region"() ({
      %run_scoped3A_479 = tpu.sem_alloc : memref<!tpu.dma_semaphore, #tpu.memory_space<semaphore_mem>>
      %dma_start3A_480 = arith.constant 0 : i32
      %dma_start3A_481 = tpu.memref_slice %arg9[%run_scoped3A_322, %dma_start3A_480] : memref<16x128xi32, #tpu.memory_space<vmem>> -> memref<1x128xi32, #tpu.memory_space<vmem>>
      %dma_start3A_482 = tpu.memref_squeeze %dma_start3A_481 : memref<1x128xi32, #tpu.memory_space<vmem>> -> memref<128xi32, #tpu.memory_space<vmem>>
      %dma_start3A_483 = arith.constant 0 : i32
      %dma_start3A_484 = arith.constant 0 : i32
      %dma_start3A_485 = tpu.memref_slice %arg13[%dma_start3A_483, %dma_start3A_484] : memref<10240x128xf32, #tpu.memory_space<vmem_shared>> -> memref<10240x128xf32, #tpu.memory_space<vmem_shared>>
      tpu.enqueue_indirect_dma source(%arg12 : memref<128x128xf32, #tpu.memory_space<vmem>>) target(%dma_start3A_485 : memref<10240x128xf32, #tpu.memory_space<vmem_shared>>) offsets(%dma_start3A_482 : memref<128xi32, #tpu.memory_space<vmem>>) semaphore(%run_scoped3A_479 : memref<!tpu.dma_semaphore, #tpu.memory_space<semaphore_mem>>) {add = true}
      %dma_wait3A_486 = arith.constant 0 : i32
      %dma_wait3A_487 = tpu.memref_slice %arg9[%run_scoped3A_322, %dma_wait3A_486] : memref<16x128xi32, #tpu.memory_space<vmem>> -> memref<1x128xi32, #tpu.memory_space<vmem>>
      %dma_wait3A_488 = tpu.memref_squeeze %dma_wait3A_487 : memref<1x128xi32, #tpu.memory_space<vmem>> -> memref<128xi32, #tpu.memory_space<vmem>>
      %dma_wait3A_489 = arith.constant 0 : i32
      %dma_wait3A_490 = arith.constant 0 : i32
      %dma_wait3A_491 = tpu.memref_slice %arg13[%dma_wait3A_489, %dma_wait3A_490] : memref<10240x128xf32, #tpu.memory_space<vmem_shared>> -> memref<10240x128xf32, #tpu.memory_space<vmem_shared>>
      tpu.wait_indirect_dma semaphore(%run_scoped3A_479 : memref<!tpu.dma_semaphore, #tpu.memory_space<semaphore_mem>>) src(%arg12 : memref<128x128xf32, #tpu.memory_space<vmem>>) dst(%dma_wait3A_491 : memref<10240x128xf32, #tpu.memory_space<vmem_shared>>)
      tpu.yield
    }) : () -> ()
    %dma_start3A_323 = arith.constant 15 : i32
    %dma_start3A_324 = arith.constant 0 : i32
    %dma_start3A_325 = tpu.memref_slice %arg9[%dma_start3A_323, %dma_start3A_324] : memref<16x128xi32, #tpu.memory_space<vmem>> -> memref<1x128xi32, #tpu.memory_space<vmem>>
    %dma_start3A_326 = tpu.memref_squeeze %dma_start3A_325 : memref<1x128xi32, #tpu.memory_space<vmem>> -> memref<128xi32, #tpu.memory_space<vmem>>
    %dma_start3A_327 = arith.constant 0 : i32
    %dma_start3A_328 = tpu.memref_slice %arg20[%dma_start3A_327] : memref<10240xf32, #tpu.memory_space<vmem_shared>> -> memref<10240xf32, #tpu.memory_space<vmem_shared>>
    tpu.enqueue_indirect_dma source(%arg18 : memref<128xf32, #tpu.memory_space<vmem>>) target(%dma_start3A_328 : memref<10240xf32, #tpu.memory_space<vmem_shared>>) offsets(%dma_start3A_326 : memref<128xi32, #tpu.memory_space<vmem>>) semaphore(%arg17 : memref<!tpu.dma_semaphore, #tpu.memory_space<semaphore_mem>>) {add = true}
    %dma_start3A_329 = arith.constant 4 : i32
    %dma_start3A_330 = arith.constant 0 : i32
    %dma_start3A_331 = arith.constant 0 : i32
    %dma_start3A_332 = tpu.memref_slice %arg3[%add3A, %dma_start3A_329, %dma_start3A_330, %dma_start3A_331] : memref<32x5x16x128xi32, #tpu.memory_space<hbm>> -> memref<1x1x16x128xi32, #tpu.memory_space<hbm>>
    %dma_start3A_333 = tpu.memref_squeeze %dma_start3A_332 : memref<1x1x16x128xi32, #tpu.memory_space<hbm>> -> memref<16x128xi32, #tpu.memory_space<hbm>>
    %dma_start3A_334 = arith.constant 0 : i32
    %dma_start3A_335 = arith.constant 0 : i32
    %dma_start3A_336 = tpu.memref_slice %arg3[%add3A, %dma_start3A_329, %dma_start3A_334, %dma_start3A_335] : memref<32x5x16x128xi32, #tpu.memory_space<hbm>> -> memref<1x1x16x128xi32, #tpu.memory_space<hbm>>
    %dma_start3A_337 = tpu.memref_squeeze %dma_start3A_336 : memref<1x1x16x128xi32, #tpu.memory_space<hbm>> -> memref<16x128xi32, #tpu.memory_space<hbm>>
    tpu.enqueue_dma source(%dma_start3A_337 : memref<16x128xi32, #tpu.memory_space<hbm>>) target(%arg7 : memref<16x128xi32, #tpu.memory_space<vmem>>) target_semaphore(%arg16 : memref<!tpu.dma_semaphore, #tpu.memory_space<semaphore_mem>>)
    %dma_start3A_338 = arith.constant 4 : i32
    %dma_start3A_339 = arith.constant 0 : i32
    %dma_start3A_340 = arith.constant 0 : i32
    %dma_start3A_341 = tpu.memref_slice %arg4[%add3A, %dma_start3A_338, %dma_start3A_339, %dma_start3A_340] : memref<32x5x16x128xi32, #tpu.memory_space<hbm>> -> memref<1x1x16x128xi32, #tpu.memory_space<hbm>>
    %dma_start3A_342 = tpu.memref_squeeze %dma_start3A_341 : memref<1x1x16x128xi32, #tpu.memory_space<hbm>> -> memref<16x128xi32, #tpu.memory_space<hbm>>
    %dma_start3A_343 = arith.constant 0 : i32
    %dma_start3A_344 = arith.constant 0 : i32
    %dma_start3A_345 = tpu.memref_slice %arg4[%add3A, %dma_start3A_338, %dma_start3A_343, %dma_start3A_344] : memref<32x5x16x128xi32, #tpu.memory_space<hbm>> -> memref<1x1x16x128xi32, #tpu.memory_space<hbm>>
    %dma_start3A_346 = tpu.memref_squeeze %dma_start3A_345 : memref<1x1x16x128xi32, #tpu.memory_space<hbm>> -> memref<16x128xi32, #tpu.memory_space<hbm>>
    tpu.enqueue_dma source(%dma_start3A_346 : memref<16x128xi32, #tpu.memory_space<hbm>>) target(%arg9 : memref<16x128xi32, #tpu.memory_space<vmem>>) target_semaphore(%arg16 : memref<!tpu.dma_semaphore, #tpu.memory_space<semaphore_mem>>)
    %scan3A_347 = arith.constant 0 : i32
    %scan3A_348 = arith.constant 0 : i32
    %scan3A_349 = arith.constant 7 : i32
    %scan3A_350 = arith.addi %scan3A_348, %scan3A_349 : i32
    %scan3A_351 = arith.constant 1 : i32
    scf.for %scan3A_479 = %scan3A_348 to %scan3A_350 step %scan3A_351  : i32 {
      %mul3A_480 = arith.constant 2 : i32
      %mul3A_481 = arith.muli %scan3A_479, %mul3A_480 : i32
      %add3A_482 = arith.constant 1 : i32
      %add3A_483 = arith.addi %mul3A_481, %add3A_482 : i32
      %dma_start3A_484 = arith.constant 0 : i32
      %dma_start3A_485 = tpu.memref_slice %arg8[%add3A_483, %dma_start3A_484] : memref<16x128xi32, #tpu.memory_space<vmem>> -> memref<1x128xi32, #tpu.memory_space<vmem>>
      %dma_start3A_486 = tpu.memref_squeeze %dma_start3A_485 : memref<1x128xi32, #tpu.memory_space<vmem>> -> memref<128xi32, #tpu.memory_space<vmem>>
      %dma_start3A_487 = arith.constant 0 : i32
      %dma_start3A_488 = arith.constant 0 : i32
      %dma_start3A_489 = tpu.memref_slice %arg2[%dma_start3A_487, %dma_start3A_488] : memref<10000x128xf32, #tpu.memory_space<hbm>> -> memref<10000x128xf32, #tpu.memory_space<hbm>>
      tpu.enqueue_indirect_dma source(%dma_start3A_489 : memref<10000x128xf32, #tpu.memory_space<hbm>>) target(%arg12 : memref<128x128xf32, #tpu.memory_space<vmem>>) offsets(%dma_start3A_486 : memref<128xi32, #tpu.memory_space<vmem>>) semaphore(%arg15 : memref<!tpu.dma_semaphore, #tpu.memory_space<semaphore_mem>>)
      %dma_wait3A_490 = arith.constant 0 : i32
      %dma_wait3A_491 = arith.constant 0 : i32
      %dma_wait3A_492 = tpu.memref_slice %arg2[%dma_wait3A_490, %dma_wait3A_491] : memref<10000x128xf32, #tpu.memory_space<hbm>> -> memref<128x128xf32, #tpu.memory_space<hbm>>
      %dma_wait3A_493 = arith.constant 0 : i32
      %dma_wait3A_494 = arith.constant 0 : i32
      %dma_wait3A_495 = tpu.memref_slice %arg2[%dma_wait3A_493, %dma_wait3A_494] : memref<10000x128xf32, #tpu.memory_space<hbm>> -> memref<128x128xf32, #tpu.memory_space<hbm>>
      tpu.wait_dma2 semaphore(%arg14 : memref<!tpu.dma_semaphore, #tpu.memory_space<semaphore_mem>>) src(%dma_wait3A_495 : memref<128x128xf32, #tpu.memory_space<hbm>>) dst(%arg11 : memref<128x128xf32, #tpu.memory_space<vmem>>)
      "tpu.region"() ({
        %run_scoped3A_522 = tpu.sem_alloc : memref<!tpu.dma_semaphore, #tpu.memory_space<semaphore_mem>>
        %dma_start3A_523 = arith.constant 0 : i32
        %dma_start3A_524 = tpu.memref_slice %arg10[%mul3A_481, %dma_start3A_523] : memref<16x128xi32, #tpu.memory_space<vmem>> -> memref<1x128xi32, #tpu.memory_space<vmem>>
        %dma_start3A_525 = tpu.memref_squeeze %dma_start3A_524 : memref<1x128xi32, #tpu.memory_space<vmem>> -> memref<128xi32, #tpu.memory_space<vmem>>
        %dma_start3A_526 = arith.constant 0 : i32
        %dma_start3A_527 = arith.constant 0 : i32
        %dma_start3A_528 = tpu.memref_slice %arg13[%dma_start3A_526, %dma_start3A_527] : memref<10240x128xf32, #tpu.memory_space<vmem_shared>> -> memref<10240x128xf32, #tpu.memory_space<vmem_shared>>
        tpu.enqueue_indirect_dma source(%arg11 : memref<128x128xf32, #tpu.memory_space<vmem>>) target(%dma_start3A_528 : memref<10240x128xf32, #tpu.memory_space<vmem_shared>>) offsets(%dma_start3A_525 : memref<128xi32, #tpu.memory_space<vmem>>) semaphore(%run_scoped3A_522 : memref<!tpu.dma_semaphore, #tpu.memory_space<semaphore_mem>>) {add = true}
        %dma_wait3A_529 = arith.constant 0 : i32
        %dma_wait3A_530 = tpu.memref_slice %arg10[%mul3A_481, %dma_wait3A_529] : memref<16x128xi32, #tpu.memory_space<vmem>> -> memref<1x128xi32, #tpu.memory_space<vmem>>
        %dma_wait3A_531 = tpu.memref_squeeze %dma_wait3A_530 : memref<1x128xi32, #tpu.memory_space<vmem>> -> memref<128xi32, #tpu.memory_space<vmem>>
        %dma_wait3A_532 = arith.constant 0 : i32
        %dma_wait3A_533 = arith.constant 0 : i32
        %dma_wait3A_534 = tpu.memref_slice %arg13[%dma_wait3A_532, %dma_wait3A_533] : memref<10240x128xf32, #tpu.memory_space<vmem_shared>> -> memref<10240x128xf32, #tpu.memory_space<vmem_shared>>
        tpu.wait_indirect_dma semaphore(%run_scoped3A_522 : memref<!tpu.dma_semaphore, #tpu.memory_space<semaphore_mem>>) src(%arg11 : memref<128x128xf32, #tpu.memory_space<vmem>>) dst(%dma_wait3A_534 : memref<10240x128xf32, #tpu.memory_space<vmem_shared>>)
        tpu.yield
      }) : () -> ()
      %dma_start3A_496 = arith.constant 0 : i32
      %dma_start3A_497 = tpu.memref_slice %arg10[%mul3A_481, %dma_start3A_496] : memref<16x128xi32, #tpu.memory_space<vmem>> -> memref<1x128xi32, #tpu.memory_space<vmem>>
      %dma_start3A_498 = tpu.memref_squeeze %dma_start3A_497 : memref<1x128xi32, #tpu.memory_space<vmem>> -> memref<128xi32, #tpu.memory_space<vmem>>
      %dma_start3A_499 = arith.constant 0 : i32
      %dma_start3A_500 = tpu.memref_slice %arg20[%dma_start3A_499] : memref<10240xf32, #tpu.memory_space<vmem_shared>> -> memref<10240xf32, #tpu.memory_space<vmem_shared>>
      tpu.enqueue_indirect_dma source(%arg18 : memref<128xf32, #tpu.memory_space<vmem>>) target(%dma_start3A_500 : memref<10240xf32, #tpu.memory_space<vmem_shared>>) offsets(%dma_start3A_498 : memref<128xi32, #tpu.memory_space<vmem>>) semaphore(%arg17 : memref<!tpu.dma_semaphore, #tpu.memory_space<semaphore_mem>>) {add = true}
      %add3A_501 = arith.constant 2 : i32
      %add3A_502 = arith.addi %mul3A_481, %add3A_501 : i32
      %dma_start3A_503 = arith.constant 0 : i32
      %dma_start3A_504 = tpu.memref_slice %arg8[%add3A_502, %dma_start3A_503] : memref<16x128xi32, #tpu.memory_space<vmem>> -> memref<1x128xi32, #tpu.memory_space<vmem>>
      %dma_start3A_505 = tpu.memref_squeeze %dma_start3A_504 : memref<1x128xi32, #tpu.memory_space<vmem>> -> memref<128xi32, #tpu.memory_space<vmem>>
      %dma_start3A_506 = arith.constant 0 : i32
      %dma_start3A_507 = arith.constant 0 : i32
      %dma_start3A_508 = tpu.memref_slice %arg2[%dma_start3A_506, %dma_start3A_507] : memref<10000x128xf32, #tpu.memory_space<hbm>> -> memref<10000x128xf32, #tpu.memory_space<hbm>>
      tpu.enqueue_indirect_dma source(%dma_start3A_508 : memref<10000x128xf32, #tpu.memory_space<hbm>>) target(%arg11 : memref<128x128xf32, #tpu.memory_space<vmem>>) offsets(%dma_start3A_505 : memref<128xi32, #tpu.memory_space<vmem>>) semaphore(%arg14 : memref<!tpu.dma_semaphore, #tpu.memory_space<semaphore_mem>>)
      %dma_wait3A_509 = arith.constant 0 : i32
      %dma_wait3A_510 = arith.constant 0 : i32
      %dma_wait3A_511 = tpu.memref_slice %arg2[%dma_wait3A_509, %dma_wait3A_510] : memref<10000x128xf32, #tpu.memory_space<hbm>> -> memref<128x128xf32, #tpu.memory_space<hbm>>
      %dma_wait3A_512 = arith.constant 0 : i32
      %dma_wait3A_513 = arith.constant 0 : i32
      %dma_wait3A_514 = tpu.memref_slice %arg2[%dma_wait3A_512, %dma_wait3A_513] : memref<10000x128xf32, #tpu.memory_space<hbm>> -> memref<128x128xf32, #tpu.memory_space<hbm>>
      tpu.wait_dma2 semaphore(%arg15 : memref<!tpu.dma_semaphore, #tpu.memory_space<semaphore_mem>>) src(%dma_wait3A_514 : memref<128x128xf32, #tpu.memory_space<hbm>>) dst(%arg12 : memref<128x128xf32, #tpu.memory_space<vmem>>)
      %add3A_515 = arith.constant 1 : i32
      %add3A_516 = arith.addi %mul3A_481, %add3A_515 : i32
      "tpu.region"() ({
        %run_scoped3A_522 = tpu.sem_alloc : memref<!tpu.dma_semaphore, #tpu.memory_space<semaphore_mem>>
        %dma_start3A_523 = arith.constant 0 : i32
        %dma_start3A_524 = tpu.memref_slice %arg10[%add3A_516, %dma_start3A_523] : memref<16x128xi32, #tpu.memory_space<vmem>> -> memref<1x128xi32, #tpu.memory_space<vmem>>
        %dma_start3A_525 = tpu.memref_squeeze %dma_start3A_524 : memref<1x128xi32, #tpu.memory_space<vmem>> -> memref<128xi32, #tpu.memory_space<vmem>>
        %dma_start3A_526 = arith.constant 0 : i32
        %dma_start3A_527 = arith.constant 0 : i32
        %dma_start3A_528 = tpu.memref_slice %arg13[%dma_start3A_526, %dma_start3A_527] : memref<10240x128xf32, #tpu.memory_space<vmem_shared>> -> memref<10240x128xf32, #tpu.memory_space<vmem_shared>>
        tpu.enqueue_indirect_dma source(%arg12 : memref<128x128xf32, #tpu.memory_space<vmem>>) target(%dma_start3A_528 : memref<10240x128xf32, #tpu.memory_space<vmem_shared>>) offsets(%dma_start3A_525 : memref<128xi32, #tpu.memory_space<vmem>>) semaphore(%run_scoped3A_522 : memref<!tpu.dma_semaphore, #tpu.memory_space<semaphore_mem>>) {add = true}
        %dma_wait3A_529 = arith.constant 0 : i32
        %dma_wait3A_530 = tpu.memref_slice %arg10[%add3A_516, %dma_wait3A_529] : memref<16x128xi32, #tpu.memory_space<vmem>> -> memref<1x128xi32, #tpu.memory_space<vmem>>
        %dma_wait3A_531 = tpu.memref_squeeze %dma_wait3A_530 : memref<1x128xi32, #tpu.memory_space<vmem>> -> memref<128xi32, #tpu.memory_space<vmem>>
        %dma_wait3A_532 = arith.constant 0 : i32
        %dma_wait3A_533 = arith.constant 0 : i32
        %dma_wait3A_534 = tpu.memref_slice %arg13[%dma_wait3A_532, %dma_wait3A_533] : memref<10240x128xf32, #tpu.memory_space<vmem_shared>> -> memref<10240x128xf32, #tpu.memory_space<vmem_shared>>
        tpu.wait_indirect_dma semaphore(%run_scoped3A_522 : memref<!tpu.dma_semaphore, #tpu.memory_space<semaphore_mem>>) src(%arg12 : memref<128x128xf32, #tpu.memory_space<vmem>>) dst(%dma_wait3A_534 : memref<10240x128xf32, #tpu.memory_space<vmem_shared>>)
        tpu.yield
      }) : () -> ()
      %dma_start3A_517 = arith.constant 0 : i32
      %dma_start3A_518 = tpu.memref_slice %arg10[%add3A_516, %dma_start3A_517] : memref<16x128xi32, #tpu.memory_space<vmem>> -> memref<1x128xi32, #tpu.memory_space<vmem>>
      %dma_start3A_519 = tpu.memref_squeeze %dma_start3A_518 : memref<1x128xi32, #tpu.memory_space<vmem>> -> memref<128xi32, #tpu.memory_space<vmem>>
      %dma_start3A_520 = arith.constant 0 : i32
      %dma_start3A_521 = tpu.memref_slice %arg20[%dma_start3A_520] : memref<10240xf32, #tpu.memory_space<vmem_shared>> -> memref<10240xf32, #tpu.memory_space<vmem_shared>>
      tpu.enqueue_indirect_dma source(%arg18 : memref<128xf32, #tpu.memory_space<vmem>>) target(%dma_start3A_521 : memref<10240xf32, #tpu.memory_space<vmem_shared>>) offsets(%dma_start3A_519 : memref<128xi32, #tpu.memory_space<vmem>>) semaphore(%arg17 : memref<!tpu.dma_semaphore, #tpu.memory_space<semaphore_mem>>) {add = true}
    }
    %scan3A_352 = arith.constant 7 : i32
    %dma_start3A_353 = arith.constant 15 : i32
    %dma_start3A_354 = arith.constant 0 : i32
    %dma_start3A_355 = tpu.memref_slice %arg8[%dma_start3A_353, %dma_start3A_354] : memref<16x128xi32, #tpu.memory_space<vmem>> -> memref<1x128xi32, #tpu.memory_space<vmem>>
    %dma_start3A_356 = tpu.memref_squeeze %dma_start3A_355 : memref<1x128xi32, #tpu.memory_space<vmem>> -> memref<128xi32, #tpu.memory_space<vmem>>
    %dma_start3A_357 = arith.constant 0 : i32
    %dma_start3A_358 = arith.constant 0 : i32
    %dma_start3A_359 = tpu.memref_slice %arg2[%dma_start3A_357, %dma_start3A_358] : memref<10000x128xf32, #tpu.memory_space<hbm>> -> memref<10000x128xf32, #tpu.memory_space<hbm>>
    tpu.enqueue_indirect_dma source(%dma_start3A_359 : memref<10000x128xf32, #tpu.memory_space<hbm>>) target(%arg12 : memref<128x128xf32, #tpu.memory_space<vmem>>) offsets(%dma_start3A_356 : memref<128xi32, #tpu.memory_space<vmem>>) semaphore(%arg15 : memref<!tpu.dma_semaphore, #tpu.memory_space<semaphore_mem>>)
    %dma_wait3A_360 = arith.constant 0 : i32
    %dma_wait3A_361 = arith.constant 0 : i32
    %dma_wait3A_362 = tpu.memref_slice %arg2[%dma_wait3A_360, %dma_wait3A_361] : memref<10000x128xf32, #tpu.memory_space<hbm>> -> memref<128x128xf32, #tpu.memory_space<hbm>>
    %dma_wait3A_363 = arith.constant 0 : i32
    %dma_wait3A_364 = arith.constant 0 : i32
    %dma_wait3A_365 = tpu.memref_slice %arg2[%dma_wait3A_363, %dma_wait3A_364] : memref<10000x128xf32, #tpu.memory_space<hbm>> -> memref<128x128xf32, #tpu.memory_space<hbm>>
    tpu.wait_dma2 semaphore(%arg14 : memref<!tpu.dma_semaphore, #tpu.memory_space<semaphore_mem>>) src(%dma_wait3A_365 : memref<128x128xf32, #tpu.memory_space<hbm>>) dst(%arg11 : memref<128x128xf32, #tpu.memory_space<vmem>>)
    %run_scoped3A_366 = arith.constant 14 : i32
    "tpu.region"() ({
      %run_scoped3A_479 = tpu.sem_alloc : memref<!tpu.dma_semaphore, #tpu.memory_space<semaphore_mem>>
      %dma_start3A_480 = arith.constant 0 : i32
      %dma_start3A_481 = tpu.memref_slice %arg10[%run_scoped3A_366, %dma_start3A_480] : memref<16x128xi32, #tpu.memory_space<vmem>> -> memref<1x128xi32, #tpu.memory_space<vmem>>
      %dma_start3A_482 = tpu.memref_squeeze %dma_start3A_481 : memref<1x128xi32, #tpu.memory_space<vmem>> -> memref<128xi32, #tpu.memory_space<vmem>>
      %dma_start3A_483 = arith.constant 0 : i32
      %dma_start3A_484 = arith.constant 0 : i32
      %dma_start3A_485 = tpu.memref_slice %arg13[%dma_start3A_483, %dma_start3A_484] : memref<10240x128xf32, #tpu.memory_space<vmem_shared>> -> memref<10240x128xf32, #tpu.memory_space<vmem_shared>>
      tpu.enqueue_indirect_dma source(%arg11 : memref<128x128xf32, #tpu.memory_space<vmem>>) target(%dma_start3A_485 : memref<10240x128xf32, #tpu.memory_space<vmem_shared>>) offsets(%dma_start3A_482 : memref<128xi32, #tpu.memory_space<vmem>>) semaphore(%run_scoped3A_479 : memref<!tpu.dma_semaphore, #tpu.memory_space<semaphore_mem>>) {add = true}
      %dma_wait3A_486 = arith.constant 0 : i32
      %dma_wait3A_487 = tpu.memref_slice %arg10[%run_scoped3A_366, %dma_wait3A_486] : memref<16x128xi32, #tpu.memory_space<vmem>> -> memref<1x128xi32, #tpu.memory_space<vmem>>
      %dma_wait3A_488 = tpu.memref_squeeze %dma_wait3A_487 : memref<1x128xi32, #tpu.memory_space<vmem>> -> memref<128xi32, #tpu.memory_space<vmem>>
      %dma_wait3A_489 = arith.constant 0 : i32
      %dma_wait3A_490 = arith.constant 0 : i32
      %dma_wait3A_491 = tpu.memref_slice %arg13[%dma_wait3A_489, %dma_wait3A_490] : memref<10240x128xf32, #tpu.memory_space<vmem_shared>> -> memref<10240x128xf32, #tpu.memory_space<vmem_shared>>
      tpu.wait_indirect_dma semaphore(%run_scoped3A_479 : memref<!tpu.dma_semaphore, #tpu.memory_space<semaphore_mem>>) src(%arg11 : memref<128x128xf32, #tpu.memory_space<vmem>>) dst(%dma_wait3A_491 : memref<10240x128xf32, #tpu.memory_space<vmem_shared>>)
      tpu.yield
    }) : () -> ()
    %dma_start3A_367 = arith.constant 14 : i32
    %dma_start3A_368 = arith.constant 0 : i32
    %dma_start3A_369 = tpu.memref_slice %arg10[%dma_start3A_367, %dma_start3A_368] : memref<16x128xi32, #tpu.memory_space<vmem>> -> memref<1x128xi32, #tpu.memory_space<vmem>>
    %dma_start3A_370 = tpu.memref_squeeze %dma_start3A_369 : memref<1x128xi32, #tpu.memory_space<vmem>> -> memref<128xi32, #tpu.memory_space<vmem>>
    %dma_start3A_371 = arith.constant 0 : i32
    %dma_start3A_372 = tpu.memref_slice %arg20[%dma_start3A_371] : memref<10240xf32, #tpu.memory_space<vmem_shared>> -> memref<10240xf32, #tpu.memory_space<vmem_shared>>
    tpu.enqueue_indirect_dma source(%arg18 : memref<128xf32, #tpu.memory_space<vmem>>) target(%dma_start3A_372 : memref<10240xf32, #tpu.memory_space<vmem_shared>>) offsets(%dma_start3A_370 : memref<128xi32, #tpu.memory_space<vmem>>) semaphore(%arg17 : memref<!tpu.dma_semaphore, #tpu.memory_space<semaphore_mem>>) {add = true}
    %dma_wait3A_373 = arith.constant 4 : i32
    %dma_wait3A_374 = arith.constant 0 : i32
    %dma_wait3A_375 = arith.constant 0 : i32
    %dma_wait3A_376 = tpu.memref_slice %arg3[%add3A, %dma_wait3A_373, %dma_wait3A_374, %dma_wait3A_375] : memref<32x5x16x128xi32, #tpu.memory_space<hbm>> -> memref<1x1x16x128xi32, #tpu.memory_space<hbm>>
    %dma_wait3A_377 = tpu.memref_squeeze %dma_wait3A_376 : memref<1x1x16x128xi32, #tpu.memory_space<hbm>> -> memref<16x128xi32, #tpu.memory_space<hbm>>
    %dma_wait3A_378 = arith.constant 0 : i32
    %dma_wait3A_379 = arith.constant 0 : i32
    %dma_wait3A_380 = tpu.memref_slice %arg3[%add3A, %dma_wait3A_373, %dma_wait3A_378, %dma_wait3A_379] : memref<32x5x16x128xi32, #tpu.memory_space<hbm>> -> memref<1x1x16x128xi32, #tpu.memory_space<hbm>>
    %dma_wait3A_381 = tpu.memref_squeeze %dma_wait3A_380 : memref<1x1x16x128xi32, #tpu.memory_space<hbm>> -> memref<16x128xi32, #tpu.memory_space<hbm>>
    tpu.wait_dma2 semaphore(%arg16 : memref<!tpu.dma_semaphore, #tpu.memory_space<semaphore_mem>>) src(%dma_wait3A_381 : memref<16x128xi32, #tpu.memory_space<hbm>>) dst(%arg7 : memref<16x128xi32, #tpu.memory_space<vmem>>)
    %dma_wait3A_382 = arith.constant 4 : i32
    %dma_wait3A_383 = arith.constant 0 : i32
    %dma_wait3A_384 = arith.constant 0 : i32
    %dma_wait3A_385 = tpu.memref_slice %arg4[%add3A, %dma_wait3A_382, %dma_wait3A_383, %dma_wait3A_384] : memref<32x5x16x128xi32, #tpu.memory_space<hbm>> -> memref<1x1x16x128xi32, #tpu.memory_space<hbm>>
    %dma_wait3A_386 = tpu.memref_squeeze %dma_wait3A_385 : memref<1x1x16x128xi32, #tpu.memory_space<hbm>> -> memref<16x128xi32, #tpu.memory_space<hbm>>
    %dma_wait3A_387 = arith.constant 0 : i32
    %dma_wait3A_388 = arith.constant 0 : i32
    %dma_wait3A_389 = tpu.memref_slice %arg4[%add3A, %dma_wait3A_382, %dma_wait3A_387, %dma_wait3A_388] : memref<32x5x16x128xi32, #tpu.memory_space<hbm>> -> memref<1x1x16x128xi32, #tpu.memory_space<hbm>>
    %dma_wait3A_390 = tpu.memref_squeeze %dma_wait3A_389 : memref<1x1x16x128xi32, #tpu.memory_space<hbm>> -> memref<16x128xi32, #tpu.memory_space<hbm>>
    tpu.wait_dma2 semaphore(%arg16 : memref<!tpu.dma_semaphore, #tpu.memory_space<semaphore_mem>>) src(%dma_wait3A_390 : memref<16x128xi32, #tpu.memory_space<hbm>>) dst(%arg9 : memref<16x128xi32, #tpu.memory_space<vmem>>)
    %dma_start3A_391 = arith.constant 0 : i32
    %dma_start3A_392 = arith.constant 0 : i32
    %dma_start3A_393 = tpu.memref_slice %arg7[%dma_start3A_391, %dma_start3A_392] : memref<16x128xi32, #tpu.memory_space<vmem>> -> memref<1x128xi32, #tpu.memory_space<vmem>>
    %dma_start3A_394 = tpu.memref_squeeze %dma_start3A_393 : memref<1x128xi32, #tpu.memory_space<vmem>> -> memref<128xi32, #tpu.memory_space<vmem>>
    %dma_start3A_395 = arith.constant 0 : i32
    %dma_start3A_396 = arith.constant 0 : i32
    %dma_start3A_397 = tpu.memref_slice %arg2[%dma_start3A_395, %dma_start3A_396] : memref<10000x128xf32, #tpu.memory_space<hbm>> -> memref<10000x128xf32, #tpu.memory_space<hbm>>
    tpu.enqueue_indirect_dma source(%dma_start3A_397 : memref<10000x128xf32, #tpu.memory_space<hbm>>) target(%arg11 : memref<128x128xf32, #tpu.memory_space<vmem>>) offsets(%dma_start3A_394 : memref<128xi32, #tpu.memory_space<vmem>>) semaphore(%arg14 : memref<!tpu.dma_semaphore, #tpu.memory_space<semaphore_mem>>)
    %dma_wait3A_398 = arith.constant 0 : i32
    %dma_wait3A_399 = arith.constant 0 : i32
    %dma_wait3A_400 = tpu.memref_slice %arg2[%dma_wait3A_398, %dma_wait3A_399] : memref<10000x128xf32, #tpu.memory_space<hbm>> -> memref<128x128xf32, #tpu.memory_space<hbm>>
    %dma_wait3A_401 = arith.constant 0 : i32
    %dma_wait3A_402 = arith.constant 0 : i32
    %dma_wait3A_403 = tpu.memref_slice %arg2[%dma_wait3A_401, %dma_wait3A_402] : memref<10000x128xf32, #tpu.memory_space<hbm>> -> memref<128x128xf32, #tpu.memory_space<hbm>>
    tpu.wait_dma2 semaphore(%arg15 : memref<!tpu.dma_semaphore, #tpu.memory_space<semaphore_mem>>) src(%dma_wait3A_403 : memref<128x128xf32, #tpu.memory_space<hbm>>) dst(%arg12 : memref<128x128xf32, #tpu.memory_space<vmem>>)
    %run_scoped3A_404 = arith.constant 15 : i32
    "tpu.region"() ({
      %run_scoped3A_479 = tpu.sem_alloc : memref<!tpu.dma_semaphore, #tpu.memory_space<semaphore_mem>>
      %dma_start3A_480 = arith.constant 0 : i32
      %dma_start3A_481 = tpu.memref_slice %arg10[%run_scoped3A_404, %dma_start3A_480] : memref<16x128xi32, #tpu.memory_space<vmem>> -> memref<1x128xi32, #tpu.memory_space<vmem>>
      %dma_start3A_482 = tpu.memref_squeeze %dma_start3A_481 : memref<1x128xi32, #tpu.memory_space<vmem>> -> memref<128xi32, #tpu.memory_space<vmem>>
      %dma_start3A_483 = arith.constant 0 : i32
      %dma_start3A_484 = arith.constant 0 : i32
      %dma_start3A_485 = tpu.memref_slice %arg13[%dma_start3A_483, %dma_start3A_484] : memref<10240x128xf32, #tpu.memory_space<vmem_shared>> -> memref<10240x128xf32, #tpu.memory_space<vmem_shared>>
      tpu.enqueue_indirect_dma source(%arg12 : memref<128x128xf32, #tpu.memory_space<vmem>>) target(%dma_start3A_485 : memref<10240x128xf32, #tpu.memory_space<vmem_shared>>) offsets(%dma_start3A_482 : memref<128xi32, #tpu.memory_space<vmem>>) semaphore(%run_scoped3A_479 : memref<!tpu.dma_semaphore, #tpu.memory_space<semaphore_mem>>) {add = true}
      %dma_wait3A_486 = arith.constant 0 : i32
      %dma_wait3A_487 = tpu.memref_slice %arg10[%run_scoped3A_404, %dma_wait3A_486] : memref<16x128xi32, #tpu.memory_space<vmem>> -> memref<1x128xi32, #tpu.memory_space<vmem>>
      %dma_wait3A_488 = tpu.memref_squeeze %dma_wait3A_487 : memref<1x128xi32, #tpu.memory_space<vmem>> -> memref<128xi32, #tpu.memory_space<vmem>>
      %dma_wait3A_489 = arith.constant 0 : i32
      %dma_wait3A_490 = arith.constant 0 : i32
      %dma_wait3A_491 = tpu.memref_slice %arg13[%dma_wait3A_489, %dma_wait3A_490] : memref<10240x128xf32, #tpu.memory_space<vmem_shared>> -> memref<10240x128xf32, #tpu.memory_space<vmem_shared>>
      tpu.wait_indirect_dma semaphore(%run_scoped3A_479 : memref<!tpu.dma_semaphore, #tpu.memory_space<semaphore_mem>>) src(%arg12 : memref<128x128xf32, #tpu.memory_space<vmem>>) dst(%dma_wait3A_491 : memref<10240x128xf32, #tpu.memory_space<vmem_shared>>)
      tpu.yield
    }) : () -> ()
    %dma_start3A_405 = arith.constant 15 : i32
    %dma_start3A_406 = arith.constant 0 : i32
    %dma_start3A_407 = tpu.memref_slice %arg10[%dma_start3A_405, %dma_start3A_406] : memref<16x128xi32, #tpu.memory_space<vmem>> -> memref<1x128xi32, #tpu.memory_space<vmem>>
    %dma_start3A_408 = tpu.memref_squeeze %dma_start3A_407 : memref<1x128xi32, #tpu.memory_space<vmem>> -> memref<128xi32, #tpu.memory_space<vmem>>
    %dma_start3A_409 = arith.constant 0 : i32
    %dma_start3A_410 = tpu.memref_slice %arg20[%dma_start3A_409] : memref<10240xf32, #tpu.memory_space<vmem_shared>> -> memref<10240xf32, #tpu.memory_space<vmem_shared>>
    tpu.enqueue_indirect_dma source(%arg18 : memref<128xf32, #tpu.memory_space<vmem>>) target(%dma_start3A_410 : memref<10240xf32, #tpu.memory_space<vmem_shared>>) offsets(%dma_start3A_408 : memref<128xi32, #tpu.memory_space<vmem>>) semaphore(%arg17 : memref<!tpu.dma_semaphore, #tpu.memory_space<semaphore_mem>>) {add = true}
    %scan3A_411 = arith.constant 0 : i32
    %scan3A_412 = arith.constant 0 : i32
    %scan3A_413 = arith.constant 7 : i32
    %scan3A_414 = arith.addi %scan3A_412, %scan3A_413 : i32
    %scan3A_415 = arith.constant 1 : i32
    scf.for %scan3A_479 = %scan3A_412 to %scan3A_414 step %scan3A_415  : i32 {
      %mul3A_480 = arith.constant 2 : i32
      %mul3A_481 = arith.muli %scan3A_479, %mul3A_480 : i32
      %add3A_482 = arith.constant 1 : i32
      %add3A_483 = arith.addi %mul3A_481, %add3A_482 : i32
      %dma_start3A_484 = arith.constant 0 : i32
      %dma_start3A_485 = tpu.memref_slice %arg7[%add3A_483, %dma_start3A_484] : memref<16x128xi32, #tpu.memory_space<vmem>> -> memref<1x128xi32, #tpu.memory_space<vmem>>
      %dma_start3A_486 = tpu.memref_squeeze %dma_start3A_485 : memref<1x128xi32, #tpu.memory_space<vmem>> -> memref<128xi32, #tpu.memory_space<vmem>>
      %dma_start3A_487 = arith.constant 0 : i32
      %dma_start3A_488 = arith.constant 0 : i32
      %dma_start3A_489 = tpu.memref_slice %arg2[%dma_start3A_487, %dma_start3A_488] : memref<10000x128xf32, #tpu.memory_space<hbm>> -> memref<10000x128xf32, #tpu.memory_space<hbm>>
      tpu.enqueue_indirect_dma source(%dma_start3A_489 : memref<10000x128xf32, #tpu.memory_space<hbm>>) target(%arg12 : memref<128x128xf32, #tpu.memory_space<vmem>>) offsets(%dma_start3A_486 : memref<128xi32, #tpu.memory_space<vmem>>) semaphore(%arg15 : memref<!tpu.dma_semaphore, #tpu.memory_space<semaphore_mem>>)
      %dma_wait3A_490 = arith.constant 0 : i32
      %dma_wait3A_491 = arith.constant 0 : i32
      %dma_wait3A_492 = tpu.memref_slice %arg2[%dma_wait3A_490, %dma_wait3A_491] : memref<10000x128xf32, #tpu.memory_space<hbm>> -> memref<128x128xf32, #tpu.memory_space<hbm>>
      %dma_wait3A_493 = arith.constant 0 : i32
      %dma_wait3A_494 = arith.constant 0 : i32
      %dma_wait3A_495 = tpu.memref_slice %arg2[%dma_wait3A_493, %dma_wait3A_494] : memref<10000x128xf32, #tpu.memory_space<hbm>> -> memref<128x128xf32, #tpu.memory_space<hbm>>
      tpu.wait_dma2 semaphore(%arg14 : memref<!tpu.dma_semaphore, #tpu.memory_space<semaphore_mem>>) src(%dma_wait3A_495 : memref<128x128xf32, #tpu.memory_space<hbm>>) dst(%arg11 : memref<128x128xf32, #tpu.memory_space<vmem>>)
      "tpu.region"() ({
        %run_scoped3A_522 = tpu.sem_alloc : memref<!tpu.dma_semaphore, #tpu.memory_space<semaphore_mem>>
        %dma_start3A_523 = arith.constant 0 : i32
        %dma_start3A_524 = tpu.memref_slice %arg9[%mul3A_481, %dma_start3A_523] : memref<16x128xi32, #tpu.memory_space<vmem>> -> memref<1x128xi32, #tpu.memory_space<vmem>>
        %dma_start3A_525 = tpu.memref_squeeze %dma_start3A_524 : memref<1x128xi32, #tpu.memory_space<vmem>> -> memref<128xi32, #tpu.memory_space<vmem>>
        %dma_start3A_526 = arith.constant 0 : i32
        %dma_start3A_527 = arith.constant 0 : i32
        %dma_start3A_528 = tpu.memref_slice %arg13[%dma_start3A_526, %dma_start3A_527] : memref<10240x128xf32, #tpu.memory_space<vmem_shared>> -> memref<10240x128xf32, #tpu.memory_space<vmem_shared>>
        tpu.enqueue_indirect_dma source(%arg11 : memref<128x128xf32, #tpu.memory_space<vmem>>) target(%dma_start3A_528 : memref<10240x128xf32, #tpu.memory_space<vmem_shared>>) offsets(%dma_start3A_525 : memref<128xi32, #tpu.memory_space<vmem>>) semaphore(%run_scoped3A_522 : memref<!tpu.dma_semaphore, #tpu.memory_space<semaphore_mem>>) {add = true}
        %dma_wait3A_529 = arith.constant 0 : i32
        %dma_wait3A_530 = tpu.memref_slice %arg9[%mul3A_481, %dma_wait3A_529] : memref<16x128xi32, #tpu.memory_space<vmem>> -> memref<1x128xi32, #tpu.memory_space<vmem>>
        %dma_wait3A_531 = tpu.memref_squeeze %dma_wait3A_530 : memref<1x128xi32, #tpu.memory_space<vmem>> -> memref<128xi32, #tpu.memory_space<vmem>>
        %dma_wait3A_532 = arith.constant 0 : i32
        %dma_wait3A_533 = arith.constant 0 : i32
        %dma_wait3A_534 = tpu.memref_slice %arg13[%dma_wait3A_532, %dma_wait3A_533] : memref<10240x128xf32, #tpu.memory_space<vmem_shared>> -> memref<10240x128xf32, #tpu.memory_space<vmem_shared>>
        tpu.wait_indirect_dma semaphore(%run_scoped3A_522 : memref<!tpu.dma_semaphore, #tpu.memory_space<semaphore_mem>>) src(%arg11 : memref<128x128xf32, #tpu.memory_space<vmem>>) dst(%dma_wait3A_534 : memref<10240x128xf32, #tpu.memory_space<vmem_shared>>)
        tpu.yield
      }) : () -> ()
      %dma_start3A_496 = arith.constant 0 : i32
      %dma_start3A_497 = tpu.memref_slice %arg9[%mul3A_481, %dma_start3A_496] : memref<16x128xi32, #tpu.memory_space<vmem>> -> memref<1x128xi32, #tpu.memory_space<vmem>>
      %dma_start3A_498 = tpu.memref_squeeze %dma_start3A_497 : memref<1x128xi32, #tpu.memory_space<vmem>> -> memref<128xi32, #tpu.memory_space<vmem>>
      %dma_start3A_499 = arith.constant 0 : i32
      %dma_start3A_500 = tpu.memref_slice %arg20[%dma_start3A_499] : memref<10240xf32, #tpu.memory_space<vmem_shared>> -> memref<10240xf32, #tpu.memory_space<vmem_shared>>
      tpu.enqueue_indirect_dma source(%arg18 : memref<128xf32, #tpu.memory_space<vmem>>) target(%dma_start3A_500 : memref<10240xf32, #tpu.memory_space<vmem_shared>>) offsets(%dma_start3A_498 : memref<128xi32, #tpu.memory_space<vmem>>) semaphore(%arg17 : memref<!tpu.dma_semaphore, #tpu.memory_space<semaphore_mem>>) {add = true}
      %add3A_501 = arith.constant 2 : i32
      %add3A_502 = arith.addi %mul3A_481, %add3A_501 : i32
      %dma_start3A_503 = arith.constant 0 : i32
      %dma_start3A_504 = tpu.memref_slice %arg7[%add3A_502, %dma_start3A_503] : memref<16x128xi32, #tpu.memory_space<vmem>> -> memref<1x128xi32, #tpu.memory_space<vmem>>
      %dma_start3A_505 = tpu.memref_squeeze %dma_start3A_504 : memref<1x128xi32, #tpu.memory_space<vmem>> -> memref<128xi32, #tpu.memory_space<vmem>>
      %dma_start3A_506 = arith.constant 0 : i32
      %dma_start3A_507 = arith.constant 0 : i32
      %dma_start3A_508 = tpu.memref_slice %arg2[%dma_start3A_506, %dma_start3A_507] : memref<10000x128xf32, #tpu.memory_space<hbm>> -> memref<10000x128xf32, #tpu.memory_space<hbm>>
      tpu.enqueue_indirect_dma source(%dma_start3A_508 : memref<10000x128xf32, #tpu.memory_space<hbm>>) target(%arg11 : memref<128x128xf32, #tpu.memory_space<vmem>>) offsets(%dma_start3A_505 : memref<128xi32, #tpu.memory_space<vmem>>) semaphore(%arg14 : memref<!tpu.dma_semaphore, #tpu.memory_space<semaphore_mem>>)
      %dma_wait3A_509 = arith.constant 0 : i32
      %dma_wait3A_510 = arith.constant 0 : i32
      %dma_wait3A_511 = tpu.memref_slice %arg2[%dma_wait3A_509, %dma_wait3A_510] : memref<10000x128xf32, #tpu.memory_space<hbm>> -> memref<128x128xf32, #tpu.memory_space<hbm>>
      %dma_wait3A_512 = arith.constant 0 : i32
      %dma_wait3A_513 = arith.constant 0 : i32
      %dma_wait3A_514 = tpu.memref_slice %arg2[%dma_wait3A_512, %dma_wait3A_513] : memref<10000x128xf32, #tpu.memory_space<hbm>> -> memref<128x128xf32, #tpu.memory_space<hbm>>
      tpu.wait_dma2 semaphore(%arg15 : memref<!tpu.dma_semaphore, #tpu.memory_space<semaphore_mem>>) src(%dma_wait3A_514 : memref<128x128xf32, #tpu.memory_space<hbm>>) dst(%arg12 : memref<128x128xf32, #tpu.memory_space<vmem>>)
      %add3A_515 = arith.constant 1 : i32
      %add3A_516 = arith.addi %mul3A_481, %add3A_515 : i32
      "tpu.region"() ({
        %run_scoped3A_522 = tpu.sem_alloc : memref<!tpu.dma_semaphore, #tpu.memory_space<semaphore_mem>>
        %dma_start3A_523 = arith.constant 0 : i32
        %dma_start3A_524 = tpu.memref_slice %arg9[%add3A_516, %dma_start3A_523] : memref<16x128xi32, #tpu.memory_space<vmem>> -> memref<1x128xi32, #tpu.memory_space<vmem>>
        %dma_start3A_525 = tpu.memref_squeeze %dma_start3A_524 : memref<1x128xi32, #tpu.memory_space<vmem>> -> memref<128xi32, #tpu.memory_space<vmem>>
        %dma_start3A_526 = arith.constant 0 : i32
        %dma_start3A_527 = arith.constant 0 : i32
        %dma_start3A_528 = tpu.memref_slice %arg13[%dma_start3A_526, %dma_start3A_527] : memref<10240x128xf32, #tpu.memory_space<vmem_shared>> -> memref<10240x128xf32, #tpu.memory_space<vmem_shared>>
        tpu.enqueue_indirect_dma source(%arg12 : memref<128x128xf32, #tpu.memory_space<vmem>>) target(%dma_start3A_528 : memref<10240x128xf32, #tpu.memory_space<vmem_shared>>) offsets(%dma_start3A_525 : memref<128xi32, #tpu.memory_space<vmem>>) semaphore(%run_scoped3A_522 : memref<!tpu.dma_semaphore, #tpu.memory_space<semaphore_mem>>) {add = true}
        %dma_wait3A_529 = arith.constant 0 : i32
        %dma_wait3A_530 = tpu.memref_slice %arg9[%add3A_516, %dma_wait3A_529] : memref<16x128xi32, #tpu.memory_space<vmem>> -> memref<1x128xi32, #tpu.memory_space<vmem>>
        %dma_wait3A_531 = tpu.memref_squeeze %dma_wait3A_530 : memref<1x128xi32, #tpu.memory_space<vmem>> -> memref<128xi32, #tpu.memory_space<vmem>>
        %dma_wait3A_532 = arith.constant 0 : i32
        %dma_wait3A_533 = arith.constant 0 : i32
        %dma_wait3A_534 = tpu.memref_slice %arg13[%dma_wait3A_532, %dma_wait3A_533] : memref<10240x128xf32, #tpu.memory_space<vmem_shared>> -> memref<10240x128xf32, #tpu.memory_space<vmem_shared>>
        tpu.wait_indirect_dma semaphore(%run_scoped3A_522 : memref<!tpu.dma_semaphore, #tpu.memory_space<semaphore_mem>>) src(%arg12 : memref<128x128xf32, #tpu.memory_space<vmem>>) dst(%dma_wait3A_534 : memref<10240x128xf32, #tpu.memory_space<vmem_shared>>)
        tpu.yield
      }) : () -> ()
      %dma_start3A_517 = arith.constant 0 : i32
      %dma_start3A_518 = tpu.memref_slice %arg9[%add3A_516, %dma_start3A_517] : memref<16x128xi32, #tpu.memory_space<vmem>> -> memref<1x128xi32, #tpu.memory_space<vmem>>
      %dma_start3A_519 = tpu.memref_squeeze %dma_start3A_518 : memref<1x128xi32, #tpu.memory_space<vmem>> -> memref<128xi32, #tpu.memory_space<vmem>>
      %dma_start3A_520 = arith.constant 0 : i32
      %dma_start3A_521 = tpu.memref_slice %arg20[%dma_start3A_520] : memref<10240xf32, #tpu.memory_space<vmem_shared>> -> memref<10240xf32, #tpu.memory_space<vmem_shared>>
      tpu.enqueue_indirect_dma source(%arg18 : memref<128xf32, #tpu.memory_space<vmem>>) target(%dma_start3A_521 : memref<10240xf32, #tpu.memory_space<vmem_shared>>) offsets(%dma_start3A_519 : memref<128xi32, #tpu.memory_space<vmem>>) semaphore(%arg17 : memref<!tpu.dma_semaphore, #tpu.memory_space<semaphore_mem>>) {add = true}
    }
    %scan3A_416 = arith.constant 7 : i32
    %dma_start3A_417 = arith.constant 15 : i32
    %dma_start3A_418 = arith.constant 0 : i32
    %dma_start3A_419 = tpu.memref_slice %arg7[%dma_start3A_417, %dma_start3A_418] : memref<16x128xi32, #tpu.memory_space<vmem>> -> memref<1x128xi32, #tpu.memory_space<vmem>>
    %dma_start3A_420 = tpu.memref_squeeze %dma_start3A_419 : memref<1x128xi32, #tpu.memory_space<vmem>> -> memref<128xi32, #tpu.memory_space<vmem>>
    %dma_start3A_421 = arith.constant 0 : i32
    %dma_start3A_422 = arith.constant 0 : i32
    %dma_start3A_423 = tpu.memref_slice %arg2[%dma_start3A_421, %dma_start3A_422] : memref<10000x128xf32, #tpu.memory_space<hbm>> -> memref<10000x128xf32, #tpu.memory_space<hbm>>
    tpu.enqueue_indirect_dma source(%dma_start3A_423 : memref<10000x128xf32, #tpu.memory_space<hbm>>) target(%arg12 : memref<128x128xf32, #tpu.memory_space<vmem>>) offsets(%dma_start3A_420 : memref<128xi32, #tpu.memory_space<vmem>>) semaphore(%arg15 : memref<!tpu.dma_semaphore, #tpu.memory_space<semaphore_mem>>)
    %dma_wait3A_424 = arith.constant 0 : i32
    %dma_wait3A_425 = arith.constant 0 : i32
    %dma_wait3A_426 = tpu.memref_slice %arg2[%dma_wait3A_424, %dma_wait3A_425] : memref<10000x128xf32, #tpu.memory_space<hbm>> -> memref<128x128xf32, #tpu.memory_space<hbm>>
    %dma_wait3A_427 = arith.constant 0 : i32
    %dma_wait3A_428 = arith.constant 0 : i32
    %dma_wait3A_429 = tpu.memref_slice %arg2[%dma_wait3A_427, %dma_wait3A_428] : memref<10000x128xf32, #tpu.memory_space<hbm>> -> memref<128x128xf32, #tpu.memory_space<hbm>>
    tpu.wait_dma2 semaphore(%arg14 : memref<!tpu.dma_semaphore, #tpu.memory_space<semaphore_mem>>) src(%dma_wait3A_429 : memref<128x128xf32, #tpu.memory_space<hbm>>) dst(%arg11 : memref<128x128xf32, #tpu.memory_space<vmem>>)
    %run_scoped3A_430 = arith.constant 14 : i32
    "tpu.region"() ({
      %run_scoped3A_479 = tpu.sem_alloc : memref<!tpu.dma_semaphore, #tpu.memory_space<semaphore_mem>>
      %dma_start3A_480 = arith.constant 0 : i32
      %dma_start3A_481 = tpu.memref_slice %arg9[%run_scoped3A_430, %dma_start3A_480] : memref<16x128xi32, #tpu.memory_space<vmem>> -> memref<1x128xi32, #tpu.memory_space<vmem>>
      %dma_start3A_482 = tpu.memref_squeeze %dma_start3A_481 : memref<1x128xi32, #tpu.memory_space<vmem>> -> memref<128xi32, #tpu.memory_space<vmem>>
      %dma_start3A_483 = arith.constant 0 : i32
      %dma_start3A_484 = arith.constant 0 : i32
      %dma_start3A_485 = tpu.memref_slice %arg13[%dma_start3A_483, %dma_start3A_484] : memref<10240x128xf32, #tpu.memory_space<vmem_shared>> -> memref<10240x128xf32, #tpu.memory_space<vmem_shared>>
      tpu.enqueue_indirect_dma source(%arg11 : memref<128x128xf32, #tpu.memory_space<vmem>>) target(%dma_start3A_485 : memref<10240x128xf32, #tpu.memory_space<vmem_shared>>) offsets(%dma_start3A_482 : memref<128xi32, #tpu.memory_space<vmem>>) semaphore(%run_scoped3A_479 : memref<!tpu.dma_semaphore, #tpu.memory_space<semaphore_mem>>) {add = true}
      %dma_wait3A_486 = arith.constant 0 : i32
      %dma_wait3A_487 = tpu.memref_slice %arg9[%run_scoped3A_430, %dma_wait3A_486] : memref<16x128xi32, #tpu.memory_space<vmem>> -> memref<1x128xi32, #tpu.memory_space<vmem>>
      %dma_wait3A_488 = tpu.memref_squeeze %dma_wait3A_487 : memref<1x128xi32, #tpu.memory_space<vmem>> -> memref<128xi32, #tpu.memory_space<vmem>>
      %dma_wait3A_489 = arith.constant 0 : i32
      %dma_wait3A_490 = arith.constant 0 : i32
      %dma_wait3A_491 = tpu.memref_slice %arg13[%dma_wait3A_489, %dma_wait3A_490] : memref<10240x128xf32, #tpu.memory_space<vmem_shared>> -> memref<10240x128xf32, #tpu.memory_space<vmem_shared>>
      tpu.wait_indirect_dma semaphore(%run_scoped3A_479 : memref<!tpu.dma_semaphore, #tpu.memory_space<semaphore_mem>>) src(%arg11 : memref<128x128xf32, #tpu.memory_space<vmem>>) dst(%dma_wait3A_491 : memref<10240x128xf32, #tpu.memory_space<vmem_shared>>)
      tpu.yield
    }) : () -> ()
    %dma_start3A_431 = arith.constant 14 : i32
    %dma_start3A_432 = arith.constant 0 : i32
    %dma_start3A_433 = tpu.memref_slice %arg9[%dma_start3A_431, %dma_start3A_432] : memref<16x128xi32, #tpu.memory_space<vmem>> -> memref<1x128xi32, #tpu.memory_space<vmem>>
    %dma_start3A_434 = tpu.memref_squeeze %dma_start3A_433 : memref<1x128xi32, #tpu.memory_space<vmem>> -> memref<128xi32, #tpu.memory_space<vmem>>
    %dma_start3A_435 = arith.constant 0 : i32
    %dma_start3A_436 = tpu.memref_slice %arg20[%dma_start3A_435] : memref<10240xf32, #tpu.memory_space<vmem_shared>> -> memref<10240xf32, #tpu.memory_space<vmem_shared>>
    tpu.enqueue_indirect_dma source(%arg18 : memref<128xf32, #tpu.memory_space<vmem>>) target(%dma_start3A_436 : memref<10240xf32, #tpu.memory_space<vmem_shared>>) offsets(%dma_start3A_434 : memref<128xi32, #tpu.memory_space<vmem>>) semaphore(%arg17 : memref<!tpu.dma_semaphore, #tpu.memory_space<semaphore_mem>>) {add = true}
    %dma_wait3A_437 = arith.constant 0 : i32
    %dma_wait3A_438 = arith.constant 0 : i32
    %dma_wait3A_439 = tpu.memref_slice %arg2[%dma_wait3A_437, %dma_wait3A_438] : memref<10000x128xf32, #tpu.memory_space<hbm>> -> memref<128x128xf32, #tpu.memory_space<hbm>>
    %dma_wait3A_440 = arith.constant 0 : i32
    %dma_wait3A_441 = arith.constant 0 : i32
    %dma_wait3A_442 = tpu.memref_slice %arg2[%dma_wait3A_440, %dma_wait3A_441] : memref<10000x128xf32, #tpu.memory_space<hbm>> -> memref<128x128xf32, #tpu.memory_space<hbm>>
    tpu.wait_dma2 semaphore(%arg15 : memref<!tpu.dma_semaphore, #tpu.memory_space<semaphore_mem>>) src(%dma_wait3A_442 : memref<128x128xf32, #tpu.memory_space<hbm>>) dst(%arg12 : memref<128x128xf32, #tpu.memory_space<vmem>>)
    %run_scoped3A_443 = arith.constant 15 : i32
    "tpu.region"() ({
      %run_scoped3A_479 = tpu.sem_alloc : memref<!tpu.dma_semaphore, #tpu.memory_space<semaphore_mem>>
      %dma_start3A_480 = arith.constant 0 : i32
      %dma_start3A_481 = tpu.memref_slice %arg9[%run_scoped3A_443, %dma_start3A_480] : memref<16x128xi32, #tpu.memory_space<vmem>> -> memref<1x128xi32, #tpu.memory_space<vmem>>
      %dma_start3A_482 = tpu.memref_squeeze %dma_start3A_481 : memref<1x128xi32, #tpu.memory_space<vmem>> -> memref<128xi32, #tpu.memory_space<vmem>>
      %dma_start3A_483 = arith.constant 0 : i32
      %dma_start3A_484 = arith.constant 0 : i32
      %dma_start3A_485 = tpu.memref_slice %arg13[%dma_start3A_483, %dma_start3A_484] : memref<10240x128xf32, #tpu.memory_space<vmem_shared>> -> memref<10240x128xf32, #tpu.memory_space<vmem_shared>>
      tpu.enqueue_indirect_dma source(%arg12 : memref<128x128xf32, #tpu.memory_space<vmem>>) target(%dma_start3A_485 : memref<10240x128xf32, #tpu.memory_space<vmem_shared>>) offsets(%dma_start3A_482 : memref<128xi32, #tpu.memory_space<vmem>>) semaphore(%run_scoped3A_479 : memref<!tpu.dma_semaphore, #tpu.memory_space<semaphore_mem>>) {add = true}
      %dma_wait3A_486 = arith.constant 0 : i32
      %dma_wait3A_487 = tpu.memref_slice %arg9[%run_scoped3A_443, %dma_wait3A_486] : memref<16x128xi32, #tpu.memory_space<vmem>> -> memref<1x128xi32, #tpu.memory_space<vmem>>
      %dma_wait3A_488 = tpu.memref_squeeze %dma_wait3A_487 : memref<1x128xi32, #tpu.memory_space<vmem>> -> memref<128xi32, #tpu.memory_space<vmem>>
      %dma_wait3A_489 = arith.constant 0 : i32
      %dma_wait3A_490 = arith.constant 0 : i32
      %dma_wait3A_491 = tpu.memref_slice %arg13[%dma_wait3A_489, %dma_wait3A_490] : memref<10240x128xf32, #tpu.memory_space<vmem_shared>> -> memref<10240x128xf32, #tpu.memory_space<vmem_shared>>
      tpu.wait_indirect_dma semaphore(%run_scoped3A_479 : memref<!tpu.dma_semaphore, #tpu.memory_space<semaphore_mem>>) src(%arg12 : memref<128x128xf32, #tpu.memory_space<vmem>>) dst(%dma_wait3A_491 : memref<10240x128xf32, #tpu.memory_space<vmem_shared>>)
      tpu.yield
    }) : () -> ()
    %dma_start3A_444 = arith.constant 15 : i32
    %dma_start3A_445 = arith.constant 0 : i32
    %dma_start3A_446 = tpu.memref_slice %arg9[%dma_start3A_444, %dma_start3A_445] : memref<16x128xi32, #tpu.memory_space<vmem>> -> memref<1x128xi32, #tpu.memory_space<vmem>>
    %dma_start3A_447 = tpu.memref_squeeze %dma_start3A_446 : memref<1x128xi32, #tpu.memory_space<vmem>> -> memref<128xi32, #tpu.memory_space<vmem>>
    %dma_start3A_448 = arith.constant 0 : i32
    %dma_start3A_449 = tpu.memref_slice %arg20[%dma_start3A_448] : memref<10240xf32, #tpu.memory_space<vmem_shared>> -> memref<10240xf32, #tpu.memory_space<vmem_shared>>
    tpu.enqueue_indirect_dma source(%arg18 : memref<128xf32, #tpu.memory_space<vmem>>) target(%dma_start3A_449 : memref<10240xf32, #tpu.memory_space<vmem_shared>>) offsets(%dma_start3A_447 : memref<128xi32, #tpu.memory_space<vmem>>) semaphore(%arg17 : memref<!tpu.dma_semaphore, #tpu.memory_space<semaphore_mem>>) {add = true}
    %scan3A_450 = arith.constant 0 : i32
    %scan3A_451 = arith.constant 0 : i32
    %scan3A_452 = arith.constant 80 : i32
    %scan3A_453 = arith.addi %scan3A_451, %scan3A_452 : i32
    %scan3A_454 = arith.constant 1 : i32
    scf.for %scan3A_479 = %scan3A_451 to %scan3A_453 step %scan3A_454  : i32 {
      %dma_wait3A_480 = arith.constant 0 : i32
      %dma_wait3A_481 = tpu.memref_slice %arg6[%arg0, %dma_wait3A_480] : memref<2x10240xf32, #tpu.memory_space<hbm>> -> memref<1x128xf32, #tpu.memory_space<hbm>>
      %dma_wait3A_482 = tpu.memref_squeeze %dma_wait3A_481 : memref<1x128xf32, #tpu.memory_space<hbm>> -> memref<128xf32, #tpu.memory_space<hbm>>
      %dma_wait3A_483 = arith.constant 0 : i32
      %dma_wait3A_484 = tpu.memref_slice %arg6[%arg0, %dma_wait3A_483] : memref<2x10240xf32, #tpu.memory_space<hbm>> -> memref<1x128xf32, #tpu.memory_space<hbm>>
      %dma_wait3A_485 = tpu.memref_squeeze %dma_wait3A_484 : memref<1x128xf32, #tpu.memory_space<hbm>> -> memref<128xf32, #tpu.memory_space<hbm>>
      tpu.wait_dma2 semaphore(%arg17 : memref<!tpu.dma_semaphore, #tpu.memory_space<semaphore_mem>>) src(%dma_wait3A_485 : memref<128xf32, #tpu.memory_space<hbm>>) dst(%arg18 : memref<128xf32, #tpu.memory_space<vmem>>)
    }
    %scan3A_455 = arith.constant 80 : i32
    %barrier3A_456 = arith.constant 0 : index
    tpu.barrier barrier_id(%barrier3A_456)
    %mul3A_457 = arith.constant 640 : i32
    %mul3A_458 = arith.muli %arg1, %mul3A_457 : i32
    %add3A_459 = arith.constant 0 : i32
    %add3A_460 = arith.addi %mul3A_458, %add3A_459 : i32
    "tpu.region"() ({
      %run_scoped3A_479 = tpu.sem_alloc : memref<!tpu.dma_semaphore, #tpu.memory_space<semaphore_mem>>
      %dma_start3A_480 = arith.constant 0 : i32
      %dma_start3A_481 = tpu.memref_slice %arg5[%arg0, %add3A_460, %dma_start3A_480] : memref<2x10240x128xf32, #tpu.memory_space<hbm>> -> memref<1x128x128xf32, #tpu.memory_space<hbm>>
      %dma_start3A_482 = tpu.memref_squeeze %dma_start3A_481 : memref<1x128x128xf32, #tpu.memory_space<hbm>> -> memref<128x128xf32, #tpu.memory_space<hbm>>
      %dma_start3A_483 = arith.constant 0 : i32
      %dma_start3A_484 = tpu.memref_slice %arg13[%add3A_460, %dma_start3A_483] : memref<10240x128xf32, #tpu.memory_space<vmem_shared>> -> memref<128x128xf32, #tpu.memory_space<vmem_shared>>
      tpu.enqueue_dma source(%dma_start3A_484 : memref<128x128xf32, #tpu.memory_space<vmem_shared>>) target(%dma_start3A_482 : memref<128x128xf32, #tpu.memory_space<hbm>>) target_semaphore(%run_scoped3A_479 : memref<!tpu.dma_semaphore, #tpu.memory_space<semaphore_mem>>)
      %dma_wait3A_485 = arith.constant 0 : i32
      %dma_wait3A_486 = tpu.memref_slice %arg5[%arg0, %add3A_460, %dma_wait3A_485] : memref<2x10240x128xf32, #tpu.memory_space<hbm>> -> memref<1x128x128xf32, #tpu.memory_space<hbm>>
      %dma_wait3A_487 = tpu.memref_squeeze %dma_wait3A_486 : memref<1x128x128xf32, #tpu.memory_space<hbm>> -> memref<128x128xf32, #tpu.memory_space<hbm>>
      %dma_wait3A_488 = arith.constant 0 : i32
      %dma_wait3A_489 = tpu.memref_slice %arg13[%add3A_460, %dma_wait3A_488] : memref<10240x128xf32, #tpu.memory_space<vmem_shared>> -> memref<128x128xf32, #tpu.memory_space<vmem_shared>>
      tpu.wait_dma2 semaphore(%run_scoped3A_479 : memref<!tpu.dma_semaphore, #tpu.memory_space<semaphore_mem>>) src(%dma_wait3A_489 : memref<128x128xf32, #tpu.memory_space<vmem_shared>>) dst(%dma_wait3A_487 : memref<128x128xf32, #tpu.memory_space<hbm>>)
      tpu.yield
    }) : () -> ()
    %mul3A_461 = arith.constant 640 : i32
    %mul3A_462 = arith.muli %arg1, %mul3A_461 : i32
    %add3A_463 = arith.constant 128 : i32
    %add3A_464 = arith.addi %mul3A_462, %add3A_463 : i32
    "tpu.region"() ({
      %run_scoped3A_479 = tpu.sem_alloc : memref<!tpu.dma_semaphore, #tpu.memory_space<semaphore_mem>>
      %dma_start3A_480 = arith.constant 0 : i32
      %dma_start3A_481 = tpu.memref_slice %arg5[%arg0, %add3A_464, %dma_start3A_480] : memref<2x10240x128xf32, #tpu.memory_space<hbm>> -> memref<1x128x128xf32, #tpu.memory_space<hbm>>
      %dma_start3A_482 = tpu.memref_squeeze %dma_start3A_481 : memref<1x128x128xf32, #tpu.memory_space<hbm>> -> memref<128x128xf32, #tpu.memory_space<hbm>>
      %dma_start3A_483 = arith.constant 0 : i32
      %dma_start3A_484 = tpu.memref_slice %arg13[%add3A_464, %dma_start3A_483] : memref<10240x128xf32, #tpu.memory_space<vmem_shared>> -> memref<128x128xf32, #tpu.memory_space<vmem_shared>>
      tpu.enqueue_dma source(%dma_start3A_484 : memref<128x128xf32, #tpu.memory_space<vmem_shared>>) target(%dma_start3A_482 : memref<128x128xf32, #tpu.memory_space<hbm>>) target_semaphore(%run_scoped3A_479 : memref<!tpu.dma_semaphore, #tpu.memory_space<semaphore_mem>>)
      %dma_wait3A_485 = arith.constant 0 : i32
      %dma_wait3A_486 = tpu.memref_slice %arg5[%arg0, %add3A_464, %dma_wait3A_485] : memref<2x10240x128xf32, #tpu.memory_space<hbm>> -> memref<1x128x128xf32, #tpu.memory_space<hbm>>
      %dma_wait3A_487 = tpu.memref_squeeze %dma_wait3A_486 : memref<1x128x128xf32, #tpu.memory_space<hbm>> -> memref<128x128xf32, #tpu.memory_space<hbm>>
      %dma_wait3A_488 = arith.constant 0 : i32
      %dma_wait3A_489 = tpu.memref_slice %arg13[%add3A_464, %dma_wait3A_488] : memref<10240x128xf32, #tpu.memory_space<vmem_shared>> -> memref<128x128xf32, #tpu.memory_space<vmem_shared>>
      tpu.wait_dma2 semaphore(%run_scoped3A_479 : memref<!tpu.dma_semaphore, #tpu.memory_space<semaphore_mem>>) src(%dma_wait3A_489 : memref<128x128xf32, #tpu.memory_space<vmem_shared>>) dst(%dma_wait3A_487 : memref<128x128xf32, #tpu.memory_space<hbm>>)
      tpu.yield
    }) : () -> ()
    %mul3A_465 = arith.constant 640 : i32
    %mul3A_466 = arith.muli %arg1, %mul3A_465 : i32
    %add3A_467 = arith.constant 256 : i32
    %add3A_468 = arith.addi %mul3A_466, %add3A_467 : i32
    "tpu.region"() ({
      %run_scoped3A_479 = tpu.sem_alloc : memref<!tpu.dma_semaphore, #tpu.memory_space<semaphore_mem>>
      %dma_start3A_480 = arith.constant 0 : i32
      %dma_start3A_481 = tpu.memref_slice %arg5[%arg0, %add3A_468, %dma_start3A_480] : memref<2x10240x128xf32, #tpu.memory_space<hbm>> -> memref<1x128x128xf32, #tpu.memory_space<hbm>>
      %dma_start3A_482 = tpu.memref_squeeze %dma_start3A_481 : memref<1x128x128xf32, #tpu.memory_space<hbm>> -> memref<128x128xf32, #tpu.memory_space<hbm>>
      %dma_start3A_483 = arith.constant 0 : i32
      %dma_start3A_484 = tpu.memref_slice %arg13[%add3A_468, %dma_start3A_483] : memref<10240x128xf32, #tpu.memory_space<vmem_shared>> -> memref<128x128xf32, #tpu.memory_space<vmem_shared>>
      tpu.enqueue_dma source(%dma_start3A_484 : memref<128x128xf32, #tpu.memory_space<vmem_shared>>) target(%dma_start3A_482 : memref<128x128xf32, #tpu.memory_space<hbm>>) target_semaphore(%run_scoped3A_479 : memref<!tpu.dma_semaphore, #tpu.memory_space<semaphore_mem>>)
      %dma_wait3A_485 = arith.constant 0 : i32
      %dma_wait3A_486 = tpu.memref_slice %arg5[%arg0, %add3A_468, %dma_wait3A_485] : memref<2x10240x128xf32, #tpu.memory_space<hbm>> -> memref<1x128x128xf32, #tpu.memory_space<hbm>>
      %dma_wait3A_487 = tpu.memref_squeeze %dma_wait3A_486 : memref<1x128x128xf32, #tpu.memory_space<hbm>> -> memref<128x128xf32, #tpu.memory_space<hbm>>
      %dma_wait3A_488 = arith.constant 0 : i32
      %dma_wait3A_489 = tpu.memref_slice %arg13[%add3A_468, %dma_wait3A_488] : memref<10240x128xf32, #tpu.memory_space<vmem_shared>> -> memref<128x128xf32, #tpu.memory_space<vmem_shared>>
      tpu.wait_dma2 semaphore(%run_scoped3A_479 : memref<!tpu.dma_semaphore, #tpu.memory_space<semaphore_mem>>) src(%dma_wait3A_489 : memref<128x128xf32, #tpu.memory_space<vmem_shared>>) dst(%dma_wait3A_487 : memref<128x128xf32, #tpu.memory_space<hbm>>)
      tpu.yield
    }) : () -> ()
    %mul3A_469 = arith.constant 640 : i32
    %mul3A_470 = arith.muli %arg1, %mul3A_469 : i32
    %add3A_471 = arith.constant 384 : i32
    %add3A_472 = arith.addi %mul3A_470, %add3A_471 : i32
    "tpu.region"() ({
      %run_scoped3A_479 = tpu.sem_alloc : memref<!tpu.dma_semaphore, #tpu.memory_space<semaphore_mem>>
      %dma_start3A_480 = arith.constant 0 : i32
      %dma_start3A_481 = tpu.memref_slice %arg5[%arg0, %add3A_472, %dma_start3A_480] : memref<2x10240x128xf32, #tpu.memory_space<hbm>> -> memref<1x128x128xf32, #tpu.memory_space<hbm>>
      %dma_start3A_482 = tpu.memref_squeeze %dma_start3A_481 : memref<1x128x128xf32, #tpu.memory_space<hbm>> -> memref<128x128xf32, #tpu.memory_space<hbm>>
      %dma_start3A_483 = arith.constant 0 : i32
      %dma_start3A_484 = tpu.memref_slice %arg13[%add3A_472, %dma_start3A_483] : memref<10240x128xf32, #tpu.memory_space<vmem_shared>> -> memref<128x128xf32, #tpu.memory_space<vmem_shared>>
      tpu.enqueue_dma source(%dma_start3A_484 : memref<128x128xf32, #tpu.memory_space<vmem_shared>>) target(%dma_start3A_482 : memref<128x128xf32, #tpu.memory_space<hbm>>) target_semaphore(%run_scoped3A_479 : memref<!tpu.dma_semaphore, #tpu.memory_space<semaphore_mem>>)
      %dma_wait3A_485 = arith.constant 0 : i32
      %dma_wait3A_486 = tpu.memref_slice %arg5[%arg0, %add3A_472, %dma_wait3A_485] : memref<2x10240x128xf32, #tpu.memory_space<hbm>> -> memref<1x128x128xf32, #tpu.memory_space<hbm>>
      %dma_wait3A_487 = tpu.memref_squeeze %dma_wait3A_486 : memref<1x128x128xf32, #tpu.memory_space<hbm>> -> memref<128x128xf32, #tpu.memory_space<hbm>>
      %dma_wait3A_488 = arith.constant 0 : i32
      %dma_wait3A_489 = tpu.memref_slice %arg13[%add3A_472, %dma_wait3A_488] : memref<10240x128xf32, #tpu.memory_space<vmem_shared>> -> memref<128x128xf32, #tpu.memory_space<vmem_shared>>
      tpu.wait_dma2 semaphore(%run_scoped3A_479 : memref<!tpu.dma_semaphore, #tpu.memory_space<semaphore_mem>>) src(%dma_wait3A_489 : memref<128x128xf32, #tpu.memory_space<vmem_shared>>) dst(%dma_wait3A_487 : memref<128x128xf32, #tpu.memory_space<hbm>>)
      tpu.yield
    }) : () -> ()
    %mul3A_473 = arith.constant 640 : i32
    %mul3A_474 = arith.muli %arg1, %mul3A_473 : i32
    %add3A_475 = arith.constant 512 : i32
    %add3A_476 = arith.addi %mul3A_474, %add3A_475 : i32
    "tpu.region"() ({
      %run_scoped3A_479 = tpu.sem_alloc : memref<!tpu.dma_semaphore, #tpu.memory_space<semaphore_mem>>
      %dma_start3A_480 = arith.constant 0 : i32
      %dma_start3A_481 = tpu.memref_slice %arg5[%arg0, %add3A_476, %dma_start3A_480] : memref<2x10240x128xf32, #tpu.memory_space<hbm>> -> memref<1x128x128xf32, #tpu.memory_space<hbm>>
      %dma_start3A_482 = tpu.memref_squeeze %dma_start3A_481 : memref<1x128x128xf32, #tpu.memory_space<hbm>> -> memref<128x128xf32, #tpu.memory_space<hbm>>
      %dma_start3A_483 = arith.constant 0 : i32
      %dma_start3A_484 = tpu.memref_slice %arg13[%add3A_476, %dma_start3A_483] : memref<10240x128xf32, #tpu.memory_space<vmem_shared>> -> memref<128x128xf32, #tpu.memory_space<vmem_shared>>
      tpu.enqueue_dma source(%dma_start3A_484 : memref<128x128xf32, #tpu.memory_space<vmem_shared>>) target(%dma_start3A_482 : memref<128x128xf32, #tpu.memory_space<hbm>>) target_semaphore(%run_scoped3A_479 : memref<!tpu.dma_semaphore, #tpu.memory_space<semaphore_mem>>)
      %dma_wait3A_485 = arith.constant 0 : i32
      %dma_wait3A_486 = tpu.memref_slice %arg5[%arg0, %add3A_476, %dma_wait3A_485] : memref<2x10240x128xf32, #tpu.memory_space<hbm>> -> memref<1x128x128xf32, #tpu.memory_space<hbm>>
      %dma_wait3A_487 = tpu.memref_squeeze %dma_wait3A_486 : memref<1x128x128xf32, #tpu.memory_space<hbm>> -> memref<128x128xf32, #tpu.memory_space<hbm>>
      %dma_wait3A_488 = arith.constant 0 : i32
      %dma_wait3A_489 = tpu.memref_slice %arg13[%add3A_476, %dma_wait3A_488] : memref<10240x128xf32, #tpu.memory_space<vmem_shared>> -> memref<128x128xf32, #tpu.memory_space<vmem_shared>>
      tpu.wait_dma2 semaphore(%run_scoped3A_479 : memref<!tpu.dma_semaphore, #tpu.memory_space<semaphore_mem>>) src(%dma_wait3A_489 : memref<128x128xf32, #tpu.memory_space<vmem_shared>>) dst(%dma_wait3A_487 : memref<128x128xf32, #tpu.memory_space<hbm>>)
      tpu.yield
    }) : () -> ()
    %mul3A_477 = arith.constant 640 : i32
    %mul3A_478 = arith.muli %arg1, %mul3A_477 : i32
    "tpu.region"() ({
      %run_scoped3A_479 = tpu.sem_alloc : memref<!tpu.dma_semaphore, #tpu.memory_space<semaphore_mem>>
      %dma_start3A_480 = tpu.memref_slice %arg6[%arg0, %mul3A_478] : memref<2x10240xf32, #tpu.memory_space<hbm>> -> memref<1x640xf32, #tpu.memory_space<hbm>>
      %dma_start3A_481 = tpu.memref_squeeze %dma_start3A_480 : memref<1x640xf32, #tpu.memory_space<hbm>> -> memref<640xf32, #tpu.memory_space<hbm>>
      %dma_start3A_482 = tpu.memref_slice %arg20[%mul3A_478] : memref<10240xf32, #tpu.memory_space<vmem_shared>> -> memref<640xf32, #tpu.memory_space<vmem_shared>>
      tpu.enqueue_dma source(%dma_start3A_482 : memref<640xf32, #tpu.memory_space<vmem_shared>>) target(%dma_start3A_481 : memref<640xf32, #tpu.memory_space<hbm>>) target_semaphore(%run_scoped3A_479 : memref<!tpu.dma_semaphore, #tpu.memory_space<semaphore_mem>>)
      %dma_wait3A_483 = tpu.memref_slice %arg6[%arg0, %mul3A_478] : memref<2x10240xf32, #tpu.memory_space<hbm>> -> memref<1x640xf32, #tpu.memory_space<hbm>>
      %dma_wait3A_484 = tpu.memref_squeeze %dma_wait3A_483 : memref<1x640xf32, #tpu.memory_space<hbm>> -> memref<640xf32, #tpu.memory_space<hbm>>
      %dma_wait3A_485 = tpu.memref_slice %arg20[%mul3A_478] : memref<10240xf32, #tpu.memory_space<vmem_shared>> -> memref<640xf32, #tpu.memory_space<vmem_shared>>
      tpu.wait_dma2 semaphore(%run_scoped3A_479 : memref<!tpu.dma_semaphore, #tpu.memory_space<semaphore_mem>>) src(%dma_wait3A_485 : memref<640xf32, #tpu.memory_space<vmem_shared>>) dst(%dma_wait3A_484 : memref<640xf32, #tpu.memory_space<hbm>>)
      tpu.yield
    }) : () -> ()
    return
  }
}

module attributes {stable_mosaic.version = 14 : i64} {
  func.func @body(%arg0: i32, %arg1: memref<1000x128xf32, #tpu.memory_space<vmem>>, %arg2: memref<128x128xf32, #tpu.memory_space<vmem>>, %arg3: memref<128x128xf32, #tpu.memory_space<vmem>>, %arg4: memref<1x128xf32, #tpu.memory_space<vmem>>, %arg5: memref<1000x128xf32, #tpu.memory_space<vmem>>, %arg6: memref<1000x128xf32, #tpu.memory_space<vmem>>) attributes {dimension_semantics = [#tpu.dimension_semantics<arbitrary>], iteration_bounds = array<i64: 10>, scalar_prefetch = 0 : i64, scratch_operands = 0 : i64, tpu.core_type = #tpu.core_type<tc>, window_params = [{transform_indices = @transform_0, window_bounds = array<i64: 1000, 128>}, {pipeline_mode = #tpu.pipeline_mode<synchronous>, transform_indices = @transform_1, window_bounds = array<i64: 128, 128>}, {pipeline_mode = #tpu.pipeline_mode<synchronous>, transform_indices = @transform_2, window_bounds = array<i64: 128, 128>}, {pipeline_mode = #tpu.pipeline_mode<synchronous>, transform_indices = @transform_3, window_bounds = array<i64: 1, 128>}, {transform_indices = @transform_4, window_bounds = array<i64: 1000, 128>}, {transform_indices = @transform_5, window_bounds = array<i64: 1000, 128>}]} {
    %get3A = arith.constant 0 : index
    %get3A_0 = arith.constant 0 : index
    %get3A_1 = vector.load %arg1[%get3A, %get3A_0] : memref<1000x128xf32, #tpu.memory_space<vmem>>, vector<1000x128xf32>
    %get3A_2 = arith.constant 0 : index
    %get3A_3 = arith.constant 0 : index
    %get3A_4 = vector.load %arg2[%get3A_2, %get3A_3] : memref<128x128xf32, #tpu.memory_space<vmem>>, vector<128x128xf32>
    %dot_general3A = arith.constant dense<0.000000e+00> : vector<1000x128xf32>
    %dot_general3A_5 = tpu.matmul %get3A_1, %get3A_4, %dot_general3A {dimension_numbers = #tpu.dot_dimension_numbers<[1], [0], [0], [1], [0, 0, 1, 1], [], []>, transpose_lhs_hint = false} : vector<1000x128xf32>, vector<128x128xf32>, vector<1000x128xf32> -> vector<1000x128xf32>
    %swap3A = arith.constant 0 : index
    %swap3A_6 = arith.constant 0 : index
    %swap3A_7 = vector.load %arg5[%swap3A, %swap3A_6] : memref<1000x128xf32, #tpu.memory_space<vmem>>, vector<1000x128xf32>
    tpu.vector_store %arg5[%swap3A, %swap3A_6], %dot_general3A_5 {strides = array<i32>} : memref<1000x128xf32, #tpu.memory_space<vmem>>, vector<1000x128xf32>,
    %get3A_8 = arith.constant 0 : index
    %get3A_9 = arith.constant 0 : index
    %get3A_10 = vector.load %arg3[%get3A_8, %get3A_9] : memref<128x128xf32, #tpu.memory_space<vmem>>, vector<128x128xf32>
    %dot_general3A_11 = arith.constant dense<0.000000e+00> : vector<1000x128xf32>
    %dot_general3A_12 = tpu.matmul %get3A_1, %get3A_10, %dot_general3A_11 {dimension_numbers = #tpu.dot_dimension_numbers<[1], [0], [0], [1], [0, 0, 1, 1], [], []>, transpose_lhs_hint = false} : vector<1000x128xf32>, vector<128x128xf32>, vector<1000x128xf32> -> vector<1000x128xf32>
    %get3A_13 = arith.constant 0 : index
    %get3A_14 = arith.constant 0 : index
    %get3A_15 = vector.load %arg4[%get3A_13, %get3A_14] : memref<1x128xf32, #tpu.memory_space<vmem>>, vector<1x128xf32>
    %add3A = vector.broadcast %get3A_15 : vector<1x128xf32> to vector<1000x128xf32>
    %add3A_16 = arith.addf %dot_general3A_12, %add3A : vector<1000x128xf32>
    %swap3A_17 = arith.constant 0 : index
    %swap3A_18 = arith.constant 0 : index
    %swap3A_19 = vector.load %arg6[%swap3A_17, %swap3A_18] : memref<1000x128xf32, #tpu.memory_space<vmem>>, vector<1000x128xf32>
    tpu.vector_store %arg6[%swap3A_17, %swap3A_18], %add3A_16 {strides = array<i32>} : memref<1000x128xf32, #tpu.memory_space<vmem>>, vector<1000x128xf32>,
    return
  }
  func.func @transform_0(%arg0: i32) -> (i32, i32) {
    %c0_i32 = arith.constant 0 : i32
    %c0_i32_0 = arith.constant 0 : i32
    return %arg0, %c0_i32 : i32, i32
  }
  func.func @transform_1(%arg0: i32) -> (i32, i32) {
    %c0_i32 = arith.constant 0 : i32
    %c0_i32_0 = arith.constant 0 : i32
    %c0_i32_1 = arith.constant 0 : i32
    return %c0_i32, %c0_i32_0 : i32, i32
  }
  func.func @transform_2(%arg0: i32) -> (i32, i32) {
    %c0_i32 = arith.constant 0 : i32
    %c0_i32_0 = arith.constant 0 : i32
    %c0_i32_1 = arith.constant 0 : i32
    return %c0_i32, %c0_i32_0 : i32, i32
  }
  func.func @transform_3(%arg0: i32) -> (i32, i32) {
    %c0_i32 = arith.constant 0 : i32
    %c0_i32_0 = arith.constant 0 : i32
    %c0_i32_1 = arith.constant 0 : i32
    return %c0_i32, %c0_i32_0 : i32, i32
  }
  func.func @transform_4(%arg0: i32) -> (i32, i32) {
    %c0_i32 = arith.constant 0 : i32
    %c0_i32_0 = arith.constant 0 : i32
    return %arg0, %c0_i32 : i32, i32
  }
  func.func @transform_5(%arg0: i32) -> (i32, i32) {
    %c0_i32 = arith.constant 0 : i32
    %c0_i32_0 = arith.constant 0 : i32
    return %arg0, %c0_i32 : i32, i32
  }
}

module attributes {stable_mosaic.version = 14 : i64} {
  func.func @body(%arg0: i32, %arg1: memref<2x1000x128xf32, #tpu.memory_space<vmem>>, %arg2: memref<2x1000x1xf32, #tpu.memory_space<vmem>>, %arg3: memref<1000x128xf32, #tpu.memory_space<vmem>>, %arg4: memref<128x128xf32, #tpu.memory_space<vmem>>, %arg5: memref<128x128xf32, #tpu.memory_space<vmem>>, %arg6: memref<1x128xf32, #tpu.memory_space<vmem>>, %arg7: memref<1000x128xf32, #tpu.memory_space<vmem>>, %arg8: memref<1000x128xf32, #tpu.memory_space<vmem>>) attributes {dimension_semantics = [#tpu.dimension_semantics<arbitrary>], iteration_bounds = array<i64: 10>, scalar_prefetch = 0 : i64, scratch_operands = 0 : i64, tpu.core_type = #tpu.core_type<tc>, window_params = [{transform_indices = @transform_0, window_bounds = array<i64: 2, 1000, 128>}, {transform_indices = @transform_1, window_bounds = array<i64: 2, 1000, 1>}, {transform_indices = @transform_2, window_bounds = array<i64: 1000, 128>}, {pipeline_mode = #tpu.pipeline_mode<synchronous>, transform_indices = @transform_3, window_bounds = array<i64: 128, 128>}, {pipeline_mode = #tpu.pipeline_mode<synchronous>, transform_indices = @transform_4, window_bounds = array<i64: 128, 128>}, {pipeline_mode = #tpu.pipeline_mode<synchronous>, transform_indices = @transform_5, window_bounds = array<i64: 1, 128>}, {transform_indices = @transform_6, window_bounds = array<i64: 1000, 128>}, {transform_indices = @transform_7, window_bounds = array<i64: 1000, 128>}]} {
    %get3A = arith.constant 0 : index
    %get3A_0 = arith.constant 0 : index
    %get3A_1 = arith.constant 0 : index
    %get3A_2 = vector.load %arg1[%get3A, %get3A_0, %get3A_1] : memref<2x1000x128xf32, #tpu.memory_space<vmem>>, vector<1x1000x128xf32>
    %get3A_3 = vector.shape_cast %get3A_2 : vector<1x1000x128xf32> to vector<1000x128xf32>
    %get3A_4 = arith.constant 1 : index
    %get3A_5 = arith.constant 0 : index
    %get3A_6 = arith.constant 0 : index
    %get3A_7 = vector.load %arg1[%get3A_4, %get3A_5, %get3A_6] : memref<2x1000x128xf32, #tpu.memory_space<vmem>>, vector<1x1000x128xf32>
    %get3A_8 = vector.shape_cast %get3A_7 : vector<1x1000x128xf32> to vector<1000x128xf32>
    %add3A = arith.addf %get3A_3, %get3A_8 : vector<1000x128xf32>
    %get3A_9 = arith.constant 0 : index
    %get3A_10 = arith.constant 0 : index
    %get3A_11 = arith.constant 0 : index
    %get3A_12 = vector.load %arg2[%get3A_9, %get3A_10, %get3A_11] : memref<2x1000x1xf32, #tpu.memory_space<vmem>>, vector<1x1000x1xf32>
    %get3A_13 = vector.shape_cast %get3A_12 : vector<1x1000x1xf32> to vector<1000x1xf32>
    %get3A_14 = arith.constant 1 : index
    %get3A_15 = arith.constant 0 : index
    %get3A_16 = arith.constant 0 : index
    %get3A_17 = vector.load %arg2[%get3A_14, %get3A_15, %get3A_16] : memref<2x1000x1xf32, #tpu.memory_space<vmem>>, vector<1x1000x1xf32>
    %get3A_18 = vector.shape_cast %get3A_17 : vector<1x1000x1xf32> to vector<1000x1xf32>
    %add3A_19 = arith.addf %get3A_13, %get3A_18 : vector<1000x1xf32>
    %max3A = arith.constant 1.000000e+00 : f32
    %max3A_20 = vector.broadcast %max3A : f32 to vector<1000x1xf32>
    %max3A_21 = arith.maximumf %add3A_19, %max3A_20 : vector<1000x1xf32>
    %div3A = vector.broadcast %max3A_21 : vector<1000x1xf32> to vector<1000x128xf32>
    %div3A_22 = arith.divf %add3A, %div3A : vector<1000x128xf32>
    %get3A_23 = arith.constant 0 : index
    %get3A_24 = arith.constant 0 : index
    %get3A_25 = vector.load %arg3[%get3A_23, %get3A_24] : memref<1000x128xf32, #tpu.memory_space<vmem>>, vector<1000x128xf32>
    %add3A_26 = arith.addf %div3A_22, %get3A_25 : vector<1000x128xf32>
    %ge3A = arith.constant 0.000000e+00 : f32
    %ge3A_27 = vector.broadcast %ge3A : f32 to vector<1000x128xf32>
    %ge3A_28 = arith.cmpf oge, %add3A_26, %ge3A_27 : vector<1000x128xf32>
    %mul3A = arith.constant 5.000000e-01 : f32
    %mul3A_29 = vector.broadcast %mul3A : f32 to vector<1000x128xf32>
    %mul3A_30 = arith.mulf %mul3A_29, %add3A_26 : vector<1000x128xf32>
    %select_n3A = arith.select %ge3A_28, %add3A_26, %mul3A_30 : vector<1000x128xi1>, vector<1000x128xf32>
    %get3A_31 = arith.constant 0 : index
    %get3A_32 = arith.constant 0 : index
    %get3A_33 = vector.load %arg4[%get3A_31, %get3A_32] : memref<128x128xf32, #tpu.memory_space<vmem>>, vector<128x128xf32>
    %dot_general3A = arith.constant dense<0.000000e+00> : vector<1000x128xf32>
    %dot_general3A_34 = tpu.matmul %select_n3A, %get3A_33, %dot_general3A {dimension_numbers = #tpu.dot_dimension_numbers<[1], [0], [0], [1], [0, 0, 1, 1], [], []>, transpose_lhs_hint = false} : vector<1000x128xf32>, vector<128x128xf32>, vector<1000x128xf32> -> vector<1000x128xf32>
    %swap3A = arith.constant 0 : index
    %swap3A_35 = arith.constant 0 : index
    %swap3A_36 = vector.load %arg7[%swap3A, %swap3A_35] : memref<1000x128xf32, #tpu.memory_space<vmem>>, vector<1000x128xf32>
    tpu.vector_store %arg7[%swap3A, %swap3A_35], %dot_general3A_34 {strides = array<i32>} : memref<1000x128xf32, #tpu.memory_space<vmem>>, vector<1000x128xf32>,
    %get3A_37 = arith.constant 0 : index
    %get3A_38 = arith.constant 0 : index
    %get3A_39 = vector.load %arg5[%get3A_37, %get3A_38] : memref<128x128xf32, #tpu.memory_space<vmem>>, vector<128x128xf32>
    %dot_general3A_40 = arith.constant dense<0.000000e+00> : vector<1000x128xf32>
    %dot_general3A_41 = tpu.matmul %select_n3A, %get3A_39, %dot_general3A_40 {dimension_numbers = #tpu.dot_dimension_numbers<[1], [0], [0], [1], [0, 0, 1, 1], [], []>, transpose_lhs_hint = false} : vector<1000x128xf32>, vector<128x128xf32>, vector<1000x128xf32> -> vector<1000x128xf32>
    %get3A_42 = arith.constant 0 : index
    %get3A_43 = arith.constant 0 : index
    %get3A_44 = vector.load %arg6[%get3A_42, %get3A_43] : memref<1x128xf32, #tpu.memory_space<vmem>>, vector<1x128xf32>
    %add3A_45 = vector.broadcast %get3A_44 : vector<1x128xf32> to vector<1000x128xf32>
    %add3A_46 = arith.addf %dot_general3A_41, %add3A_45 : vector<1000x128xf32>
    %swap3A_47 = arith.constant 0 : index
    %swap3A_48 = arith.constant 0 : index
    %swap3A_49 = vector.load %arg8[%swap3A_47, %swap3A_48] : memref<1000x128xf32, #tpu.memory_space<vmem>>, vector<1000x128xf32>
    tpu.vector_store %arg8[%swap3A_47, %swap3A_48], %add3A_46 {strides = array<i32>} : memref<1000x128xf32, #tpu.memory_space<vmem>>, vector<1000x128xf32>,
    return
  }
  func.func @transform_0(%arg0: i32) -> (i32, i32, i32) {
    %c0_i32 = arith.constant 0 : i32
    %c0_i32_0 = arith.constant 0 : i32
    %c0_i32_1 = arith.constant 0 : i32
    return %c0_i32, %arg0, %c0_i32_0 : i32, i32, i32
  }
  func.func @transform_1(%arg0: i32) -> (i32, i32, i32) {
    %c0_i32 = arith.constant 0 : i32
    %c0_i32_0 = arith.constant 0 : i32
    %c0_i32_1 = arith.constant 0 : i32
    return %c0_i32, %arg0, %c0_i32_0 : i32, i32, i32
  }
  func.func @transform_2(%arg0: i32) -> (i32, i32) {
    %c0_i32 = arith.constant 0 : i32
    %c0_i32_0 = arith.constant 0 : i32
    return %arg0, %c0_i32 : i32, i32
  }
  func.func @transform_3(%arg0: i32) -> (i32, i32) {
    %c0_i32 = arith.constant 0 : i32
    %c0_i32_0 = arith.constant 0 : i32
    %c0_i32_1 = arith.constant 0 : i32
    return %c0_i32, %c0_i32_0 : i32, i32
  }
  func.func @transform_4(%arg0: i32) -> (i32, i32) {
    %c0_i32 = arith.constant 0 : i32
    %c0_i32_0 = arith.constant 0 : i32
    %c0_i32_1 = arith.constant 0 : i32
    return %c0_i32, %c0_i32_0 : i32, i32
  }
  func.func @transform_5(%arg0: i32) -> (i32, i32) {
    %c0_i32 = arith.constant 0 : i32
    %c0_i32_0 = arith.constant 0 : i32
    %c0_i32_1 = arith.constant 0 : i32
    return %c0_i32, %c0_i32_0 : i32, i32
  }
  func.func @transform_6(%arg0: i32) -> (i32, i32) {
    %c0_i32 = arith.constant 0 : i32
    %c0_i32_0 = arith.constant 0 : i32
    return %arg0, %c0_i32 : i32, i32
  }
  func.func @transform_7(%arg0: i32) -> (i32, i32) {
    %c0_i32 = arith.constant 0 : i32
    %c0_i32_0 = arith.constant 0 : i32
    return %arg0, %c0_i32 : i32, i32
  }
}

module attributes {stable_mosaic.version = 14 : i64} {
  func.func @body(%arg0: i32, %arg1: memref<2x1000x128xf32, #tpu.memory_space<vmem>>, %arg2: memref<2x1000x1xf32, #tpu.memory_space<vmem>>, %arg3: memref<1000x128xf32, #tpu.memory_space<vmem>>, %arg4: memref<1000x128xf32, #tpu.memory_space<vmem>>) attributes {dimension_semantics = [#tpu.dimension_semantics<arbitrary>], iteration_bounds = array<i64: 10>, scalar_prefetch = 0 : i64, scratch_operands = 0 : i64, tpu.core_type = #tpu.core_type<tc>, window_params = [{transform_indices = @transform_0, window_bounds = array<i64: 2, 1000, 128>}, {transform_indices = @transform_1, window_bounds = array<i64: 2, 1000, 1>}, {transform_indices = @transform_2, window_bounds = array<i64: 1000, 128>}, {transform_indices = @transform_3, window_bounds = array<i64: 1000, 128>}]} {
    %get3A = arith.constant 0 : index
    %get3A_0 = arith.constant 0 : index
    %get3A_1 = arith.constant 0 : index
    %get3A_2 = vector.load %arg1[%get3A, %get3A_0, %get3A_1] : memref<2x1000x128xf32, #tpu.memory_space<vmem>>, vector<1x1000x128xf32>
    %get3A_3 = vector.shape_cast %get3A_2 : vector<1x1000x128xf32> to vector<1000x128xf32>
    %get3A_4 = arith.constant 1 : index
    %get3A_5 = arith.constant 0 : index
    %get3A_6 = arith.constant 0 : index
    %get3A_7 = vector.load %arg1[%get3A_4, %get3A_5, %get3A_6] : memref<2x1000x128xf32, #tpu.memory_space<vmem>>, vector<1x1000x128xf32>
    %get3A_8 = vector.shape_cast %get3A_7 : vector<1x1000x128xf32> to vector<1000x128xf32>
    %add3A = arith.addf %get3A_3, %get3A_8 : vector<1000x128xf32>
    %get3A_9 = arith.constant 0 : index
    %get3A_10 = arith.constant 0 : index
    %get3A_11 = arith.constant 0 : index
    %get3A_12 = vector.load %arg2[%get3A_9, %get3A_10, %get3A_11] : memref<2x1000x1xf32, #tpu.memory_space<vmem>>, vector<1x1000x1xf32>
    %get3A_13 = vector.shape_cast %get3A_12 : vector<1x1000x1xf32> to vector<1000x1xf32>
    %get3A_14 = arith.constant 1 : index
    %get3A_15 = arith.constant 0 : index
    %get3A_16 = arith.constant 0 : index
    %get3A_17 = vector.load %arg2[%get3A_14, %get3A_15, %get3A_16] : memref<2x1000x1xf32, #tpu.memory_space<vmem>>, vector<1x1000x1xf32>
    %get3A_18 = vector.shape_cast %get3A_17 : vector<1x1000x1xf32> to vector<1000x1xf32>
    %add3A_19 = arith.addf %get3A_13, %get3A_18 : vector<1000x1xf32>
    %max3A = arith.constant 1.000000e+00 : f32
    %max3A_20 = vector.broadcast %max3A : f32 to vector<1000x1xf32>
    %max3A_21 = arith.maximumf %add3A_19, %max3A_20 : vector<1000x1xf32>
    %div3A = vector.broadcast %max3A_21 : vector<1000x1xf32> to vector<1000x128xf32>
    %div3A_22 = arith.divf %add3A, %div3A : vector<1000x128xf32>
    %get3A_23 = arith.constant 0 : index
    %get3A_24 = arith.constant 0 : index
    %get3A_25 = vector.load %arg3[%get3A_23, %get3A_24] : memref<1000x128xf32, #tpu.memory_space<vmem>>, vector<1000x128xf32>
    %add3A_26 = arith.addf %div3A_22, %get3A_25 : vector<1000x128xf32>
    %ge3A = arith.constant 0.000000e+00 : f32
    %ge3A_27 = vector.broadcast %ge3A : f32 to vector<1000x128xf32>
    %ge3A_28 = arith.cmpf oge, %add3A_26, %ge3A_27 : vector<1000x128xf32>
    %mul3A = arith.constant 5.000000e-01 : f32
    %mul3A_29 = vector.broadcast %mul3A : f32 to vector<1000x128xf32>
    %mul3A_30 = arith.mulf %mul3A_29, %add3A_26 : vector<1000x128xf32>
    %select_n3A = arith.select %ge3A_28, %add3A_26, %mul3A_30 : vector<1000x128xi1>, vector<1000x128xf32>
    %swap3A = arith.constant 0 : index
    %swap3A_31 = arith.constant 0 : index
    %swap3A_32 = vector.load %arg4[%swap3A, %swap3A_31] : memref<1000x128xf32, #tpu.memory_space<vmem>>, vector<1000x128xf32>
    tpu.vector_store %arg4[%swap3A, %swap3A_31], %select_n3A {strides = array<i32>} : memref<1000x128xf32, #tpu.memory_space<vmem>>, vector<1000x128xf32>,
    return
  }
  func.func @transform_0(%arg0: i32) -> (i32, i32, i32) {
    %c0_i32 = arith.constant 0 : i32
    %c0_i32_0 = arith.constant 0 : i32
    %c0_i32_1 = arith.constant 0 : i32
    return %c0_i32, %arg0, %c0_i32_0 : i32, i32, i32
  }
  func.func @transform_1(%arg0: i32) -> (i32, i32, i32) {
    %c0_i32 = arith.constant 0 : i32
    %c0_i32_0 = arith.constant 0 : i32
    %c0_i32_1 = arith.constant 0 : i32
    return %c0_i32, %arg0, %c0_i32_0 : i32, i32, i32
  }
  func.func @transform_2(%arg0: i32) -> (i32, i32) {
    %c0_i32 = arith.constant 0 : i32
    %c0_i32_0 = arith.constant 0 : i32
    return %arg0, %c0_i32 : i32, i32
  }
  func.func @transform_3(%arg0: i32) -> (i32, i32) {
    %c0_i32 = arith.constant 0 : i32
    %c0_i32_0 = arith.constant 0 : i32
    return %arg0, %c0_i32 : i32, i32
  }
}

</mosaic_0001>

<sc_bundles>
// kernel: kernel.10.cloned.1.call-start
scs
__scs_entry_jumppad:
0x0: {  	(pc) =	sbr.rel $0x88, $3  }
0x1: {  	(tag) =	ssettag $0x0;
	lr =	simm.s32 $0x1  }
0x2: {  	[smem:$0x3F99] =	sst lr;
	_ =	strace $0xD0000000  }
0x3: {  	_ = 	snop  }
0x4: {  	_ = 	snop  }
0x5: {  	_ = 	snop  }
0x6: {  	_ = 	snop  }
0x7: {  	_ = 	snop  }
__scs_overlays_trampoline_lowered:
0x8: {  	[smem:$0x3FA8] =	sst s0  }
0x9: {  	[smem:$0x3FA9] =	sst s1  }
0xa: {  	[smem:$0x3FAA] =	sst s2  }
0xb: {  	[smem:$0x3FAB] =	sst s3  }
0xc: {  	[smem:$0x3FAC] =	sst s4  }
0xd: {  	[smem:$0x3FAD] =	sst s5  }
0xe: {  	[smem:$0x3FAE] =	sst s6  }
0xf: {  	[smem:$0x3FAF] =	sst s7  }
0x10: {  	[smem:$0x3FB0] =	sst s8  }
0x11: {  	[smem:$0x3FB1] =	sst s9;
	s0 =	simm.s32 @!p0 $0x0  }
0x12: {  	s1 =	sld [smem:$0x3F97];
	s0 =	simm.s32 @p0 $0x1  }
0x13: {  	[smem:$0x3FB2] =	sst s0;
	s0 =	simm.s32 @!p1 $0x0  }
0x14: {  	s2 =	sld [smem:$0x3F96];
	s0 =	simm.s32 @p1 $0x1  }
0x15: {  	[smem:$0x3FB3] =	sst s0;
	s0 =	simm.s32 @!p2 $0x0  }
0x16: {  	s3 =	sld [smem:$0x3FDB];
	s0 =	simm.s32 @p2 $0x1  }
0x17: {  	s4 =	simm.s32 $0x1BF5;
	[smem:$0x3FB5] =	sst s0  }
0x18: {  	s0 =	sld [smem:$0x3F98];
	_ =	swait.ge [sflag:s4], $0x0  }
0x19: {  	s7 =	sld [smem:$0x3F99]  }
0x1a: {  	s8 =	sadd.s32 $0xFFFFE003, lr  }
0x1b: {  	s9 =	sadd.s32 $0xFFFFFEF7, lr;
	s5 =	simm.s32 $0xFFFFFFFF;
	p2 =	slt.u32 s8, $0xFFFFF086  }
0x1c: {  	p1 =	slt.u32 s9, $0xF7A;
	s5 =	simm.s32 @!p2 $0x0  }
0x1d: {  	s5 =	simm.s32 @p1 $0x1;
	p0 =	seq.s32 s7, s2  }
0x1e: {  	s7 =	smul.u32 @!p0 $0xF7A, s2;
	p2 =	seq.s32 @!p0 s5, $0x0  }
0x1f: {  	s9 =	smul.u32 $0xF7A, s1;
	s8 =	simm.s32 @!p0 $0x1BF5;
	p2 =	por !p2, p0  }
0x20: {  	[sflag:s8] =	ssyncset.s32 @!p0 $0xFFFFF086;
	s6 =	sadd.s32 @!p0 s3, s7;
	s7 =	simm.s32 @!p0 $0x108  }
0x21: {  	s3 =	sadd.s32 s3, s9;
	s6 =	sadd.s32 @!p0 $0x88, s6;
	s7 =	simm.s32 @p2 $0x1082  }
0x22: {  	[simem:s7], [sflag:s8] =	dma.local @!p0 [hbm:s6], $0xF7A  }
0x23: {  	s9 =	sor.u32 $0xD0000000, s2;
	s6 =	simm.s32 $0x108;
	_ =	swait.ge @!p0 [sflag:s8], $0x0  }
0x24: {  	s3 =	sadd.s32 $0x88, s3;
	s6 =	simm.s32 @!p1 $0x1082;
	[sflag:s4] =	ssyncset.s32 $0xFFFFF086  }
0x25: {  	[simem:s6], [sflag:s4] =	dma.local [hbm:s3], $0xF7A  }
0x26: {  	[smem:$0x3F99] =	sst s1;
	(tag) =	ssettag s2;
	_ =	strace s9  }
0x27: {  	s1 =	sld [smem:$0x3FA9]  }
0x28: {  	s2 =	sld [smem:$0x3FAA]  }
0x29: {  	s4 =	sld [smem:$0x3FAC]  }
0x2a: {  	p0 =	seq.s32 s5, $0x0;
	s5 =	sld [smem:$0x3FAD]  }
0x2b: {  	s6 =	sld [smem:$0x3FAE]  }
0x2c: {  	s7 =	sld [smem:$0x3FAF]  }
0x2d: {  	s3 =	simm.s32 $0x108;
	s8 =	sld [smem:$0x3FB0]  }
0x2e: {  	s3 =	simm.s32 @!p0 $0x1082;
	s9 =	sld [smem:$0x3FB1]  }
0x2f: {  	lr =	sadd.s32 s0, s3;
	s0 =	sld [smem:$0x3FA8]  }
0x30: {  	s3 =	sld [smem:$0x3FAB]  }
0x31: {  	[smem:$0x3FB4] =	sst s10  }
0x32: {  	s10 =	sld [smem:$0x3FB2];
	_ =	sdelay $0x3  }
0x33: {  	p0 =	seq.s32 s10, $0x1;
	s10 =	sld [smem:$0x3FB4];
	_ =	sdelay $0x3  }
0x34: {  	[smem:$0x3FB4] =	sst s10  }
0x35: {  	s10 =	sld [smem:$0x3FB3];
	_ =	sdelay $0x3  }
0x36: {  	p1 =	seq.s32 s10, $0x1;
	s10 =	sld [smem:$0x3FB4];
	_ =	sdelay $0x3  }
0x37: {  	[smem:$0x3FB4] =	sst s10  }
0x38: {  	s10 =	sld [smem:$0x3FB5]  }
0x39: {  	_ = 	snop;
	(pc) =	sbr.ind lr, $3  }
0x3a: {  	_ = 	snop  }
0x3b: {  	_ = 	snop  }
0x3c: {  	p2 =	seq.s32 s10, $0x1;
	s10 =	sld [smem:$0x3FB4]  }
0x3d: {  	_ =	shalt  }
0x3e: {  	_ =	shalt  }
0x3f: {  	_ =	shalt  }
0x40: {  	_ =	shalt  }
0x41: {  	_ =	shalt  }
0x42: {  	_ =	shalt  }
0x43: {  	_ =	shalt  }
0x44: {  	_ =	shalt  }
0x45: {  	_ =	shalt  }
0x46: {  	_ =	shalt  }
0x47: {  	_ =	shalt  }
0x48: {  	_ =	shalt  }
0x49: {  	_ =	shalt  }
0x4a: {  	_ =	shalt  }
0x4b: {  	_ =	shalt  }
0x4c: {  	_ =	shalt  }
0x4d: {  	_ =	shalt  }
0x4e: {  	_ =	shalt  }
0x4f: {  	_ =	shalt  }
0x50: {  	_ =	shalt  }
0x51: {  	_ =	shalt  }
0x52: {  	_ =	shalt  }
0x53: {  	_ =	shalt  }
0x54: {  	_ =	shalt  }
0x55: {  	_ =	shalt  }
0x56: {  	_ =	shalt  }
0x57: {  	_ =	shalt  }
0x58: {  	_ =	shalt  }
0x59: {  	_ =	shalt  }
0x5a: {  	_ =	shalt  }
0x5b: {  	_ =	shalt  }
0x5c: {  	_ =	shalt  }
0x5d: {  	_ =	shalt  }
0x5e: {  	_ =	shalt  }
0x5f: {  	_ =	shalt  }
0x60: {  	_ =	shalt  }
0x61: {  	_ =	shalt  }
0x62: {  	_ =	shalt  }
0x63: {  	_ =	shalt  }
0x64: {  	_ =	shalt  }
0x65: {  	_ =	shalt  }
0x66: {  	_ =	shalt  }
0x67: {  	_ =	shalt  }
0x68: {  	_ =	shalt  }
0x69: {  	_ =	shalt  }
0x6a: {  	_ =	shalt  }
0x6b: {  	_ =	shalt  }
0x6c: {  	_ =	shalt  }
0x6d: {  	_ =	shalt  }
0x6e: {  	_ =	shalt  }
0x6f: {  	_ =	shalt  }
0x70: {  	_ =	shalt  }
0x71: {  	_ =	shalt  }
0x72: {  	_ =	shalt  }
0x73: {  	_ =	shalt  }
0x74: {  	_ =	shalt  }
0x75: {  	_ =	shalt  }
0x76: {  	_ =	shalt  }
0x77: {  	_ =	shalt  }
0x78: {  	_ =	shalt  }
0x79: {  	_ =	shalt  }
0x7a: {  	_ =	shalt  }
0x7b: {  	_ =	shalt  }
0x7c: {  	_ =	shalt  }
0x7d: {  	_ =	shalt  }
0x7e: {  	_ =	shalt  }
0x7f: {  	_ =	shalt  }
0x80: {  	_ =	shalt  }
0x81: {  	_ =	shalt  }
0x82: {  	_ =	shalt  }
0x83: {  	_ =	shalt  }
0x84: {  	_ =	shalt  }
0x85: {  	_ =	shalt  }
0x86: {  	_ =	shalt  }
0x87: {  	_ =	shalt  }
.Lfunc_end0:
.L_simem_size_0:
called_computation.1_lowered:
.L_overlay_start_0:
0x88: {  	s2 =	sld [smem:$0x3FD9]  }
0x89: {  	s3 =	sld [smem:$0x3FFE];
	_ =	sdelay $0x1  }
0x8a: {  	s1 =	srdreg.scid  }
0x8b: {  	s0 =	sand.u32 $0x1, s1  }
0x8c: {  	s17 =	sshll.u32 s0, $0xA;
	s2 =	sadd.s32 s3, s2  }
0x8d: {  	s2 =	sadd.s32 s2, s17  }
0x8e: {  	[smem:$0x3FC0] =	sst s2  }
0x8f: {  	_ = 	snop  }
0x90: {  	s2 =	sld [smem:$0x3FD0];
	(tm) =	ssettm $0x1  }
0x91: {  	s18 =	sld [smem:$0x3FFB];
	_ =	sdelay $0x3  }
0x92: {  	_ =	strace s18  }
0x93: {  	s3 =	sld [smem:$0x3FFC];
	_ =	sdelay $0x3  }
0x94: {  	_ =	strace s3  }
0x95: {  	s3 =	sld [smem:$0x3FFD];
	_ =	sdelay $0x3  }
0x96: {  	_ =	strace s3  }
0x97: {  	_ =	strace $0x8FFFFFFF  }
0x98: {  	s19 =	sld [smem:$0x3FDB];
	_ =	sdelay $0x1  }
0x99: {  	s4 =	simm.s32 $_scs_section_size  }
0x9a: {  	s5 =	simm.s32 $_size__tile_overlayer_lowered;
	s6 =	simm.s32 $_tile_overlayer_lowered  }
0x9b: {  	s22 =	simm.s32 $0x1BFF;
	s21 =	sshll.u32 s6, $0x1;
	s3 =	sadd.s32 s4, s19  }
0x9c: {  	s7 =	simm.s32 $0x0;
	s20 =	sshll.u32 s5, $0x1;
	s5 =	sadd.s32 s21, s3  }
0x9d: {  	[timem:s7], [sflag:s22] =	dma.local [hbm:s5], s20  }
0x9e: {  	_ =	swait.ge [sflag:s22], s20  }
0x9f: {  	s4 =	ssub.s32 $0x0, s20;
	[sflag:s22] =	ssyncset.done $0x0  }
0xa0: {  	[sflag:s22] =	ssyncadd.s32 s4;
	_ =	sdelay $0x1  }
0xa1: {  	s23 =	simm.s32 $0x1B8B  }
0xa2: {  	_ =	swait.ge [sflag:s23], $0x1  }
0xa3: {  	[sflag:s23] =	ssyncset.done $0x0  }
0xa4: {  	s25 =	simm.s32 $0x1B8E;
	s24 =	sld [smem:$0x3FFE];
	[sflag:s23] =	ssyncadd.s32 $0xFFFFFFFF  }
0xa5: {  	s26 =	simm.s32 $execute0_lowered;
	[smem:$0x3FD2] =	sst s25  }
0xa6: {  	s5 =	sshll.u32 s26, $0x1;
	_ =	strace $0x80000049;
	[dreg:$0x1] =	wrdreg $0xFFFFFFFF  }
0xa7: {  	s28 =	simm.s32 $_size_execute0_lowered;
	s3 =	sadd.s32 s3, s5;
	[dreg:$0x0] =	wrdreg $0x0  }
0xa8: {  	s5 =	sshll.u32 s28, $0x1;
	[dreg:$0x2] =	wrdreg s3  }
0xa9: {  	[dreg:$0x3] =	wrdreg s5  }
0xaa: {  	[dreg:$0x4] =	wrdreg $0xC0  }
0xab: {  	_ =	task [dreg:s7], $0x5FFFF  }
0xac: {  	[dreg:$0x1] =	wrdreg $0xFFFFFFFF  }
0xad: {  	[dreg:$0x0] =	wrdreg $0x60  }
0xae: {  	[dreg:$0x2] =	wrdreg s2  }
0xaf: {  	[dreg:$0x3] =	wrdreg s24  }
0xb0: {  	[dreg:$0x4] =	wrdreg $0xA0000  }
0xb1: {  	[dreg:$0x5] =	wrdreg $0x1E3000  }
0xb2: {  	[dreg:$0x6] =	wrdreg $0x9  }
0xb3: {  	_ =	task.clear_ibuf [dreg:s7], $0x7FFFF;
	_ =	strace $0x90000049  }
0xb4: {  	s29 =	simm.s32 $0x9;
	_ =	strace $0x8000004B  }
0xb5: {  	_ =	swait.ge [sflag:s29], $0x1  }
0xb6: {  	[sflag:s29] =	ssyncadd.s32 $0xFFFFFFFF  }
0xb7: {  	_ =	strace $0x9000004B  }
0xb8: {  	_ =	sfence  }
0xb9: {  	s30 =	sld [smem:$0x0];
	_ =	sdelay $0x2  }
0xba: {  	s31 =	sshll.u32 s1, $0xD;
	s1 =	sshrl.u32 s1, $0x2  }
0xbb: {  	s3 =	sand.u32 $0x4000, s31;
	s1 =	sadd.s32 s1, s30  }
0xbc: {  	s0 =	sor.u32 s3, s0;
	s1 =	sshll.u32 s1, $0x11  }
0xbd: {  	s0 =	sor.u32 s1, s0  }
0xbe: {  	s0 =	sadd.s32 $0x8F2B, s0  }
0xbf: {  	[sflag:s0] =	ssyncadd.remote.s32 $0x1  }
0xc0: {  	_ =	sfence.sel $0xFFFF  }
0xc1: {  	[dreg:$0x0] =	wrdreg $0xFFFFFFFF;
	(pc) =	sbr.abs _section_cstart, $3  }
0xc2: {  	[dreg:$0x1] =	wrdreg $0xFFFFFFFF  }
0xc3: {  	_ =	task.clear_ibuf [dreg:s7], $0x2FFFF;
	_ =	strace $0x9FFFFFFF  }
0xc4: {  	(tm) =	ssettm $0x7FFFFFFF  }
0xc5: {  	_ =	shalt  }
tec
execute0_lowered:
.L_overlay_start_1:
0x0: {  	(tag) =	ssettag $0x1  }
0x1: {  	s0 =	rddreg [dreg:$0x0]  }
0x2: {  	s1 =	rddreg [dreg:$0x1];
	s9 =	simm.s32 $0x0;
	s3 =	srdreg.scid  }
0x3: {  	s17 =	stileid.u32;
	s31 =	simm.s32 $0x3;
	s28 =	simm.s32 $0x1C00  }
0x4: {  	s29 =	simm.s32 $0x1C80;
	s30 =	simm.s32 $0x1D00;
	[smem:$0x7FF] =	sst s9  }
0x5: {  	s3 =	sand.u32 $0x1, s3;
	s4 =	sadd.s32 $0xC600, s1;
	s5 =	smul.u32 $0x500, s17  }
0x6: {  	s7 =	sadd.s32 $0x2600, s1;
	s2 =	sadd.s32 $0x17000, s1;
	s10 =	smul.u32 $0x280, s17  }
0x7: {  	s16 =	smul.u32 $0x14000, s17;
	s6 =	sshll.u32 s3, $0x4;
	s8 =	sshll.u32 s3, $0x7  }
0x8: {  	s18 =	ssub.s32 $0x2, s3;
	s3 =	smul.u32 $0x140000, s3;
	s6 =	sor.u32 s17, s6  }
0x9: {  	s5 =	sor.u32 s8, s5;
	s19 =	sshrl.u32 s18, $0x1;
	s21 =	sshll.u32 s10, $0x7  }
0xa: {  	s6 =	smul.u32 $0x2800, s6;
	s5 =	sshrl.u32 s5, $0x3;
	s12 =	sadd.s32 $0x8000, s21  }
0xb: {  	s13 =	sadd.s32 $0xC000, s21;
	s26 =	sadd.s32 s16, s3;
	s1 =	sadd.s32 s5, s1  }
0xc: {  	s5 =	ssub.s32 s18, s19;
	s16 =	sadd.s32 s3, s13;
	s6 =	sshrl.u32 s6, $0x3  }
0xd: {  	s19 =	sshrl.u32 s16, $0x3;
	s16 =	rddreg [dreg:$0x2];
	s20 =	sadd.s32 s4, s6  }
0xe: {  	s11 =	sadd.s32 s7, s6;
	s14 =	sadd.s32 $0x100, s6;
	[dreg:$0x5] =	wrdreg s20  }
0xf: {  	s8 =	sadd.s32 $0x10000, s21;
	[dreg:$0x6] =	wrdreg s11;
	s15 =	sadd.s32 s4, s14  }
0x10: {  	s22 =	sadd.s32 $0x200, s6;
	s14 =	sadd.s32 s7, s14;
	[dreg:$0x7] =	wrdreg s15  }
0x11: {  	s23 =	sadd.s32 $0x300, s6;
	s18 =	sadd.s32 s4, s22;
	[dreg:$0x8] =	wrdreg s14  }
0x12: {  	s1 =	sadd.s32 $0x16600, s1;
	s24 =	sadd.s32 s4, s23;
	[dreg:$0x9] =	wrdreg s18  }
0x13: {  	s6 =	sadd.s32 $0x400, s6;
	s25 =	sadd.s32 s7, s23;
	[dreg:$0xb] =	wrdreg s24  }
0x14: {  	s11 =	sadd.s32 $0x4000, s21;
	s4 =	sadd.s32 s4, s6;
	[dreg:$0xc] =	wrdreg s25  }
0x15: {  	s6 =	sadd.s32 s7, s6;
	s20 =	smul.u32 $0x50000, s17;
	[dreg:$0xd] =	wrdreg s4  }
0x16: {  	s23 =	sadd.s32 s12, s16;
	s14 =	sadd.s32 s7, s22;
	[dreg:$0xe] =	wrdreg s6  }
0x17: {  	s7 =	sshrl.u32 s26, $0x3;
	s15 =	sadd.s32 s3, s12;
	[dreg:$0xa] =	wrdreg s14  }
0x18: {  	s4 =	sadd.s32 s2, s7;
	s14 =	sadd.s32 s3, s11;
	s6 =	sshrl.u32 s15, $0x3  }
0x19: {  	[dreg:$0xf] =	wrdreg s4;
	s4 =	sshrl.u32 s14, $0x3;
	s18 =	sadd.s32 s2, s6  }
0x1a: {  	s3 =	sadd.s32 s3, s8;
	s4 =	sadd.s32 s2, s4;
	[dreg:$0x11] =	wrdreg s18  }
0x1b: {  	s17 =	simm.s32 $0x80;
	s3 =	sshrl.u32 s3, $0x3;
	[dreg:$0x10] =	wrdreg s4  }
0x1c: {  	s3 =	sadd.s32 s2, s3;
	s4 =	sadd.s32 s2, s19;
	s19 =	rddreg [dreg:$0x3]  }
0x1d: {  	s22 =	sadd.s32 s11, s16;
	s21 =	sshrl.u32 s20, $0x2;
	[dreg:$0x13] =	wrdreg s3  }
0x1e: {  	s24 =	sadd.s32 s13, s16;
	s3 =	sadd.s32 s21, s16;
	[dreg:$0x12] =	wrdreg s4  }
0x1f: {  	s25 =	sadd.s32 s8, s16;
	_ =	strace $0x8000004A;
	[dreg:$0x14] =	wrdreg s3  }
0x20: {  	s26 =	smax.u32 s5, $0x1;
	s5 =	simm.s32 $0x4;
	[dreg:$0x15] =	wrdreg s22  }
0x21: {  	s7 =	simm.s32 $0x1;
	s8 =	simm.s32 $0x1E000;
	[dreg:$0x16] =	wrdreg s23  }
0x22: {  	s20 =	simm.s32 $0x1900;
	s2 =	simm.s32 $0x1000;
	[dreg:$0x17] =	wrdreg s24  }
0x23: {  	s21 =	simm.s32 $0x1980;
	s13 =	sadd.s32 s10, s19;
	[dreg:$0x18] =	wrdreg s25  }
0x24: {  	s4 =	simm.s32 $0x5;
	s10 =	simm.s32 $0x2;
	[dreg:$0x1a] =	wrdreg s1  }
0x25: {  	[dreg:$0x1b] =	wrdreg s26;
	s1 =	simm.s32 $0x2000;
	s3 =	simm.s32 $0x6000  }
0x26: {  	s26 =	simm.s32 $0x0;
	[dreg:$0x19] =	wrdreg s13;
	s22 =	simm.s32 $0x1A00  }
0x27: {  	v0 =	vimm.f32 $0.0e+00;
	v1 =	vimm.f32 $1.000000000e+00;
	s23 =	simm.s32 $0x1A80;
	s24 =	simm.s32 $0x1B00;
	s25 =	simm.s32 $0x1B80  }
.LBB2_1:
0x28: {  	s6 =	rddreg [dreg:$0x5]  }
0x29: {  	[tilespmem:s9], [sflag:$0x3] =	stream.linear.gather [hbm4b:s6+s9], $0x800, $0x38;
	[tilespmem:$0x1E580] =	vst v63  }
0x2a: {  	s18 =	rddreg [dreg:$0x6];
	s11 =	simm.s32 $0x200;
	s6 =	simm.s32 $0x0  }
0x2b: {  	[tilespmem:s2], [sflag:$0x3] =	stream.linear.gather [hbm4b:s18+s9], $0x800, $0x38;
	[tilespmem:$0x1E580] =	vst v63  }
.LBB2_2:
0x2c: {  	p0 =	sne.s32 s11, $0xFE00;
	[tilespmem:s6+$0x6070] =	vst v0  }
0x2d: {  	[tilespmem:s6+$0x6000] =	vst v0  }
0x2e: {  	[tilespmem:s6+$0x6010] =	vst v0  }
.Ltmp0:
0x2f: {  	[tilespmem:s6+$0x6020] =	vst v0;
	(pc) =	sbr.rel @p0 .LBB2_2-.Ltmp0, $4  }
0x30: {  	[tilespmem:s6+$0x6030] =	vst v0  }
0x31: {  	[tilespmem:s6+$0x6040] =	vst v0  }
0x32: {  	[tilespmem:s6+$0x6050] =	vst v0  }
0x33: {  	[tilespmem:s6+$0x6060] =	vst v0;
	s6 =	sshra.s32 s11, $0x2;
	s11 =	sadd.s32 $0x200, s11  }
0x34: {  	[tilespmem:s6+$0x6070] =	vst v0  }
0x35: {  	[tilespmem:s6+$0x6000] =	vst v0  }
0x36: {  	[tilespmem:s6+$0x6010] =	vst v0  }
0x37: {  	[tilespmem:s6+$0x6020] =	vst v0  }
0x38: {  	[tilespmem:s6+$0x6030] =	vst v0  }
0x39: {  	[tilespmem:s6+$0x6040] =	vst v0  }
0x3a: {  	[tilespmem:s6+$0x6050] =	vst v0  }
0x3b: {  	[tilespmem:s6+$0x6060] =	vst v0  }
0x3c: {  	_ =	swait.ge [sflag:s31], $0x800  }
0x3d: {  	[sflag:s31] =	ssyncset.done $0x0  }
0x3e: {  	[sflag:s31] =	ssyncadd.s32 $0xFFFFF800  }
0x3f: {  	_ =	swait.ge [sflag:s31], $0x800  }
0x40: {  	[sflag:s31] =	ssyncset.done $0x0  }
0x41: {  	[sflag:s31] =	ssyncadd.s32 $0xFFFFF800  }
0x42: {  	[tilespmem:s1], [sflag:$0x1] =	stream.indirect.gather [hbm4b:s0+s17], $0x80, s9, s17, $0xb8;
	[tilespmem:$0x1E580] =	vst v63  }
0x43: {  	s14 =	rddreg [dreg:$0x14]  }
0x44: {  	[spmem:s14] =	stream.linear.scatter [tilespmem:s3], [sflag:$0x5], $0x4000, $0x38;
	[tilespmem:$0x1E580] =	vst v63  }
0x45: {  	_ =	swait.ge [sflag:s4], $0x4000  }
0x46: {  	[sflag:s4] =	ssyncset.done $0x0  }
0x47: {  	s15 =	rddreg [dreg:$0x15];
	[sflag:s4] =	ssyncadd.s32 $0xFFFFC000  }
0x48: {  	[spmem:s15] =	stream.linear.scatter [tilespmem:s3], [sflag:$0x5], $0x4000, $0x38;
	[tilespmem:$0x1E580] =	vst v63  }
0x49: {  	_ =	swait.ge [sflag:s4], $0x4000  }
0x4a: {  	[sflag:s4] =	ssyncset.done $0x0  }
0x4b: {  	s18 =	rddreg [dreg:$0x16];
	[sflag:s4] =	ssyncadd.s32 $0xFFFFC000  }
0x4c: {  	[spmem:s18] =	stream.linear.scatter [tilespmem:s3], [sflag:$0x5], $0x4000, $0x38;
	[tilespmem:$0x1E580] =	vst v63  }
0x4d: {  	_ =	swait.ge [sflag:s4], $0x4000  }
0x4e: {  	[sflag:s4] =	ssyncset.done $0x0  }
0x4f: {  	s2 =	rddreg [dreg:$0x17];
	[sflag:s4] =	ssyncadd.s32 $0xFFFFC000  }
0x50: {  	[spmem:s2] =	stream.linear.scatter [tilespmem:s3], [sflag:$0x5], $0x4000, $0x38;
	[tilespmem:$0x1E580] =	vst v63  }
0x51: {  	_ =	swait.ge [sflag:s4], $0x4000  }
0x52: {  	[sflag:s4] =	ssyncset.done $0x0  }
0x53: {  	s11 =	rddreg [dreg:$0x18];
	[sflag:s4] =	ssyncadd.s32 $0xFFFFC000  }
0x54: {  	[spmem:s11] =	stream.linear.scatter [tilespmem:s3], [sflag:$0x5], $0x4000, $0x38;
	[tilespmem:$0x1E580] =	vst v63  }
0x55: {  	_ =	swait.ge [sflag:s4], $0x4000  }
0x56: {  	[sflag:s4] =	ssyncset.done $0x0  }
0x57: {  	[sflag:s4] =	ssyncadd.s32 $0xFFFFC000  }
0x58: {  	[tilespmem:$0x1E000] =	vst v1  }
0x59: {  	[tilespmem:$0x1E010] =	vst v1  }
0x5a: {  	[tilespmem:$0x1E020] =	vst v1  }
0x5b: {  	[tilespmem:$0x1E030] =	vst v1  }
0x5c: {  	[tilespmem:$0x1E040] =	vst v1  }
0x5d: {  	[tilespmem:$0x1E050] =	vst v1  }
0x5e: {  	[tilespmem:$0x1E060] =	vst v1  }
0x5f: {  	[tilespmem:$0x1E070] =	vst v1  }
0x60: {  	[tilespmem:$0x1E080] =	vst v0  }
0x61: {  	[tilespmem:$0x1E090] =	vst v0  }
0x62: {  	[tilespmem:$0x1E0A0] =	vst v0  }
0x63: {  	[tilespmem:$0x1E0B0] =	vst v0  }
0x64: {  	[tilespmem:$0x1E0C0] =	vst v0  }
0x65: {  	[tilespmem:$0x1E0D0] =	vst v0  }
0x66: {  	[tilespmem:$0x1E0E0] =	vst v0  }
0x67: {  	[tilespmem:$0x1E0F0] =	vst v0  }
0x68: {  	[tilespmem:$0x1E100] =	vst v0  }
0x69: {  	[tilespmem:$0x1E110] =	vst v0  }
0x6a: {  	[tilespmem:$0x1E120] =	vst v0  }
0x6b: {  	[tilespmem:$0x1E130] =	vst v0  }
0x6c: {  	[tilespmem:$0x1E140] =	vst v0  }
0x6d: {  	[tilespmem:$0x1E150] =	vst v0  }
0x6e: {  	[tilespmem:$0x1E160] =	vst v0  }
0x6f: {  	[tilespmem:$0x1E170] =	vst v0  }
0x70: {  	[tilespmem:$0x1E180] =	vst v0  }
0x71: {  	[tilespmem:$0x1E190] =	vst v0  }
0x72: {  	[tilespmem:$0x1E1A0] =	vst v0  }
0x73: {  	[tilespmem:$0x1E1B0] =	vst v0  }
0x74: {  	[tilespmem:$0x1E1C0] =	vst v0  }
0x75: {  	[tilespmem:$0x1E1D0] =	vst v0  }
0x76: {  	[tilespmem:$0x1E1E0] =	vst v0  }
0x77: {  	[tilespmem:$0x1E1F0] =	vst v0  }
0x78: {  	[tilespmem:$0x1E200] =	vst v0  }
0x79: {  	[tilespmem:$0x1E210] =	vst v0  }
0x7a: {  	[tilespmem:$0x1E220] =	vst v0  }
0x7b: {  	[tilespmem:$0x1E230] =	vst v0  }
0x7c: {  	[tilespmem:$0x1E240] =	vst v0  }
0x7d: {  	[tilespmem:$0x1E250] =	vst v0  }
0x7e: {  	[tilespmem:$0x1E260] =	vst v0  }
0x7f: {  	[tilespmem:$0x1E270] =	vst v0  }
0x80: {  	[tilespmem:$0x1E280] =	vst v0  }
0x81: {  	[tilespmem:$0x1E290] =	vst v0  }
0x82: {  	[tilespmem:$0x1E2A0] =	vst v0  }
0x83: {  	[tilespmem:$0x1E2B0] =	vst v0  }
0x84: {  	[tilespmem:$0x1E2C0] =	vst v0  }
0x85: {  	[tilespmem:$0x1E2D0] =	vst v0  }
0x86: {  	[tilespmem:$0x1E2E0] =	vst v0  }
0x87: {  	s12 =	simm.s32 $0x1E080;
	[tilespmem:$0x1E2F0] =	vst v0  }
0x88: {  	[spmem:s13] =	stream.linear.scatter [tilespmem:s12], [sflag:$0x5], $0x280, $0x38;
	[tilespmem:$0x1E580] =	vst v63  }
0x89: {  	_ =	swait.ge [sflag:s4], $0x280  }
0x8a: {  	[sflag:s4] =	ssyncset.done $0x0  }
0x8b: {  	[sflag:s4] =	ssyncadd.s32 $0xFFFFFD80  }
0x8c: {  	[bflag:$0x0] =	sbarrier.arrive $0xFFFF  }
0x8d: {  	s2 =	simm.s32 $0x800;
	s13 =	rddreg [dreg:$0x7]  }
0x8e: {  	[tilespmem:s2], [sflag:$0x3] =	stream.linear.gather [hbm4b:s13+s9], $0x800, $0x38;
	[tilespmem:$0x1E580] =	vst v63  }
0x8f: {  	s15 =	simm.s32 $0x1800;
	s14 =	rddreg [dreg:$0x8]  }
0x90: {  	[tilespmem:s15], [sflag:$0x3] =	stream.linear.gather [hbm4b:s14+s9], $0x800, $0x38;
	[tilespmem:$0x1E580] =	vst v63  }
0x91: {  	_ = 	snop  }
0x92: {  	[tilespmem:s3], [sflag:$0x2] =	stream.indirect.gather [hbm4b:s0+s17], $0x80, s17, s17, $0xb8;
	[tilespmem:$0x1E580] =	vst v63  }
0x93: {  	_ =	swait.ge [sflag:s7], $0x4000  }
0x94: {  	[sflag:s7] =	ssyncset.done $0x0  }
0x95: {  	s18 =	simm.s32 $0x1000;
	[sflag:s7] =	ssyncadd.s32 $0xFFFFC000  }
0x96: {  	[spmem:s16] =	stream.indirect.scatter.add.f32 [tilespmem:s1], [sflag:$0x5], $0x80, s18, s17, $0xb8;
	[tilespmem:$0x1E580] =	vst v63  }
0x97: {  	_ =	swait.ge [sflag:s4], $0x4000  }
0x98: {  	[sflag:s4] =	ssyncset.done $0x0  }
0x99: {  	[sflag:s4] =	ssyncadd.s32 $0xFFFFC000  }
0x9a: {  	[spmem:s19] =	stream.indirect.scatter.add.f32 [tilespmem:s8], [sflag:$0x4], $0x1, s18, s17, $0xb8;
	[tilespmem:$0x1E580] =	vst v63  }
0x9b: {  	s6 =	simm.s32 $0x100  }
0x9c: {  	[tilespmem:s1], [sflag:$0x1] =	stream.indirect.gather [hbm4b:s0+s17], $0x80, s6, s17, $0xb8;
	[tilespmem:$0x1E580] =	vst v63  }
0x9d: {  	_ =	swait.ge [sflag:s10], $0x4000  }
0x9e: {  	[sflag:s10] =	ssyncset.done $0x0  }
0x9f: {  	s13 =	simm.s32 $0x1080;
	[sflag:s10] =	ssyncadd.s32 $0xFFFFC000  }
0xa0: {  	[spmem:s16] =	stream.indirect.scatter.add.f32 [tilespmem:s3], [sflag:$0x5], $0x80, s13, s17, $0xb8;
	[tilespmem:$0x1E580] =	vst v63  }
0xa1: {  	_ =	swait.ge [sflag:s4], $0x4000  }
0xa2: {  	[sflag:s4] =	ssyncset.done $0x0  }
0xa3: {  	[sflag:s4] =	ssyncadd.s32 $0xFFFFC000  }
0xa4: {  	[spmem:s19] =	stream.indirect.scatter.add.f32 [tilespmem:s8], [sflag:$0x4], $0x1, s13, s17, $0xb8;
	[tilespmem:$0x1E580] =	vst v63  }
0xa5: {  	s14 =	simm.s32 $0x180  }
0xa6: {  	[tilespmem:s3], [sflag:$0x2] =	stream.indirect.gather [hbm4b:s0+s17], $0x80, s14, s17, $0xb8;
	[tilespmem:$0x1E580] =	vst v63  }
0xa7: {  	_ =	swait.ge [sflag:s7], $0x4000  }
0xa8: {  	[sflag:s7] =	ssyncset.done $0x0  }
0xa9: {  	s15 =	simm.s32 $0x1100;
	[sflag:s7] =	ssyncadd.s32 $0xFFFFC000  }
0xaa: {  	[spmem:s16] =	stream.indirect.scatter.add.f32 [tilespmem:s1], [sflag:$0x5], $0x80, s15, s17, $0xb8;
	[tilespmem:$0x1E580] =	vst v63  }
0xab: {  	_ =	swait.ge [sflag:s4], $0x4000  }
0xac: {  	[sflag:s4] =	ssyncset.done $0x0  }
0xad: {  	[sflag:s4] =	ssyncadd.s32 $0xFFFFC000  }
0xae: {  	[spmem:s19] =	stream.indirect.scatter.add.f32 [tilespmem:s8], [sflag:$0x4], $0x1, s15, s17, $0xb8;
	[tilespmem:$0x1E580] =	vst v63  }
0xaf: {  	s18 =	simm.s32 $0x200  }
0xb0: {  	[tilespmem:s1], [sflag:$0x1] =	stream.indirect.gather [hbm4b:s0+s17], $0x80, s18, s17, $0xb8;
	[tilespmem:$0x1E580] =	vst v63  }
0xb1: {  	_ =	swait.ge [sflag:s10], $0x4000  }
0xb2: {  	[sflag:s10] =	ssyncset.done $0x0  }
0xb3: {  	s6 =	simm.s32 $0x1180;
	[sflag:s10] =	ssyncadd.s32 $0xFFFFC000  }
0xb4: {  	[spmem:s16] =	stream.indirect.scatter.add.f32 [tilespmem:s3], [sflag:$0x5], $0x80, s6, s17, $0xb8;
	[tilespmem:$0x1E580] =	vst v63  }
0xb5: {  	_ =	swait.ge [sflag:s4], $0x4000  }
0xb6: {  	[sflag:s4] =	ssyncset.done $0x0  }
0xb7: {  	[sflag:s4] =	ssyncadd.s32 $0xFFFFC000  }
0xb8: {  	[spmem:s19] =	stream.indirect.scatter.add.f32 [tilespmem:s8], [sflag:$0x4], $0x1, s6, s17, $0xb8;
	[tilespmem:$0x1E580] =	vst v63  }
0xb9: {  	s13 =	simm.s32 $0x280  }
0xba: {  	[tilespmem:s3], [sflag:$0x2] =	stream.indirect.gather [hbm4b:s0+s17], $0x80, s13, s17, $0xb8;
	[tilespmem:$0x1E580] =	vst v63  }
0xbb: {  	_ =	swait.ge [sflag:s7], $0x4000  }
0xbc: {  	[sflag:s7] =	ssyncset.done $0x0  }
0xbd: {  	s14 =	simm.s32 $0x1200;
	[sflag:s7] =	ssyncadd.s32 $0xFFFFC000  }
0xbe: {  	[spmem:s16] =	stream.indirect.scatter.add.f32 [tilespmem:s1], [sflag:$0x5], $0x80, s14, s17, $0xb8;
	[tilespmem:$0x1E580] =	vst v63  }
0xbf: {  	_ =	swait.ge [sflag:s4], $0x4000  }
0xc0: {  	[sflag:s4] =	ssyncset.done $0x0  }
0xc1: {  	[sflag:s4] =	ssyncadd.s32 $0xFFFFC000  }
0xc2: {  	[spmem:s19] =	stream.indirect.scatter.add.f32 [tilespmem:s8], [sflag:$0x4], $0x1, s14, s17, $0xb8;
	[tilespmem:$0x1E580] =	vst v63  }
0xc3: {  	s15 =	simm.s32 $0x300  }
0xc4: {  	[tilespmem:s1], [sflag:$0x1] =	stream.indirect.gather [hbm4b:s0+s17], $0x80, s15, s17, $0xb8;
	[tilespmem:$0x1E580] =	vst v63  }
0xc5: {  	_ =	swait.ge [sflag:s10], $0x4000  }
0xc6: {  	[sflag:s10] =	ssyncset.done $0x0  }
0xc7: {  	s18 =	simm.s32 $0x1280;
	[sflag:s10] =	ssyncadd.s32 $0xFFFFC000  }
0xc8: {  	[spmem:s16] =	stream.indirect.scatter.add.f32 [tilespmem:s3], [sflag:$0x5], $0x80, s18, s17, $0xb8;
	[tilespmem:$0x1E580] =	vst v63  }
0xc9: {  	_ =	swait.ge [sflag:s4], $0x4000  }
0xca: {  	[sflag:s4] =	ssyncset.done $0x0  }
0xcb: {  	[sflag:s4] =	ssyncadd.s32 $0xFFFFC000  }
0xcc: {  	[spmem:s19] =	stream.indirect.scatter.add.f32 [tilespmem:s8], [sflag:$0x4], $0x1, s18, s17, $0xb8;
	[tilespmem:$0x1E580] =	vst v63  }
0xcd: {  	s6 =	simm.s32 $0x380  }
0xce: {  	[tilespmem:s3], [sflag:$0x2] =	stream.indirect.gather [hbm4b:s0+s17], $0x80, s6, s17, $0xb8;
	[tilespmem:$0x1E580] =	vst v63  }
0xcf: {  	_ =	swait.ge [sflag:s7], $0x4000  }
0xd0: {  	[sflag:s7] =	ssyncset.done $0x0  }
0xd1: {  	s13 =	simm.s32 $0x1300;
	[sflag:s7] =	ssyncadd.s32 $0xFFFFC000  }
0xd2: {  	[spmem:s16] =	stream.indirect.scatter.add.f32 [tilespmem:s1], [sflag:$0x5], $0x80, s13, s17, $0xb8;
	[tilespmem:$0x1E580] =	vst v63  }
0xd3: {  	_ =	swait.ge [sflag:s4], $0x4000  }
0xd4: {  	[sflag:s4] =	ssyncset.done $0x0  }
0xd5: {  	[sflag:s4] =	ssyncadd.s32 $0xFFFFC000  }
0xd6: {  	[spmem:s19] =	stream.indirect.scatter.add.f32 [tilespmem:s8], [sflag:$0x4], $0x1, s13, s17, $0xb8;
	[tilespmem:$0x1E580] =	vst v63  }
0xd7: {  	s14 =	simm.s32 $0x400  }
0xd8: {  	[tilespmem:s1], [sflag:$0x1] =	stream.indirect.gather [hbm4b:s0+s17], $0x80, s14, s17, $0xb8;
	[tilespmem:$0x1E580] =	vst v63  }
0xd9: {  	_ =	swait.ge [sflag:s10], $0x4000  }
0xda: {  	[sflag:s10] =	ssyncset.done $0x0  }
0xdb: {  	s15 =	simm.s32 $0x1380;
	[sflag:s10] =	ssyncadd.s32 $0xFFFFC000  }
0xdc: {  	[spmem:s16] =	stream.indirect.scatter.add.f32 [tilespmem:s3], [sflag:$0x5], $0x80, s15, s17, $0xb8;
	[tilespmem:$0x1E580] =	vst v63  }
0xdd: {  	_ =	swait.ge [sflag:s4], $0x4000  }
0xde: {  	[sflag:s4] =	ssyncset.done $0x0  }
0xdf: {  	[sflag:s4] =	ssyncadd.s32 $0xFFFFC000  }
0xe0: {  	[spmem:s19] =	stream.indirect.scatter.add.f32 [tilespmem:s8], [sflag:$0x4], $0x1, s15, s17, $0xb8;
	[tilespmem:$0x1E580] =	vst v63  }
0xe1: {  	s18 =	simm.s32 $0x480  }
0xe2: {  	[tilespmem:s3], [sflag:$0x2] =	stream.indirect.gather [hbm4b:s0+s17], $0x80, s18, s17, $0xb8;
	[tilespmem:$0x1E580] =	vst v63  }
0xe3: {  	_ =	swait.ge [sflag:s7], $0x4000  }
0xe4: {  	[sflag:s7] =	ssyncset.done $0x0  }
0xe5: {  	s6 =	simm.s32 $0x1400;
	[sflag:s7] =	ssyncadd.s32 $0xFFFFC000  }
0xe6: {  	[spmem:s16] =	stream.indirect.scatter.add.f32 [tilespmem:s1], [sflag:$0x5], $0x80, s6, s17, $0xb8;
	[tilespmem:$0x1E580] =	vst v63  }
0xe7: {  	_ =	swait.ge [sflag:s4], $0x4000  }
0xe8: {  	[sflag:s4] =	ssyncset.done $0x0  }
0xe9: {  	[sflag:s4] =	ssyncadd.s32 $0xFFFFC000  }
0xea: {  	[spmem:s19] =	stream.indirect.scatter.add.f32 [tilespmem:s8], [sflag:$0x4], $0x1, s6, s17, $0xb8;
	[tilespmem:$0x1E580] =	vst v63  }
0xeb: {  	s13 =	simm.s32 $0x500  }
0xec: {  	[tilespmem:s1], [sflag:$0x1] =	stream.indirect.gather [hbm4b:s0+s17], $0x80, s13, s17, $0xb8;
	[tilespmem:$0x1E580] =	vst v63  }
0xed: {  	_ =	swait.ge [sflag:s10], $0x4000  }
0xee: {  	[sflag:s10] =	ssyncset.done $0x0  }
0xef: {  	s14 =	simm.s32 $0x1480;
	[sflag:s10] =	ssyncadd.s32 $0xFFFFC000  }
0xf0: {  	[spmem:s16] =	stream.indirect.scatter.add.f32 [tilespmem:s3], [sflag:$0x5], $0x80, s14, s17, $0xb8;
	[tilespmem:$0x1E580] =	vst v63  }
0xf1: {  	_ =	swait.ge [sflag:s4], $0x4000  }
0xf2: {  	[sflag:s4] =	ssyncset.done $0x0  }
0xf3: {  	[sflag:s4] =	ssyncadd.s32 $0xFFFFC000  }
0xf4: {  	[spmem:s19] =	stream.indirect.scatter.add.f32 [tilespmem:s8], [sflag:$0x4], $0x1, s14, s17, $0xb8;
	[tilespmem:$0x1E580] =	vst v63  }
0xf5: {  	s15 =	simm.s32 $0x580  }
0xf6: {  	[tilespmem:s3], [sflag:$0x2] =	stream.indirect.gather [hbm4b:s0+s17], $0x80, s15, s17, $0xb8;
	[tilespmem:$0x1E580] =	vst v63  }
0xf7: {  	_ =	swait.ge [sflag:s7], $0x4000  }
0xf8: {  	[sflag:s7] =	ssyncset.done $0x0  }
0xf9: {  	s18 =	simm.s32 $0x1500;
	[sflag:s7] =	ssyncadd.s32 $0xFFFFC000  }
0xfa: {  	[spmem:s16] =	stream.indirect.scatter.add.f32 [tilespmem:s1], [sflag:$0x5], $0x80, s18, s17, $0xb8;
	[tilespmem:$0x1E580] =	vst v63  }
0xfb: {  	_ =	swait.ge [sflag:s4], $0x4000  }
0xfc: {  	[sflag:s4] =	ssyncset.done $0x0  }
0xfd: {  	[sflag:s4] =	ssyncadd.s32 $0xFFFFC000  }
0xfe: {  	[spmem:s19] =	stream.indirect.scatter.add.f32 [tilespmem:s8], [sflag:$0x4], $0x1, s18, s17, $0xb8;
	[tilespmem:$0x1E580] =	vst v63  }
0xff: {  	s6 =	simm.s32 $0x600  }
0x100: {  	[tilespmem:s1], [sflag:$0x1] =	stream.indirect.gather [hbm4b:s0+s17], $0x80, s6, s17, $0xb8;
	[tilespmem:$0x1E580] =	vst v63  }
0x101: {  	_ =	swait.ge [sflag:s10], $0x4000  }
0x102: {  	[sflag:s10] =	ssyncset.done $0x0  }
0x103: {  	s13 =	simm.s32 $0x1580;
	[sflag:s10] =	ssyncadd.s32 $0xFFFFC000  }
0x104: {  	[spmem:s16] =	stream.indirect.scatter.add.f32 [tilespmem:s3], [sflag:$0x5], $0x80, s13, s17, $0xb8;
	[tilespmem:$0x1E580] =	vst v63  }
0x105: {  	_ =	swait.ge [sflag:s4], $0x4000  }
0x106: {  	[sflag:s4] =	ssyncset.done $0x0  }
0x107: {  	[sflag:s4] =	ssyncadd.s32 $0xFFFFC000  }
0x108: {  	[spmem:s19] =	stream.indirect.scatter.add.f32 [tilespmem:s8], [sflag:$0x4], $0x1, s13, s17, $0xb8;
	[tilespmem:$0x1E580] =	vst v63  }
0x109: {  	s14 =	simm.s32 $0x680  }
0x10a: {  	[tilespmem:s3], [sflag:$0x2] =	stream.indirect.gather [hbm4b:s0+s17], $0x80, s14, s17, $0xb8;
	[tilespmem:$0x1E580] =	vst v63  }
0x10b: {  	_ =	swait.ge [sflag:s7], $0x4000  }
0x10c: {  	[sflag:s7] =	ssyncset.done $0x0  }
0x10d: {  	s15 =	simm.s32 $0x1600;
	[sflag:s7] =	ssyncadd.s32 $0xFFFFC000  }
0x10e: {  	[spmem:s16] =	stream.indirect.scatter.add.f32 [tilespmem:s1], [sflag:$0x5], $0x80, s15, s17, $0xb8;
	[tilespmem:$0x1E580] =	vst v63  }
0x10f: {  	_ =	swait.ge [sflag:s4], $0x4000  }
0x110: {  	[sflag:s4] =	ssyncset.done $0x0  }
0x111: {  	[sflag:s4] =	ssyncadd.s32 $0xFFFFC000  }
0x112: {  	[spmem:s19] =	stream.indirect.scatter.add.f32 [tilespmem:s8], [sflag:$0x4], $0x1, s15, s17, $0xb8;
	[tilespmem:$0x1E580] =	vst v63  }
0x113: {  	s18 =	simm.s32 $0x700  }
0x114: {  	[tilespmem:s1], [sflag:$0x1] =	stream.indirect.gather [hbm4b:s0+s17], $0x80, s18, s17, $0xb8;
	[tilespmem:$0x1E580] =	vst v63  }
0x115: {  	_ =	swait.ge [sflag:s10], $0x4000  }
0x116: {  	[sflag:s10] =	ssyncset.done $0x0  }
0x117: {  	s6 =	simm.s32 $0x1680;
	[sflag:s10] =	ssyncadd.s32 $0xFFFFC000  }
0x118: {  	[spmem:s16] =	stream.indirect.scatter.add.f32 [tilespmem:s3], [sflag:$0x5], $0x80, s6, s17, $0xb8;
	[tilespmem:$0x1E580] =	vst v63  }
0x119: {  	_ =	swait.ge [sflag:s4], $0x4000  }
0x11a: {  	[sflag:s4] =	ssyncset.done $0x0  }
0x11b: {  	[sflag:s4] =	ssyncadd.s32 $0xFFFFC000  }
0x11c: {  	[spmem:s19] =	stream.indirect.scatter.add.f32 [tilespmem:s8], [sflag:$0x4], $0x1, s6, s17, $0xb8;
	[tilespmem:$0x1E580] =	vst v63  }
0x11d: {  	s13 =	simm.s32 $0x780  }
0x11e: {  	[tilespmem:s3], [sflag:$0x2] =	stream.indirect.gather [hbm4b:s0+s17], $0x80, s13, s17, $0xb8;
	[tilespmem:$0x1E580] =	vst v63  }
0x11f: {  	_ =	swait.ge [sflag:s7], $0x4000  }
0x120: {  	[sflag:s7] =	ssyncset.done $0x0  }
0x121: {  	s14 =	simm.s32 $0x1700;
	[sflag:s7] =	ssyncadd.s32 $0xFFFFC000  }
0x122: {  	[spmem:s16] =	stream.indirect.scatter.add.f32 [tilespmem:s1], [sflag:$0x5], $0x80, s14, s17, $0xb8;
	[tilespmem:$0x1E580] =	vst v63  }
0x123: {  	_ =	swait.ge [sflag:s4], $0x4000  }
0x124: {  	[sflag:s4] =	ssyncset.done $0x0  }
0x125: {  	[sflag:s4] =	ssyncadd.s32 $0xFFFFC000  }
0x126: {  	[spmem:s19] =	stream.indirect.scatter.add.f32 [tilespmem:s8], [sflag:$0x4], $0x1, s14, s17, $0xb8;
	[tilespmem:$0x1E580] =	vst v63  }
0x127: {  	_ =	swait.ge [sflag:s31], $0x800  }
0x128: {  	[sflag:s31] =	ssyncset.done $0x0  }
0x129: {  	[sflag:s31] =	ssyncadd.s32 $0xFFFFF800  }
0x12a: {  	_ =	swait.ge [sflag:s31], $0x800  }
0x12b: {  	[sflag:s31] =	ssyncset.done $0x0  }
0x12c: {  	s12 =	simm.s32 $0x800;
	[sflag:s31] =	ssyncadd.s32 $0xFFFFF800  }
0x12d: {  	[tilespmem:s1], [sflag:$0x1] =	stream.indirect.gather [hbm4b:s0+s17], $0x80, s12, s17, $0xb8;
	[tilespmem:$0x1E580] =	vst v63  }
0x12e: {  	_ =	swait.ge [sflag:s10], $0x4000  }
0x12f: {  	[sflag:s10] =	ssyncset.done $0x0  }
0x130: {  	s15 =	simm.s32 $0x1780;
	[sflag:s10] =	ssyncadd.s32 $0xFFFFC000  }
0x131: {  	[spmem:s16] =	stream.indirect.scatter.add.f32 [tilespmem:s3], [sflag:$0x5], $0x80, s15, s17, $0xb8;
	[tilespmem:$0x1E580] =	vst v63  }
0x132: {  	_ =	swait.ge [sflag:s4], $0x4000  }
0x133: {  	[sflag:s4] =	ssyncset.done $0x0  }
0x134: {  	[sflag:s4] =	ssyncadd.s32 $0xFFFFC000  }
0x135: {  	[spmem:s19] =	stream.indirect.scatter.add.f32 [tilespmem:s8], [sflag:$0x4], $0x1, s15, s17, $0xb8;
	[tilespmem:$0x1E580] =	vst v63  }
0x136: {  	s18 =	rddreg [dreg:$0x9]  }
0x137: {  	[tilespmem:s9], [sflag:$0x3] =	stream.linear.gather [hbm4b:s18+s9], $0x800, $0x38;
	[tilespmem:$0x1E580] =	vst v63  }
0x138: {  	s11 =	simm.s32 $0x1000;
	s2 =	rddreg [dreg:$0xa]  }
0x139: {  	[tilespmem:s11], [sflag:$0x3] =	stream.linear.gather [hbm4b:s2+s9], $0x800, $0x38;
	[tilespmem:$0x1E580] =	vst v63  }
0x13a: {  	s12 =	simm.s32 $0x880  }
0x13b: {  	[tilespmem:s3], [sflag:$0x2] =	stream.indirect.gather [hbm4b:s0+s17], $0x80, s12, s17, $0xb8;
	[tilespmem:$0x1E580] =	vst v63  }
0x13c: {  	_ =	swait.ge [sflag:s7], $0x4000  }
0x13d: {  	[sflag:s7] =	ssyncset.done $0x0  }
0x13e: {  	s13 =	simm.s32 $0x1800;
	[sflag:s7] =	ssyncadd.s32 $0xFFFFC000  }
0x13f: {  	[spmem:s16] =	stream.indirect.scatter.add.f32 [tilespmem:s1], [sflag:$0x5], $0x80, s13, s17, $0xb8;
	[tilespmem:$0x1E580] =	vst v63  }
0x140: {  	_ =	swait.ge [sflag:s4], $0x4000  }
0x141: {  	[sflag:s4] =	ssyncset.done $0x0  }
0x142: {  	[sflag:s4] =	ssyncadd.s32 $0xFFFFC000  }
0x143: {  	[spmem:s19] =	stream.indirect.scatter.add.f32 [tilespmem:s8], [sflag:$0x4], $0x1, s13, s17, $0xb8;
	[tilespmem:$0x1E580] =	vst v63  }
0x144: {  	s14 =	simm.s32 $0x900  }
0x145: {  	[tilespmem:s1], [sflag:$0x1] =	stream.indirect.gather [hbm4b:s0+s17], $0x80, s14, s17, $0xb8;
	[tilespmem:$0x1E580] =	vst v63  }
0x146: {  	_ =	swait.ge [sflag:s10], $0x4000  }
0x147: {  	[sflag:s10] =	ssyncset.done $0x0  }
0x148: {  	s9 =	simm.s32 $0x1880;
	[sflag:s10] =	ssyncadd.s32 $0xFFFFC000  }
0x149: {  	[spmem:s16] =	stream.indirect.scatter.add.f32 [tilespmem:s3], [sflag:$0x5], $0x80, s9, s17, $0xb8;
	[tilespmem:$0x1E580] =	vst v63  }
0x14a: {  	_ =	swait.ge [sflag:s4], $0x4000  }
0x14b: {  	[sflag:s4] =	ssyncset.done $0x0  }
0x14c: {  	[sflag:s4] =	ssyncadd.s32 $0xFFFFC000  }
0x14d: {  	[spmem:s19] =	stream.indirect.scatter.add.f32 [tilespmem:s8], [sflag:$0x4], $0x1, s9, s17, $0xb8;
	[tilespmem:$0x1E580] =	vst v63  }
0x14e: {  	s15 =	simm.s32 $0x980  }
0x14f: {  	[tilespmem:s3], [sflag:$0x2] =	stream.indirect.gather [hbm4b:s0+s17], $0x80, s15, s17, $0xb8;
	[tilespmem:$0x1E580] =	vst v63  }
0x150: {  	_ =	swait.ge [sflag:s7], $0x4000  }
0x151: {  	[sflag:s7] =	ssyncset.done $0x0  }
0x152: {  	[sflag:s7] =	ssyncadd.s32 $0xFFFFC000  }
0x153: {  	[spmem:s16] =	stream.indirect.scatter.add.f32 [tilespmem:s1], [sflag:$0x5], $0x80, s20, s17, $0xb8;
	[tilespmem:$0x1E580] =	vst v63  }
0x154: {  	_ =	swait.ge [sflag:s4], $0x4000  }
0x155: {  	[sflag:s4] =	ssyncset.done $0x0  }
0x156: {  	[sflag:s4] =	ssyncadd.s32 $0xFFFFC000  }
0x157: {  	[spmem:s19] =	stream.indirect.scatter.add.f32 [tilespmem:s8], [sflag:$0x4], $0x1, s20, s17, $0xb8;
	[tilespmem:$0x1E580] =	vst v63  }
0x158: {  	s18 =	simm.s32 $0xA00  }
0x159: {  	[tilespmem:s1], [sflag:$0x1] =	stream.indirect.gather [hbm4b:s0+s17], $0x80, s18, s17, $0xb8;
	[tilespmem:$0x1E580] =	vst v63  }
0x15a: {  	_ =	swait.ge [sflag:s10], $0x4000  }
0x15b: {  	[sflag:s10] =	ssyncset.done $0x0  }
0x15c: {  	[sflag:s10] =	ssyncadd.s32 $0xFFFFC000  }
0x15d: {  	[spmem:s16] =	stream.indirect.scatter.add.f32 [tilespmem:s3], [sflag:$0x5], $0x80, s21, s17, $0xb8;
	[tilespmem:$0x1E580] =	vst v63  }
0x15e: {  	_ =	swait.ge [sflag:s4], $0x4000  }
0x15f: {  	[sflag:s4] =	ssyncset.done $0x0  }
0x160: {  	[sflag:s4] =	ssyncadd.s32 $0xFFFFC000  }
0x161: {  	[spmem:s19] =	stream.indirect.scatter.add.f32 [tilespmem:s8], [sflag:$0x4], $0x1, s21, s17, $0xb8;
	[tilespmem:$0x1E580] =	vst v63  }
0x162: {  	s11 =	simm.s32 $0xA80  }
0x163: {  	[tilespmem:s3], [sflag:$0x2] =	stream.indirect.gather [hbm4b:s0+s17], $0x80, s11, s17, $0xb8;
	[tilespmem:$0x1E580] =	vst v63  }
0x164: {  	_ =	swait.ge [sflag:s7], $0x4000  }
0x165: {  	[sflag:s7] =	ssyncset.done $0x0  }
0x166: {  	[sflag:s7] =	ssyncadd.s32 $0xFFFFC000  }
0x167: {  	[spmem:s16] =	stream.indirect.scatter.add.f32 [tilespmem:s1], [sflag:$0x5], $0x80, s22, s17, $0xb8;
	[tilespmem:$0x1E580] =	vst v63  }
0x168: {  	_ =	swait.ge [sflag:s4], $0x4000  }
0x169: {  	[sflag:s4] =	ssyncset.done $0x0  }
0x16a: {  	[sflag:s4] =	ssyncadd.s32 $0xFFFFC000  }
0x16b: {  	[spmem:s19] =	stream.indirect.scatter.add.f32 [tilespmem:s8], [sflag:$0x4], $0x1, s22, s17, $0xb8;
	[tilespmem:$0x1E580] =	vst v63  }
0x16c: {  	s12 =	simm.s32 $0xB00  }
0x16d: {  	[tilespmem:s1], [sflag:$0x1] =	stream.indirect.gather [hbm4b:s0+s17], $0x80, s12, s17, $0xb8;
	[tilespmem:$0x1E580] =	vst v63  }
0x16e: {  	_ =	swait.ge [sflag:s10], $0x4000  }
0x16f: {  	[sflag:s10] =	ssyncset.done $0x0  }
0x170: {  	[sflag:s10] =	ssyncadd.s32 $0xFFFFC000  }
0x171: {  	[spmem:s16] =	stream.indirect.scatter.add.f32 [tilespmem:s3], [sflag:$0x5], $0x80, s23, s17, $0xb8;
	[tilespmem:$0x1E580] =	vst v63  }
0x172: {  	_ =	swait.ge [sflag:s4], $0x4000  }
0x173: {  	[sflag:s4] =	ssyncset.done $0x0  }
0x174: {  	[sflag:s4] =	ssyncadd.s32 $0xFFFFC000  }
0x175: {  	[spmem:s19] =	stream.indirect.scatter.add.f32 [tilespmem:s8], [sflag:$0x4], $0x1, s23, s17, $0xb8;
	[tilespmem:$0x1E580] =	vst v63  }
0x176: {  	s13 =	simm.s32 $0xB80  }
0x177: {  	[tilespmem:s3], [sflag:$0x2] =	stream.indirect.gather [hbm4b:s0+s17], $0x80, s13, s17, $0xb8;
	[tilespmem:$0x1E580] =	vst v63  }
0x178: {  	_ =	swait.ge [sflag:s7], $0x4000  }
0x179: {  	[sflag:s7] =	ssyncset.done $0x0  }
0x17a: {  	[sflag:s7] =	ssyncadd.s32 $0xFFFFC000  }
0x17b: {  	[spmem:s16] =	stream.indirect.scatter.add.f32 [tilespmem:s1], [sflag:$0x5], $0x80, s24, s17, $0xb8;
	[tilespmem:$0x1E580] =	vst v63  }
0x17c: {  	_ =	swait.ge [sflag:s4], $0x4000  }
0x17d: {  	[sflag:s4] =	ssyncset.done $0x0  }
0x17e: {  	[sflag:s4] =	ssyncadd.s32 $0xFFFFC000  }
0x17f: {  	[spmem:s19] =	stream.indirect.scatter.add.f32 [tilespmem:s8], [sflag:$0x4], $0x1, s24, s17, $0xb8;
	[tilespmem:$0x1E580] =	vst v63  }
0x180: {  	s14 =	simm.s32 $0xC00  }
0x181: {  	[tilespmem:s1], [sflag:$0x1] =	stream.indirect.gather [hbm4b:s0+s17], $0x80, s14, s17, $0xb8;
	[tilespmem:$0x1E580] =	vst v63  }
0x182: {  	_ =	swait.ge [sflag:s10], $0x4000  }
0x183: {  	[sflag:s10] =	ssyncset.done $0x0  }
0x184: {  	[sflag:s10] =	ssyncadd.s32 $0xFFFFC000  }
0x185: {  	[spmem:s16] =	stream.indirect.scatter.add.f32 [tilespmem:s3], [sflag:$0x5], $0x80, s25, s17, $0xb8;
	[tilespmem:$0x1E580] =	vst v63  }
0x186: {  	_ =	swait.ge [sflag:s4], $0x4000  }
0x187: {  	[sflag:s4] =	ssyncset.done $0x0  }
0x188: {  	[sflag:s4] =	ssyncadd.s32 $0xFFFFC000  }
0x189: {  	[spmem:s19] =	stream.indirect.scatter.add.f32 [tilespmem:s8], [sflag:$0x4], $0x1, s25, s17, $0xb8;
	[tilespmem:$0x1E580] =	vst v63  }
0x18a: {  	s15 =	simm.s32 $0xC80  }
0x18b: {  	[tilespmem:s3], [sflag:$0x2] =	stream.indirect.gather [hbm4b:s0+s17], $0x80, s15, s17, $0xb8;
	[tilespmem:$0x1E580] =	vst v63  }
0x18c: {  	_ =	swait.ge [sflag:s7], $0x4000  }
0x18d: {  	[sflag:s7] =	ssyncset.done $0x0  }
0x18e: {  	[sflag:s7] =	ssyncadd.s32 $0xFFFFC000  }
0x18f: {  	[spmem:s16] =	stream.indirect.scatter.add.f32 [tilespmem:s1], [sflag:$0x5], $0x80, s28, s17, $0xb8;
	[tilespmem:$0x1E580] =	vst v63  }
0x190: {  	_ =	swait.ge [sflag:s4], $0x4000  }
0x191: {  	[sflag:s4] =	ssyncset.done $0x0  }
0x192: {  	[sflag:s4] =	ssyncadd.s32 $0xFFFFC000  }
0x193: {  	[spmem:s19] =	stream.indirect.scatter.add.f32 [tilespmem:s8], [sflag:$0x4], $0x1, s28, s17, $0xb8;
	[tilespmem:$0x1E580] =	vst v63  }
0x194: {  	s18 =	simm.s32 $0xD00  }
0x195: {  	[tilespmem:s1], [sflag:$0x1] =	stream.indirect.gather [hbm4b:s0+s17], $0x80, s18, s17, $0xb8;
	[tilespmem:$0x1E580] =	vst v63  }
0x196: {  	_ =	swait.ge [sflag:s10], $0x4000  }
0x197: {  	[sflag:s10] =	ssyncset.done $0x0  }
0x198: {  	[sflag:s10] =	ssyncadd.s32 $0xFFFFC000  }
0x199: {  	[spmem:s16] =	stream.indirect.scatter.add.f32 [tilespmem:s3], [sflag:$0x5], $0x80, s29, s17, $0xb8;
	[tilespmem:$0x1E580] =	vst v63  }
0x19a: {  	_ =	swait.ge [sflag:s4], $0x4000  }
0x19b: {  	[sflag:s4] =	ssyncset.done $0x0  }
0x19c: {  	[sflag:s4] =	ssyncadd.s32 $0xFFFFC000  }
0x19d: {  	[spmem:s19] =	stream.indirect.scatter.add.f32 [tilespmem:s8], [sflag:$0x4], $0x1, s29, s17, $0xb8;
	[tilespmem:$0x1E580] =	vst v63  }
0x19e: {  	s11 =	simm.s32 $0xD80  }
0x19f: {  	[tilespmem:s3], [sflag:$0x2] =	stream.indirect.gather [hbm4b:s0+s17], $0x80, s11, s17, $0xb8;
	[tilespmem:$0x1E580] =	vst v63  }
0x1a0: {  	_ =	swait.ge [sflag:s7], $0x4000  }
0x1a1: {  	[sflag:s7] =	ssyncset.done $0x0  }
0x1a2: {  	[sflag:s7] =	ssyncadd.s32 $0xFFFFC000  }
0x1a3: {  	[spmem:s16] =	stream.indirect.scatter.add.f32 [tilespmem:s1], [sflag:$0x5], $0x80, s30, s17, $0xb8;
	[tilespmem:$0x1E580] =	vst v63  }
0x1a4: {  	_ =	swait.ge [sflag:s4], $0x4000  }
0x1a5: {  	[sflag:s4] =	ssyncset.done $0x0  }
0x1a6: {  	[sflag:s4] =	ssyncadd.s32 $0xFFFFC000  }
0x1a7: {  	[spmem:s19] =	stream.indirect.scatter.add.f32 [tilespmem:s8], [sflag:$0x4], $0x1, s30, s17, $0xb8;
	[tilespmem:$0x1E580] =	vst v63  }
0x1a8: {  	s12 =	simm.s32 $0xE00  }
0x1a9: {  	[tilespmem:s1], [sflag:$0x1] =	stream.indirect.gather [hbm4b:s0+s17], $0x80, s12, s17, $0xb8;
	[tilespmem:$0x1E580] =	vst v63  }
0x1aa: {  	_ =	swait.ge [sflag:s10], $0x4000  }
0x1ab: {  	[sflag:s10] =	ssyncset.done $0x0  }
0x1ac: {  	s11 =	simm.s32 $0x1D80;
	[sflag:s10] =	ssyncadd.s32 $0xFFFFC000  }
0x1ad: {  	[spmem:s16] =	stream.indirect.scatter.add.f32 [tilespmem:s3], [sflag:$0x5], $0x80, s11, s17, $0xb8;
	[tilespmem:$0x1E580] =	vst v63  }
0x1ae: {  	_ =	swait.ge [sflag:s4], $0x4000  }
0x1af: {  	[sflag:s4] =	ssyncset.done $0x0  }
0x1b0: {  	[sflag:s4] =	ssyncadd.s32 $0xFFFFC000  }
0x1b1: {  	[spmem:s19] =	stream.indirect.scatter.add.f32 [tilespmem:s8], [sflag:$0x4], $0x1, s11, s17, $0xb8;
	[tilespmem:$0x1E580] =	vst v63  }
0x1b2: {  	s13 =	simm.s32 $0xE80  }
0x1b3: {  	[tilespmem:s3], [sflag:$0x2] =	stream.indirect.gather [hbm4b:s0+s17], $0x80, s13, s17, $0xb8;
	[tilespmem:$0x1E580] =	vst v63  }
0x1b4: {  	_ =	swait.ge [sflag:s7], $0x4000  }
0x1b5: {  	[sflag:s7] =	ssyncset.done $0x0  }
0x1b6: {  	s12 =	simm.s32 $0x1E00;
	[sflag:s7] =	ssyncadd.s32 $0xFFFFC000  }
0x1b7: {  	[spmem:s16] =	stream.indirect.scatter.add.f32 [tilespmem:s1], [sflag:$0x5], $0x80, s12, s17, $0xb8;
	[tilespmem:$0x1E580] =	vst v63  }
0x1b8: {  	_ =	swait.ge [sflag:s4], $0x4000  }
0x1b9: {  	[sflag:s4] =	ssyncset.done $0x0  }
0x1ba: {  	[sflag:s4] =	ssyncadd.s32 $0xFFFFC000  }
0x1bb: {  	[spmem:s19] =	stream.indirect.scatter.add.f32 [tilespmem:s8], [sflag:$0x4], $0x1, s12, s17, $0xb8;
	[tilespmem:$0x1E580] =	vst v63  }
0x1bc: {  	s14 =	simm.s32 $0xF00  }
0x1bd: {  	[tilespmem:s1], [sflag:$0x1] =	stream.indirect.gather [hbm4b:s0+s17], $0x80, s14, s17, $0xb8;
	[tilespmem:$0x1E580] =	vst v63  }
0x1be: {  	_ =	swait.ge [sflag:s10], $0x4000  }
0x1bf: {  	[sflag:s10] =	ssyncset.done $0x0  }
0x1c0: {  	s13 =	simm.s32 $0x1E80;
	[sflag:s10] =	ssyncadd.s32 $0xFFFFC000  }
0x1c1: {  	[spmem:s16] =	stream.indirect.scatter.add.f32 [tilespmem:s3], [sflag:$0x5], $0x80, s13, s17, $0xb8;
	[tilespmem:$0x1E580] =	vst v63  }
0x1c2: {  	_ =	swait.ge [sflag:s4], $0x4000  }
0x1c3: {  	[sflag:s4] =	ssyncset.done $0x0  }
0x1c4: {  	[sflag:s4] =	ssyncadd.s32 $0xFFFFC000  }
0x1c5: {  	[spmem:s19] =	stream.indirect.scatter.add.f32 [tilespmem:s8], [sflag:$0x4], $0x1, s13, s17, $0xb8;
	[tilespmem:$0x1E580] =	vst v63  }
0x1c6: {  	s15 =	simm.s32 $0xF80  }
0x1c7: {  	[tilespmem:s3], [sflag:$0x2] =	stream.indirect.gather [hbm4b:s0+s17], $0x80, s15, s17, $0xb8;
	[tilespmem:$0x1E580] =	vst v63  }
0x1c8: {  	_ =	swait.ge [sflag:s7], $0x4000  }
0x1c9: {  	[sflag:s7] =	ssyncset.done $0x0  }
0x1ca: {  	s14 =	simm.s32 $0x1F00;
	[sflag:s7] =	ssyncadd.s32 $0xFFFFC000  }
0x1cb: {  	[spmem:s16] =	stream.indirect.scatter.add.f32 [tilespmem:s1], [sflag:$0x5], $0x80, s14, s17, $0xb8;
	[tilespmem:$0x1E580] =	vst v63  }
0x1cc: {  	_ =	swait.ge [sflag:s4], $0x4000  }
0x1cd: {  	[sflag:s4] =	ssyncset.done $0x0  }
0x1ce: {  	[sflag:s4] =	ssyncadd.s32 $0xFFFFC000  }
0x1cf: {  	[spmem:s19] =	stream.indirect.scatter.add.f32 [tilespmem:s8], [sflag:$0x4], $0x1, s14, s17, $0xb8;
	[tilespmem:$0x1E580] =	vst v63  }
0x1d0: {  	_ =	swait.ge [sflag:s31], $0x800  }
0x1d1: {  	[sflag:s31] =	ssyncset.done $0x0  }
0x1d2: {  	[sflag:s31] =	ssyncadd.s32 $0xFFFFF800  }
0x1d3: {  	_ =	swait.ge [sflag:s31], $0x800  }
0x1d4: {  	[sflag:s31] =	ssyncset.done $0x0  }
0x1d5: {  	s2 =	simm.s32 $0x0;
	[sflag:s31] =	ssyncadd.s32 $0xFFFFF800  }
0x1d6: {  	[tilespmem:s1], [sflag:$0x1] =	stream.indirect.gather [hbm4b:s0+s17], $0x80, s2, s17, $0xb8;
	[tilespmem:$0x1E580] =	vst v63  }
0x1d7: {  	_ =	swait.ge [sflag:s10], $0x4000  }
0x1d8: {  	[sflag:s10] =	ssyncset.done $0x0  }
0x1d9: {  	s15 =	simm.s32 $0x1F80;
	[sflag:s10] =	ssyncadd.s32 $0xFFFFC000  }
0x1da: {  	[spmem:s16] =	stream.indirect.scatter.add.f32 [tilespmem:s3], [sflag:$0x5], $0x80, s15, s17, $0xb8;
	[tilespmem:$0x1E580] =	vst v63  }
0x1db: {  	_ =	swait.ge [sflag:s4], $0x4000  }
0x1dc: {  	[sflag:s4] =	ssyncset.done $0x0  }
0x1dd: {  	[sflag:s4] =	ssyncadd.s32 $0xFFFFC000  }
0x1de: {  	[spmem:s19] =	stream.indirect.scatter.add.f32 [tilespmem:s8], [sflag:$0x4], $0x1, s15, s17, $0xb8;
	[tilespmem:$0x1E580] =	vst v63  }
0x1df: {  	s18 =	simm.s32 $0x800;
	s6 =	rddreg [dreg:$0xb]  }
0x1e0: {  	[tilespmem:s18], [sflag:$0x3] =	stream.linear.gather [hbm4b:s6+s2], $0x800, $0x38;
	[tilespmem:$0x1E580] =	vst v63  }
0x1e1: {  	s6 =	rddreg [dreg:$0xc];
	s18 =	simm.s32 $0x1800  }
0x1e2: {  	[tilespmem:s18], [sflag:$0x3] =	stream.linear.gather [hbm4b:s6+s2], $0x800, $0x38;
	[tilespmem:$0x1E580] =	vst v63  }
0x1e3: {  	_ = 	snop  }
0x1e4: {  	[tilespmem:s3], [sflag:$0x2] =	stream.indirect.gather [hbm4b:s0+s17], $0x80, s17, s17, $0xb8;
	[tilespmem:$0x1E580] =	vst v63  }
0x1e5: {  	_ =	swait.ge [sflag:s7], $0x4000  }
0x1e6: {  	[sflag:s7] =	ssyncset.done $0x0  }
0x1e7: {  	s18 =	simm.s32 $0x1000;
	[sflag:s7] =	ssyncadd.s32 $0xFFFFC000  }
0x1e8: {  	[spmem:s16] =	stream.indirect.scatter.add.f32 [tilespmem:s1], [sflag:$0x5], $0x80, s18, s17, $0xb8;
	[tilespmem:$0x1E580] =	vst v63  }
0x1e9: {  	_ =	swait.ge [sflag:s4], $0x4000  }
0x1ea: {  	[sflag:s4] =	ssyncset.done $0x0  }
0x1eb: {  	[sflag:s4] =	ssyncadd.s32 $0xFFFFC000  }
0x1ec: {  	[spmem:s19] =	stream.indirect.scatter.add.f32 [tilespmem:s8], [sflag:$0x4], $0x1, s18, s17, $0xb8;
	[tilespmem:$0x1E580] =	vst v63  }
0x1ed: {  	s6 =	simm.s32 $0x100  }
0x1ee: {  	[tilespmem:s1], [sflag:$0x1] =	stream.indirect.gather [hbm4b:s0+s17], $0x80, s6, s17, $0xb8;
	[tilespmem:$0x1E580] =	vst v63  }
0x1ef: {  	_ =	swait.ge [sflag:s10], $0x4000  }
0x1f0: {  	[sflag:s10] =	ssyncset.done $0x0  }
0x1f1: {  	s6 =	simm.s32 $0x1080;
	[sflag:s10] =	ssyncadd.s32 $0xFFFFC000  }
0x1f2: {  	[spmem:s16] =	stream.indirect.scatter.add.f32 [tilespmem:s3], [sflag:$0x5], $0x80, s6, s17, $0xb8;
	[tilespmem:$0x1E580] =	vst v63  }
0x1f3: {  	_ =	swait.ge [sflag:s4], $0x4000  }
0x1f4: {  	[sflag:s4] =	ssyncset.done $0x0  }
0x1f5: {  	[sflag:s4] =	ssyncadd.s32 $0xFFFFC000  }
0x1f6: {  	[spmem:s19] =	stream.indirect.scatter.add.f32 [tilespmem:s8], [sflag:$0x4], $0x1, s6, s17, $0xb8;
	[tilespmem:$0x1E580] =	vst v63  }
0x1f7: {  	s6 =	simm.s32 $0x180  }
0x1f8: {  	[tilespmem:s3], [sflag:$0x2] =	stream.indirect.gather [hbm4b:s0+s17], $0x80, s6, s17, $0xb8;
	[tilespmem:$0x1E580] =	vst v63  }
0x1f9: {  	_ =	swait.ge [sflag:s7], $0x4000  }
0x1fa: {  	[sflag:s7] =	ssyncset.done $0x0  }
0x1fb: {  	s6 =	simm.s32 $0x1100;
	[sflag:s7] =	ssyncadd.s32 $0xFFFFC000  }
0x1fc: {  	[spmem:s16] =	stream.indirect.scatter.add.f32 [tilespmem:s1], [sflag:$0x5], $0x80, s6, s17, $0xb8;
	[tilespmem:$0x1E580] =	vst v63  }
0x1fd: {  	_ =	swait.ge [sflag:s4], $0x4000  }
0x1fe: {  	[sflag:s4] =	ssyncset.done $0x0  }
0x1ff: {  	[sflag:s4] =	ssyncadd.s32 $0xFFFFC000  }
0x200: {  	[spmem:s19] =	stream.indirect.scatter.add.f32 [tilespmem:s8], [sflag:$0x4], $0x1, s6, s17, $0xb8;
	[tilespmem:$0x1E580] =	vst v63  }
0x201: {  	s6 =	simm.s32 $0x200  }
0x202: {  	[tilespmem:s1], [sflag:$0x1] =	stream.indirect.gather [hbm4b:s0+s17], $0x80, s6, s17, $0xb8;
	[tilespmem:$0x1E580] =	vst v63  }
0x203: {  	_ =	swait.ge [sflag:s10], $0x4000  }
0x204: {  	[sflag:s10] =	ssyncset.done $0x0  }
0x205: {  	s6 =	simm.s32 $0x1180;
	[sflag:s10] =	ssyncadd.s32 $0xFFFFC000  }
0x206: {  	[spmem:s16] =	stream.indirect.scatter.add.f32 [tilespmem:s3], [sflag:$0x5], $0x80, s6, s17, $0xb8;
	[tilespmem:$0x1E580] =	vst v63  }
0x207: {  	_ =	swait.ge [sflag:s4], $0x4000  }
0x208: {  	[sflag:s4] =	ssyncset.done $0x0  }
0x209: {  	[sflag:s4] =	ssyncadd.s32 $0xFFFFC000  }
0x20a: {  	[spmem:s19] =	stream.indirect.scatter.add.f32 [tilespmem:s8], [sflag:$0x4], $0x1, s6, s17, $0xb8;
	[tilespmem:$0x1E580] =	vst v63  }
0x20b: {  	s6 =	simm.s32 $0x280  }
0x20c: {  	[tilespmem:s3], [sflag:$0x2] =	stream.indirect.gather [hbm4b:s0+s17], $0x80, s6, s17, $0xb8;
	[tilespmem:$0x1E580] =	vst v63  }
0x20d: {  	_ =	swait.ge [sflag:s7], $0x4000  }
0x20e: {  	[sflag:s7] =	ssyncset.done $0x0  }
0x20f: {  	s6 =	simm.s32 $0x1200;
	[sflag:s7] =	ssyncadd.s32 $0xFFFFC000  }
0x210: {  	[spmem:s16] =	stream.indirect.scatter.add.f32 [tilespmem:s1], [sflag:$0x5], $0x80, s6, s17, $0xb8;
	[tilespmem:$0x1E580] =	vst v63  }
0x211: {  	_ =	swait.ge [sflag:s4], $0x4000  }
0x212: {  	[sflag:s4] =	ssyncset.done $0x0  }
0x213: {  	[sflag:s4] =	ssyncadd.s32 $0xFFFFC000  }
0x214: {  	[spmem:s19] =	stream.indirect.scatter.add.f32 [tilespmem:s8], [sflag:$0x4], $0x1, s6, s17, $0xb8;
	[tilespmem:$0x1E580] =	vst v63  }
0x215: {  	s6 =	simm.s32 $0x300  }
0x216: {  	[tilespmem:s1], [sflag:$0x1] =	stream.indirect.gather [hbm4b:s0+s17], $0x80, s6, s17, $0xb8;
	[tilespmem:$0x1E580] =	vst v63  }
0x217: {  	_ =	swait.ge [sflag:s10], $0x4000  }
0x218: {  	[sflag:s10] =	ssyncset.done $0x0  }
0x219: {  	s6 =	simm.s32 $0x1280;
	[sflag:s10] =	ssyncadd.s32 $0xFFFFC000  }
0x21a: {  	[spmem:s16] =	stream.indirect.scatter.add.f32 [tilespmem:s3], [sflag:$0x5], $0x80, s6, s17, $0xb8;
	[tilespmem:$0x1E580] =	vst v63  }
0x21b: {  	_ =	swait.ge [sflag:s4], $0x4000  }
0x21c: {  	[sflag:s4] =	ssyncset.done $0x0  }
0x21d: {  	[sflag:s4] =	ssyncadd.s32 $0xFFFFC000  }
0x21e: {  	[spmem:s19] =	stream.indirect.scatter.add.f32 [tilespmem:s8], [sflag:$0x4], $0x1, s6, s17, $0xb8;
	[tilespmem:$0x1E580] =	vst v63  }
0x21f: {  	s6 =	simm.s32 $0x380  }
0x220: {  	[tilespmem:s3], [sflag:$0x2] =	stream.indirect.gather [hbm4b:s0+s17], $0x80, s6, s17, $0xb8;
	[tilespmem:$0x1E580] =	vst v63  }
0x221: {  	_ =	swait.ge [sflag:s7], $0x4000  }
0x222: {  	[sflag:s7] =	ssyncset.done $0x0  }
0x223: {  	s6 =	simm.s32 $0x1300;
	[sflag:s7] =	ssyncadd.s32 $0xFFFFC000  }
0x224: {  	[spmem:s16] =	stream.indirect.scatter.add.f32 [tilespmem:s1], [sflag:$0x5], $0x80, s6, s17, $0xb8;
	[tilespmem:$0x1E580] =	vst v63  }
0x225: {  	_ =	swait.ge [sflag:s4], $0x4000  }
0x226: {  	[sflag:s4] =	ssyncset.done $0x0  }
0x227: {  	[sflag:s4] =	ssyncadd.s32 $0xFFFFC000  }
0x228: {  	[spmem:s19] =	stream.indirect.scatter.add.f32 [tilespmem:s8], [sflag:$0x4], $0x1, s6, s17, $0xb8;
	[tilespmem:$0x1E580] =	vst v63  }
0x229: {  	s6 =	simm.s32 $0x400  }
0x22a: {  	[tilespmem:s1], [sflag:$0x1] =	stream.indirect.gather [hbm4b:s0+s17], $0x80, s6, s17, $0xb8;
	[tilespmem:$0x1E580] =	vst v63  }
0x22b: {  	_ =	swait.ge [sflag:s10], $0x4000  }
0x22c: {  	[sflag:s10] =	ssyncset.done $0x0  }
0x22d: {  	s6 =	simm.s32 $0x1380;
	[sflag:s10] =	ssyncadd.s32 $0xFFFFC000  }
0x22e: {  	[spmem:s16] =	stream.indirect.scatter.add.f32 [tilespmem:s3], [sflag:$0x5], $0x80, s6, s17, $0xb8;
	[tilespmem:$0x1E580] =	vst v63  }
0x22f: {  	_ =	swait.ge [sflag:s4], $0x4000  }
0x230: {  	[sflag:s4] =	ssyncset.done $0x0  }
0x231: {  	[sflag:s4] =	ssyncadd.s32 $0xFFFFC000  }
0x232: {  	[spmem:s19] =	stream.indirect.scatter.add.f32 [tilespmem:s8], [sflag:$0x4], $0x1, s6, s17, $0xb8;
	[tilespmem:$0x1E580] =	vst v63  }
0x233: {  	s6 =	simm.s32 $0x480  }
0x234: {  	[tilespmem:s3], [sflag:$0x2] =	stream.indirect.gather [hbm4b:s0+s17], $0x80, s6, s17, $0xb8;
	[tilespmem:$0x1E580] =	vst v63  }
0x235: {  	_ =	swait.ge [sflag:s7], $0x4000  }
0x236: {  	[sflag:s7] =	ssyncset.done $0x0  }
0x237: {  	s6 =	simm.s32 $0x1400;
	[sflag:s7] =	ssyncadd.s32 $0xFFFFC000  }
0x238: {  	[spmem:s16] =	stream.indirect.scatter.add.f32 [tilespmem:s1], [sflag:$0x5], $0x80, s6, s17, $0xb8;
	[tilespmem:$0x1E580] =	vst v63  }
0x239: {  	_ =	swait.ge [sflag:s4], $0x4000  }
0x23a: {  	[sflag:s4] =	ssyncset.done $0x0  }
0x23b: {  	[sflag:s4] =	ssyncadd.s32 $0xFFFFC000  }
0x23c: {  	[spmem:s19] =	stream.indirect.scatter.add.f32 [tilespmem:s8], [sflag:$0x4], $0x1, s6, s17, $0xb8;
	[tilespmem:$0x1E580] =	vst v63  }
0x23d: {  	s6 =	simm.s32 $0x500  }
0x23e: {  	[tilespmem:s1], [sflag:$0x1] =	stream.indirect.gather [hbm4b:s0+s17], $0x80, s6, s17, $0xb8;
	[tilespmem:$0x1E580] =	vst v63  }
0x23f: {  	_ =	swait.ge [sflag:s10], $0x4000  }
0x240: {  	[sflag:s10] =	ssyncset.done $0x0  }
0x241: {  	s6 =	simm.s32 $0x1480;
	[sflag:s10] =	ssyncadd.s32 $0xFFFFC000  }
0x242: {  	[spmem:s16] =	stream.indirect.scatter.add.f32 [tilespmem:s3], [sflag:$0x5], $0x80, s6, s17, $0xb8;
	[tilespmem:$0x1E580] =	vst v63  }
0x243: {  	_ =	swait.ge [sflag:s4], $0x4000  }
0x244: {  	[sflag:s4] =	ssyncset.done $0x0  }
0x245: {  	[sflag:s4] =	ssyncadd.s32 $0xFFFFC000  }
0x246: {  	[spmem:s19] =	stream.indirect.scatter.add.f32 [tilespmem:s8], [sflag:$0x4], $0x1, s6, s17, $0xb8;
	[tilespmem:$0x1E580] =	vst v63  }
0x247: {  	s6 =	simm.s32 $0x580  }
0x248: {  	[tilespmem:s3], [sflag:$0x2] =	stream.indirect.gather [hbm4b:s0+s17], $0x80, s6, s17, $0xb8;
	[tilespmem:$0x1E580] =	vst v63  }
0x249: {  	_ =	swait.ge [sflag:s7], $0x4000  }
0x24a: {  	[sflag:s7] =	ssyncset.done $0x0  }
0x24b: {  	s6 =	simm.s32 $0x1500;
	[sflag:s7] =	ssyncadd.s32 $0xFFFFC000  }
0x24c: {  	[spmem:s16] =	stream.indirect.scatter.add.f32 [tilespmem:s1], [sflag:$0x5], $0x80, s6, s17, $0xb8;
	[tilespmem:$0x1E580] =	vst v63  }
0x24d: {  	_ =	swait.ge [sflag:s4], $0x4000  }
0x24e: {  	[sflag:s4] =	ssyncset.done $0x0  }
0x24f: {  	[sflag:s4] =	ssyncadd.s32 $0xFFFFC000  }
0x250: {  	[spmem:s19] =	stream.indirect.scatter.add.f32 [tilespmem:s8], [sflag:$0x4], $0x1, s6, s17, $0xb8;
	[tilespmem:$0x1E580] =	vst v63  }
0x251: {  	s6 =	simm.s32 $0x600  }
0x252: {  	[tilespmem:s1], [sflag:$0x1] =	stream.indirect.gather [hbm4b:s0+s17], $0x80, s6, s17, $0xb8;
	[tilespmem:$0x1E580] =	vst v63  }
0x253: {  	_ =	swait.ge [sflag:s10], $0x4000  }
0x254: {  	[sflag:s10] =	ssyncset.done $0x0  }
0x255: {  	s6 =	simm.s32 $0x1580;
	[sflag:s10] =	ssyncadd.s32 $0xFFFFC000  }
0x256: {  	[spmem:s16] =	stream.indirect.scatter.add.f32 [tilespmem:s3], [sflag:$0x5], $0x80, s6, s17, $0xb8;
	[tilespmem:$0x1E580] =	vst v63  }
0x257: {  	_ =	swait.ge [sflag:s4], $0x4000  }
0x258: {  	[sflag:s4] =	ssyncset.done $0x0  }
0x259: {  	[sflag:s4] =	ssyncadd.s32 $0xFFFFC000  }
0x25a: {  	[spmem:s19] =	stream.indirect.scatter.add.f32 [tilespmem:s8], [sflag:$0x4], $0x1, s6, s17, $0xb8;
	[tilespmem:$0x1E580] =	vst v63  }
0x25b: {  	s6 =	simm.s32 $0x680  }
0x25c: {  	[tilespmem:s3], [sflag:$0x2] =	stream.indirect.gather [hbm4b:s0+s17], $0x80, s6, s17, $0xb8;
	[tilespmem:$0x1E580] =	vst v63  }
0x25d: {  	_ =	swait.ge [sflag:s7], $0x4000  }
0x25e: {  	[sflag:s7] =	ssyncset.done $0x0  }
0x25f: {  	s6 =	simm.s32 $0x1600;
	[sflag:s7] =	ssyncadd.s32 $0xFFFFC000  }
0x260: {  	[spmem:s16] =	stream.indirect.scatter.add.f32 [tilespmem:s1], [sflag:$0x5], $0x80, s6, s17, $0xb8;
	[tilespmem:$0x1E580] =	vst v63  }
0x261: {  	_ =	swait.ge [sflag:s4], $0x4000  }
0x262: {  	[sflag:s4] =	ssyncset.done $0x0  }
0x263: {  	[sflag:s4] =	ssyncadd.s32 $0xFFFFC000  }
0x264: {  	[spmem:s19] =	stream.indirect.scatter.add.f32 [tilespmem:s8], [sflag:$0x4], $0x1, s6, s17, $0xb8;
	[tilespmem:$0x1E580] =	vst v63  }
0x265: {  	s6 =	simm.s32 $0x700  }
0x266: {  	[tilespmem:s1], [sflag:$0x1] =	stream.indirect.gather [hbm4b:s0+s17], $0x80, s6, s17, $0xb8;
	[tilespmem:$0x1E580] =	vst v63  }
0x267: {  	_ =	swait.ge [sflag:s10], $0x4000  }
0x268: {  	[sflag:s10] =	ssyncset.done $0x0  }
0x269: {  	s6 =	simm.s32 $0x1680;
	[sflag:s10] =	ssyncadd.s32 $0xFFFFC000  }
0x26a: {  	[spmem:s16] =	stream.indirect.scatter.add.f32 [tilespmem:s3], [sflag:$0x5], $0x80, s6, s17, $0xb8;
	[tilespmem:$0x1E580] =	vst v63  }
0x26b: {  	_ =	swait.ge [sflag:s4], $0x4000  }
0x26c: {  	[sflag:s4] =	ssyncset.done $0x0  }
0x26d: {  	[sflag:s4] =	ssyncadd.s32 $0xFFFFC000  }
0x26e: {  	[spmem:s19] =	stream.indirect.scatter.add.f32 [tilespmem:s8], [sflag:$0x4], $0x1, s6, s17, $0xb8;
	[tilespmem:$0x1E580] =	vst v63  }
0x26f: {  	s6 =	simm.s32 $0x780  }
0x270: {  	[tilespmem:s3], [sflag:$0x2] =	stream.indirect.gather [hbm4b:s0+s17], $0x80, s6, s17, $0xb8;
	[tilespmem:$0x1E580] =	vst v63  }
0x271: {  	_ =	swait.ge [sflag:s7], $0x4000  }
0x272: {  	[sflag:s7] =	ssyncset.done $0x0  }
0x273: {  	s6 =	simm.s32 $0x1700;
	[sflag:s7] =	ssyncadd.s32 $0xFFFFC000  }
0x274: {  	[spmem:s16] =	stream.indirect.scatter.add.f32 [tilespmem:s1], [sflag:$0x5], $0x80, s6, s17, $0xb8;
	[tilespmem:$0x1E580] =	vst v63  }
0x275: {  	_ =	swait.ge [sflag:s4], $0x4000  }
0x276: {  	[sflag:s4] =	ssyncset.done $0x0  }
0x277: {  	[sflag:s4] =	ssyncadd.s32 $0xFFFFC000  }
0x278: {  	[spmem:s19] =	stream.indirect.scatter.add.f32 [tilespmem:s8], [sflag:$0x4], $0x1, s6, s17, $0xb8;
	[tilespmem:$0x1E580] =	vst v63  }
0x279: {  	_ =	swait.ge [sflag:s31], $0x800  }
0x27a: {  	[sflag:s31] =	ssyncset.done $0x0  }
0x27b: {  	[sflag:s31] =	ssyncadd.s32 $0xFFFFF800  }
0x27c: {  	_ =	swait.ge [sflag:s31], $0x800  }
0x27d: {  	[sflag:s31] =	ssyncset.done $0x0  }
0x27e: {  	s6 =	simm.s32 $0x800;
	[sflag:s31] =	ssyncadd.s32 $0xFFFFF800  }
0x27f: {  	[tilespmem:s1], [sflag:$0x1] =	stream.indirect.gather [hbm4b:s0+s17], $0x80, s6, s17, $0xb8;
	[tilespmem:$0x1E580] =	vst v63  }
0x280: {  	_ =	swait.ge [sflag:s10], $0x4000  }
0x281: {  	[sflag:s10] =	ssyncset.done $0x0  }
0x282: {  	s6 =	simm.s32 $0x1780;
	[sflag:s10] =	ssyncadd.s32 $0xFFFFC000  }
0x283: {  	[spmem:s16] =	stream.indirect.scatter.add.f32 [tilespmem:s3], [sflag:$0x5], $0x80, s6, s17, $0xb8;
	[tilespmem:$0x1E580] =	vst v63  }
0x284: {  	_ =	swait.ge [sflag:s4], $0x4000  }
0x285: {  	[sflag:s4] =	ssyncset.done $0x0  }
0x286: {  	[sflag:s4] =	ssyncadd.s32 $0xFFFFC000  }
0x287: {  	[spmem:s19] =	stream.indirect.scatter.add.f32 [tilespmem:s8], [sflag:$0x4], $0x1, s6, s17, $0xb8;
	[tilespmem:$0x1E580] =	vst v63  }
0x288: {  	s6 =	rddreg [dreg:$0xd]  }
0x289: {  	[tilespmem:s2], [sflag:$0x3] =	stream.linear.gather [hbm4b:s6+s2], $0x800, $0x38;
	[tilespmem:$0x1E580] =	vst v63  }
0x28a: {  	s18 =	simm.s32 $0x1000;
	s6 =	rddreg [dreg:$0xe]  }
0x28b: {  	[tilespmem:s18], [sflag:$0x3] =	stream.linear.gather [hbm4b:s6+s2], $0x800, $0x38;
	[tilespmem:$0x1E580] =	vst v63  }
0x28c: {  	s6 =	simm.s32 $0x880  }
0x28d: {  	[tilespmem:s3], [sflag:$0x2] =	stream.indirect.gather [hbm4b:s0+s17], $0x80, s6, s17, $0xb8;
	[tilespmem:$0x1E580] =	vst v63  }
0x28e: {  	_ =	swait.ge [sflag:s7], $0x4000  }
0x28f: {  	[sflag:s7] =	ssyncset.done $0x0  }
0x290: {  	s18 =	simm.s32 $0x1800;
	[sflag:s7] =	ssyncadd.s32 $0xFFFFC000  }
0x291: {  	[spmem:s16] =	stream.indirect.scatter.add.f32 [tilespmem:s1], [sflag:$0x5], $0x80, s18, s17, $0xb8;
	[tilespmem:$0x1E580] =	vst v63  }
0x292: {  	_ =	swait.ge [sflag:s4], $0x4000  }
0x293: {  	[sflag:s4] =	ssyncset.done $0x0  }
0x294: {  	[sflag:s4] =	ssyncadd.s32 $0xFFFFC000  }
0x295: {  	[spmem:s19] =	stream.indirect.scatter.add.f32 [tilespmem:s8], [sflag:$0x4], $0x1, s18, s17, $0xb8;
	[tilespmem:$0x1E580] =	vst v63  }
0x296: {  	s6 =	simm.s32 $0x900  }
0x297: {  	[tilespmem:s1], [sflag:$0x1] =	stream.indirect.gather [hbm4b:s0+s17], $0x80, s6, s17, $0xb8;
	[tilespmem:$0x1E580] =	vst v63  }
0x298: {  	_ =	swait.ge [sflag:s10], $0x4000  }
0x299: {  	[sflag:s10] =	ssyncset.done $0x0  }
0x29a: {  	[sflag:s10] =	ssyncadd.s32 $0xFFFFC000  }
0x29b: {  	[spmem:s16] =	stream.indirect.scatter.add.f32 [tilespmem:s3], [sflag:$0x5], $0x80, s9, s17, $0xb8;
	[tilespmem:$0x1E580] =	vst v63  }
0x29c: {  	_ =	swait.ge [sflag:s4], $0x4000  }
0x29d: {  	[sflag:s4] =	ssyncset.done $0x0  }
0x29e: {  	[sflag:s4] =	ssyncadd.s32 $0xFFFFC000  }
0x29f: {  	[spmem:s19] =	stream.indirect.scatter.add.f32 [tilespmem:s8], [sflag:$0x4], $0x1, s9, s17, $0xb8;
	[tilespmem:$0x1E580] =	vst v63  }
0x2a0: {  	s18 =	simm.s32 $0x980  }
0x2a1: {  	[tilespmem:s3], [sflag:$0x2] =	stream.indirect.gather [hbm4b:s0+s17], $0x80, s18, s17, $0xb8;
	[tilespmem:$0x1E580] =	vst v63  }
0x2a2: {  	_ =	swait.ge [sflag:s7], $0x4000  }
0x2a3: {  	[sflag:s7] =	ssyncset.done $0x0  }
0x2a4: {  	[sflag:s7] =	ssyncadd.s32 $0xFFFFC000  }
0x2a5: {  	[spmem:s16] =	stream.indirect.scatter.add.f32 [tilespmem:s1], [sflag:$0x5], $0x80, s20, s17, $0xb8;
	[tilespmem:$0x1E580] =	vst v63  }
0x2a6: {  	_ =	swait.ge [sflag:s4], $0x4000  }
0x2a7: {  	[sflag:s4] =	ssyncset.done $0x0  }
0x2a8: {  	[sflag:s4] =	ssyncadd.s32 $0xFFFFC000  }
0x2a9: {  	[spmem:s19] =	stream.indirect.scatter.add.f32 [tilespmem:s8], [sflag:$0x4], $0x1, s20, s17, $0xb8;
	[tilespmem:$0x1E580] =	vst v63  }
0x2aa: {  	s6 =	simm.s32 $0xA00  }
0x2ab: {  	[tilespmem:s1], [sflag:$0x1] =	stream.indirect.gather [hbm4b:s0+s17], $0x80, s6, s17, $0xb8;
	[tilespmem:$0x1E580] =	vst v63  }
0x2ac: {  	_ =	swait.ge [sflag:s10], $0x4000  }
0x2ad: {  	[sflag:s10] =	ssyncset.done $0x0  }
0x2ae: {  	[sflag:s10] =	ssyncadd.s32 $0xFFFFC000  }
0x2af: {  	[spmem:s16] =	stream.indirect.scatter.add.f32 [tilespmem:s3], [sflag:$0x5], $0x80, s21, s17, $0xb8;
	[tilespmem:$0x1E580] =	vst v63  }
0x2b0: {  	_ =	swait.ge [sflag:s4], $0x4000  }
0x2b1: {  	[sflag:s4] =	ssyncset.done $0x0  }
0x2b2: {  	[sflag:s4] =	ssyncadd.s32 $0xFFFFC000  }
0x2b3: {  	[spmem:s19] =	stream.indirect.scatter.add.f32 [tilespmem:s8], [sflag:$0x4], $0x1, s21, s17, $0xb8;
	[tilespmem:$0x1E580] =	vst v63  }
0x2b4: {  	s18 =	simm.s32 $0xA80  }
0x2b5: {  	[tilespmem:s3], [sflag:$0x2] =	stream.indirect.gather [hbm4b:s0+s17], $0x80, s18, s17, $0xb8;
	[tilespmem:$0x1E580] =	vst v63  }
0x2b6: {  	_ =	swait.ge [sflag:s7], $0x4000  }
0x2b7: {  	[sflag:s7] =	ssyncset.done $0x0  }
0x2b8: {  	[sflag:s7] =	ssyncadd.s32 $0xFFFFC000  }
0x2b9: {  	[spmem:s16] =	stream.indirect.scatter.add.f32 [tilespmem:s1], [sflag:$0x5], $0x80, s22, s17, $0xb8;
	[tilespmem:$0x1E580] =	vst v63  }
0x2ba: {  	_ =	swait.ge [sflag:s4], $0x4000  }
0x2bb: {  	[sflag:s4] =	ssyncset.done $0x0  }
0x2bc: {  	[sflag:s4] =	ssyncadd.s32 $0xFFFFC000  }
0x2bd: {  	[spmem:s19] =	stream.indirect.scatter.add.f32 [tilespmem:s8], [sflag:$0x4], $0x1, s22, s17, $0xb8;
	[tilespmem:$0x1E580] =	vst v63  }
0x2be: {  	s6 =	simm.s32 $0xB00  }
0x2bf: {  	[tilespmem:s1], [sflag:$0x1] =	stream.indirect.gather [hbm4b:s0+s17], $0x80, s6, s17, $0xb8;
	[tilespmem:$0x1E580] =	vst v63  }
0x2c0: {  	_ =	swait.ge [sflag:s10], $0x4000  }
0x2c1: {  	[sflag:s10] =	ssyncset.done $0x0  }
0x2c2: {  	[sflag:s10] =	ssyncadd.s32 $0xFFFFC000  }
0x2c3: {  	[spmem:s16] =	stream.indirect.scatter.add.f32 [tilespmem:s3], [sflag:$0x5], $0x80, s23, s17, $0xb8;
	[tilespmem:$0x1E580] =	vst v63  }
0x2c4: {  	_ =	swait.ge [sflag:s4], $0x4000  }
0x2c5: {  	[sflag:s4] =	ssyncset.done $0x0  }
0x2c6: {  	[sflag:s4] =	ssyncadd.s32 $0xFFFFC000  }
0x2c7: {  	[spmem:s19] =	stream.indirect.scatter.add.f32 [tilespmem:s8], [sflag:$0x4], $0x1, s23, s17, $0xb8;
	[tilespmem:$0x1E580] =	vst v63  }
0x2c8: {  	s18 =	simm.s32 $0xB80  }
0x2c9: {  	[tilespmem:s3], [sflag:$0x2] =	stream.indirect.gather [hbm4b:s0+s17], $0x80, s18, s17, $0xb8;
	[tilespmem:$0x1E580] =	vst v63  }
0x2ca: {  	_ =	swait.ge [sflag:s7], $0x4000  }
0x2cb: {  	[sflag:s7] =	ssyncset.done $0x0  }
0x2cc: {  	[sflag:s7] =	ssyncadd.s32 $0xFFFFC000  }
0x2cd: {  	[spmem:s16] =	stream.indirect.scatter.add.f32 [tilespmem:s1], [sflag:$0x5], $0x80, s24, s17, $0xb8;
	[tilespmem:$0x1E580] =	vst v63  }
0x2ce: {  	_ =	swait.ge [sflag:s4], $0x4000  }
0x2cf: {  	[sflag:s4] =	ssyncset.done $0x0  }
0x2d0: {  	[sflag:s4] =	ssyncadd.s32 $0xFFFFC000  }
0x2d1: {  	[spmem:s19] =	stream.indirect.scatter.add.f32 [tilespmem:s8], [sflag:$0x4], $0x1, s24, s17, $0xb8;
	[tilespmem:$0x1E580] =	vst v63  }
0x2d2: {  	s6 =	simm.s32 $0xC00  }
0x2d3: {  	[tilespmem:s1], [sflag:$0x1] =	stream.indirect.gather [hbm4b:s0+s17], $0x80, s6, s17, $0xb8;
	[tilespmem:$0x1E580] =	vst v63  }
0x2d4: {  	_ =	swait.ge [sflag:s10], $0x4000  }
0x2d5: {  	[sflag:s10] =	ssyncset.done $0x0  }
0x2d6: {  	[sflag:s10] =	ssyncadd.s32 $0xFFFFC000  }
0x2d7: {  	[spmem:s16] =	stream.indirect.scatter.add.f32 [tilespmem:s3], [sflag:$0x5], $0x80, s25, s17, $0xb8;
	[tilespmem:$0x1E580] =	vst v63  }
0x2d8: {  	_ =	swait.ge [sflag:s4], $0x4000  }
0x2d9: {  	[sflag:s4] =	ssyncset.done $0x0  }
0x2da: {  	[sflag:s4] =	ssyncadd.s32 $0xFFFFC000  }
0x2db: {  	[spmem:s19] =	stream.indirect.scatter.add.f32 [tilespmem:s8], [sflag:$0x4], $0x1, s25, s17, $0xb8;
	[tilespmem:$0x1E580] =	vst v63  }
0x2dc: {  	s18 =	simm.s32 $0xC80  }
0x2dd: {  	[tilespmem:s3], [sflag:$0x2] =	stream.indirect.gather [hbm4b:s0+s17], $0x80, s18, s17, $0xb8;
	[tilespmem:$0x1E580] =	vst v63  }
0x2de: {  	_ =	swait.ge [sflag:s7], $0x4000  }
0x2df: {  	[sflag:s7] =	ssyncset.done $0x0  }
0x2e0: {  	[sflag:s7] =	ssyncadd.s32 $0xFFFFC000  }
0x2e1: {  	[spmem:s16] =	stream.indirect.scatter.add.f32 [tilespmem:s1], [sflag:$0x5], $0x80, s28, s17, $0xb8;
	[tilespmem:$0x1E580] =	vst v63  }
0x2e2: {  	_ =	swait.ge [sflag:s4], $0x4000  }
0x2e3: {  	[sflag:s4] =	ssyncset.done $0x0  }
0x2e4: {  	[sflag:s4] =	ssyncadd.s32 $0xFFFFC000  }
0x2e5: {  	[spmem:s19] =	stream.indirect.scatter.add.f32 [tilespmem:s8], [sflag:$0x4], $0x1, s28, s17, $0xb8;
	[tilespmem:$0x1E580] =	vst v63  }
0x2e6: {  	s6 =	simm.s32 $0xD00  }
0x2e7: {  	[tilespmem:s1], [sflag:$0x1] =	stream.indirect.gather [hbm4b:s0+s17], $0x80, s6, s17, $0xb8;
	[tilespmem:$0x1E580] =	vst v63  }
0x2e8: {  	_ =	swait.ge [sflag:s10], $0x4000  }
0x2e9: {  	[sflag:s10] =	ssyncset.done $0x0  }
0x2ea: {  	[sflag:s10] =	ssyncadd.s32 $0xFFFFC000  }
0x2eb: {  	[spmem:s16] =	stream.indirect.scatter.add.f32 [tilespmem:s3], [sflag:$0x5], $0x80, s29, s17, $0xb8;
	[tilespmem:$0x1E580] =	vst v63  }
0x2ec: {  	_ =	swait.ge [sflag:s4], $0x4000  }
0x2ed: {  	[sflag:s4] =	ssyncset.done $0x0  }
0x2ee: {  	[sflag:s4] =	ssyncadd.s32 $0xFFFFC000  }
0x2ef: {  	[spmem:s19] =	stream.indirect.scatter.add.f32 [tilespmem:s8], [sflag:$0x4], $0x1, s29, s17, $0xb8;
	[tilespmem:$0x1E580] =	vst v63  }
0x2f0: {  	s18 =	simm.s32 $0xD80  }
0x2f1: {  	[tilespmem:s3], [sflag:$0x2] =	stream.indirect.gather [hbm4b:s0+s17], $0x80, s18, s17, $0xb8;
	[tilespmem:$0x1E580] =	vst v63  }
0x2f2: {  	_ =	swait.ge [sflag:s7], $0x4000  }
0x2f3: {  	[sflag:s7] =	ssyncset.done $0x0  }
0x2f4: {  	[sflag:s7] =	ssyncadd.s32 $0xFFFFC000  }
0x2f5: {  	[spmem:s16] =	stream.indirect.scatter.add.f32 [tilespmem:s1], [sflag:$0x5], $0x80, s30, s17, $0xb8;
	[tilespmem:$0x1E580] =	vst v63  }
0x2f6: {  	_ =	swait.ge [sflag:s4], $0x4000  }
0x2f7: {  	[sflag:s4] =	ssyncset.done $0x0  }
0x2f8: {  	[sflag:s4] =	ssyncadd.s32 $0xFFFFC000  }
0x2f9: {  	[spmem:s19] =	stream.indirect.scatter.add.f32 [tilespmem:s8], [sflag:$0x4], $0x1, s30, s17, $0xb8;
	[tilespmem:$0x1E580] =	vst v63  }
0x2fa: {  	s6 =	simm.s32 $0xE00  }
0x2fb: {  	[tilespmem:s1], [sflag:$0x1] =	stream.indirect.gather [hbm4b:s0+s17], $0x80, s6, s17, $0xb8;
	[tilespmem:$0x1E580] =	vst v63  }
0x2fc: {  	_ =	swait.ge [sflag:s10], $0x4000  }
0x2fd: {  	[sflag:s10] =	ssyncset.done $0x0  }
0x2fe: {  	[sflag:s10] =	ssyncadd.s32 $0xFFFFC000  }
0x2ff: {  	[spmem:s16] =	stream.indirect.scatter.add.f32 [tilespmem:s3], [sflag:$0x5], $0x80, s11, s17, $0xb8;
	[tilespmem:$0x1E580] =	vst v63  }
0x300: {  	_ =	swait.ge [sflag:s4], $0x4000  }
0x301: {  	[sflag:s4] =	ssyncset.done $0x0  }
0x302: {  	[sflag:s4] =	ssyncadd.s32 $0xFFFFC000  }
0x303: {  	[spmem:s19] =	stream.indirect.scatter.add.f32 [tilespmem:s8], [sflag:$0x4], $0x1, s11, s17, $0xb8;
	[tilespmem:$0x1E580] =	vst v63  }
0x304: {  	s11 =	simm.s32 $0xE80  }
0x305: {  	[tilespmem:s3], [sflag:$0x2] =	stream.indirect.gather [hbm4b:s0+s17], $0x80, s11, s17, $0xb8;
	[tilespmem:$0x1E580] =	vst v63  }
0x306: {  	_ =	swait.ge [sflag:s7], $0x4000  }
0x307: {  	[sflag:s7] =	ssyncset.done $0x0  }
0x308: {  	[sflag:s7] =	ssyncadd.s32 $0xFFFFC000  }
0x309: {  	[spmem:s16] =	stream.indirect.scatter.add.f32 [tilespmem:s1], [sflag:$0x5], $0x80, s12, s17, $0xb8;
	[tilespmem:$0x1E580] =	vst v63  }
0x30a: {  	_ =	swait.ge [sflag:s4], $0x4000  }
0x30b: {  	[sflag:s4] =	ssyncset.done $0x0  }
0x30c: {  	[sflag:s4] =	ssyncadd.s32 $0xFFFFC000  }
0x30d: {  	[spmem:s19] =	stream.indirect.scatter.add.f32 [tilespmem:s8], [sflag:$0x4], $0x1, s12, s17, $0xb8;
	[tilespmem:$0x1E580] =	vst v63  }
0x30e: {  	s18 =	simm.s32 $0xF00  }
0x30f: {  	[tilespmem:s1], [sflag:$0x1] =	stream.indirect.gather [hbm4b:s0+s17], $0x80, s18, s17, $0xb8;
	[tilespmem:$0x1E580] =	vst v63  }
0x310: {  	_ =	swait.ge [sflag:s10], $0x4000  }
0x311: {  	[sflag:s10] =	ssyncset.done $0x0  }
0x312: {  	[sflag:s10] =	ssyncadd.s32 $0xFFFFC000  }
0x313: {  	[spmem:s16] =	stream.indirect.scatter.add.f32 [tilespmem:s3], [sflag:$0x5], $0x80, s13, s17, $0xb8;
	[tilespmem:$0x1E580] =	vst v63  }
0x314: {  	_ =	swait.ge [sflag:s4], $0x4000  }
0x315: {  	[sflag:s4] =	ssyncset.done $0x0  }
0x316: {  	[sflag:s4] =	ssyncadd.s32 $0xFFFFC000  }
0x317: {  	[spmem:s19] =	stream.indirect.scatter.add.f32 [tilespmem:s8], [sflag:$0x4], $0x1, s13, s17, $0xb8;
	[tilespmem:$0x1E580] =	vst v63  }
0x318: {  	s6 =	simm.s32 $0xF80  }
0x319: {  	[tilespmem:s3], [sflag:$0x2] =	stream.indirect.gather [hbm4b:s0+s17], $0x80, s6, s17, $0xb8;
	[tilespmem:$0x1E580] =	vst v63  }
0x31a: {  	_ =	swait.ge [sflag:s7], $0x4000  }
0x31b: {  	[sflag:s7] =	ssyncset.done $0x0  }
0x31c: {  	[sflag:s7] =	ssyncadd.s32 $0xFFFFC000  }
0x31d: {  	[spmem:s16] =	stream.indirect.scatter.add.f32 [tilespmem:s1], [sflag:$0x5], $0x80, s14, s17, $0xb8;
	[tilespmem:$0x1E580] =	vst v63  }
0x31e: {  	_ =	swait.ge [sflag:s4], $0x4000  }
0x31f: {  	[sflag:s4] =	ssyncset.done $0x0  }
0x320: {  	[sflag:s4] =	ssyncadd.s32 $0xFFFFC000  }
0x321: {  	[spmem:s19] =	stream.indirect.scatter.add.f32 [tilespmem:s8], [sflag:$0x4], $0x1, s14, s17, $0xb8;
	[tilespmem:$0x1E580] =	vst v63  }
0x322: {  	_ =	swait.ge [sflag:s31], $0x800  }
0x323: {  	[sflag:s31] =	ssyncset.done $0x0  }
0x324: {  	[sflag:s31] =	ssyncadd.s32 $0xFFFFF800  }
0x325: {  	_ =	swait.ge [sflag:s31], $0x800  }
0x326: {  	[sflag:s31] =	ssyncset.done $0x0  }
0x327: {  	s9 =	simm.s32 $0x0;
	[sflag:s31] =	ssyncadd.s32 $0xFFFFF800  }
0x328: {  	[tilespmem:s1], [sflag:$0x1] =	stream.indirect.gather [hbm4b:s0+s17], $0x80, s9, s17, $0xb8;
	[tilespmem:$0x1E580] =	vst v63  }
0x329: {  	_ =	swait.ge [sflag:s10], $0x4000  }
0x32a: {  	[sflag:s10] =	ssyncset.done $0x0  }
0x32b: {  	[sflag:s10] =	ssyncadd.s32 $0xFFFFC000  }
0x32c: {  	[spmem:s16] =	stream.indirect.scatter.add.f32 [tilespmem:s3], [sflag:$0x5], $0x80, s15, s17, $0xb8;
	[tilespmem:$0x1E580] =	vst v63  }
0x32d: {  	_ =	swait.ge [sflag:s4], $0x4000  }
0x32e: {  	[sflag:s4] =	ssyncset.done $0x0  }
0x32f: {  	[sflag:s4] =	ssyncadd.s32 $0xFFFFC000  }
0x330: {  	[spmem:s19] =	stream.indirect.scatter.add.f32 [tilespmem:s8], [sflag:$0x4], $0x1, s15, s17, $0xb8;
	[tilespmem:$0x1E580] =	vst v63  }
0x331: {  	_ = 	snop  }
0x332: {  	[tilespmem:s3], [sflag:$0x2] =	stream.indirect.gather [hbm4b:s0+s17], $0x80, s17, s17, $0xb8;
	[tilespmem:$0x1E580] =	vst v63  }
0x333: {  	_ =	swait.ge [sflag:s7], $0x4000  }
0x334: {  	[sflag:s7] =	ssyncset.done $0x0  }
0x335: {  	s11 =	simm.s32 $0x1000;
	[sflag:s7] =	ssyncadd.s32 $0xFFFFC000  }
0x336: {  	[spmem:s16] =	stream.indirect.scatter.add.f32 [tilespmem:s1], [sflag:$0x5], $0x80, s11, s17, $0xb8;
	[tilespmem:$0x1E580] =	vst v63  }
0x337: {  	_ =	swait.ge [sflag:s4], $0x4000  }
0x338: {  	[sflag:s4] =	ssyncset.done $0x0  }
0x339: {  	[sflag:s4] =	ssyncadd.s32 $0xFFFFC000  }
0x33a: {  	[spmem:s19] =	stream.indirect.scatter.add.f32 [tilespmem:s8], [sflag:$0x4], $0x1, s11, s17, $0xb8;
	[tilespmem:$0x1E580] =	vst v63  }
0x33b: {  	s12 =	simm.s32 $0x100  }
0x33c: {  	[tilespmem:s1], [sflag:$0x1] =	stream.indirect.gather [hbm4b:s0+s17], $0x80, s12, s17, $0xb8;
	[tilespmem:$0x1E580] =	vst v63  }
0x33d: {  	_ =	swait.ge [sflag:s10], $0x4000  }
0x33e: {  	[sflag:s10] =	ssyncset.done $0x0  }
0x33f: {  	s13 =	simm.s32 $0x1080;
	[sflag:s10] =	ssyncadd.s32 $0xFFFFC000  }
0x340: {  	[spmem:s16] =	stream.indirect.scatter.add.f32 [tilespmem:s3], [sflag:$0x5], $0x80, s13, s17, $0xb8;
	[tilespmem:$0x1E580] =	vst v63  }
0x341: {  	_ =	swait.ge [sflag:s4], $0x4000  }
0x342: {  	[sflag:s4] =	ssyncset.done $0x0  }
0x343: {  	[sflag:s4] =	ssyncadd.s32 $0xFFFFC000  }
0x344: {  	[spmem:s19] =	stream.indirect.scatter.add.f32 [tilespmem:s8], [sflag:$0x4], $0x1, s13, s17, $0xb8;
	[tilespmem:$0x1E580] =	vst v63  }
0x345: {  	s14 =	simm.s32 $0x180  }
0x346: {  	[tilespmem:s3], [sflag:$0x2] =	stream.indirect.gather [hbm4b:s0+s17], $0x80, s14, s17, $0xb8;
	[tilespmem:$0x1E580] =	vst v63  }
0x347: {  	_ =	swait.ge [sflag:s7], $0x4000  }
0x348: {  	[sflag:s7] =	ssyncset.done $0x0  }
0x349: {  	s15 =	simm.s32 $0x1100;
	[sflag:s7] =	ssyncadd.s32 $0xFFFFC000  }
0x34a: {  	[spmem:s16] =	stream.indirect.scatter.add.f32 [tilespmem:s1], [sflag:$0x5], $0x80, s15, s17, $0xb8;
	[tilespmem:$0x1E580] =	vst v63  }
0x34b: {  	_ =	swait.ge [sflag:s4], $0x4000  }
0x34c: {  	[sflag:s4] =	ssyncset.done $0x0  }
0x34d: {  	[sflag:s4] =	ssyncadd.s32 $0xFFFFC000  }
0x34e: {  	[spmem:s19] =	stream.indirect.scatter.add.f32 [tilespmem:s8], [sflag:$0x4], $0x1, s15, s17, $0xb8;
	[tilespmem:$0x1E580] =	vst v63  }
0x34f: {  	s18 =	simm.s32 $0x200  }
0x350: {  	[tilespmem:s1], [sflag:$0x1] =	stream.indirect.gather [hbm4b:s0+s17], $0x80, s18, s17, $0xb8;
	[tilespmem:$0x1E580] =	vst v63  }
0x351: {  	_ =	swait.ge [sflag:s10], $0x4000  }
0x352: {  	[sflag:s10] =	ssyncset.done $0x0  }
0x353: {  	s11 =	simm.s32 $0x1180;
	[sflag:s10] =	ssyncadd.s32 $0xFFFFC000  }
0x354: {  	[spmem:s16] =	stream.indirect.scatter.add.f32 [tilespmem:s3], [sflag:$0x5], $0x80, s11, s17, $0xb8;
	[tilespmem:$0x1E580] =	vst v63  }
0x355: {  	_ =	swait.ge [sflag:s4], $0x4000  }
0x356: {  	[sflag:s4] =	ssyncset.done $0x0  }
0x357: {  	[sflag:s4] =	ssyncadd.s32 $0xFFFFC000  }
0x358: {  	[spmem:s19] =	stream.indirect.scatter.add.f32 [tilespmem:s8], [sflag:$0x4], $0x1, s11, s17, $0xb8;
	[tilespmem:$0x1E580] =	vst v63  }
0x359: {  	s12 =	simm.s32 $0x280  }
0x35a: {  	[tilespmem:s3], [sflag:$0x2] =	stream.indirect.gather [hbm4b:s0+s17], $0x80, s12, s17, $0xb8;
	[tilespmem:$0x1E580] =	vst v63  }
0x35b: {  	_ =	swait.ge [sflag:s7], $0x4000  }
0x35c: {  	[sflag:s7] =	ssyncset.done $0x0  }
0x35d: {  	s13 =	simm.s32 $0x1200;
	[sflag:s7] =	ssyncadd.s32 $0xFFFFC000  }
0x35e: {  	[spmem:s16] =	stream.indirect.scatter.add.f32 [tilespmem:s1], [sflag:$0x5], $0x80, s13, s17, $0xb8;
	[tilespmem:$0x1E580] =	vst v63  }
0x35f: {  	_ =	swait.ge [sflag:s4], $0x4000  }
0x360: {  	[sflag:s4] =	ssyncset.done $0x0  }
0x361: {  	[sflag:s4] =	ssyncadd.s32 $0xFFFFC000  }
0x362: {  	[spmem:s19] =	stream.indirect.scatter.add.f32 [tilespmem:s8], [sflag:$0x4], $0x1, s13, s17, $0xb8;
	[tilespmem:$0x1E580] =	vst v63  }
0x363: {  	s14 =	simm.s32 $0x300  }
0x364: {  	[tilespmem:s1], [sflag:$0x1] =	stream.indirect.gather [hbm4b:s0+s17], $0x80, s14, s17, $0xb8;
	[tilespmem:$0x1E580] =	vst v63  }
0x365: {  	_ =	swait.ge [sflag:s10], $0x4000  }
0x366: {  	[sflag:s10] =	ssyncset.done $0x0  }
0x367: {  	s15 =	simm.s32 $0x1280;
	[sflag:s10] =	ssyncadd.s32 $0xFFFFC000  }
0x368: {  	[spmem:s16] =	stream.indirect.scatter.add.f32 [tilespmem:s3], [sflag:$0x5], $0x80, s15, s17, $0xb8;
	[tilespmem:$0x1E580] =	vst v63  }
0x369: {  	_ =	swait.ge [sflag:s4], $0x4000  }
0x36a: {  	[sflag:s4] =	ssyncset.done $0x0  }
0x36b: {  	[sflag:s4] =	ssyncadd.s32 $0xFFFFC000  }
0x36c: {  	[spmem:s19] =	stream.indirect.scatter.add.f32 [tilespmem:s8], [sflag:$0x4], $0x1, s15, s17, $0xb8;
	[tilespmem:$0x1E580] =	vst v63  }
0x36d: {  	s18 =	simm.s32 $0x380  }
0x36e: {  	[tilespmem:s3], [sflag:$0x2] =	stream.indirect.gather [hbm4b:s0+s17], $0x80, s18, s17, $0xb8;
	[tilespmem:$0x1E580] =	vst v63  }
0x36f: {  	_ =	swait.ge [sflag:s7], $0x4000  }
0x370: {  	[sflag:s7] =	ssyncset.done $0x0  }
0x371: {  	s11 =	simm.s32 $0x1300;
	[sflag:s7] =	ssyncadd.s32 $0xFFFFC000  }
0x372: {  	[spmem:s16] =	stream.indirect.scatter.add.f32 [tilespmem:s1], [sflag:$0x5], $0x80, s11, s17, $0xb8;
	[tilespmem:$0x1E580] =	vst v63  }
0x373: {  	_ =	swait.ge [sflag:s4], $0x4000  }
0x374: {  	[sflag:s4] =	ssyncset.done $0x0  }
0x375: {  	[sflag:s4] =	ssyncadd.s32 $0xFFFFC000  }
0x376: {  	[spmem:s19] =	stream.indirect.scatter.add.f32 [tilespmem:s8], [sflag:$0x4], $0x1, s11, s17, $0xb8;
	[tilespmem:$0x1E580] =	vst v63  }
0x377: {  	s12 =	simm.s32 $0x400  }
0x378: {  	[tilespmem:s1], [sflag:$0x1] =	stream.indirect.gather [hbm4b:s0+s17], $0x80, s12, s17, $0xb8;
	[tilespmem:$0x1E580] =	vst v63  }
0x379: {  	_ =	swait.ge [sflag:s10], $0x4000  }
0x37a: {  	[sflag:s10] =	ssyncset.done $0x0  }
0x37b: {  	s13 =	simm.s32 $0x1380;
	[sflag:s10] =	ssyncadd.s32 $0xFFFFC000  }
0x37c: {  	[spmem:s16] =	stream.indirect.scatter.add.f32 [tilespmem:s3], [sflag:$0x5], $0x80, s13, s17, $0xb8;
	[tilespmem:$0x1E580] =	vst v63  }
0x37d: {  	_ =	swait.ge [sflag:s4], $0x4000  }
0x37e: {  	[sflag:s4] =	ssyncset.done $0x0  }
0x37f: {  	[sflag:s4] =	ssyncadd.s32 $0xFFFFC000  }
0x380: {  	[spmem:s19] =	stream.indirect.scatter.add.f32 [tilespmem:s8], [sflag:$0x4], $0x1, s13, s17, $0xb8;
	[tilespmem:$0x1E580] =	vst v63  }
0x381: {  	s14 =	simm.s32 $0x480  }
0x382: {  	[tilespmem:s3], [sflag:$0x2] =	stream.indirect.gather [hbm4b:s0+s17], $0x80, s14, s17, $0xb8;
	[tilespmem:$0x1E580] =	vst v63  }
0x383: {  	_ =	swait.ge [sflag:s7], $0x4000  }
0x384: {  	[sflag:s7] =	ssyncset.done $0x0  }
0x385: {  	s15 =	simm.s32 $0x1400;
	[sflag:s7] =	ssyncadd.s32 $0xFFFFC000  }
0x386: {  	[spmem:s16] =	stream.indirect.scatter.add.f32 [tilespmem:s1], [sflag:$0x5], $0x80, s15, s17, $0xb8;
	[tilespmem:$0x1E580] =	vst v63  }
0x387: {  	_ =	swait.ge [sflag:s4], $0x4000  }
0x388: {  	[sflag:s4] =	ssyncset.done $0x0  }
0x389: {  	[sflag:s4] =	ssyncadd.s32 $0xFFFFC000  }
0x38a: {  	[spmem:s19] =	stream.indirect.scatter.add.f32 [tilespmem:s8], [sflag:$0x4], $0x1, s15, s17, $0xb8;
	[tilespmem:$0x1E580] =	vst v63  }
0x38b: {  	s18 =	simm.s32 $0x500  }
0x38c: {  	[tilespmem:s1], [sflag:$0x1] =	stream.indirect.gather [hbm4b:s0+s17], $0x80, s18, s17, $0xb8;
	[tilespmem:$0x1E580] =	vst v63  }
0x38d: {  	_ =	swait.ge [sflag:s10], $0x4000  }
0x38e: {  	[sflag:s10] =	ssyncset.done $0x0  }
0x38f: {  	s11 =	simm.s32 $0x1480;
	[sflag:s10] =	ssyncadd.s32 $0xFFFFC000  }
0x390: {  	[spmem:s16] =	stream.indirect.scatter.add.f32 [tilespmem:s3], [sflag:$0x5], $0x80, s11, s17, $0xb8;
	[tilespmem:$0x1E580] =	vst v63  }
0x391: {  	_ =	swait.ge [sflag:s4], $0x4000  }
0x392: {  	[sflag:s4] =	ssyncset.done $0x0  }
0x393: {  	[sflag:s4] =	ssyncadd.s32 $0xFFFFC000  }
0x394: {  	[spmem:s19] =	stream.indirect.scatter.add.f32 [tilespmem:s8], [sflag:$0x4], $0x1, s11, s17, $0xb8;
	[tilespmem:$0x1E580] =	vst v63  }
0x395: {  	s12 =	simm.s32 $0x580  }
0x396: {  	[tilespmem:s3], [sflag:$0x2] =	stream.indirect.gather [hbm4b:s0+s17], $0x80, s12, s17, $0xb8;
	[tilespmem:$0x1E580] =	vst v63  }
0x397: {  	_ =	swait.ge [sflag:s7], $0x4000  }
0x398: {  	[sflag:s7] =	ssyncset.done $0x0  }
0x399: {  	s13 =	simm.s32 $0x1500;
	[sflag:s7] =	ssyncadd.s32 $0xFFFFC000  }
0x39a: {  	[spmem:s16] =	stream.indirect.scatter.add.f32 [tilespmem:s1], [sflag:$0x5], $0x80, s13, s17, $0xb8;
	[tilespmem:$0x1E580] =	vst v63  }
0x39b: {  	_ =	swait.ge [sflag:s4], $0x4000  }
0x39c: {  	[sflag:s4] =	ssyncset.done $0x0  }
0x39d: {  	[sflag:s4] =	ssyncadd.s32 $0xFFFFC000  }
0x39e: {  	[spmem:s19] =	stream.indirect.scatter.add.f32 [tilespmem:s8], [sflag:$0x4], $0x1, s13, s17, $0xb8;
	[tilespmem:$0x1E580] =	vst v63  }
0x39f: {  	s14 =	simm.s32 $0x600  }
0x3a0: {  	[tilespmem:s1], [sflag:$0x1] =	stream.indirect.gather [hbm4b:s0+s17], $0x80, s14, s17, $0xb8;
	[tilespmem:$0x1E580] =	vst v63  }
0x3a1: {  	_ =	swait.ge [sflag:s10], $0x4000  }
0x3a2: {  	[sflag:s10] =	ssyncset.done $0x0  }
0x3a3: {  	s15 =	simm.s32 $0x1580;
	[sflag:s10] =	ssyncadd.s32 $0xFFFFC000  }
0x3a4: {  	[spmem:s16] =	stream.indirect.scatter.add.f32 [tilespmem:s3], [sflag:$0x5], $0x80, s15, s17, $0xb8;
	[tilespmem:$0x1E580] =	vst v63  }
0x3a5: {  	_ =	swait.ge [sflag:s4], $0x4000  }
0x3a6: {  	[sflag:s4] =	ssyncset.done $0x0  }
0x3a7: {  	[sflag:s4] =	ssyncadd.s32 $0xFFFFC000  }
0x3a8: {  	[spmem:s19] =	stream.indirect.scatter.add.f32 [tilespmem:s8], [sflag:$0x4], $0x1, s15, s17, $0xb8;
	[tilespmem:$0x1E580] =	vst v63  }
0x3a9: {  	s18 =	simm.s32 $0x680  }
0x3aa: {  	[tilespmem:s3], [sflag:$0x2] =	stream.indirect.gather [hbm4b:s0+s17], $0x80, s18, s17, $0xb8;
	[tilespmem:$0x1E580] =	vst v63  }
0x3ab: {  	_ =	swait.ge [sflag:s7], $0x4000  }
0x3ac: {  	[sflag:s7] =	ssyncset.done $0x0  }
0x3ad: {  	s11 =	simm.s32 $0x1600;
	[sflag:s7] =	ssyncadd.s32 $0xFFFFC000  }
0x3ae: {  	[spmem:s16] =	stream.indirect.scatter.add.f32 [tilespmem:s1], [sflag:$0x5], $0x80, s11, s17, $0xb8;
	[tilespmem:$0x1E580] =	vst v63  }
0x3af: {  	_ =	swait.ge [sflag:s4], $0x4000  }
0x3b0: {  	[sflag:s4] =	ssyncset.done $0x0  }
0x3b1: {  	[sflag:s4] =	ssyncadd.s32 $0xFFFFC000  }
0x3b2: {  	[spmem:s19] =	stream.indirect.scatter.add.f32 [tilespmem:s8], [sflag:$0x4], $0x1, s11, s17, $0xb8;
	[tilespmem:$0x1E580] =	vst v63  }
0x3b3: {  	s12 =	simm.s32 $0x700  }
0x3b4: {  	[tilespmem:s1], [sflag:$0x1] =	stream.indirect.gather [hbm4b:s0+s17], $0x80, s12, s17, $0xb8;
	[tilespmem:$0x1E580] =	vst v63  }
0x3b5: {  	_ =	swait.ge [sflag:s10], $0x4000  }
0x3b6: {  	[sflag:s10] =	ssyncset.done $0x0  }
0x3b7: {  	s13 =	simm.s32 $0x1680;
	[sflag:s10] =	ssyncadd.s32 $0xFFFFC000  }
0x3b8: {  	[spmem:s16] =	stream.indirect.scatter.add.f32 [tilespmem:s3], [sflag:$0x5], $0x80, s13, s17, $0xb8;
	[tilespmem:$0x1E580] =	vst v63  }
0x3b9: {  	_ =	swait.ge [sflag:s4], $0x4000  }
0x3ba: {  	[sflag:s4] =	ssyncset.done $0x0  }
0x3bb: {  	[sflag:s4] =	ssyncadd.s32 $0xFFFFC000  }
0x3bc: {  	[spmem:s19] =	stream.indirect.scatter.add.f32 [tilespmem:s8], [sflag:$0x4], $0x1, s13, s17, $0xb8;
	[tilespmem:$0x1E580] =	vst v63  }
0x3bd: {  	s14 =	simm.s32 $0x780  }
0x3be: {  	[tilespmem:s3], [sflag:$0x2] =	stream.indirect.gather [hbm4b:s0+s17], $0x80, s14, s17, $0xb8;
	[tilespmem:$0x1E580] =	vst v63  }
0x3bf: {  	_ =	swait.ge [sflag:s7], $0x4000  }
0x3c0: {  	[sflag:s7] =	ssyncset.done $0x0  }
0x3c1: {  	s15 =	simm.s32 $0x1700;
	[sflag:s7] =	ssyncadd.s32 $0xFFFFC000  }
0x3c2: {  	[spmem:s16] =	stream.indirect.scatter.add.f32 [tilespmem:s1], [sflag:$0x5], $0x80, s15, s17, $0xb8;
	[tilespmem:$0x1E580] =	vst v63  }
0x3c3: {  	_ =	swait.ge [sflag:s4], $0x4000  }
0x3c4: {  	[sflag:s4] =	ssyncset.done $0x0  }
0x3c5: {  	[sflag:s4] =	ssyncadd.s32 $0xFFFFC000  }
0x3c6: {  	[spmem:s19] =	stream.indirect.scatter.add.f32 [tilespmem:s8], [sflag:$0x4], $0x1, s15, s17, $0xb8;
	[tilespmem:$0x1E580] =	vst v63  }
0x3c7: {  	_ =	swait.ge [sflag:s10], $0x4000  }
0x3c8: {  	[sflag:s10] =	ssyncset.done $0x0  }
0x3c9: {  	s18 =	simm.s32 $0x1780;
	[sflag:s10] =	ssyncadd.s32 $0xFFFFC000  }
0x3ca: {  	[spmem:s16] =	stream.indirect.scatter.add.f32 [tilespmem:s3], [sflag:$0x5], $0x80, s18, s17, $0xb8;
	[tilespmem:$0x1E580] =	vst v63  }
0x3cb: {  	_ =	swait.ge [sflag:s4], $0x4000  }
0x3cc: {  	[sflag:s4] =	ssyncset.done $0x0  }
0x3cd: {  	[sflag:s4] =	ssyncadd.s32 $0xFFFFC000  }
0x3ce: {  	[spmem:s19] =	stream.indirect.scatter.add.f32 [tilespmem:s8], [sflag:$0x4], $0x1, s18, s17, $0xb8;
	[tilespmem:$0x1E580] =	vst v63  }
0x3cf: {  	_ =	swait.ge [sflag:s5], $0x80  }
0x3d0: {  	s2 =	simm.s32 $0x1000;
	s6 =	simm.s32 $0x4F;
	[sflag:s5] =	ssyncset.done $0x0  }
.LBB2_4:
0x3d1: {  	p0 =	sne.s32 s6, $0x1;
	s6 =	sadd.s32 $0xFFFFFFFF, s6;
	[sflag:s5] =	ssyncadd.s32 $0xFFFFFF80  }
.Ltmp1:
0x3d2: {  	(pc) =	sbr.rel @p0 .LBB2_4-.Ltmp1, $3  }
0x3d3: {  	_ =	sdelay $0x1  }
0x3d4: {  	_ =	swait.ge [sflag:s5], $0x80  }
0x3d5: {  	[sflag:s5] =	ssyncset.done $0x0  }
0x3d6: {  	[sflag:s5] =	ssyncadd.s32 $0xFFFFFF80  }
0x3d7: {  	s6 =	stileid.u32;
	[bflag:$0x0] =	sbarrier.arrive $0xFFFF  }
0x3d8: {  	s6 =	sshll.u32 s6, $0x6;
	s11 =	rddreg [dreg:$0x14]  }
0x3d9: {  	s6 =	sor.u32 $0x1C05, s6;
	s13 =	rddreg [dreg:$0xf];
	s11 =	sshrl.u32 s11, $0x3  }
0x3da: {  	[hbm:s13], [sflag:s6] =	dma.local [spmem:s11], $0x800  }
0x3db: {  	_ =	swait.ge [sflag:s4], $0x800  }
0x3dc: {  	[sflag:s4] =	ssyncset.done $0x0;
	s18 =	rddreg [dreg:$0x15]  }
0x3dd: {  	s12 =	rddreg [dreg:$0x10];
	[sflag:s4] =	ssyncadd.s32 $0xFFFFF800;
	s11 =	sshrl.u32 s18, $0x3  }
0x3de: {  	[hbm:s12], [sflag:s6] =	dma.local [spmem:s11], $0x800  }
0x3df: {  	_ =	swait.ge [sflag:s4], $0x800  }
0x3e0: {  	[sflag:s4] =	ssyncset.done $0x0;
	s14 =	rddreg [dreg:$0x16]  }
0x3e1: {  	s15 =	rddreg [dreg:$0x11];
	[sflag:s4] =	ssyncadd.s32 $0xFFFFF800;
	s11 =	sshrl.u32 s14, $0x3  }
0x3e2: {  	[hbm:s15], [sflag:s6] =	dma.local [spmem:s11], $0x800  }
0x3e3: {  	_ =	swait.ge [sflag:s4], $0x800  }
0x3e4: {  	[sflag:s4] =	ssyncset.done $0x0;
	s18 =	rddreg [dreg:$0x17]  }
0x3e5: {  	s12 =	rddreg [dreg:$0x12];
	[sflag:s4] =	ssyncadd.s32 $0xFFFFF800;
	s11 =	sshrl.u32 s18, $0x3  }
0x3e6: {  	[hbm:s12], [sflag:s6] =	dma.local [spmem:s11], $0x800  }
0x3e7: {  	_ =	swait.ge [sflag:s4], $0x800  }
0x3e8: {  	[sflag:s4] =	ssyncset.done $0x0;
	s14 =	rddreg [dreg:$0x18]  }
0x3e9: {  	s15 =	rddreg [dreg:$0x13];
	[sflag:s4] =	ssyncadd.s32 $0xFFFFF800;
	s11 =	sshrl.u32 s14, $0x3  }
0x3ea: {  	[hbm:s15], [sflag:s6] =	dma.local [spmem:s11], $0x800  }
0x3eb: {  	s12 =	simm.s32 $0x20;
	_ =	swait.ge [sflag:s4], $0x800  }
0x3ec: {  	s14 =	simm.s32 $0x10;
	[sflag:s4] =	ssyncset.done $0x0;
	s13 =	rddreg [dreg:$0x19]  }
0x3ed: {  	s15 =	rddreg [dreg:$0x1a];
	[sflag:s4] =	ssyncadd.s32 $0xFFFFF800;
	s18 =	sshrl.u32 s13, $0x3  }
0x3ee: {  	[hbm:s15@s12], [sflag:s6] =	dma.strided [spmem:s18@s14], $0x50, s7, $0x10   }
0x3ef: {  	_ =	swait.ge [sflag:s4], $0x50  }
0x3f0: {  	s26 =	sadd.s32 $0x1, s26;
	s18 =	rddreg [dreg:$0x1b]  }
0x3f1: {  	p0 =	sne.s32 s26, s18  }
.Ltmp2:
0x3f2: {  	_ = 	snop;
	(pc) =	sbr.rel @p0 .LBB2_1-.Ltmp2, $3  }
0x3f3: {  	_ =	sdelay $0x1  }
0x3f4: {  	[sflag:s4] =	ssyncset.done $0x0  }
0x3f5: {  	[sflag:s4] =	ssyncadd.s32 $0xFFFFFFB0  }
0x3f6: {  	_ =	sfence.sel $0x180000  }
0x3f7: {  	[bflag:$0x0] =	sbarrier.arrive $0xFFFF  }
0x3f8: {  	_ =	strace $0x9000004A  }
0x3f9: {  	s0 =	stileid.u32;
	[bflag:$0x2] =	sbarrier.arrive $0xFFFF  }
0x3fa: {  	p0 =	sne.s32 s0, $0x0;
	s0 =	rddreg [dreg:$0x4]  }
0x3fb: {  	s0 =	sadd.s32 @!p0 $0x100000, s0  }
0x3fc: {  	[sflag:s0] =	ssyncadd.tile.s32 @!p0 $0x1;
	_ =	shalt  }
.Lfunc_end2:
_tile_overlayer_lowered:
.L_overlay_start_2:
0x3fd: {  	(tag) =	ssettag $0x2  }
0x3fe: {  	s0 =	rddreg [dreg:$0x0];
	s2 =	stileid.u32  }
0x3ff: {  	s1 =	rddreg [dreg:$0x1];
	p0 =	sne.s32 s2, $0x0  }
0x400: {  	s3 =	rddreg [dreg:$0x2];
	[bflag:$0x3] =	sbarrier.arrive $0xFFFF;
	s2 =	simm.s32 @!p0 $0x1C05  }
0x401: {  	[timem:s3], [sflag:s2] =	dma.local @!p0 [hbm:s0], s1  }
0x402: {  	s0 =	simm.s32 @!p0 $0x5  }
0x403: {  	_ =	swait.ge @!p0 [sflag:s0], s1  }
0x404: {  	s1 =	ssub.s32 @!p0 $0x0, s1;
	[sflag:s0] =	ssyncset.done @!p0 $0x0  }
0x405: {  	[sflag:s0] =	ssyncadd.s32 @!p0 s1  }
0x406: {  	[bflag:$0x3] =	sbarrier.arrive $0xFFFF  }
0x407: {  	_ =	shalt  }

// kernel: kernel.7.cloned.1.call-start
scs
__scs_entry_jumppad:
0x0: {  	(pc) =	sbr.rel $0x88, $3  }
0x1: {  	(tag) =	ssettag $0x0;
	lr =	simm.s32 $0x1  }
0x2: {  	[smem:$0x3F99] =	sst lr;
	_ =	strace $0xD0000000  }
0x3: {  	_ = 	snop  }
0x4: {  	_ = 	snop  }
0x5: {  	_ = 	snop  }
0x6: {  	_ = 	snop  }
0x7: {  	_ = 	snop  }
__scs_overlays_trampoline_lowered:
0x8: {  	[smem:$0x3FA8] =	sst s0  }
0x9: {  	[smem:$0x3FA9] =	sst s1  }
0xa: {  	[smem:$0x3FAA] =	sst s2  }
0xb: {  	[smem:$0x3FAB] =	sst s3  }
0xc: {  	[smem:$0x3FAC] =	sst s4  }
0xd: {  	[smem:$0x3FAD] =	sst s5  }
0xe: {  	[smem:$0x3FAE] =	sst s6  }
0xf: {  	[smem:$0x3FAF] =	sst s7  }
0x10: {  	[smem:$0x3FB0] =	sst s8  }
0x11: {  	[smem:$0x3FB1] =	sst s9;
	s0 =	simm.s32 @!p0 $0x0  }
0x12: {  	s1 =	sld [smem:$0x3F97];
	s0 =	simm.s32 @p0 $0x1  }
0x13: {  	[smem:$0x3FB2] =	sst s0;
	s0 =	simm.s32 @!p1 $0x0  }
0x14: {  	s2 =	sld [smem:$0x3F96];
	s0 =	simm.s32 @p1 $0x1  }
0x15: {  	[smem:$0x3FB3] =	sst s0;
	s0 =	simm.s32 @!p2 $0x0  }
0x16: {  	s3 =	sld [smem:$0x3FDB];
	s0 =	simm.s32 @p2 $0x1  }
0x17: {  	s4 =	simm.s32 $0x1BF5;
	[smem:$0x3FB5] =	sst s0  }
0x18: {  	s0 =	sld [smem:$0x3F98];
	_ =	swait.ge [sflag:s4], $0x0  }
0x19: {  	s7 =	sld [smem:$0x3F99]  }
0x1a: {  	s8 =	sadd.s32 $0xFFFFE003, lr  }
0x1b: {  	s9 =	sadd.s32 $0xFFFFFEF7, lr;
	s5 =	simm.s32 $0xFFFFFFFF;
	p2 =	slt.u32 s8, $0xFFFFF086  }
0x1c: {  	p1 =	slt.u32 s9, $0xF7A;
	s5 =	simm.s32 @!p2 $0x0  }
0x1d: {  	s5 =	simm.s32 @p1 $0x1;
	p0 =	seq.s32 s7, s2  }
0x1e: {  	s7 =	smul.u32 @!p0 $0xF7A, s2;
	p2 =	seq.s32 @!p0 s5, $0x0  }
0x1f: {  	s9 =	smul.u32 $0xF7A, s1;
	s8 =	simm.s32 @!p0 $0x1BF5;
	p2 =	por !p2, p0  }
0x20: {  	[sflag:s8] =	ssyncset.s32 @!p0 $0xFFFFF086;
	s6 =	sadd.s32 @!p0 s3, s7;
	s7 =	simm.s32 @!p0 $0x108  }
0x21: {  	s3 =	sadd.s32 s3, s9;
	s6 =	sadd.s32 @!p0 $0x88, s6;
	s7 =	simm.s32 @p2 $0x1082  }
0x22: {  	[simem:s7], [sflag:s8] =	dma.local @!p0 [hbm:s6], $0xF7A  }
0x23: {  	s9 =	sor.u32 $0xD0000000, s2;
	s6 =	simm.s32 $0x108;
	_ =	swait.ge @!p0 [sflag:s8], $0x0  }
0x24: {  	s3 =	sadd.s32 $0x88, s3;
	s6 =	simm.s32 @!p1 $0x1082;
	[sflag:s4] =	ssyncset.s32 $0xFFFFF086  }
0x25: {  	[simem:s6], [sflag:s4] =	dma.local [hbm:s3], $0xF7A  }
0x26: {  	[smem:$0x3F99] =	sst s1;
	(tag) =	ssettag s2;
	_ =	strace s9  }
0x27: {  	s1 =	sld [smem:$0x3FA9]  }
0x28: {  	s2 =	sld [smem:$0x3FAA]  }
0x29: {  	s4 =	sld [smem:$0x3FAC]  }
0x2a: {  	p0 =	seq.s32 s5, $0x0;
	s5 =	sld [smem:$0x3FAD]  }
0x2b: {  	s6 =	sld [smem:$0x3FAE]  }
0x2c: {  	s7 =	sld [smem:$0x3FAF]  }
0x2d: {  	s3 =	simm.s32 $0x108;
	s8 =	sld [smem:$0x3FB0]  }
0x2e: {  	s3 =	simm.s32 @!p0 $0x1082;
	s9 =	sld [smem:$0x3FB1]  }
0x2f: {  	lr =	sadd.s32 s0, s3;
	s0 =	sld [smem:$0x3FA8]  }
0x30: {  	s3 =	sld [smem:$0x3FAB]  }
0x31: {  	[smem:$0x3FB4] =	sst s10  }
0x32: {  	s10 =	sld [smem:$0x3FB2];
	_ =	sdelay $0x3  }
0x33: {  	p0 =	seq.s32 s10, $0x1;
	s10 =	sld [smem:$0x3FB4];
	_ =	sdelay $0x3  }
0x34: {  	[smem:$0x3FB4] =	sst s10  }
0x35: {  	s10 =	sld [smem:$0x3FB3];
	_ =	sdelay $0x3  }
0x36: {  	p1 =	seq.s32 s10, $0x1;
	s10 =	sld [smem:$0x3FB4];
	_ =	sdelay $0x3  }
0x37: {  	[smem:$0x3FB4] =	sst s10  }
0x38: {  	s10 =	sld [smem:$0x3FB5]  }
0x39: {  	_ = 	snop;
	(pc) =	sbr.ind lr, $3  }
0x3a: {  	_ = 	snop  }
0x3b: {  	_ = 	snop  }
0x3c: {  	p2 =	seq.s32 s10, $0x1;
	s10 =	sld [smem:$0x3FB4]  }
0x3d: {  	_ =	shalt  }
0x3e: {  	_ =	shalt  }
0x3f: {  	_ =	shalt  }
0x40: {  	_ =	shalt  }
0x41: {  	_ =	shalt  }
0x42: {  	_ =	shalt  }
0x43: {  	_ =	shalt  }
0x44: {  	_ =	shalt  }
0x45: {  	_ =	shalt  }
0x46: {  	_ =	shalt  }
0x47: {  	_ =	shalt  }
0x48: {  	_ =	shalt  }
0x49: {  	_ =	shalt  }
0x4a: {  	_ =	shalt  }
0x4b: {  	_ =	shalt  }
0x4c: {  	_ =	shalt  }
0x4d: {  	_ =	shalt  }
0x4e: {  	_ =	shalt  }
0x4f: {  	_ =	shalt  }
0x50: {  	_ =	shalt  }
0x51: {  	_ =	shalt  }
0x52: {  	_ =	shalt  }
0x53: {  	_ =	shalt  }
0x54: {  	_ =	shalt  }
0x55: {  	_ =	shalt  }
0x56: {  	_ =	shalt  }
0x57: {  	_ =	shalt  }
0x58: {  	_ =	shalt  }
0x59: {  	_ =	shalt  }
0x5a: {  	_ =	shalt  }
0x5b: {  	_ =	shalt  }
0x5c: {  	_ =	shalt  }
0x5d: {  	_ =	shalt  }
0x5e: {  	_ =	shalt  }
0x5f: {  	_ =	shalt  }
0x60: {  	_ =	shalt  }
0x61: {  	_ =	shalt  }
0x62: {  	_ =	shalt  }
0x63: {  	_ =	shalt  }
0x64: {  	_ =	shalt  }
0x65: {  	_ =	shalt  }
0x66: {  	_ =	shalt  }
0x67: {  	_ =	shalt  }
0x68: {  	_ =	shalt  }
0x69: {  	_ =	shalt  }
0x6a: {  	_ =	shalt  }
0x6b: {  	_ =	shalt  }
0x6c: {  	_ =	shalt  }
0x6d: {  	_ =	shalt  }
0x6e: {  	_ =	shalt  }
0x6f: {  	_ =	shalt  }
0x70: {  	_ =	shalt  }
0x71: {  	_ =	shalt  }
0x72: {  	_ =	shalt  }
0x73: {  	_ =	shalt  }
0x74: {  	_ =	shalt  }
0x75: {  	_ =	shalt  }
0x76: {  	_ =	shalt  }
0x77: {  	_ =	shalt  }
0x78: {  	_ =	shalt  }
0x79: {  	_ =	shalt  }
0x7a: {  	_ =	shalt  }
0x7b: {  	_ =	shalt  }
0x7c: {  	_ =	shalt  }
0x7d: {  	_ =	shalt  }
0x7e: {  	_ =	shalt  }
0x7f: {  	_ =	shalt  }
0x80: {  	_ =	shalt  }
0x81: {  	_ =	shalt  }
0x82: {  	_ =	shalt  }
0x83: {  	_ =	shalt  }
0x84: {  	_ =	shalt  }
0x85: {  	_ =	shalt  }
0x86: {  	_ =	shalt  }
0x87: {  	_ =	shalt  }
.Lfunc_end0:
.L_simem_size_0:
called_computation_lowered:
.L_overlay_start_0:
0x88: {  	s2 =	sld [smem:$0x3FD9]  }
0x89: {  	s3 =	sld [smem:$0x3FFE];
	_ =	sdelay $0x1  }
0x8a: {  	s1 =	srdreg.scid  }
0x8b: {  	s0 =	sand.u32 $0x1, s1  }
0x8c: {  	s17 =	sshll.u32 s0, $0xA;
	s2 =	sadd.s32 s3, s2  }
0x8d: {  	s2 =	sadd.s32 s2, s17  }
0x8e: {  	[smem:$0x3FC0] =	sst s2  }
0x8f: {  	_ = 	snop  }
0x90: {  	s2 =	sld [smem:$0x3FD0];
	(tm) =	ssettm $0x1  }
0x91: {  	s18 =	sld [smem:$0x3FFB];
	_ =	sdelay $0x3  }
0x92: {  	_ =	strace s18  }
0x93: {  	s3 =	sld [smem:$0x3FFC];
	_ =	sdelay $0x3  }
0x94: {  	_ =	strace s3  }
0x95: {  	s3 =	sld [smem:$0x3FFD];
	_ =	sdelay $0x3  }
0x96: {  	_ =	strace s3  }
0x97: {  	_ =	strace $0x8FFFFFFF  }
0x98: {  	s19 =	sld [smem:$0x3FDB];
	_ =	sdelay $0x1  }
0x99: {  	s4 =	simm.s32 $_scs_section_size  }
0x9a: {  	s5 =	simm.s32 $_size__tile_overlayer_lowered;
	s6 =	simm.s32 $_tile_overlayer_lowered  }
0x9b: {  	s22 =	simm.s32 $0x1BFF;
	s21 =	sshll.u32 s6, $0x1;
	s3 =	sadd.s32 s4, s19  }
0x9c: {  	s7 =	simm.s32 $0x0;
	s20 =	sshll.u32 s5, $0x1;
	s5 =	sadd.s32 s21, s3  }
0x9d: {  	[timem:s7], [sflag:s22] =	dma.local [hbm:s5], s20  }
0x9e: {  	_ =	swait.ge [sflag:s22], s20  }
0x9f: {  	s4 =	ssub.s32 $0x0, s20;
	[sflag:s22] =	ssyncset.done $0x0  }
0xa0: {  	[sflag:s22] =	ssyncadd.s32 s4;
	_ =	sdelay $0x1  }
0xa1: {  	s23 =	simm.s32 $0x1B8B  }
0xa2: {  	_ =	swait.ge [sflag:s23], $0x1  }
0xa3: {  	[sflag:s23] =	ssyncset.done $0x0  }
0xa4: {  	s25 =	simm.s32 $0x1B8E;
	s24 =	sld [smem:$0x3FFE];
	[sflag:s23] =	ssyncadd.s32 $0xFFFFFFFF  }
0xa5: {  	s26 =	simm.s32 $execute0_lowered;
	[smem:$0x3FD2] =	sst s25  }
0xa6: {  	s5 =	sshll.u32 s26, $0x1;
	_ =	strace $0x80000046;
	[dreg:$0x1] =	wrdreg $0xFFFFFFFF  }
0xa7: {  	s28 =	simm.s32 $_size_execute0_lowered;
	s3 =	sadd.s32 s3, s5;
	[dreg:$0x0] =	wrdreg $0x0  }
0xa8: {  	s5 =	sshll.u32 s28, $0x1;
	[dreg:$0x2] =	wrdreg s3  }
0xa9: {  	[dreg:$0x3] =	wrdreg s5  }
0xaa: {  	[dreg:$0x4] =	wrdreg $0xC0  }
0xab: {  	_ =	task [dreg:s7], $0x5FFFF  }
0xac: {  	[dreg:$0x1] =	wrdreg $0xFFFFFFFF  }
0xad: {  	[dreg:$0x0] =	wrdreg $0x60  }
0xae: {  	[dreg:$0x2] =	wrdreg s2  }
0xaf: {  	[dreg:$0x3] =	wrdreg s24  }
0xb0: {  	[dreg:$0x4] =	wrdreg $0xA0000  }
0xb1: {  	[dreg:$0x5] =	wrdreg $0x1E3000  }
0xb2: {  	[dreg:$0x6] =	wrdreg $0x9  }
0xb3: {  	_ =	task.clear_ibuf [dreg:s7], $0x7FFFF;
	_ =	strace $0x90000046  }
0xb4: {  	s29 =	simm.s32 $0x9;
	_ =	strace $0x80000048  }
0xb5: {  	_ =	swait.ge [sflag:s29], $0x1  }
0xb6: {  	[sflag:s29] =	ssyncadd.s32 $0xFFFFFFFF  }
0xb7: {  	_ =	strace $0x90000048  }
0xb8: {  	_ =	sfence  }
0xb9: {  	s30 =	sld [smem:$0x0];
	_ =	sdelay $0x2  }
0xba: {  	s31 =	sshll.u32 s1, $0xD;
	s1 =	sshrl.u32 s1, $0x2  }
0xbb: {  	s3 =	sand.u32 $0x4000, s31;
	s1 =	sadd.s32 s1, s30  }
0xbc: {  	s0 =	sor.u32 s3, s0;
	s1 =	sshll.u32 s1, $0x11  }
0xbd: {  	s0 =	sor.u32 s1, s0  }
0xbe: {  	s0 =	sadd.s32 $0x8F2B, s0  }
0xbf: {  	[sflag:s0] =	ssyncadd.remote.s32 $0x1  }
0xc0: {  	_ =	sfence.sel $0xFFFF  }
0xc1: {  	[dreg:$0x0] =	wrdreg $0xFFFFFFFF;
	(pc) =	sbr.abs _section_cstart, $3  }
0xc2: {  	[dreg:$0x1] =	wrdreg $0xFFFFFFFF  }
0xc3: {  	_ =	task.clear_ibuf [dreg:s7], $0x2FFFF;
	_ =	strace $0x9FFFFFFF  }
0xc4: {  	(tm) =	ssettm $0x7FFFFFFF  }
0xc5: {  	_ =	shalt  }
tec
execute0_lowered:
.L_overlay_start_1:
0x0: {  	(tag) =	ssettag $0x1  }
0x1: {  	s0 =	rddreg [dreg:$0x0]  }
0x2: {  	s1 =	rddreg [dreg:$0x1];
	s9 =	simm.s32 $0x0;
	s3 =	srdreg.scid  }
0x3: {  	s17 =	stileid.u32;
	s31 =	simm.s32 $0x3;
	s28 =	simm.s32 $0x1C00  }
0x4: {  	s29 =	simm.s32 $0x1C80;
	s30 =	simm.s32 $0x1D00;
	[smem:$0x7FF] =	sst s9  }
0x5: {  	s3 =	sand.u32 $0x1, s3;
	s4 =	sadd.s32 $0xC600, s1;
	s5 =	smul.u32 $0x500, s17  }
0x6: {  	s7 =	sadd.s32 $0x2600, s1;
	s2 =	sadd.s32 $0x17000, s1;
	s10 =	smul.u32 $0x280, s17  }
0x7: {  	s16 =	smul.u32 $0x14000, s17;
	s6 =	sshll.u32 s3, $0x4;
	s8 =	sshll.u32 s3, $0x7  }
0x8: {  	s18 =	ssub.s32 $0x2, s3;
	s3 =	smul.u32 $0x140000, s3;
	s6 =	sor.u32 s17, s6  }
0x9: {  	s5 =	sor.u32 s8, s5;
	s19 =	sshrl.u32 s18, $0x1;
	s21 =	sshll.u32 s10, $0x7  }
0xa: {  	s6 =	smul.u32 $0x2800, s6;
	s5 =	sshrl.u32 s5, $0x3;
	s12 =	sadd.s32 $0x8000, s21  }
0xb: {  	s13 =	sadd.s32 $0xC000, s21;
	s26 =	sadd.s32 s16, s3;
	s1 =	sadd.s32 s5, s1  }
0xc: {  	s5 =	ssub.s32 s18, s19;
	s16 =	sadd.s32 s3, s13;
	s6 =	sshrl.u32 s6, $0x3  }
0xd: {  	s19 =	sshrl.u32 s16, $0x3;
	s16 =	rddreg [dreg:$0x2];
	s20 =	sadd.s32 s4, s6  }
0xe: {  	s11 =	sadd.s32 s7, s6;
	s14 =	sadd.s32 $0x100, s6;
	[dreg:$0x5] =	wrdreg s20  }
0xf: {  	s8 =	sadd.s32 $0x10000, s21;
	[dreg:$0x6] =	wrdreg s11;
	s15 =	sadd.s32 s4, s14  }
0x10: {  	s22 =	sadd.s32 $0x200, s6;
	s14 =	sadd.s32 s7, s14;
	[dreg:$0x7] =	wrdreg s15  }
0x11: {  	s23 =	sadd.s32 $0x300, s6;
	s18 =	sadd.s32 s4, s22;
	[dreg:$0x8] =	wrdreg s14  }
0x12: {  	s1 =	sadd.s32 $0x16600, s1;
	s24 =	sadd.s32 s4, s23;
	[dreg:$0x9] =	wrdreg s18  }
0x13: {  	s6 =	sadd.s32 $0x400, s6;
	s25 =	sadd.s32 s7, s23;
	[dreg:$0xb] =	wrdreg s24  }
0x14: {  	s11 =	sadd.s32 $0x4000, s21;
	s4 =	sadd.s32 s4, s6;
	[dreg:$0xc] =	wrdreg s25  }
0x15: {  	s6 =	sadd.s32 s7, s6;
	s20 =	smul.u32 $0x50000, s17;
	[dreg:$0xd] =	wrdreg s4  }
0x16: {  	s23 =	sadd.s32 s12, s16;
	s14 =	sadd.s32 s7, s22;
	[dreg:$0xe] =	wrdreg s6  }
0x17: {  	s7 =	sshrl.u32 s26, $0x3;
	s15 =	sadd.s32 s3, s12;
	[dreg:$0xa] =	wrdreg s14  }
0x18: {  	s4 =	sadd.s32 s2, s7;
	s14 =	sadd.s32 s3, s11;
	s6 =	sshrl.u32 s15, $0x3  }
0x19: {  	[dreg:$0xf] =	wrdreg s4;
	s4 =	sshrl.u32 s14, $0x3;
	s18 =	sadd.s32 s2, s6  }
0x1a: {  	s3 =	sadd.s32 s3, s8;
	s4 =	sadd.s32 s2, s4;
	[dreg:$0x11] =	wrdreg s18  }
0x1b: {  	s17 =	simm.s32 $0x80;
	s3 =	sshrl.u32 s3, $0x3;
	[dreg:$0x10] =	wrdreg s4  }
0x1c: {  	s3 =	sadd.s32 s2, s3;
	s4 =	sadd.s32 s2, s19;
	s19 =	rddreg [dreg:$0x3]  }
0x1d: {  	s22 =	sadd.s32 s11, s16;
	s21 =	sshrl.u32 s20, $0x2;
	[dreg:$0x13] =	wrdreg s3  }
0x1e: {  	s24 =	sadd.s32 s13, s16;
	s3 =	sadd.s32 s21, s16;
	[dreg:$0x12] =	wrdreg s4  }
0x1f: {  	s25 =	sadd.s32 s8, s16;
	_ =	strace $0x80000047;
	[dreg:$0x14] =	wrdreg s3  }
0x20: {  	s26 =	smax.u32 s5, $0x1;
	s5 =	simm.s32 $0x4;
	[dreg:$0x15] =	wrdreg s22  }
0x21: {  	s7 =	simm.s32 $0x1;
	s8 =	simm.s32 $0x1E000;
	[dreg:$0x16] =	wrdreg s23  }
0x22: {  	s20 =	simm.s32 $0x1900;
	s2 =	simm.s32 $0x1000;
	[dreg:$0x17] =	wrdreg s24  }
0x23: {  	s21 =	simm.s32 $0x1980;
	s13 =	sadd.s32 s10, s19;
	[dreg:$0x18] =	wrdreg s25  }
0x24: {  	s4 =	simm.s32 $0x5;
	s10 =	simm.s32 $0x2;
	[dreg:$0x1a] =	wrdreg s1  }
0x25: {  	[dreg:$0x1b] =	wrdreg s26;
	s1 =	simm.s32 $0x2000;
	s3 =	simm.s32 $0x6000  }
0x26: {  	s26 =	simm.s32 $0x0;
	[dreg:$0x19] =	wrdreg s13;
	s22 =	simm.s32 $0x1A00  }
0x27: {  	v0 =	vimm.f32 $0.0e+00;
	v1 =	vimm.f32 $1.000000000e+00;
	s23 =	simm.s32 $0x1A80;
	s24 =	simm.s32 $0x1B00;
	s25 =	simm.s32 $0x1B80  }
.LBB2_1:
0x28: {  	s6 =	rddreg [dreg:$0x5]  }
0x29: {  	[tilespmem:s9], [sflag:$0x3] =	stream.linear.gather [hbm4b:s6+s9], $0x800, $0x38;
	[tilespmem:$0x1E580] =	vst v63  }
0x2a: {  	s18 =	rddreg [dreg:$0x6];
	s11 =	simm.s32 $0x200;
	s6 =	simm.s32 $0x0  }
0x2b: {  	[tilespmem:s2], [sflag:$0x3] =	stream.linear.gather [hbm4b:s18+s9], $0x800, $0x38;
	[tilespmem:$0x1E580] =	vst v63  }
.LBB2_2:
0x2c: {  	p0 =	sne.s32 s11, $0xFE00;
	[tilespmem:s6+$0x6070] =	vst v0  }
0x2d: {  	[tilespmem:s6+$0x6000] =	vst v0  }
0x2e: {  	[tilespmem:s6+$0x6010] =	vst v0  }
.Ltmp0:
0x2f: {  	[tilespmem:s6+$0x6020] =	vst v0;
	(pc) =	sbr.rel @p0 .LBB2_2-.Ltmp0, $4  }
0x30: {  	[tilespmem:s6+$0x6030] =	vst v0  }
0x31: {  	[tilespmem:s6+$0x6040] =	vst v0  }
0x32: {  	[tilespmem:s6+$0x6050] =	vst v0  }
0x33: {  	[tilespmem:s6+$0x6060] =	vst v0;
	s6 =	sshra.s32 s11, $0x2;
	s11 =	sadd.s32 $0x200, s11  }
0x34: {  	[tilespmem:s6+$0x6070] =	vst v0  }
0x35: {  	[tilespmem:s6+$0x6000] =	vst v0  }
0x36: {  	[tilespmem:s6+$0x6010] =	vst v0  }
0x37: {  	[tilespmem:s6+$0x6020] =	vst v0  }
0x38: {  	[tilespmem:s6+$0x6030] =	vst v0  }
0x39: {  	[tilespmem:s6+$0x6040] =	vst v0  }
0x3a: {  	[tilespmem:s6+$0x6050] =	vst v0  }
0x3b: {  	[tilespmem:s6+$0x6060] =	vst v0  }
0x3c: {  	_ =	swait.ge [sflag:s31], $0x800  }
0x3d: {  	[sflag:s31] =	ssyncset.done $0x0  }
0x3e: {  	[sflag:s31] =	ssyncadd.s32 $0xFFFFF800  }
0x3f: {  	_ =	swait.ge [sflag:s31], $0x800  }
0x40: {  	[sflag:s31] =	ssyncset.done $0x0  }
0x41: {  	[sflag:s31] =	ssyncadd.s32 $0xFFFFF800  }
0x42: {  	[tilespmem:s1], [sflag:$0x1] =	stream.indirect.gather [hbm4b:s0+s17], $0x80, s9, s17, $0xb8;
	[tilespmem:$0x1E580] =	vst v63  }
0x43: {  	s14 =	rddreg [dreg:$0x14]  }
0x44: {  	[spmem:s14] =	stream.linear.scatter [tilespmem:s3], [sflag:$0x5], $0x4000, $0x38;
	[tilespmem:$0x1E580] =	vst v63  }
0x45: {  	_ =	swait.ge [sflag:s4], $0x4000  }
0x46: {  	[sflag:s4] =	ssyncset.done $0x0  }
0x47: {  	s15 =	rddreg [dreg:$0x15];
	[sflag:s4] =	ssyncadd.s32 $0xFFFFC000  }
0x48: {  	[spmem:s15] =	stream.linear.scatter [tilespmem:s3], [sflag:$0x5], $0x4000, $0x38;
	[tilespmem:$0x1E580] =	vst v63  }
0x49: {  	_ =	swait.ge [sflag:s4], $0x4000  }
0x4a: {  	[sflag:s4] =	ssyncset.done $0x0  }
0x4b: {  	s18 =	rddreg [dreg:$0x16];
	[sflag:s4] =	ssyncadd.s32 $0xFFFFC000  }
0x4c: {  	[spmem:s18] =	stream.linear.scatter [tilespmem:s3], [sflag:$0x5], $0x4000, $0x38;
	[tilespmem:$0x1E580] =	vst v63  }
0x4d: {  	_ =	swait.ge [sflag:s4], $0x4000  }
0x4e: {  	[sflag:s4] =	ssyncset.done $0x0  }
0x4f: {  	s2 =	rddreg [dreg:$0x17];
	[sflag:s4] =	ssyncadd.s32 $0xFFFFC000  }
0x50: {  	[spmem:s2] =	stream.linear.scatter [tilespmem:s3], [sflag:$0x5], $0x4000, $0x38;
	[tilespmem:$0x1E580] =	vst v63  }
0x51: {  	_ =	swait.ge [sflag:s4], $0x4000  }
0x52: {  	[sflag:s4] =	ssyncset.done $0x0  }
0x53: {  	s11 =	rddreg [dreg:$0x18];
	[sflag:s4] =	ssyncadd.s32 $0xFFFFC000  }
0x54: {  	[spmem:s11] =	stream.linear.scatter [tilespmem:s3], [sflag:$0x5], $0x4000, $0x38;
	[tilespmem:$0x1E580] =	vst v63  }
0x55: {  	_ =	swait.ge [sflag:s4], $0x4000  }
0x56: {  	[sflag:s4] =	ssyncset.done $0x0  }
0x57: {  	[sflag:s4] =	ssyncadd.s32 $0xFFFFC000  }
0x58: {  	[tilespmem:$0x1E000] =	vst v1  }
0x59: {  	[tilespmem:$0x1E010] =	vst v1  }
0x5a: {  	[tilespmem:$0x1E020] =	vst v1  }
0x5b: {  	[tilespmem:$0x1E030] =	vst v1  }
0x5c: {  	[tilespmem:$0x1E040] =	vst v1  }
0x5d: {  	[tilespmem:$0x1E050] =	vst v1  }
0x5e: {  	[tilespmem:$0x1E060] =	vst v1  }
0x5f: {  	[tilespmem:$0x1E070] =	vst v1  }
0x60: {  	[tilespmem:$0x1E080] =	vst v0  }
0x61: {  	[tilespmem:$0x1E090] =	vst v0  }
0x62: {  	[tilespmem:$0x1E0A0] =	vst v0  }
0x63: {  	[tilespmem:$0x1E0B0] =	vst v0  }
0x64: {  	[tilespmem:$0x1E0C0] =	vst v0  }
0x65: {  	[tilespmem:$0x1E0D0] =	vst v0  }
0x66: {  	[tilespmem:$0x1E0E0] =	vst v0  }
0x67: {  	[tilespmem:$0x1E0F0] =	vst v0  }
0x68: {  	[tilespmem:$0x1E100] =	vst v0  }
0x69: {  	[tilespmem:$0x1E110] =	vst v0  }
0x6a: {  	[tilespmem:$0x1E120] =	vst v0  }
0x6b: {  	[tilespmem:$0x1E130] =	vst v0  }
0x6c: {  	[tilespmem:$0x1E140] =	vst v0  }
0x6d: {  	[tilespmem:$0x1E150] =	vst v0  }
0x6e: {  	[tilespmem:$0x1E160] =	vst v0  }
0x6f: {  	[tilespmem:$0x1E170] =	vst v0  }
0x70: {  	[tilespmem:$0x1E180] =	vst v0  }
0x71: {  	[tilespmem:$0x1E190] =	vst v0  }
0x72: {  	[tilespmem:$0x1E1A0] =	vst v0  }
0x73: {  	[tilespmem:$0x1E1B0] =	vst v0  }
0x74: {  	[tilespmem:$0x1E1C0] =	vst v0  }
0x75: {  	[tilespmem:$0x1E1D0] =	vst v0  }
0x76: {  	[tilespmem:$0x1E1E0] =	vst v0  }
0x77: {  	[tilespmem:$0x1E1F0] =	vst v0  }
0x78: {  	[tilespmem:$0x1E200] =	vst v0  }
0x79: {  	[tilespmem:$0x1E210] =	vst v0  }
0x7a: {  	[tilespmem:$0x1E220] =	vst v0  }
0x7b: {  	[tilespmem:$0x1E230] =	vst v0  }
0x7c: {  	[tilespmem:$0x1E240] =	vst v0  }
0x7d: {  	[tilespmem:$0x1E250] =	vst v0  }
0x7e: {  	[tilespmem:$0x1E260] =	vst v0  }
0x7f: {  	[tilespmem:$0x1E270] =	vst v0  }
0x80: {  	[tilespmem:$0x1E280] =	vst v0  }
0x81: {  	[tilespmem:$0x1E290] =	vst v0  }
0x82: {  	[tilespmem:$0x1E2A0] =	vst v0  }
0x83: {  	[tilespmem:$0x1E2B0] =	vst v0  }
0x84: {  	[tilespmem:$0x1E2C0] =	vst v0  }
0x85: {  	[tilespmem:$0x1E2D0] =	vst v0  }
0x86: {  	[tilespmem:$0x1E2E0] =	vst v0  }
0x87: {  	s12 =	simm.s32 $0x1E080;
	[tilespmem:$0x1E2F0] =	vst v0  }
0x88: {  	[spmem:s13] =	stream.linear.scatter [tilespmem:s12], [sflag:$0x5], $0x280, $0x38;
	[tilespmem:$0x1E580] =	vst v63  }
0x89: {  	_ =	swait.ge [sflag:s4], $0x280  }
0x8a: {  	[sflag:s4] =	ssyncset.done $0x0  }
0x8b: {  	[sflag:s4] =	ssyncadd.s32 $0xFFFFFD80  }
0x8c: {  	[bflag:$0x0] =	sbarrier.arrive $0xFFFF  }
0x8d: {  	s2 =	simm.s32 $0x800;
	s13 =	rddreg [dreg:$0x7]  }
0x8e: {  	[tilespmem:s2], [sflag:$0x3] =	stream.linear.gather [hbm4b:s13+s9], $0x800, $0x38;
	[tilespmem:$0x1E580] =	vst v63  }
0x8f: {  	s15 =	simm.s32 $0x1800;
	s14 =	rddreg [dreg:$0x8]  }
0x90: {  	[tilespmem:s15], [sflag:$0x3] =	stream.linear.gather [hbm4b:s14+s9], $0x800, $0x38;
	[tilespmem:$0x1E580] =	vst v63  }
0x91: {  	_ = 	snop  }
0x92: {  	[tilespmem:s3], [sflag:$0x2] =	stream.indirect.gather [hbm4b:s0+s17], $0x80, s17, s17, $0xb8;
	[tilespmem:$0x1E580] =	vst v63  }
0x93: {  	_ =	swait.ge [sflag:s7], $0x4000  }
0x94: {  	[sflag:s7] =	ssyncset.done $0x0  }
0x95: {  	s18 =	simm.s32 $0x1000;
	[sflag:s7] =	ssyncadd.s32 $0xFFFFC000  }
0x96: {  	[spmem:s16] =	stream.indirect.scatter.add.f32 [tilespmem:s1], [sflag:$0x5], $0x80, s18, s17, $0xb8;
	[tilespmem:$0x1E580] =	vst v63  }
0x97: {  	_ =	swait.ge [sflag:s4], $0x4000  }
0x98: {  	[sflag:s4] =	ssyncset.done $0x0  }
0x99: {  	[sflag:s4] =	ssyncadd.s32 $0xFFFFC000  }
0x9a: {  	[spmem:s19] =	stream.indirect.scatter.add.f32 [tilespmem:s8], [sflag:$0x4], $0x1, s18, s17, $0xb8;
	[tilespmem:$0x1E580] =	vst v63  }
0x9b: {  	s6 =	simm.s32 $0x100  }
0x9c: {  	[tilespmem:s1], [sflag:$0x1] =	stream.indirect.gather [hbm4b:s0+s17], $0x80, s6, s17, $0xb8;
	[tilespmem:$0x1E580] =	vst v63  }
0x9d: {  	_ =	swait.ge [sflag:s10], $0x4000  }
0x9e: {  	[sflag:s10] =	ssyncset.done $0x0  }
0x9f: {  	s13 =	simm.s32 $0x1080;
	[sflag:s10] =	ssyncadd.s32 $0xFFFFC000  }
0xa0: {  	[spmem:s16] =	stream.indirect.scatter.add.f32 [tilespmem:s3], [sflag:$0x5], $0x80, s13, s17, $0xb8;
	[tilespmem:$0x1E580] =	vst v63  }
0xa1: {  	_ =	swait.ge [sflag:s4], $0x4000  }
0xa2: {  	[sflag:s4] =	ssyncset.done $0x0  }
0xa3: {  	[sflag:s4] =	ssyncadd.s32 $0xFFFFC000  }
0xa4: {  	[spmem:s19] =	stream.indirect.scatter.add.f32 [tilespmem:s8], [sflag:$0x4], $0x1, s13, s17, $0xb8;
	[tilespmem:$0x1E580] =	vst v63  }
0xa5: {  	s14 =	simm.s32 $0x180  }
0xa6: {  	[tilespmem:s3], [sflag:$0x2] =	stream.indirect.gather [hbm4b:s0+s17], $0x80, s14, s17, $0xb8;
	[tilespmem:$0x1E580] =	vst v63  }
0xa7: {  	_ =	swait.ge [sflag:s7], $0x4000  }
0xa8: {  	[sflag:s7] =	ssyncset.done $0x0  }
0xa9: {  	s15 =	simm.s32 $0x1100;
	[sflag:s7] =	ssyncadd.s32 $0xFFFFC000  }
0xaa: {  	[spmem:s16] =	stream.indirect.scatter.add.f32 [tilespmem:s1], [sflag:$0x5], $0x80, s15, s17, $0xb8;
	[tilespmem:$0x1E580] =	vst v63  }
0xab: {  	_ =	swait.ge [sflag:s4], $0x4000  }
0xac: {  	[sflag:s4] =	ssyncset.done $0x0  }
0xad: {  	[sflag:s4] =	ssyncadd.s32 $0xFFFFC000  }
0xae: {  	[spmem:s19] =	stream.indirect.scatter.add.f32 [tilespmem:s8], [sflag:$0x4], $0x1, s15, s17, $0xb8;
	[tilespmem:$0x1E580] =	vst v63  }
0xaf: {  	s18 =	simm.s32 $0x200  }
0xb0: {  	[tilespmem:s1], [sflag:$0x1] =	stream.indirect.gather [hbm4b:s0+s17], $0x80, s18, s17, $0xb8;
	[tilespmem:$0x1E580] =	vst v63  }
0xb1: {  	_ =	swait.ge [sflag:s10], $0x4000  }
0xb2: {  	[sflag:s10] =	ssyncset.done $0x0  }
0xb3: {  	s6 =	simm.s32 $0x1180;
	[sflag:s10] =	ssyncadd.s32 $0xFFFFC000  }
0xb4: {  	[spmem:s16] =	stream.indirect.scatter.add.f32 [tilespmem:s3], [sflag:$0x5], $0x80, s6, s17, $0xb8;
	[tilespmem:$0x1E580] =	vst v63  }
0xb5: {  	_ =	swait.ge [sflag:s4], $0x4000  }
0xb6: {  	[sflag:s4] =	ssyncset.done $0x0  }
0xb7: {  	[sflag:s4] =	ssyncadd.s32 $0xFFFFC000  }
0xb8: {  	[spmem:s19] =	stream.indirect.scatter.add.f32 [tilespmem:s8], [sflag:$0x4], $0x1, s6, s17, $0xb8;
	[tilespmem:$0x1E580] =	vst v63  }
0xb9: {  	s13 =	simm.s32 $0x280  }
0xba: {  	[tilespmem:s3], [sflag:$0x2] =	stream.indirect.gather [hbm4b:s0+s17], $0x80, s13, s17, $0xb8;
	[tilespmem:$0x1E580] =	vst v63  }
0xbb: {  	_ =	swait.ge [sflag:s7], $0x4000  }
0xbc: {  	[sflag:s7] =	ssyncset.done $0x0  }
0xbd: {  	s14 =	simm.s32 $0x1200;
	[sflag:s7] =	ssyncadd.s32 $0xFFFFC000  }
0xbe: {  	[spmem:s16] =	stream.indirect.scatter.add.f32 [tilespmem:s1], [sflag:$0x5], $0x80, s14, s17, $0xb8;
	[tilespmem:$0x1E580] =	vst v63  }
0xbf: {  	_ =	swait.ge [sflag:s4], $0x4000  }
0xc0: {  	[sflag:s4] =	ssyncset.done $0x0  }
0xc1: {  	[sflag:s4] =	ssyncadd.s32 $0xFFFFC000  }
0xc2: {  	[spmem:s19] =	stream.indirect.scatter.add.f32 [tilespmem:s8], [sflag:$0x4], $0x1, s14, s17, $0xb8;
	[tilespmem:$0x1E580] =	vst v63  }
0xc3: {  	s15 =	simm.s32 $0x300  }
0xc4: {  	[tilespmem:s1], [sflag:$0x1] =	stream.indirect.gather [hbm4b:s0+s17], $0x80, s15, s17, $0xb8;
	[tilespmem:$0x1E580] =	vst v63  }
0xc5: {  	_ =	swait.ge [sflag:s10], $0x4000  }
0xc6: {  	[sflag:s10] =	ssyncset.done $0x0  }
0xc7: {  	s18 =	simm.s32 $0x1280;
	[sflag:s10] =	ssyncadd.s32 $0xFFFFC000  }
0xc8: {  	[spmem:s16] =	stream.indirect.scatter.add.f32 [tilespmem:s3], [sflag:$0x5], $0x80, s18, s17, $0xb8;
	[tilespmem:$0x1E580] =	vst v63  }
0xc9: {  	_ =	swait.ge [sflag:s4], $0x4000  }
0xca: {  	[sflag:s4] =	ssyncset.done $0x0  }
0xcb: {  	[sflag:s4] =	ssyncadd.s32 $0xFFFFC000  }
0xcc: {  	[spmem:s19] =	stream.indirect.scatter.add.f32 [tilespmem:s8], [sflag:$0x4], $0x1, s18, s17, $0xb8;
	[tilespmem:$0x1E580] =	vst v63  }
0xcd: {  	s6 =	simm.s32 $0x380  }
0xce: {  	[tilespmem:s3], [sflag:$0x2] =	stream.indirect.gather [hbm4b:s0+s17], $0x80, s6, s17, $0xb8;
	[tilespmem:$0x1E580] =	vst v63  }
0xcf: {  	_ =	swait.ge [sflag:s7], $0x4000  }
0xd0: {  	[sflag:s7] =	ssyncset.done $0x0  }
0xd1: {  	s13 =	simm.s32 $0x1300;
	[sflag:s7] =	ssyncadd.s32 $0xFFFFC000  }
0xd2: {  	[spmem:s16] =	stream.indirect.scatter.add.f32 [tilespmem:s1], [sflag:$0x5], $0x80, s13, s17, $0xb8;
	[tilespmem:$0x1E580] =	vst v63  }
0xd3: {  	_ =	swait.ge [sflag:s4], $0x4000  }
0xd4: {  	[sflag:s4] =	ssyncset.done $0x0  }
0xd5: {  	[sflag:s4] =	ssyncadd.s32 $0xFFFFC000  }
0xd6: {  	[spmem:s19] =	stream.indirect.scatter.add.f32 [tilespmem:s8], [sflag:$0x4], $0x1, s13, s17, $0xb8;
	[tilespmem:$0x1E580] =	vst v63  }
0xd7: {  	s14 =	simm.s32 $0x400  }
0xd8: {  	[tilespmem:s1], [sflag:$0x1] =	stream.indirect.gather [hbm4b:s0+s17], $0x80, s14, s17, $0xb8;
	[tilespmem:$0x1E580] =	vst v63  }
0xd9: {  	_ =	swait.ge [sflag:s10], $0x4000  }
0xda: {  	[sflag:s10] =	ssyncset.done $0x0  }
0xdb: {  	s15 =	simm.s32 $0x1380;
	[sflag:s10] =	ssyncadd.s32 $0xFFFFC000  }
0xdc: {  	[spmem:s16] =	stream.indirect.scatter.add.f32 [tilespmem:s3], [sflag:$0x5], $0x80, s15, s17, $0xb8;
	[tilespmem:$0x1E580] =	vst v63  }
0xdd: {  	_ =	swait.ge [sflag:s4], $0x4000  }
0xde: {  	[sflag:s4] =	ssyncset.done $0x0  }
0xdf: {  	[sflag:s4] =	ssyncadd.s32 $0xFFFFC000  }
0xe0: {  	[spmem:s19] =	stream.indirect.scatter.add.f32 [tilespmem:s8], [sflag:$0x4], $0x1, s15, s17, $0xb8;
	[tilespmem:$0x1E580] =	vst v63  }
0xe1: {  	s18 =	simm.s32 $0x480  }
0xe2: {  	[tilespmem:s3], [sflag:$0x2] =	stream.indirect.gather [hbm4b:s0+s17], $0x80, s18, s17, $0xb8;
	[tilespmem:$0x1E580] =	vst v63  }
0xe3: {  	_ =	swait.ge [sflag:s7], $0x4000  }
0xe4: {  	[sflag:s7] =	ssyncset.done $0x0  }
0xe5: {  	s6 =	simm.s32 $0x1400;
	[sflag:s7] =	ssyncadd.s32 $0xFFFFC000  }
0xe6: {  	[spmem:s16] =	stream.indirect.scatter.add.f32 [tilespmem:s1], [sflag:$0x5], $0x80, s6, s17, $0xb8;
	[tilespmem:$0x1E580] =	vst v63  }
0xe7: {  	_ =	swait.ge [sflag:s4], $0x4000  }
0xe8: {  	[sflag:s4] =	ssyncset.done $0x0  }
0xe9: {  	[sflag:s4] =	ssyncadd.s32 $0xFFFFC000  }
0xea: {  	[spmem:s19] =	stream.indirect.scatter.add.f32 [tilespmem:s8], [sflag:$0x4], $0x1, s6, s17, $0xb8;
	[tilespmem:$0x1E580] =	vst v63  }
0xeb: {  	s13 =	simm.s32 $0x500  }
0xec: {  	[tilespmem:s1], [sflag:$0x1] =	stream.indirect.gather [hbm4b:s0+s17], $0x80, s13, s17, $0xb8;
	[tilespmem:$0x1E580] =	vst v63  }
0xed: {  	_ =	swait.ge [sflag:s10], $0x4000  }
0xee: {  	[sflag:s10] =	ssyncset.done $0x0  }
0xef: {  	s14 =	simm.s32 $0x1480;
	[sflag:s10] =	ssyncadd.s32 $0xFFFFC000  }
0xf0: {  	[spmem:s16] =	stream.indirect.scatter.add.f32 [tilespmem:s3], [sflag:$0x5], $0x80, s14, s17, $0xb8;
	[tilespmem:$0x1E580] =	vst v63  }
0xf1: {  	_ =	swait.ge [sflag:s4], $0x4000  }
0xf2: {  	[sflag:s4] =	ssyncset.done $0x0  }
0xf3: {  	[sflag:s4] =	ssyncadd.s32 $0xFFFFC000  }
0xf4: {  	[spmem:s19] =	stream.indirect.scatter.add.f32 [tilespmem:s8], [sflag:$0x4], $0x1, s14, s17, $0xb8;
	[tilespmem:$0x1E580] =	vst v63  }
0xf5: {  	s15 =	simm.s32 $0x580  }
0xf6: {  	[tilespmem:s3], [sflag:$0x2] =	stream.indirect.gather [hbm4b:s0+s17], $0x80, s15, s17, $0xb8;
	[tilespmem:$0x1E580] =	vst v63  }
0xf7: {  	_ =	swait.ge [sflag:s7], $0x4000  }
0xf8: {  	[sflag:s7] =	ssyncset.done $0x0  }
0xf9: {  	s18 =	simm.s32 $0x1500;
	[sflag:s7] =	ssyncadd.s32 $0xFFFFC000  }
0xfa: {  	[spmem:s16] =	stream.indirect.scatter.add.f32 [tilespmem:s1], [sflag:$0x5], $0x80, s18, s17, $0xb8;
	[tilespmem:$0x1E580] =	vst v63  }
0xfb: {  	_ =	swait.ge [sflag:s4], $0x4000  }
0xfc: {  	[sflag:s4] =	ssyncset.done $0x0  }
0xfd: {  	[sflag:s4] =	ssyncadd.s32 $0xFFFFC000  }
0xfe: {  	[spmem:s19] =	stream.indirect.scatter.add.f32 [tilespmem:s8], [sflag:$0x4], $0x1, s18, s17, $0xb8;
	[tilespmem:$0x1E580] =	vst v63  }
0xff: {  	s6 =	simm.s32 $0x600  }
0x100: {  	[tilespmem:s1], [sflag:$0x1] =	stream.indirect.gather [hbm4b:s0+s17], $0x80, s6, s17, $0xb8;
	[tilespmem:$0x1E580] =	vst v63  }
0x101: {  	_ =	swait.ge [sflag:s10], $0x4000  }
0x102: {  	[sflag:s10] =	ssyncset.done $0x0  }
0x103: {  	s13 =	simm.s32 $0x1580;
	[sflag:s10] =	ssyncadd.s32 $0xFFFFC000  }
0x104: {  	[spmem:s16] =	stream.indirect.scatter.add.f32 [tilespmem:s3], [sflag:$0x5], $0x80, s13, s17, $0xb8;
	[tilespmem:$0x1E580] =	vst v63  }
0x105: {  	_ =	swait.ge [sflag:s4], $0x4000  }
0x106: {  	[sflag:s4] =	ssyncset.done $0x0  }
0x107: {  	[sflag:s4] =	ssyncadd.s32 $0xFFFFC000  }
0x108: {  	[spmem:s19] =	stream.indirect.scatter.add.f32 [tilespmem:s8], [sflag:$0x4], $0x1, s13, s17, $0xb8;
	[tilespmem:$0x1E580] =	vst v63  }
0x109: {  	s14 =	simm.s32 $0x680  }
0x10a: {  	[tilespmem:s3], [sflag:$0x2] =	stream.indirect.gather [hbm4b:s0+s17], $0x80, s14, s17, $0xb8;
	[tilespmem:$0x1E580] =	vst v63  }
0x10b: {  	_ =	swait.ge [sflag:s7], $0x4000  }
0x10c: {  	[sflag:s7] =	ssyncset.done $0x0  }
0x10d: {  	s15 =	simm.s32 $0x1600;
	[sflag:s7] =	ssyncadd.s32 $0xFFFFC000  }
0x10e: {  	[spmem:s16] =	stream.indirect.scatter.add.f32 [tilespmem:s1], [sflag:$0x5], $0x80, s15, s17, $0xb8;
	[tilespmem:$0x1E580] =	vst v63  }
0x10f: {  	_ =	swait.ge [sflag:s4], $0x4000  }
0x110: {  	[sflag:s4] =	ssyncset.done $0x0  }
0x111: {  	[sflag:s4] =	ssyncadd.s32 $0xFFFFC000  }
0x112: {  	[spmem:s19] =	stream.indirect.scatter.add.f32 [tilespmem:s8], [sflag:$0x4], $0x1, s15, s17, $0xb8;
	[tilespmem:$0x1E580] =	vst v63  }
0x113: {  	s18 =	simm.s32 $0x700  }
0x114: {  	[tilespmem:s1], [sflag:$0x1] =	stream.indirect.gather [hbm4b:s0+s17], $0x80, s18, s17, $0xb8;
	[tilespmem:$0x1E580] =	vst v63  }
0x115: {  	_ =	swait.ge [sflag:s10], $0x4000  }
0x116: {  	[sflag:s10] =	ssyncset.done $0x0  }
0x117: {  	s6 =	simm.s32 $0x1680;
	[sflag:s10] =	ssyncadd.s32 $0xFFFFC000  }
0x118: {  	[spmem:s16] =	stream.indirect.scatter.add.f32 [tilespmem:s3], [sflag:$0x5], $0x80, s6, s17, $0xb8;
	[tilespmem:$0x1E580] =	vst v63  }
0x119: {  	_ =	swait.ge [sflag:s4], $0x4000  }
0x11a: {  	[sflag:s4] =	ssyncset.done $0x0  }
0x11b: {  	[sflag:s4] =	ssyncadd.s32 $0xFFFFC000  }
0x11c: {  	[spmem:s19] =	stream.indirect.scatter.add.f32 [tilespmem:s8], [sflag:$0x4], $0x1, s6, s17, $0xb8;
	[tilespmem:$0x1E580] =	vst v63  }
0x11d: {  	s13 =	simm.s32 $0x780  }
0x11e: {  	[tilespmem:s3], [sflag:$0x2] =	stream.indirect.gather [hbm4b:s0+s17], $0x80, s13, s17, $0xb8;
	[tilespmem:$0x1E580] =	vst v63  }
0x11f: {  	_ =	swait.ge [sflag:s7], $0x4000  }
0x120: {  	[sflag:s7] =	ssyncset.done $0x0  }
0x121: {  	s14 =	simm.s32 $0x1700;
	[sflag:s7] =	ssyncadd.s32 $0xFFFFC000  }
0x122: {  	[spmem:s16] =	stream.indirect.scatter.add.f32 [tilespmem:s1], [sflag:$0x5], $0x80, s14, s17, $0xb8;
	[tilespmem:$0x1E580] =	vst v63  }
0x123: {  	_ =	swait.ge [sflag:s4], $0x4000  }
0x124: {  	[sflag:s4] =	ssyncset.done $0x0  }
0x125: {  	[sflag:s4] =	ssyncadd.s32 $0xFFFFC000  }
0x126: {  	[spmem:s19] =	stream.indirect.scatter.add.f32 [tilespmem:s8], [sflag:$0x4], $0x1, s14, s17, $0xb8;
	[tilespmem:$0x1E580] =	vst v63  }
0x127: {  	_ =	swait.ge [sflag:s31], $0x800  }
0x128: {  	[sflag:s31] =	ssyncset.done $0x0  }
0x129: {  	[sflag:s31] =	ssyncadd.s32 $0xFFFFF800  }
0x12a: {  	_ =	swait.ge [sflag:s31], $0x800  }
0x12b: {  	[sflag:s31] =	ssyncset.done $0x0  }
0x12c: {  	s12 =	simm.s32 $0x800;
	[sflag:s31] =	ssyncadd.s32 $0xFFFFF800  }
0x12d: {  	[tilespmem:s1], [sflag:$0x1] =	stream.indirect.gather [hbm4b:s0+s17], $0x80, s12, s17, $0xb8;
	[tilespmem:$0x1E580] =	vst v63  }
0x12e: {  	_ =	swait.ge [sflag:s10], $0x4000  }
0x12f: {  	[sflag:s10] =	ssyncset.done $0x0  }
0x130: {  	s15 =	simm.s32 $0x1780;
	[sflag:s10] =	ssyncadd.s32 $0xFFFFC000  }
0x131: {  	[spmem:s16] =	stream.indirect.scatter.add.f32 [tilespmem:s3], [sflag:$0x5], $0x80, s15, s17, $0xb8;
	[tilespmem:$0x1E580] =	vst v63  }
0x132: {  	_ =	swait.ge [sflag:s4], $0x4000  }
0x133: {  	[sflag:s4] =	ssyncset.done $0x0  }
0x134: {  	[sflag:s4] =	ssyncadd.s32 $0xFFFFC000  }
0x135: {  	[spmem:s19] =	stream.indirect.scatter.add.f32 [tilespmem:s8], [sflag:$0x4], $0x1, s15, s17, $0xb8;
	[tilespmem:$0x1E580] =	vst v63  }
0x136: {  	s18 =	rddreg [dreg:$0x9]  }
0x137: {  	[tilespmem:s9], [sflag:$0x3] =	stream.linear.gather [hbm4b:s18+s9], $0x800, $0x38;
	[tilespmem:$0x1E580] =	vst v63  }
0x138: {  	s11 =	simm.s32 $0x1000;
	s2 =	rddreg [dreg:$0xa]  }
0x139: {  	[tilespmem:s11], [sflag:$0x3] =	stream.linear.gather [hbm4b:s2+s9], $0x800, $0x38;
	[tilespmem:$0x1E580] =	vst v63  }
0x13a: {  	s12 =	simm.s32 $0x880  }
0x13b: {  	[tilespmem:s3], [sflag:$0x2] =	stream.indirect.gather [hbm4b:s0+s17], $0x80, s12, s17, $0xb8;
	[tilespmem:$0x1E580] =	vst v63  }
0x13c: {  	_ =	swait.ge [sflag:s7], $0x4000  }
0x13d: {  	[sflag:s7] =	ssyncset.done $0x0  }
0x13e: {  	s13 =	simm.s32 $0x1800;
	[sflag:s7] =	ssyncadd.s32 $0xFFFFC000  }
0x13f: {  	[spmem:s16] =	stream.indirect.scatter.add.f32 [tilespmem:s1], [sflag:$0x5], $0x80, s13, s17, $0xb8;
	[tilespmem:$0x1E580] =	vst v63  }
0x140: {  	_ =	swait.ge [sflag:s4], $0x4000  }
0x141: {  	[sflag:s4] =	ssyncset.done $0x0  }
0x142: {  	[sflag:s4] =	ssyncadd.s32 $0xFFFFC000  }
0x143: {  	[spmem:s19] =	stream.indirect.scatter.add.f32 [tilespmem:s8], [sflag:$0x4], $0x1, s13, s17, $0xb8;
	[tilespmem:$0x1E580] =	vst v63  }
0x144: {  	s14 =	simm.s32 $0x900  }
0x145: {  	[tilespmem:s1], [sflag:$0x1] =	stream.indirect.gather [hbm4b:s0+s17], $0x80, s14, s17, $0xb8;
	[tilespmem:$0x1E580] =	vst v63  }
0x146: {  	_ =	swait.ge [sflag:s10], $0x4000  }
0x147: {  	[sflag:s10] =	ssyncset.done $0x0  }
0x148: {  	s9 =	simm.s32 $0x1880;
	[sflag:s10] =	ssyncadd.s32 $0xFFFFC000  }
0x149: {  	[spmem:s16] =	stream.indirect.scatter.add.f32 [tilespmem:s3], [sflag:$0x5], $0x80, s9, s17, $0xb8;
	[tilespmem:$0x1E580] =	vst v63  }
0x14a: {  	_ =	swait.ge [sflag:s4], $0x4000  }
0x14b: {  	[sflag:s4] =	ssyncset.done $0x0  }
0x14c: {  	[sflag:s4] =	ssyncadd.s32 $0xFFFFC000  }
0x14d: {  	[spmem:s19] =	stream.indirect.scatter.add.f32 [tilespmem:s8], [sflag:$0x4], $0x1, s9, s17, $0xb8;
	[tilespmem:$0x1E580] =	vst v63  }
0x14e: {  	s15 =	simm.s32 $0x980  }
0x14f: {  	[tilespmem:s3], [sflag:$0x2] =	stream.indirect.gather [hbm4b:s0+s17], $0x80, s15, s17, $0xb8;
	[tilespmem:$0x1E580] =	vst v63  }
0x150: {  	_ =	swait.ge [sflag:s7], $0x4000  }
0x151: {  	[sflag:s7] =	ssyncset.done $0x0  }
0x152: {  	[sflag:s7] =	ssyncadd.s32 $0xFFFFC000  }
0x153: {  	[spmem:s16] =	stream.indirect.scatter.add.f32 [tilespmem:s1], [sflag:$0x5], $0x80, s20, s17, $0xb8;
	[tilespmem:$0x1E580] =	vst v63  }
0x154: {  	_ =	swait.ge [sflag:s4], $0x4000  }
0x155: {  	[sflag:s4] =	ssyncset.done $0x0  }
0x156: {  	[sflag:s4] =	ssyncadd.s32 $0xFFFFC000  }
0x157: {  	[spmem:s19] =	stream.indirect.scatter.add.f32 [tilespmem:s8], [sflag:$0x4], $0x1, s20, s17, $0xb8;
	[tilespmem:$0x1E580] =	vst v63  }
0x158: {  	s18 =	simm.s32 $0xA00  }
0x159: {  	[tilespmem:s1], [sflag:$0x1] =	stream.indirect.gather [hbm4b:s0+s17], $0x80, s18, s17, $0xb8;
	[tilespmem:$0x1E580] =	vst v63  }
0x15a: {  	_ =	swait.ge [sflag:s10], $0x4000  }
0x15b: {  	[sflag:s10] =	ssyncset.done $0x0  }
0x15c: {  	[sflag:s10] =	ssyncadd.s32 $0xFFFFC000  }
0x15d: {  	[spmem:s16] =	stream.indirect.scatter.add.f32 [tilespmem:s3], [sflag:$0x5], $0x80, s21, s17, $0xb8;
	[tilespmem:$0x1E580] =	vst v63  }
0x15e: {  	_ =	swait.ge [sflag:s4], $0x4000  }
0x15f: {  	[sflag:s4] =	ssyncset.done $0x0  }
0x160: {  	[sflag:s4] =	ssyncadd.s32 $0xFFFFC000  }
0x161: {  	[spmem:s19] =	stream.indirect.scatter.add.f32 [tilespmem:s8], [sflag:$0x4], $0x1, s21, s17, $0xb8;
	[tilespmem:$0x1E580] =	vst v63  }
0x162: {  	s11 =	simm.s32 $0xA80  }
0x163: {  	[tilespmem:s3], [sflag:$0x2] =	stream.indirect.gather [hbm4b:s0+s17], $0x80, s11, s17, $0xb8;
	[tilespmem:$0x1E580] =	vst v63  }
0x164: {  	_ =	swait.ge [sflag:s7], $0x4000  }
0x165: {  	[sflag:s7] =	ssyncset.done $0x0  }
0x166: {  	[sflag:s7] =	ssyncadd.s32 $0xFFFFC000  }
0x167: {  	[spmem:s16] =	stream.indirect.scatter.add.f32 [tilespmem:s1], [sflag:$0x5], $0x80, s22, s17, $0xb8;
	[tilespmem:$0x1E580] =	vst v63  }
0x168: {  	_ =	swait.ge [sflag:s4], $0x4000  }
0x169: {  	[sflag:s4] =	ssyncset.done $0x0  }
0x16a: {  	[sflag:s4] =	ssyncadd.s32 $0xFFFFC000  }
0x16b: {  	[spmem:s19] =	stream.indirect.scatter.add.f32 [tilespmem:s8], [sflag:$0x4], $0x1, s22, s17, $0xb8;
	[tilespmem:$0x1E580] =	vst v63  }
0x16c: {  	s12 =	simm.s32 $0xB00  }
0x16d: {  	[tilespmem:s1], [sflag:$0x1] =	stream.indirect.gather [hbm4b:s0+s17], $0x80, s12, s17, $0xb8;
	[tilespmem:$0x1E580] =	vst v63  }
0x16e: {  	_ =	swait.ge [sflag:s10], $0x4000  }
0x16f: {  	[sflag:s10] =	ssyncset.done $0x0  }
0x170: {  	[sflag:s10] =	ssyncadd.s32 $0xFFFFC000  }
0x171: {  	[spmem:s16] =	stream.indirect.scatter.add.f32 [tilespmem:s3], [sflag:$0x5], $0x80, s23, s17, $0xb8;
	[tilespmem:$0x1E580] =	vst v63  }
0x172: {  	_ =	swait.ge [sflag:s4], $0x4000  }
0x173: {  	[sflag:s4] =	ssyncset.done $0x0  }
0x174: {  	[sflag:s4] =	ssyncadd.s32 $0xFFFFC000  }
0x175: {  	[spmem:s19] =	stream.indirect.scatter.add.f32 [tilespmem:s8], [sflag:$0x4], $0x1, s23, s17, $0xb8;
	[tilespmem:$0x1E580] =	vst v63  }
0x176: {  	s13 =	simm.s32 $0xB80  }
0x177: {  	[tilespmem:s3], [sflag:$0x2] =	stream.indirect.gather [hbm4b:s0+s17], $0x80, s13, s17, $0xb8;
	[tilespmem:$0x1E580] =	vst v63  }
0x178: {  	_ =	swait.ge [sflag:s7], $0x4000  }
0x179: {  	[sflag:s7] =	ssyncset.done $0x0  }
0x17a: {  	[sflag:s7] =	ssyncadd.s32 $0xFFFFC000  }
0x17b: {  	[spmem:s16] =	stream.indirect.scatter.add.f32 [tilespmem:s1], [sflag:$0x5], $0x80, s24, s17, $0xb8;
	[tilespmem:$0x1E580] =	vst v63  }
0x17c: {  	_ =	swait.ge [sflag:s4], $0x4000  }
0x17d: {  	[sflag:s4] =	ssyncset.done $0x0  }
0x17e: {  	[sflag:s4] =	ssyncadd.s32 $0xFFFFC000  }
0x17f: {  	[spmem:s19] =	stream.indirect.scatter.add.f32 [tilespmem:s8], [sflag:$0x4], $0x1, s24, s17, $0xb8;
	[tilespmem:$0x1E580] =	vst v63  }
0x180: {  	s14 =	simm.s32 $0xC00  }
0x181: {  	[tilespmem:s1], [sflag:$0x1] =	stream.indirect.gather [hbm4b:s0+s17], $0x80, s14, s17, $0xb8;
	[tilespmem:$0x1E580] =	vst v63  }
0x182: {  	_ =	swait.ge [sflag:s10], $0x4000  }
0x183: {  	[sflag:s10] =	ssyncset.done $0x0  }
0x184: {  	[sflag:s10] =	ssyncadd.s32 $0xFFFFC000  }
0x185: {  	[spmem:s16] =	stream.indirect.scatter.add.f32 [tilespmem:s3], [sflag:$0x5], $0x80, s25, s17, $0xb8;
	[tilespmem:$0x1E580] =	vst v63  }
0x186: {  	_ =	swait.ge [sflag:s4], $0x4000  }
0x187: {  	[sflag:s4] =	ssyncset.done $0x0  }
0x188: {  	[sflag:s4] =	ssyncadd.s32 $0xFFFFC000  }
0x189: {  	[spmem:s19] =	stream.indirect.scatter.add.f32 [tilespmem:s8], [sflag:$0x4], $0x1, s25, s17, $0xb8;
	[tilespmem:$0x1E580] =	vst v63  }
0x18a: {  	s15 =	simm.s32 $0xC80  }
0x18b: {  	[tilespmem:s3], [sflag:$0x2] =	stream.indirect.gather [hbm4b:s0+s17], $0x80, s15, s17, $0xb8;
	[tilespmem:$0x1E580] =	vst v63  }
0x18c: {  	_ =	swait.ge [sflag:s7], $0x4000  }
0x18d: {  	[sflag:s7] =	ssyncset.done $0x0  }
0x18e: {  	[sflag:s7] =	ssyncadd.s32 $0xFFFFC000  }
0x18f: {  	[spmem:s16] =	stream.indirect.scatter.add.f32 [tilespmem:s1], [sflag:$0x5], $0x80, s28, s17, $0xb8;
	[tilespmem:$0x1E580] =	vst v63  }
0x190: {  	_ =	swait.ge [sflag:s4], $0x4000  }
0x191: {  	[sflag:s4] =	ssyncset.done $0x0  }
0x192: {  	[sflag:s4] =	ssyncadd.s32 $0xFFFFC000  }
0x193: {  	[spmem:s19] =	stream.indirect.scatter.add.f32 [tilespmem:s8], [sflag:$0x4], $0x1, s28, s17, $0xb8;
	[tilespmem:$0x1E580] =	vst v63  }
0x194: {  	s18 =	simm.s32 $0xD00  }
0x195: {  	[tilespmem:s1], [sflag:$0x1] =	stream.indirect.gather [hbm4b:s0+s17], $0x80, s18, s17, $0xb8;
	[tilespmem:$0x1E580] =	vst v63  }
0x196: {  	_ =	swait.ge [sflag:s10], $0x4000  }
0x197: {  	[sflag:s10] =	ssyncset.done $0x0  }
0x198: {  	[sflag:s10] =	ssyncadd.s32 $0xFFFFC000  }
0x199: {  	[spmem:s16] =	stream.indirect.scatter.add.f32 [tilespmem:s3], [sflag:$0x5], $0x80, s29, s17, $0xb8;
	[tilespmem:$0x1E580] =	vst v63  }
0x19a: {  	_ =	swait.ge [sflag:s4], $0x4000  }
0x19b: {  	[sflag:s4] =	ssyncset.done $0x0  }
0x19c: {  	[sflag:s4] =	ssyncadd.s32 $0xFFFFC000  }
0x19d: {  	[spmem:s19] =	stream.indirect.scatter.add.f32 [tilespmem:s8], [sflag:$0x4], $0x1, s29, s17, $0xb8;
	[tilespmem:$0x1E580] =	vst v63  }
0x19e: {  	s11 =	simm.s32 $0xD80  }
0x19f: {  	[tilespmem:s3], [sflag:$0x2] =	stream.indirect.gather [hbm4b:s0+s17], $0x80, s11, s17, $0xb8;
	[tilespmem:$0x1E580] =	vst v63  }
0x1a0: {  	_ =	swait.ge [sflag:s7], $0x4000  }
0x1a1: {  	[sflag:s7] =	ssyncset.done $0x0  }
0x1a2: {  	[sflag:s7] =	ssyncadd.s32 $0xFFFFC000  }
0x1a3: {  	[spmem:s16] =	stream.indirect.scatter.add.f32 [tilespmem:s1], [sflag:$0x5], $0x80, s30, s17, $0xb8;
	[tilespmem:$0x1E580] =	vst v63  }
0x1a4: {  	_ =	swait.ge [sflag:s4], $0x4000  }
0x1a5: {  	[sflag:s4] =	ssyncset.done $0x0  }
0x1a6: {  	[sflag:s4] =	ssyncadd.s32 $0xFFFFC000  }
0x1a7: {  	[spmem:s19] =	stream.indirect.scatter.add.f32 [tilespmem:s8], [sflag:$0x4], $0x1, s30, s17, $0xb8;
	[tilespmem:$0x1E580] =	vst v63  }
0x1a8: {  	s12 =	simm.s32 $0xE00  }
0x1a9: {  	[tilespmem:s1], [sflag:$0x1] =	stream.indirect.gather [hbm4b:s0+s17], $0x80, s12, s17, $0xb8;
	[tilespmem:$0x1E580] =	vst v63  }
0x1aa: {  	_ =	swait.ge [sflag:s10], $0x4000  }
0x1ab: {  	[sflag:s10] =	ssyncset.done $0x0  }
0x1ac: {  	s11 =	simm.s32 $0x1D80;
	[sflag:s10] =	ssyncadd.s32 $0xFFFFC000  }
0x1ad: {  	[spmem:s16] =	stream.indirect.scatter.add.f32 [tilespmem:s3], [sflag:$0x5], $0x80, s11, s17, $0xb8;
	[tilespmem:$0x1E580] =	vst v63  }
0x1ae: {  	_ =	swait.ge [sflag:s4], $0x4000  }
0x1af: {  	[sflag:s4] =	ssyncset.done $0x0  }
0x1b0: {  	[sflag:s4] =	ssyncadd.s32 $0xFFFFC000  }
0x1b1: {  	[spmem:s19] =	stream.indirect.scatter.add.f32 [tilespmem:s8], [sflag:$0x4], $0x1, s11, s17, $0xb8;
	[tilespmem:$0x1E580] =	vst v63  }
0x1b2: {  	s13 =	simm.s32 $0xE80  }
0x1b3: {  	[tilespmem:s3], [sflag:$0x2] =	stream.indirect.gather [hbm4b:s0+s17], $0x80, s13, s17, $0xb8;
	[tilespmem:$0x1E580] =	vst v63  }
0x1b4: {  	_ =	swait.ge [sflag:s7], $0x4000  }
0x1b5: {  	[sflag:s7] =	ssyncset.done $0x0  }
0x1b6: {  	s12 =	simm.s32 $0x1E00;
	[sflag:s7] =	ssyncadd.s32 $0xFFFFC000  }
0x1b7: {  	[spmem:s16] =	stream.indirect.scatter.add.f32 [tilespmem:s1], [sflag:$0x5], $0x80, s12, s17, $0xb8;
	[tilespmem:$0x1E580] =	vst v63  }
0x1b8: {  	_ =	swait.ge [sflag:s4], $0x4000  }
0x1b9: {  	[sflag:s4] =	ssyncset.done $0x0  }
0x1ba: {  	[sflag:s4] =	ssyncadd.s32 $0xFFFFC000  }
0x1bb: {  	[spmem:s19] =	stream.indirect.scatter.add.f32 [tilespmem:s8], [sflag:$0x4], $0x1, s12, s17, $0xb8;
	[tilespmem:$0x1E580] =	vst v63  }
0x1bc: {  	s14 =	simm.s32 $0xF00  }
0x1bd: {  	[tilespmem:s1], [sflag:$0x1] =	stream.indirect.gather [hbm4b:s0+s17], $0x80, s14, s17, $0xb8;
	[tilespmem:$0x1E580] =	vst v63  }
0x1be: {  	_ =	swait.ge [sflag:s10], $0x4000  }
0x1bf: {  	[sflag:s10] =	ssyncset.done $0x0  }
0x1c0: {  	s13 =	simm.s32 $0x1E80;
	[sflag:s10] =	ssyncadd.s32 $0xFFFFC000  }
0x1c1: {  	[spmem:s16] =	stream.indirect.scatter.add.f32 [tilespmem:s3], [sflag:$0x5], $0x80, s13, s17, $0xb8;
	[tilespmem:$0x1E580] =	vst v63  }
0x1c2: {  	_ =	swait.ge [sflag:s4], $0x4000  }
0x1c3: {  	[sflag:s4] =	ssyncset.done $0x0  }
0x1c4: {  	[sflag:s4] =	ssyncadd.s32 $0xFFFFC000  }
0x1c5: {  	[spmem:s19] =	stream.indirect.scatter.add.f32 [tilespmem:s8], [sflag:$0x4], $0x1, s13, s17, $0xb8;
	[tilespmem:$0x1E580] =	vst v63  }
0x1c6: {  	s15 =	simm.s32 $0xF80  }
0x1c7: {  	[tilespmem:s3], [sflag:$0x2] =	stream.indirect.gather [hbm4b:s0+s17], $0x80, s15, s17, $0xb8;
	[tilespmem:$0x1E580] =	vst v63  }
0x1c8: {  	_ =	swait.ge [sflag:s7], $0x4000  }
0x1c9: {  	[sflag:s7] =	ssyncset.done $0x0  }
0x1ca: {  	s14 =	simm.s32 $0x1F00;
	[sflag:s7] =	ssyncadd.s32 $0xFFFFC000  }
0x1cb: {  	[spmem:s16] =	stream.indirect.scatter.add.f32 [tilespmem:s1], [sflag:$0x5], $0x80, s14, s17, $0xb8;
	[tilespmem:$0x1E580] =	vst v63  }
0x1cc: {  	_ =	swait.ge [sflag:s4], $0x4000  }
0x1cd: {  	[sflag:s4] =	ssyncset.done $0x0  }
0x1ce: {  	[sflag:s4] =	ssyncadd.s32 $0xFFFFC000  }
0x1cf: {  	[spmem:s19] =	stream.indirect.scatter.add.f32 [tilespmem:s8], [sflag:$0x4], $0x1, s14, s17, $0xb8;
	[tilespmem:$0x1E580] =	vst v63  }
0x1d0: {  	_ =	swait.ge [sflag:s31], $0x800  }
0x1d1: {  	[sflag:s31] =	ssyncset.done $0x0  }
0x1d2: {  	[sflag:s31] =	ssyncadd.s32 $0xFFFFF800  }
0x1d3: {  	_ =	swait.ge [sflag:s31], $0x800  }
0x1d4: {  	[sflag:s31] =	ssyncset.done $0x0  }
0x1d5: {  	s2 =	simm.s32 $0x0;
	[sflag:s31] =	ssyncadd.s32 $0xFFFFF800  }
0x1d6: {  	[tilespmem:s1], [sflag:$0x1] =	stream.indirect.gather [hbm4b:s0+s17], $0x80, s2, s17, $0xb8;
	[tilespmem:$0x1E580] =	vst v63  }
0x1d7: {  	_ =	swait.ge [sflag:s10], $0x4000  }
0x1d8: {  	[sflag:s10] =	ssyncset.done $0x0  }
0x1d9: {  	s15 =	simm.s32 $0x1F80;
	[sflag:s10] =	ssyncadd.s32 $0xFFFFC000  }
0x1da: {  	[spmem:s16] =	stream.indirect.scatter.add.f32 [tilespmem:s3], [sflag:$0x5], $0x80, s15, s17, $0xb8;
	[tilespmem:$0x1E580] =	vst v63  }
0x1db: {  	_ =	swait.ge [sflag:s4], $0x4000  }
0x1dc: {  	[sflag:s4] =	ssyncset.done $0x0  }
0x1dd: {  	[sflag:s4] =	ssyncadd.s32 $0xFFFFC000  }
0x1de: {  	[spmem:s19] =	stream.indirect.scatter.add.f32 [tilespmem:s8], [sflag:$0x4], $0x1, s15, s17, $0xb8;
	[tilespmem:$0x1E580] =	vst v63  }
0x1df: {  	s18 =	simm.s32 $0x800;
	s6 =	rddreg [dreg:$0xb]  }
0x1e0: {  	[tilespmem:s18], [sflag:$0x3] =	stream.linear.gather [hbm4b:s6+s2], $0x800, $0x38;
	[tilespmem:$0x1E580] =	vst v63  }
0x1e1: {  	s6 =	rddreg [dreg:$0xc];
	s18 =	simm.s32 $0x1800  }
0x1e2: {  	[tilespmem:s18], [sflag:$0x3] =	stream.linear.gather [hbm4b:s6+s2], $0x800, $0x38;
	[tilespmem:$0x1E580] =	vst v63  }
0x1e3: {  	_ = 	snop  }
0x1e4: {  	[tilespmem:s3], [sflag:$0x2] =	stream.indirect.gather [hbm4b:s0+s17], $0x80, s17, s17, $0xb8;
	[tilespmem:$0x1E580] =	vst v63  }
0x1e5: {  	_ =	swait.ge [sflag:s7], $0x4000  }
0x1e6: {  	[sflag:s7] =	ssyncset.done $0x0  }
0x1e7: {  	s18 =	simm.s32 $0x1000;
	[sflag:s7] =	ssyncadd.s32 $0xFFFFC000  }
0x1e8: {  	[spmem:s16] =	stream.indirect.scatter.add.f32 [tilespmem:s1], [sflag:$0x5], $0x80, s18, s17, $0xb8;
	[tilespmem:$0x1E580] =	vst v63  }
0x1e9: {  	_ =	swait.ge [sflag:s4], $0x4000  }
0x1ea: {  	[sflag:s4] =	ssyncset.done $0x0  }
0x1eb: {  	[sflag:s4] =	ssyncadd.s32 $0xFFFFC000  }
0x1ec: {  	[spmem:s19] =	stream.indirect.scatter.add.f32 [tilespmem:s8], [sflag:$0x4], $0x1, s18, s17, $0xb8;
	[tilespmem:$0x1E580] =	vst v63  }
0x1ed: {  	s6 =	simm.s32 $0x100  }
0x1ee: {  	[tilespmem:s1], [sflag:$0x1] =	stream.indirect.gather [hbm4b:s0+s17], $0x80, s6, s17, $0xb8;
	[tilespmem:$0x1E580] =	vst v63  }
0x1ef: {  	_ =	swait.ge [sflag:s10], $0x4000  }
0x1f0: {  	[sflag:s10] =	ssyncset.done $0x0  }
0x1f1: {  	s6 =	simm.s32 $0x1080;
	[sflag:s10] =	ssyncadd.s32 $0xFFFFC000  }
0x1f2: {  	[spmem:s16] =	stream.indirect.scatter.add.f32 [tilespmem:s3], [sflag:$0x5], $0x80, s6, s17, $0xb8;
	[tilespmem:$0x1E580] =	vst v63  }
0x1f3: {  	_ =	swait.ge [sflag:s4], $0x4000  }
0x1f4: {  	[sflag:s4] =	ssyncset.done $0x0  }
0x1f5: {  	[sflag:s4] =	ssyncadd.s32 $0xFFFFC000  }
0x1f6: {  	[spmem:s19] =	stream.indirect.scatter.add.f32 [tilespmem:s8], [sflag:$0x4], $0x1, s6, s17, $0xb8;
	[tilespmem:$0x1E580] =	vst v63  }
0x1f7: {  	s6 =	simm.s32 $0x180  }
0x1f8: {  	[tilespmem:s3], [sflag:$0x2] =	stream.indirect.gather [hbm4b:s0+s17], $0x80, s6, s17, $0xb8;
	[tilespmem:$0x1E580] =	vst v63  }
0x1f9: {  	_ =	swait.ge [sflag:s7], $0x4000  }
0x1fa: {  	[sflag:s7] =	ssyncset.done $0x0  }
0x1fb: {  	s6 =	simm.s32 $0x1100;
	[sflag:s7] =	ssyncadd.s32 $0xFFFFC000  }
0x1fc: {  	[spmem:s16] =	stream.indirect.scatter.add.f32 [tilespmem:s1], [sflag:$0x5], $0x80, s6, s17, $0xb8;
	[tilespmem:$0x1E580] =	vst v63  }
0x1fd: {  	_ =	swait.ge [sflag:s4], $0x4000  }
0x1fe: {  	[sflag:s4] =	ssyncset.done $0x0  }
0x1ff: {  	[sflag:s4] =	ssyncadd.s32 $0xFFFFC000  }
0x200: {  	[spmem:s19] =	stream.indirect.scatter.add.f32 [tilespmem:s8], [sflag:$0x4], $0x1, s6, s17, $0xb8;
	[tilespmem:$0x1E580] =	vst v63  }
0x201: {  	s6 =	simm.s32 $0x200  }
0x202: {  	[tilespmem:s1], [sflag:$0x1] =	stream.indirect.gather [hbm4b:s0+s17], $0x80, s6, s17, $0xb8;
	[tilespmem:$0x1E580] =	vst v63  }
0x203: {  	_ =	swait.ge [sflag:s10], $0x4000  }
0x204: {  	[sflag:s10] =	ssyncset.done $0x0  }
0x205: {  	s6 =	simm.s32 $0x1180;
	[sflag:s10] =	ssyncadd.s32 $0xFFFFC000  }
0x206: {  	[spmem:s16] =	stream.indirect.scatter.add.f32 [tilespmem:s3], [sflag:$0x5], $0x80, s6, s17, $0xb8;
	[tilespmem:$0x1E580] =	vst v63  }
0x207: {  	_ =	swait.ge [sflag:s4], $0x4000  }
0x208: {  	[sflag:s4] =	ssyncset.done $0x0  }
0x209: {  	[sflag:s4] =	ssyncadd.s32 $0xFFFFC000  }
0x20a: {  	[spmem:s19] =	stream.indirect.scatter.add.f32 [tilespmem:s8], [sflag:$0x4], $0x1, s6, s17, $0xb8;
	[tilespmem:$0x1E580] =	vst v63  }
0x20b: {  	s6 =	simm.s32 $0x280  }
0x20c: {  	[tilespmem:s3], [sflag:$0x2] =	stream.indirect.gather [hbm4b:s0+s17], $0x80, s6, s17, $0xb8;
	[tilespmem:$0x1E580] =	vst v63  }
0x20d: {  	_ =	swait.ge [sflag:s7], $0x4000  }
0x20e: {  	[sflag:s7] =	ssyncset.done $0x0  }
0x20f: {  	s6 =	simm.s32 $0x1200;
	[sflag:s7] =	ssyncadd.s32 $0xFFFFC000  }
0x210: {  	[spmem:s16] =	stream.indirect.scatter.add.f32 [tilespmem:s1], [sflag:$0x5], $0x80, s6, s17, $0xb8;
	[tilespmem:$0x1E580] =	vst v63  }
0x211: {  	_ =	swait.ge [sflag:s4], $0x4000  }
0x212: {  	[sflag:s4] =	ssyncset.done $0x0  }
0x213: {  	[sflag:s4] =	ssyncadd.s32 $0xFFFFC000  }
0x214: {  	[spmem:s19] =	stream.indirect.scatter.add.f32 [tilespmem:s8], [sflag:$0x4], $0x1, s6, s17, $0xb8;
	[tilespmem:$0x1E580] =	vst v63  }
0x215: {  	s6 =	simm.s32 $0x300  }
0x216: {  	[tilespmem:s1], [sflag:$0x1] =	stream.indirect.gather [hbm4b:s0+s17], $0x80, s6, s17, $0xb8;
	[tilespmem:$0x1E580] =	vst v63  }
0x217: {  	_ =	swait.ge [sflag:s10], $0x4000  }
0x218: {  	[sflag:s10] =	ssyncset.done $0x0  }
0x219: {  	s6 =	simm.s32 $0x1280;
	[sflag:s10] =	ssyncadd.s32 $0xFFFFC000  }
0x21a: {  	[spmem:s16] =	stream.indirect.scatter.add.f32 [tilespmem:s3], [sflag:$0x5], $0x80, s6, s17, $0xb8;
	[tilespmem:$0x1E580] =	vst v63  }
0x21b: {  	_ =	swait.ge [sflag:s4], $0x4000  }
0x21c: {  	[sflag:s4] =	ssyncset.done $0x0  }
0x21d: {  	[sflag:s4] =	ssyncadd.s32 $0xFFFFC000  }
0x21e: {  	[spmem:s19] =	stream.indirect.scatter.add.f32 [tilespmem:s8], [sflag:$0x4], $0x1, s6, s17, $0xb8;
	[tilespmem:$0x1E580] =	vst v63  }
0x21f: {  	s6 =	simm.s32 $0x380  }
0x220: {  	[tilespmem:s3], [sflag:$0x2] =	stream.indirect.gather [hbm4b:s0+s17], $0x80, s6, s17, $0xb8;
	[tilespmem:$0x1E580] =	vst v63  }
0x221: {  	_ =	swait.ge [sflag:s7], $0x4000  }
0x222: {  	[sflag:s7] =	ssyncset.done $0x0  }
0x223: {  	s6 =	simm.s32 $0x1300;
	[sflag:s7] =	ssyncadd.s32 $0xFFFFC000  }
0x224: {  	[spmem:s16] =	stream.indirect.scatter.add.f32 [tilespmem:s1], [sflag:$0x5], $0x80, s6, s17, $0xb8;
	[tilespmem:$0x1E580] =	vst v63  }
0x225: {  	_ =	swait.ge [sflag:s4], $0x4000  }
0x226: {  	[sflag:s4] =	ssyncset.done $0x0  }
0x227: {  	[sflag:s4] =	ssyncadd.s32 $0xFFFFC000  }
0x228: {  	[spmem:s19] =	stream.indirect.scatter.add.f32 [tilespmem:s8], [sflag:$0x4], $0x1, s6, s17, $0xb8;
	[tilespmem:$0x1E580] =	vst v63  }
0x229: {  	s6 =	simm.s32 $0x400  }
0x22a: {  	[tilespmem:s1], [sflag:$0x1] =	stream.indirect.gather [hbm4b:s0+s17], $0x80, s6, s17, $0xb8;
	[tilespmem:$0x1E580] =	vst v63  }
0x22b: {  	_ =	swait.ge [sflag:s10], $0x4000  }
0x22c: {  	[sflag:s10] =	ssyncset.done $0x0  }
0x22d: {  	s6 =	simm.s32 $0x1380;
	[sflag:s10] =	ssyncadd.s32 $0xFFFFC000  }
0x22e: {  	[spmem:s16] =	stream.indirect.scatter.add.f32 [tilespmem:s3], [sflag:$0x5], $0x80, s6, s17, $0xb8;
	[tilespmem:$0x1E580] =	vst v63  }
0x22f: {  	_ =	swait.ge [sflag:s4], $0x4000  }
0x230: {  	[sflag:s4] =	ssyncset.done $0x0  }
0x231: {  	[sflag:s4] =	ssyncadd.s32 $0xFFFFC000  }
0x232: {  	[spmem:s19] =	stream.indirect.scatter.add.f32 [tilespmem:s8], [sflag:$0x4], $0x1, s6, s17, $0xb8;
	[tilespmem:$0x1E580] =	vst v63  }
0x233: {  	s6 =	simm.s32 $0x480  }
0x234: {  	[tilespmem:s3], [sflag:$0x2] =	stream.indirect.gather [hbm4b:s0+s17], $0x80, s6, s17, $0xb8;
	[tilespmem:$0x1E580] =	vst v63  }
0x235: {  	_ =	swait.ge [sflag:s7], $0x4000  }
0x236: {  	[sflag:s7] =	ssyncset.done $0x0  }
0x237: {  	s6 =	simm.s32 $0x1400;
	[sflag:s7] =	ssyncadd.s32 $0xFFFFC000  }
0x238: {  	[spmem:s16] =	stream.indirect.scatter.add.f32 [tilespmem:s1], [sflag:$0x5], $0x80, s6, s17, $0xb8;
	[tilespmem:$0x1E580] =	vst v63  }
0x239: {  	_ =	swait.ge [sflag:s4], $0x4000  }
0x23a: {  	[sflag:s4] =	ssyncset.done $0x0  }
0x23b: {  	[sflag:s4] =	ssyncadd.s32 $0xFFFFC000  }
0x23c: {  	[spmem:s19] =	stream.indirect.scatter.add.f32 [tilespmem:s8], [sflag:$0x4], $0x1, s6, s17, $0xb8;
	[tilespmem:$0x1E580] =	vst v63  }
0x23d: {  	s6 =	simm.s32 $0x500  }
0x23e: {  	[tilespmem:s1], [sflag:$0x1] =	stream.indirect.gather [hbm4b:s0+s17], $0x80, s6, s17, $0xb8;
	[tilespmem:$0x1E580] =	vst v63  }
0x23f: {  	_ =	swait.ge [sflag:s10], $0x4000  }
0x240: {  	[sflag:s10] =	ssyncset.done $0x0  }
0x241: {  	s6 =	simm.s32 $0x1480;
	[sflag:s10] =	ssyncadd.s32 $0xFFFFC000  }
0x242: {  	[spmem:s16] =	stream.indirect.scatter.add.f32 [tilespmem:s3], [sflag:$0x5], $0x80, s6, s17, $0xb8;
	[tilespmem:$0x1E580] =	vst v63  }
0x243: {  	_ =	swait.ge [sflag:s4], $0x4000  }
0x244: {  	[sflag:s4] =	ssyncset.done $0x0  }
0x245: {  	[sflag:s4] =	ssyncadd.s32 $0xFFFFC000  }
0x246: {  	[spmem:s19] =	stream.indirect.scatter.add.f32 [tilespmem:s8], [sflag:$0x4], $0x1, s6, s17, $0xb8;
	[tilespmem:$0x1E580] =	vst v63  }
0x247: {  	s6 =	simm.s32 $0x580  }
0x248: {  	[tilespmem:s3], [sflag:$0x2] =	stream.indirect.gather [hbm4b:s0+s17], $0x80, s6, s17, $0xb8;
	[tilespmem:$0x1E580] =	vst v63  }
0x249: {  	_ =	swait.ge [sflag:s7], $0x4000  }
0x24a: {  	[sflag:s7] =	ssyncset.done $0x0  }
0x24b: {  	s6 =	simm.s32 $0x1500;
	[sflag:s7] =	ssyncadd.s32 $0xFFFFC000  }
0x24c: {  	[spmem:s16] =	stream.indirect.scatter.add.f32 [tilespmem:s1], [sflag:$0x5], $0x80, s6, s17, $0xb8;
	[tilespmem:$0x1E580] =	vst v63  }
0x24d: {  	_ =	swait.ge [sflag:s4], $0x4000  }
0x24e: {  	[sflag:s4] =	ssyncset.done $0x0  }
0x24f: {  	[sflag:s4] =	ssyncadd.s32 $0xFFFFC000  }
0x250: {  	[spmem:s19] =	stream.indirect.scatter.add.f32 [tilespmem:s8], [sflag:$0x4], $0x1, s6, s17, $0xb8;
	[tilespmem:$0x1E580] =	vst v63  }
0x251: {  	s6 =	simm.s32 $0x600  }
0x252: {  	[tilespmem:s1], [sflag:$0x1] =	stream.indirect.gather [hbm4b:s0+s17], $0x80, s6, s17, $0xb8;
	[tilespmem:$0x1E580] =	vst v63  }
0x253: {  	_ =	swait.ge [sflag:s10], $0x4000  }
0x254: {  	[sflag:s10] =	ssyncset.done $0x0  }
0x255: {  	s6 =	simm.s32 $0x1580;
	[sflag:s10] =	ssyncadd.s32 $0xFFFFC000  }
0x256: {  	[spmem:s16] =	stream.indirect.scatter.add.f32 [tilespmem:s3], [sflag:$0x5], $0x80, s6, s17, $0xb8;
	[tilespmem:$0x1E580] =	vst v63  }
0x257: {  	_ =	swait.ge [sflag:s4], $0x4000  }
0x258: {  	[sflag:s4] =	ssyncset.done $0x0  }
0x259: {  	[sflag:s4] =	ssyncadd.s32 $0xFFFFC000  }
0x25a: {  	[spmem:s19] =	stream.indirect.scatter.add.f32 [tilespmem:s8], [sflag:$0x4], $0x1, s6, s17, $0xb8;
	[tilespmem:$0x1E580] =	vst v63  }
0x25b: {  	s6 =	simm.s32 $0x680  }
0x25c: {  	[tilespmem:s3], [sflag:$0x2] =	stream.indirect.gather [hbm4b:s0+s17], $0x80, s6, s17, $0xb8;
	[tilespmem:$0x1E580] =	vst v63  }
0x25d: {  	_ =	swait.ge [sflag:s7], $0x4000  }
0x25e: {  	[sflag:s7] =	ssyncset.done $0x0  }
0x25f: {  	s6 =	simm.s32 $0x1600;
	[sflag:s7] =	ssyncadd.s32 $0xFFFFC000  }
0x260: {  	[spmem:s16] =	stream.indirect.scatter.add.f32 [tilespmem:s1], [sflag:$0x5], $0x80, s6, s17, $0xb8;
	[tilespmem:$0x1E580] =	vst v63  }
0x261: {  	_ =	swait.ge [sflag:s4], $0x4000  }
0x262: {  	[sflag:s4] =	ssyncset.done $0x0  }
0x263: {  	[sflag:s4] =	ssyncadd.s32 $0xFFFFC000  }
0x264: {  	[spmem:s19] =	stream.indirect.scatter.add.f32 [tilespmem:s8], [sflag:$0x4], $0x1, s6, s17, $0xb8;
	[tilespmem:$0x1E580] =	vst v63  }
0x265: {  	s6 =	simm.s32 $0x700  }
0x266: {  	[tilespmem:s1], [sflag:$0x1] =	stream.indirect.gather [hbm4b:s0+s17], $0x80, s6, s17, $0xb8;
	[tilespmem:$0x1E580] =	vst v63  }
0x267: {  	_ =	swait.ge [sflag:s10], $0x4000  }
0x268: {  	[sflag:s10] =	ssyncset.done $0x0  }
0x269: {  	s6 =	simm.s32 $0x1680;
	[sflag:s10] =	ssyncadd.s32 $0xFFFFC000  }
0x26a: {  	[spmem:s16] =	stream.indirect.scatter.add.f32 [tilespmem:s3], [sflag:$0x5], $0x80, s6, s17, $0xb8;
	[tilespmem:$0x1E580] =	vst v63  }
0x26b: {  	_ =	swait.ge [sflag:s4], $0x4000  }
0x26c: {  	[sflag:s4] =	ssyncset.done $0x0  }
0x26d: {  	[sflag:s4] =	ssyncadd.s32 $0xFFFFC000  }
0x26e: {  	[spmem:s19] =	stream.indirect.scatter.add.f32 [tilespmem:s8], [sflag:$0x4], $0x1, s6, s17, $0xb8;
	[tilespmem:$0x1E580] =	vst v63  }
0x26f: {  	s6 =	simm.s32 $0x780  }
0x270: {  	[tilespmem:s3], [sflag:$0x2] =	stream.indirect.gather [hbm4b:s0+s17], $0x80, s6, s17, $0xb8;
	[tilespmem:$0x1E580] =	vst v63  }
0x271: {  	_ =	swait.ge [sflag:s7], $0x4000  }
0x272: {  	[sflag:s7] =	ssyncset.done $0x0  }
0x273: {  	s6 =	simm.s32 $0x1700;
	[sflag:s7] =	ssyncadd.s32 $0xFFFFC000  }
0x274: {  	[spmem:s16] =	stream.indirect.scatter.add.f32 [tilespmem:s1], [sflag:$0x5], $0x80, s6, s17, $0xb8;
	[tilespmem:$0x1E580] =	vst v63  }
0x275: {  	_ =	swait.ge [sflag:s4], $0x4000  }
0x276: {  	[sflag:s4] =	ssyncset.done $0x0  }
0x277: {  	[sflag:s4] =	ssyncadd.s32 $0xFFFFC000  }
0x278: {  	[spmem:s19] =	stream.indirect.scatter.add.f32 [tilespmem:s8], [sflag:$0x4], $0x1, s6, s17, $0xb8;
	[tilespmem:$0x1E580] =	vst v63  }
0x279: {  	_ =	swait.ge [sflag:s31], $0x800  }
0x27a: {  	[sflag:s31] =	ssyncset.done $0x0  }
0x27b: {  	[sflag:s31] =	ssyncadd.s32 $0xFFFFF800  }
0x27c: {  	_ =	swait.ge [sflag:s31], $0x800  }
0x27d: {  	[sflag:s31] =	ssyncset.done $0x0  }
0x27e: {  	s6 =	simm.s32 $0x800;
	[sflag:s31] =	ssyncadd.s32 $0xFFFFF800  }
0x27f: {  	[tilespmem:s1], [sflag:$0x1] =	stream.indirect.gather [hbm4b:s0+s17], $0x80, s6, s17, $0xb8;
	[tilespmem:$0x1E580] =	vst v63  }
0x280: {  	_ =	swait.ge [sflag:s10], $0x4000  }
0x281: {  	[sflag:s10] =	ssyncset.done $0x0  }
0x282: {  	s6 =	simm.s32 $0x1780;
	[sflag:s10] =	ssyncadd.s32 $0xFFFFC000  }
0x283: {  	[spmem:s16] =	stream.indirect.scatter.add.f32 [tilespmem:s3], [sflag:$0x5], $0x80, s6, s17, $0xb8;
	[tilespmem:$0x1E580] =	vst v63  }
0x284: {  	_ =	swait.ge [sflag:s4], $0x4000  }
0x285: {  	[sflag:s4] =	ssyncset.done $0x0  }
0x286: {  	[sflag:s4] =	ssyncadd.s32 $0xFFFFC000  }
0x287: {  	[spmem:s19] =	stream.indirect.scatter.add.f32 [tilespmem:s8], [sflag:$0x4], $0x1, s6, s17, $0xb8;
	[tilespmem:$0x1E580] =	vst v63  }
0x288: {  	s6 =	rddreg [dreg:$0xd]  }
0x289: {  	[tilespmem:s2], [sflag:$0x3] =	stream.linear.gather [hbm4b:s6+s2], $0x800, $0x38;
	[tilespmem:$0x1E580] =	vst v63  }
0x28a: {  	s18 =	simm.s32 $0x1000;
	s6 =	rddreg [dreg:$0xe]  }
0x28b: {  	[tilespmem:s18], [sflag:$0x3] =	stream.linear.gather [hbm4b:s6+s2], $0x800, $0x38;
	[tilespmem:$0x1E580] =	vst v63  }
0x28c: {  	s6 =	simm.s32 $0x880  }
0x28d: {  	[tilespmem:s3], [sflag:$0x2] =	stream.indirect.gather [hbm4b:s0+s17], $0x80, s6, s17, $0xb8;
	[tilespmem:$0x1E580] =	vst v63  }
0x28e: {  	_ =	swait.ge [sflag:s7], $0x4000  }
0x28f: {  	[sflag:s7] =	ssyncset.done $0x0  }
0x290: {  	s18 =	simm.s32 $0x1800;
	[sflag:s7] =	ssyncadd.s32 $0xFFFFC000  }
0x291: {  	[spmem:s16] =	stream.indirect.scatter.add.f32 [tilespmem:s1], [sflag:$0x5], $0x80, s18, s17, $0xb8;
	[tilespmem:$0x1E580] =	vst v63  }
0x292: {  	_ =	swait.ge [sflag:s4], $0x4000  }
0x293: {  	[sflag:s4] =	ssyncset.done $0x0  }
0x294: {  	[sflag:s4] =	ssyncadd.s32 $0xFFFFC000  }
0x295: {  	[spmem:s19] =	stream.indirect.scatter.add.f32 [tilespmem:s8], [sflag:$0x4], $0x1, s18, s17, $0xb8;
	[tilespmem:$0x1E580] =	vst v63  }
0x296: {  	s6 =	simm.s32 $0x900  }
0x297: {  	[tilespmem:s1], [sflag:$0x1] =	stream.indirect.gather [hbm4b:s0+s17], $0x80, s6, s17, $0xb8;
	[tilespmem:$0x1E580] =	vst v63  }
0x298: {  	_ =	swait.ge [sflag:s10], $0x4000  }
0x299: {  	[sflag:s10] =	ssyncset.done $0x0  }
0x29a: {  	[sflag:s10] =	ssyncadd.s32 $0xFFFFC000  }
0x29b: {  	[spmem:s16] =	stream.indirect.scatter.add.f32 [tilespmem:s3], [sflag:$0x5], $0x80, s9, s17, $0xb8;
	[tilespmem:$0x1E580] =	vst v63  }
0x29c: {  	_ =	swait.ge [sflag:s4], $0x4000  }
0x29d: {  	[sflag:s4] =	ssyncset.done $0x0  }
0x29e: {  	[sflag:s4] =	ssyncadd.s32 $0xFFFFC000  }
0x29f: {  	[spmem:s19] =	stream.indirect.scatter.add.f32 [tilespmem:s8], [sflag:$0x4], $0x1, s9, s17, $0xb8;
	[tilespmem:$0x1E580] =	vst v63  }
0x2a0: {  	s18 =	simm.s32 $0x980  }
0x2a1: {  	[tilespmem:s3], [sflag:$0x2] =	stream.indirect.gather [hbm4b:s0+s17], $0x80, s18, s17, $0xb8;
	[tilespmem:$0x1E580] =	vst v63  }
0x2a2: {  	_ =	swait.ge [sflag:s7], $0x4000  }
0x2a3: {  	[sflag:s7] =	ssyncset.done $0x0  }
0x2a4: {  	[sflag:s7] =	ssyncadd.s32 $0xFFFFC000  }
0x2a5: {  	[spmem:s16] =	stream.indirect.scatter.add.f32 [tilespmem:s1], [sflag:$0x5], $0x80, s20, s17, $0xb8;
	[tilespmem:$0x1E580] =	vst v63  }
0x2a6: {  	_ =	swait.ge [sflag:s4], $0x4000  }
0x2a7: {  	[sflag:s4] =	ssyncset.done $0x0  }
0x2a8: {  	[sflag:s4] =	ssyncadd.s32 $0xFFFFC000  }
0x2a9: {  	[spmem:s19] =	stream.indirect.scatter.add.f32 [tilespmem:s8], [sflag:$0x4], $0x1, s20, s17, $0xb8;
	[tilespmem:$0x1E580] =	vst v63  }
0x2aa: {  	s6 =	simm.s32 $0xA00  }
0x2ab: {  	[tilespmem:s1], [sflag:$0x1] =	stream.indirect.gather [hbm4b:s0+s17], $0x80, s6, s17, $0xb8;
	[tilespmem:$0x1E580] =	vst v63  }
0x2ac: {  	_ =	swait.ge [sflag:s10], $0x4000  }
0x2ad: {  	[sflag:s10] =	ssyncset.done $0x0  }
0x2ae: {  	[sflag:s10] =	ssyncadd.s32 $0xFFFFC000  }
0x2af: {  	[spmem:s16] =	stream.indirect.scatter.add.f32 [tilespmem:s3], [sflag:$0x5], $0x80, s21, s17, $0xb8;
	[tilespmem:$0x1E580] =	vst v63  }
0x2b0: {  	_ =	swait.ge [sflag:s4], $0x4000  }
0x2b1: {  	[sflag:s4] =	ssyncset.done $0x0  }
0x2b2: {  	[sflag:s4] =	ssyncadd.s32 $0xFFFFC000  }
0x2b3: {  	[spmem:s19] =	stream.indirect.scatter.add.f32 [tilespmem:s8], [sflag:$0x4], $0x1, s21, s17, $0xb8;
	[tilespmem:$0x1E580] =	vst v63  }
0x2b4: {  	s18 =	simm.s32 $0xA80  }
0x2b5: {  	[tilespmem:s3], [sflag:$0x2] =	stream.indirect.gather [hbm4b:s0+s17], $0x80, s18, s17, $0xb8;
	[tilespmem:$0x1E580] =	vst v63  }
0x2b6: {  	_ =	swait.ge [sflag:s7], $0x4000  }
0x2b7: {  	[sflag:s7] =	ssyncset.done $0x0  }
0x2b8: {  	[sflag:s7] =	ssyncadd.s32 $0xFFFFC000  }
0x2b9: {  	[spmem:s16] =	stream.indirect.scatter.add.f32 [tilespmem:s1], [sflag:$0x5], $0x80, s22, s17, $0xb8;
	[tilespmem:$0x1E580] =	vst v63  }
0x2ba: {  	_ =	swait.ge [sflag:s4], $0x4000  }
0x2bb: {  	[sflag:s4] =	ssyncset.done $0x0  }
0x2bc: {  	[sflag:s4] =	ssyncadd.s32 $0xFFFFC000  }
0x2bd: {  	[spmem:s19] =	stream.indirect.scatter.add.f32 [tilespmem:s8], [sflag:$0x4], $0x1, s22, s17, $0xb8;
	[tilespmem:$0x1E580] =	vst v63  }
0x2be: {  	s6 =	simm.s32 $0xB00  }
0x2bf: {  	[tilespmem:s1], [sflag:$0x1] =	stream.indirect.gather [hbm4b:s0+s17], $0x80, s6, s17, $0xb8;
	[tilespmem:$0x1E580] =	vst v63  }
0x2c0: {  	_ =	swait.ge [sflag:s10], $0x4000  }
0x2c1: {  	[sflag:s10] =	ssyncset.done $0x0  }
0x2c2: {  	[sflag:s10] =	ssyncadd.s32 $0xFFFFC000  }
0x2c3: {  	[spmem:s16] =	stream.indirect.scatter.add.f32 [tilespmem:s3], [sflag:$0x5], $0x80, s23, s17, $0xb8;
	[tilespmem:$0x1E580] =	vst v63  }
0x2c4: {  	_ =	swait.ge [sflag:s4], $0x4000  }
0x2c5: {  	[sflag:s4] =	ssyncset.done $0x0  }
0x2c6: {  	[sflag:s4] =	ssyncadd.s32 $0xFFFFC000  }
0x2c7: {  	[spmem:s19] =	stream.indirect.scatter.add.f32 [tilespmem:s8], [sflag:$0x4], $0x1, s23, s17, $0xb8;
	[tilespmem:$0x1E580] =	vst v63  }
0x2c8: {  	s18 =	simm.s32 $0xB80  }
0x2c9: {  	[tilespmem:s3], [sflag:$0x2] =	stream.indirect.gather [hbm4b:s0+s17], $0x80, s18, s17, $0xb8;
	[tilespmem:$0x1E580] =	vst v63  }
0x2ca: {  	_ =	swait.ge [sflag:s7], $0x4000  }
0x2cb: {  	[sflag:s7] =	ssyncset.done $0x0  }
0x2cc: {  	[sflag:s7] =	ssyncadd.s32 $0xFFFFC000  }
0x2cd: {  	[spmem:s16] =	stream.indirect.scatter.add.f32 [tilespmem:s1], [sflag:$0x5], $0x80, s24, s17, $0xb8;
	[tilespmem:$0x1E580] =	vst v63  }
0x2ce: {  	_ =	swait.ge [sflag:s4], $0x4000  }
0x2cf: {  	[sflag:s4] =	ssyncset.done $0x0  }
0x2d0: {  	[sflag:s4] =	ssyncadd.s32 $0xFFFFC000  }
0x2d1: {  	[spmem:s19] =	stream.indirect.scatter.add.f32 [tilespmem:s8], [sflag:$0x4], $0x1, s24, s17, $0xb8;
	[tilespmem:$0x1E580] =	vst v63  }
0x2d2: {  	s6 =	simm.s32 $0xC00  }
0x2d3: {  	[tilespmem:s1], [sflag:$0x1] =	stream.indirect.gather [hbm4b:s0+s17], $0x80, s6, s17, $0xb8;
	[tilespmem:$0x1E580] =	vst v63  }
0x2d4: {  	_ =	swait.ge [sflag:s10], $0x4000  }
0x2d5: {  	[sflag:s10] =	ssyncset.done $0x0  }
0x2d6: {  	[sflag:s10] =	ssyncadd.s32 $0xFFFFC000  }
0x2d7: {  	[spmem:s16] =	stream.indirect.scatter.add.f32 [tilespmem:s3], [sflag:$0x5], $0x80, s25, s17, $0xb8;
	[tilespmem:$0x1E580] =	vst v63  }
0x2d8: {  	_ =	swait.ge [sflag:s4], $0x4000  }
0x2d9: {  	[sflag:s4] =	ssyncset.done $0x0  }
0x2da: {  	[sflag:s4] =	ssyncadd.s32 $0xFFFFC000  }
0x2db: {  	[spmem:s19] =	stream.indirect.scatter.add.f32 [tilespmem:s8], [sflag:$0x4], $0x1, s25, s17, $0xb8;
	[tilespmem:$0x1E580] =	vst v63  }
0x2dc: {  	s18 =	simm.s32 $0xC80  }
0x2dd: {  	[tilespmem:s3], [sflag:$0x2] =	stream.indirect.gather [hbm4b:s0+s17], $0x80, s18, s17, $0xb8;
	[tilespmem:$0x1E580] =	vst v63  }
0x2de: {  	_ =	swait.ge [sflag:s7], $0x4000  }
0x2df: {  	[sflag:s7] =	ssyncset.done $0x0  }
0x2e0: {  	[sflag:s7] =	ssyncadd.s32 $0xFFFFC000  }
0x2e1: {  	[spmem:s16] =	stream.indirect.scatter.add.f32 [tilespmem:s1], [sflag:$0x5], $0x80, s28, s17, $0xb8;
	[tilespmem:$0x1E580] =	vst v63  }
0x2e2: {  	_ =	swait.ge [sflag:s4], $0x4000  }
0x2e3: {  	[sflag:s4] =	ssyncset.done $0x0  }
0x2e4: {  	[sflag:s4] =	ssyncadd.s32 $0xFFFFC000  }
0x2e5: {  	[spmem:s19] =	stream.indirect.scatter.add.f32 [tilespmem:s8], [sflag:$0x4], $0x1, s28, s17, $0xb8;
	[tilespmem:$0x1E580] =	vst v63  }
0x2e6: {  	s6 =	simm.s32 $0xD00  }
0x2e7: {  	[tilespmem:s1], [sflag:$0x1] =	stream.indirect.gather [hbm4b:s0+s17], $0x80, s6, s17, $0xb8;
	[tilespmem:$0x1E580] =	vst v63  }
0x2e8: {  	_ =	swait.ge [sflag:s10], $0x4000  }
0x2e9: {  	[sflag:s10] =	ssyncset.done $0x0  }
0x2ea: {  	[sflag:s10] =	ssyncadd.s32 $0xFFFFC000  }
0x2eb: {  	[spmem:s16] =	stream.indirect.scatter.add.f32 [tilespmem:s3], [sflag:$0x5], $0x80, s29, s17, $0xb8;
	[tilespmem:$0x1E580] =	vst v63  }
0x2ec: {  	_ =	swait.ge [sflag:s4], $0x4000  }
0x2ed: {  	[sflag:s4] =	ssyncset.done $0x0  }
0x2ee: {  	[sflag:s4] =	ssyncadd.s32 $0xFFFFC000  }
0x2ef: {  	[spmem:s19] =	stream.indirect.scatter.add.f32 [tilespmem:s8], [sflag:$0x4], $0x1, s29, s17, $0xb8;
	[tilespmem:$0x1E580] =	vst v63  }
0x2f0: {  	s18 =	simm.s32 $0xD80  }
0x2f1: {  	[tilespmem:s3], [sflag:$0x2] =	stream.indirect.gather [hbm4b:s0+s17], $0x80, s18, s17, $0xb8;
	[tilespmem:$0x1E580] =	vst v63  }
0x2f2: {  	_ =	swait.ge [sflag:s7], $0x4000  }
0x2f3: {  	[sflag:s7] =	ssyncset.done $0x0  }
0x2f4: {  	[sflag:s7] =	ssyncadd.s32 $0xFFFFC000  }
0x2f5: {  	[spmem:s16] =	stream.indirect.scatter.add.f32 [tilespmem:s1], [sflag:$0x5], $0x80, s30, s17, $0xb8;
	[tilespmem:$0x1E580] =	vst v63  }
0x2f6: {  	_ =	swait.ge [sflag:s4], $0x4000  }
0x2f7: {  	[sflag:s4] =	ssyncset.done $0x0  }
0x2f8: {  	[sflag:s4] =	ssyncadd.s32 $0xFFFFC000  }
0x2f9: {  	[spmem:s19] =	stream.indirect.scatter.add.f32 [tilespmem:s8], [sflag:$0x4], $0x1, s30, s17, $0xb8;
	[tilespmem:$0x1E580] =	vst v63  }
0x2fa: {  	s6 =	simm.s32 $0xE00  }
0x2fb: {  	[tilespmem:s1], [sflag:$0x1] =	stream.indirect.gather [hbm4b:s0+s17], $0x80, s6, s17, $0xb8;
	[tilespmem:$0x1E580] =	vst v63  }
0x2fc: {  	_ =	swait.ge [sflag:s10], $0x4000  }
0x2fd: {  	[sflag:s10] =	ssyncset.done $0x0  }
0x2fe: {  	[sflag:s10] =	ssyncadd.s32 $0xFFFFC000  }
0x2ff: {  	[spmem:s16] =	stream.indirect.scatter.add.f32 [tilespmem:s3], [sflag:$0x5], $0x80, s11, s17, $0xb8;
	[tilespmem:$0x1E580] =	vst v63  }
0x300: {  	_ =	swait.ge [sflag:s4], $0x4000  }
0x301: {  	[sflag:s4] =	ssyncset.done $0x0  }
0x302: {  	[sflag:s4] =	ssyncadd.s32 $0xFFFFC000  }
0x303: {  	[spmem:s19] =	stream.indirect.scatter.add.f32 [tilespmem:s8], [sflag:$0x4], $0x1, s11, s17, $0xb8;
	[tilespmem:$0x1E580] =	vst v63  }
0x304: {  	s11 =	simm.s32 $0xE80  }
0x305: {  	[tilespmem:s3], [sflag:$0x2] =	stream.indirect.gather [hbm4b:s0+s17], $0x80, s11, s17, $0xb8;
	[tilespmem:$0x1E580] =	vst v63  }
0x306: {  	_ =	swait.ge [sflag:s7], $0x4000  }
0x307: {  	[sflag:s7] =	ssyncset.done $0x0  }
0x308: {  	[sflag:s7] =	ssyncadd.s32 $0xFFFFC000  }
0x309: {  	[spmem:s16] =	stream.indirect.scatter.add.f32 [tilespmem:s1], [sflag:$0x5], $0x80, s12, s17, $0xb8;
	[tilespmem:$0x1E580] =	vst v63  }
0x30a: {  	_ =	swait.ge [sflag:s4], $0x4000  }
0x30b: {  	[sflag:s4] =	ssyncset.done $0x0  }
0x30c: {  	[sflag:s4] =	ssyncadd.s32 $0xFFFFC000  }
0x30d: {  	[spmem:s19] =	stream.indirect.scatter.add.f32 [tilespmem:s8], [sflag:$0x4], $0x1, s12, s17, $0xb8;
	[tilespmem:$0x1E580] =	vst v63  }
0x30e: {  	s18 =	simm.s32 $0xF00  }
0x30f: {  	[tilespmem:s1], [sflag:$0x1] =	stream.indirect.gather [hbm4b:s0+s17], $0x80, s18, s17, $0xb8;
	[tilespmem:$0x1E580] =	vst v63  }
0x310: {  	_ =	swait.ge [sflag:s10], $0x4000  }
0x311: {  	[sflag:s10] =	ssyncset.done $0x0  }
0x312: {  	[sflag:s10] =	ssyncadd.s32 $0xFFFFC000  }
0x313: {  	[spmem:s16] =	stream.indirect.scatter.add.f32 [tilespmem:s3], [sflag:$0x5], $0x80, s13, s17, $0xb8;
	[tilespmem:$0x1E580] =	vst v63  }
0x314: {  	_ =	swait.ge [sflag:s4], $0x4000  }
0x315: {  	[sflag:s4] =	ssyncset.done $0x0  }
0x316: {  	[sflag:s4] =	ssyncadd.s32 $0xFFFFC000  }
0x317: {  	[spmem:s19] =	stream.indirect.scatter.add.f32 [tilespmem:s8], [sflag:$0x4], $0x1, s13, s17, $0xb8;
	[tilespmem:$0x1E580] =	vst v63  }
0x318: {  	s6 =	simm.s32 $0xF80  }
0x319: {  	[tilespmem:s3], [sflag:$0x2] =	stream.indirect.gather [hbm4b:s0+s17], $0x80, s6, s17, $0xb8;
	[tilespmem:$0x1E580] =	vst v63  }
0x31a: {  	_ =	swait.ge [sflag:s7], $0x4000  }
0x31b: {  	[sflag:s7] =	ssyncset.done $0x0  }
0x31c: {  	[sflag:s7] =	ssyncadd.s32 $0xFFFFC000  }
0x31d: {  	[spmem:s16] =	stream.indirect.scatter.add.f32 [tilespmem:s1], [sflag:$0x5], $0x80, s14, s17, $0xb8;
	[tilespmem:$0x1E580] =	vst v63  }
0x31e: {  	_ =	swait.ge [sflag:s4], $0x4000  }
0x31f: {  	[sflag:s4] =	ssyncset.done $0x0  }
0x320: {  	[sflag:s4] =	ssyncadd.s32 $0xFFFFC000  }
0x321: {  	[spmem:s19] =	stream.indirect.scatter.add.f32 [tilespmem:s8], [sflag:$0x4], $0x1, s14, s17, $0xb8;
	[tilespmem:$0x1E580] =	vst v63  }
0x322: {  	_ =	swait.ge [sflag:s31], $0x800  }
0x323: {  	[sflag:s31] =	ssyncset.done $0x0  }
0x324: {  	[sflag:s31] =	ssyncadd.s32 $0xFFFFF800  }
0x325: {  	_ =	swait.ge [sflag:s31], $0x800  }
0x326: {  	[sflag:s31] =	ssyncset.done $0x0  }
0x327: {  	s9 =	simm.s32 $0x0;
	[sflag:s31] =	ssyncadd.s32 $0xFFFFF800  }
0x328: {  	[tilespmem:s1], [sflag:$0x1] =	stream.indirect.gather [hbm4b:s0+s17], $0x80, s9, s17, $0xb8;
	[tilespmem:$0x1E580] =	vst v63  }
0x329: {  	_ =	swait.ge [sflag:s10], $0x4000  }
0x32a: {  	[sflag:s10] =	ssyncset.done $0x0  }
0x32b: {  	[sflag:s10] =	ssyncadd.s32 $0xFFFFC000  }
0x32c: {  	[spmem:s16] =	stream.indirect.scatter.add.f32 [tilespmem:s3], [sflag:$0x5], $0x80, s15, s17, $0xb8;
	[tilespmem:$0x1E580] =	vst v63  }
0x32d: {  	_ =	swait.ge [sflag:s4], $0x4000  }
0x32e: {  	[sflag:s4] =	ssyncset.done $0x0  }
0x32f: {  	[sflag:s4] =	ssyncadd.s32 $0xFFFFC000  }
0x330: {  	[spmem:s19] =	stream.indirect.scatter.add.f32 [tilespmem:s8], [sflag:$0x4], $0x1, s15, s17, $0xb8;
	[tilespmem:$0x1E580] =	vst v63  }
0x331: {  	_ = 	snop  }
0x332: {  	[tilespmem:s3], [sflag:$0x2] =	stream.indirect.gather [hbm4b:s0+s17], $0x80, s17, s17, $0xb8;
	[tilespmem:$0x1E580] =	vst v63  }
0x333: {  	_ =	swait.ge [sflag:s7], $0x4000  }
0x334: {  	[sflag:s7] =	ssyncset.done $0x0  }
0x335: {  	s11 =	simm.s32 $0x1000;
	[sflag:s7] =	ssyncadd.s32 $0xFFFFC000  }
0x336: {  	[spmem:s16] =	stream.indirect.scatter.add.f32 [tilespmem:s1], [sflag:$0x5], $0x80, s11, s17, $0xb8;
	[tilespmem:$0x1E580] =	vst v63  }
0x337: {  	_ =	swait.ge [sflag:s4], $0x4000  }
0x338: {  	[sflag:s4] =	ssyncset.done $0x0  }
0x339: {  	[sflag:s4] =	ssyncadd.s32 $0xFFFFC000  }
0x33a: {  	[spmem:s19] =	stream.indirect.scatter.add.f32 [tilespmem:s8], [sflag:$0x4], $0x1, s11, s17, $0xb8;
	[tilespmem:$0x1E580] =	vst v63  }
0x33b: {  	s12 =	simm.s32 $0x100  }
0x33c: {  	[tilespmem:s1], [sflag:$0x1] =	stream.indirect.gather [hbm4b:s0+s17], $0x80, s12, s17, $0xb8;
	[tilespmem:$0x1E580] =	vst v63  }
0x33d: {  	_ =	swait.ge [sflag:s10], $0x4000  }
0x33e: {  	[sflag:s10] =	ssyncset.done $0x0  }
0x33f: {  	s13 =	simm.s32 $0x1080;
	[sflag:s10] =	ssyncadd.s32 $0xFFFFC000  }
0x340: {  	[spmem:s16] =	stream.indirect.scatter.add.f32 [tilespmem:s3], [sflag:$0x5], $0x80, s13, s17, $0xb8;
	[tilespmem:$0x1E580] =	vst v63  }
0x341: {  	_ =	swait.ge [sflag:s4], $0x4000  }
0x342: {  	[sflag:s4] =	ssyncset.done $0x0  }
0x343: {  	[sflag:s4] =	ssyncadd.s32 $0xFFFFC000  }
0x344: {  	[spmem:s19] =	stream.indirect.scatter.add.f32 [tilespmem:s8], [sflag:$0x4], $0x1, s13, s17, $0xb8;
	[tilespmem:$0x1E580] =	vst v63  }
0x345: {  	s14 =	simm.s32 $0x180  }
0x346: {  	[tilespmem:s3], [sflag:$0x2] =	stream.indirect.gather [hbm4b:s0+s17], $0x80, s14, s17, $0xb8;
	[tilespmem:$0x1E580] =	vst v63  }
0x347: {  	_ =	swait.ge [sflag:s7], $0x4000  }
0x348: {  	[sflag:s7] =	ssyncset.done $0x0  }
0x349: {  	s15 =	simm.s32 $0x1100;
	[sflag:s7] =	ssyncadd.s32 $0xFFFFC000  }
0x34a: {  	[spmem:s16] =	stream.indirect.scatter.add.f32 [tilespmem:s1], [sflag:$0x5], $0x80, s15, s17, $0xb8;
	[tilespmem:$0x1E580] =	vst v63  }
0x34b: {  	_ =	swait.ge [sflag:s4], $0x4000  }
0x34c: {  	[sflag:s4] =	ssyncset.done $0x0  }
0x34d: {  	[sflag:s4] =	ssyncadd.s32 $0xFFFFC000  }
0x34e: {  	[spmem:s19] =	stream.indirect.scatter.add.f32 [tilespmem:s8], [sflag:$0x4], $0x1, s15, s17, $0xb8;
	[tilespmem:$0x1E580] =	vst v63  }
0x34f: {  	s18 =	simm.s32 $0x200  }
0x350: {  	[tilespmem:s1], [sflag:$0x1] =	stream.indirect.gather [hbm4b:s0+s17], $0x80, s18, s17, $0xb8;
	[tilespmem:$0x1E580] =	vst v63  }
0x351: {  	_ =	swait.ge [sflag:s10], $0x4000  }
0x352: {  	[sflag:s10] =	ssyncset.done $0x0  }
0x353: {  	s11 =	simm.s32 $0x1180;
	[sflag:s10] =	ssyncadd.s32 $0xFFFFC000  }
0x354: {  	[spmem:s16] =	stream.indirect.scatter.add.f32 [tilespmem:s3], [sflag:$0x5], $0x80, s11, s17, $0xb8;
	[tilespmem:$0x1E580] =	vst v63  }
0x355: {  	_ =	swait.ge [sflag:s4], $0x4000  }
0x356: {  	[sflag:s4] =	ssyncset.done $0x0  }
0x357: {  	[sflag:s4] =	ssyncadd.s32 $0xFFFFC000  }
0x358: {  	[spmem:s19] =	stream.indirect.scatter.add.f32 [tilespmem:s8], [sflag:$0x4], $0x1, s11, s17, $0xb8;
	[tilespmem:$0x1E580] =	vst v63  }
0x359: {  	s12 =	simm.s32 $0x280  }
0x35a: {  	[tilespmem:s3], [sflag:$0x2] =	stream.indirect.gather [hbm4b:s0+s17], $0x80, s12, s17, $0xb8;
	[tilespmem:$0x1E580] =	vst v63  }
0x35b: {  	_ =	swait.ge [sflag:s7], $0x4000  }
0x35c: {  	[sflag:s7] =	ssyncset.done $0x0  }
0x35d: {  	s13 =	simm.s32 $0x1200;
	[sflag:s7] =	ssyncadd.s32 $0xFFFFC000  }
0x35e: {  	[spmem:s16] =	stream.indirect.scatter.add.f32 [tilespmem:s1], [sflag:$0x5], $0x80, s13, s17, $0xb8;
	[tilespmem:$0x1E580] =	vst v63  }
0x35f: {  	_ =	swait.ge [sflag:s4], $0x4000  }
0x360: {  	[sflag:s4] =	ssyncset.done $0x0  }
0x361: {  	[sflag:s4] =	ssyncadd.s32 $0xFFFFC000  }
0x362: {  	[spmem:s19] =	stream.indirect.scatter.add.f32 [tilespmem:s8], [sflag:$0x4], $0x1, s13, s17, $0xb8;
	[tilespmem:$0x1E580] =	vst v63  }
0x363: {  	s14 =	simm.s32 $0x300  }
0x364: {  	[tilespmem:s1], [sflag:$0x1] =	stream.indirect.gather [hbm4b:s0+s17], $0x80, s14, s17, $0xb8;
	[tilespmem:$0x1E580] =	vst v63  }
0x365: {  	_ =	swait.ge [sflag:s10], $0x4000  }
0x366: {  	[sflag:s10] =	ssyncset.done $0x0  }
0x367: {  	s15 =	simm.s32 $0x1280;
	[sflag:s10] =	ssyncadd.s32 $0xFFFFC000  }
0x368: {  	[spmem:s16] =	stream.indirect.scatter.add.f32 [tilespmem:s3], [sflag:$0x5], $0x80, s15, s17, $0xb8;
	[tilespmem:$0x1E580] =	vst v63  }
0x369: {  	_ =	swait.ge [sflag:s4], $0x4000  }
0x36a: {  	[sflag:s4] =	ssyncset.done $0x0  }
0x36b: {  	[sflag:s4] =	ssyncadd.s32 $0xFFFFC000  }
0x36c: {  	[spmem:s19] =	stream.indirect.scatter.add.f32 [tilespmem:s8], [sflag:$0x4], $0x1, s15, s17, $0xb8;
	[tilespmem:$0x1E580] =	vst v63  }
0x36d: {  	s18 =	simm.s32 $0x380  }
0x36e: {  	[tilespmem:s3], [sflag:$0x2] =	stream.indirect.gather [hbm4b:s0+s17], $0x80, s18, s17, $0xb8;
	[tilespmem:$0x1E580] =	vst v63  }
0x36f: {  	_ =	swait.ge [sflag:s7], $0x4000  }
0x370: {  	[sflag:s7] =	ssyncset.done $0x0  }
0x371: {  	s11 =	simm.s32 $0x1300;
	[sflag:s7] =	ssyncadd.s32 $0xFFFFC000  }
0x372: {  	[spmem:s16] =	stream.indirect.scatter.add.f32 [tilespmem:s1], [sflag:$0x5], $0x80, s11, s17, $0xb8;
	[tilespmem:$0x1E580] =	vst v63  }
0x373: {  	_ =	swait.ge [sflag:s4], $0x4000  }
0x374: {  	[sflag:s4] =	ssyncset.done $0x0  }
0x375: {  	[sflag:s4] =	ssyncadd.s32 $0xFFFFC000  }
0x376: {  	[spmem:s19] =	stream.indirect.scatter.add.f32 [tilespmem:s8], [sflag:$0x4], $0x1, s11, s17, $0xb8;
	[tilespmem:$0x1E580] =	vst v63  }
0x377: {  	s12 =	simm.s32 $0x400  }
0x378: {  	[tilespmem:s1], [sflag:$0x1] =	stream.indirect.gather [hbm4b:s0+s17], $0x80, s12, s17, $0xb8;
	[tilespmem:$0x1E580] =	vst v63  }
0x379: {  	_ =	swait.ge [sflag:s10], $0x4000  }
0x37a: {  	[sflag:s10] =	ssyncset.done $0x0  }
0x37b: {  	s13 =	simm.s32 $0x1380;
	[sflag:s10] =	ssyncadd.s32 $0xFFFFC000  }
0x37c: {  	[spmem:s16] =	stream.indirect.scatter.add.f32 [tilespmem:s3], [sflag:$0x5], $0x80, s13, s17, $0xb8;
	[tilespmem:$0x1E580] =	vst v63  }
0x37d: {  	_ =	swait.ge [sflag:s4], $0x4000  }
0x37e: {  	[sflag:s4] =	ssyncset.done $0x0  }
0x37f: {  	[sflag:s4] =	ssyncadd.s32 $0xFFFFC000  }
0x380: {  	[spmem:s19] =	stream.indirect.scatter.add.f32 [tilespmem:s8], [sflag:$0x4], $0x1, s13, s17, $0xb8;
	[tilespmem:$0x1E580] =	vst v63  }
0x381: {  	s14 =	simm.s32 $0x480  }
0x382: {  	[tilespmem:s3], [sflag:$0x2] =	stream.indirect.gather [hbm4b:s0+s17], $0x80, s14, s17, $0xb8;
	[tilespmem:$0x1E580] =	vst v63  }
0x383: {  	_ =	swait.ge [sflag:s7], $0x4000  }
0x384: {  	[sflag:s7] =	ssyncset.done $0x0  }
0x385: {  	s15 =	simm.s32 $0x1400;
	[sflag:s7] =	ssyncadd.s32 $0xFFFFC000  }
0x386: {  	[spmem:s16] =	stream.indirect.scatter.add.f32 [tilespmem:s1], [sflag:$0x5], $0x80, s15, s17, $0xb8;
	[tilespmem:$0x1E580] =	vst v63  }
0x387: {  	_ =	swait.ge [sflag:s4], $0x4000  }
0x388: {  	[sflag:s4] =	ssyncset.done $0x0  }
0x389: {  	[sflag:s4] =	ssyncadd.s32 $0xFFFFC000  }
0x38a: {  	[spmem:s19] =	stream.indirect.scatter.add.f32 [tilespmem:s8], [sflag:$0x4], $0x1, s15, s17, $0xb8;
	[tilespmem:$0x1E580] =	vst v63  }
0x38b: {  	s18 =	simm.s32 $0x500  }
0x38c: {  	[tilespmem:s1], [sflag:$0x1] =	stream.indirect.gather [hbm4b:s0+s17], $0x80, s18, s17, $0xb8;
	[tilespmem:$0x1E580] =	vst v63  }
0x38d: {  	_ =	swait.ge [sflag:s10], $0x4000  }
0x38e: {  	[sflag:s10] =	ssyncset.done $0x0  }
0x38f: {  	s11 =	simm.s32 $0x1480;
	[sflag:s10] =	ssyncadd.s32 $0xFFFFC000  }
0x390: {  	[spmem:s16] =	stream.indirect.scatter.add.f32 [tilespmem:s3], [sflag:$0x5], $0x80, s11, s17, $0xb8;
	[tilespmem:$0x1E580] =	vst v63  }
0x391: {  	_ =	swait.ge [sflag:s4], $0x4000  }
0x392: {  	[sflag:s4] =	ssyncset.done $0x0  }
0x393: {  	[sflag:s4] =	ssyncadd.s32 $0xFFFFC000  }
0x394: {  	[spmem:s19] =	stream.indirect.scatter.add.f32 [tilespmem:s8], [sflag:$0x4], $0x1, s11, s17, $0xb8;
	[tilespmem:$0x1E580] =	vst v63  }
0x395: {  	s12 =	simm.s32 $0x580  }
0x396: {  	[tilespmem:s3], [sflag:$0x2] =	stream.indirect.gather [hbm4b:s0+s17], $0x80, s12, s17, $0xb8;
	[tilespmem:$0x1E580] =	vst v63  }
0x397: {  	_ =	swait.ge [sflag:s7], $0x4000  }
0x398: {  	[sflag:s7] =	ssyncset.done $0x0  }
0x399: {  	s13 =	simm.s32 $0x1500;
	[sflag:s7] =	ssyncadd.s32 $0xFFFFC000  }
0x39a: {  	[spmem:s16] =	stream.indirect.scatter.add.f32 [tilespmem:s1], [sflag:$0x5], $0x80, s13, s17, $0xb8;
	[tilespmem:$0x1E580] =	vst v63  }
0x39b: {  	_ =	swait.ge [sflag:s4], $0x4000  }
0x39c: {  	[sflag:s4] =	ssyncset.done $0x0  }
0x39d: {  	[sflag:s4] =	ssyncadd.s32 $0xFFFFC000  }
0x39e: {  	[spmem:s19] =	stream.indirect.scatter.add.f32 [tilespmem:s8], [sflag:$0x4], $0x1, s13, s17, $0xb8;
	[tilespmem:$0x1E580] =	vst v63  }
0x39f: {  	s14 =	simm.s32 $0x600  }
0x3a0: {  	[tilespmem:s1], [sflag:$0x1] =	stream.indirect.gather [hbm4b:s0+s17], $0x80, s14, s17, $0xb8;
	[tilespmem:$0x1E580] =	vst v63  }
0x3a1: {  	_ =	swait.ge [sflag:s10], $0x4000  }
0x3a2: {  	[sflag:s10] =	ssyncset.done $0x0  }
0x3a3: {  	s15 =	simm.s32 $0x1580;
	[sflag:s10] =	ssyncadd.s32 $0xFFFFC000  }
0x3a4: {  	[spmem:s16] =	stream.indirect.scatter.add.f32 [tilespmem:s3], [sflag:$0x5], $0x80, s15, s17, $0xb8;
	[tilespmem:$0x1E580] =	vst v63  }
0x3a5: {  	_ =	swait.ge [sflag:s4], $0x4000  }
0x3a6: {  	[sflag:s4] =	ssyncset.done $0x0  }
0x3a7: {  	[sflag:s4] =	ssyncadd.s32 $0xFFFFC000  }
0x3a8: {  	[spmem:s19] =	stream.indirect.scatter.add.f32 [tilespmem:s8], [sflag:$0x4], $0x1, s15, s17, $0xb8;
	[tilespmem:$0x1E580] =	vst v63  }
0x3a9: {  	s18 =	simm.s32 $0x680  }
0x3aa: {  	[tilespmem:s3], [sflag:$0x2] =	stream.indirect.gather [hbm4b:s0+s17], $0x80, s18, s17, $0xb8;
	[tilespmem:$0x1E580] =	vst v63  }
0x3ab: {  	_ =	swait.ge [sflag:s7], $0x4000  }
0x3ac: {  	[sflag:s7] =	ssyncset.done $0x0  }
0x3ad: {  	s11 =	simm.s32 $0x1600;
	[sflag:s7] =	ssyncadd.s32 $0xFFFFC000  }
0x3ae: {  	[spmem:s16] =	stream.indirect.scatter.add.f32 [tilespmem:s1], [sflag:$0x5], $0x80, s11, s17, $0xb8;
	[tilespmem:$0x1E580] =	vst v63  }
0x3af: {  	_ =	swait.ge [sflag:s4], $0x4000  }
0x3b0: {  	[sflag:s4] =	ssyncset.done $0x0  }
0x3b1: {  	[sflag:s4] =	ssyncadd.s32 $0xFFFFC000  }
0x3b2: {  	[spmem:s19] =	stream.indirect.scatter.add.f32 [tilespmem:s8], [sflag:$0x4], $0x1, s11, s17, $0xb8;
	[tilespmem:$0x1E580] =	vst v63  }
0x3b3: {  	s12 =	simm.s32 $0x700  }
0x3b4: {  	[tilespmem:s1], [sflag:$0x1] =	stream.indirect.gather [hbm4b:s0+s17], $0x80, s12, s17, $0xb8;
	[tilespmem:$0x1E580] =	vst v63  }
0x3b5: {  	_ =	swait.ge [sflag:s10], $0x4000  }
0x3b6: {  	[sflag:s10] =	ssyncset.done $0x0  }
0x3b7: {  	s13 =	simm.s32 $0x1680;
	[sflag:s10] =	ssyncadd.s32 $0xFFFFC000  }
0x3b8: {  	[spmem:s16] =	stream.indirect.scatter.add.f32 [tilespmem:s3], [sflag:$0x5], $0x80, s13, s17, $0xb8;
	[tilespmem:$0x1E580] =	vst v63  }
0x3b9: {  	_ =	swait.ge [sflag:s4], $0x4000  }
0x3ba: {  	[sflag:s4] =	ssyncset.done $0x0  }
0x3bb: {  	[sflag:s4] =	ssyncadd.s32 $0xFFFFC000  }
0x3bc: {  	[spmem:s19] =	stream.indirect.scatter.add.f32 [tilespmem:s8], [sflag:$0x4], $0x1, s13, s17, $0xb8;
	[tilespmem:$0x1E580] =	vst v63  }
0x3bd: {  	s14 =	simm.s32 $0x780  }
0x3be: {  	[tilespmem:s3], [sflag:$0x2] =	stream.indirect.gather [hbm4b:s0+s17], $0x80, s14, s17, $0xb8;
	[tilespmem:$0x1E580] =	vst v63  }
0x3bf: {  	_ =	swait.ge [sflag:s7], $0x4000  }
0x3c0: {  	[sflag:s7] =	ssyncset.done $0x0  }
0x3c1: {  	s15 =	simm.s32 $0x1700;
	[sflag:s7] =	ssyncadd.s32 $0xFFFFC000  }
0x3c2: {  	[spmem:s16] =	stream.indirect.scatter.add.f32 [tilespmem:s1], [sflag:$0x5], $0x80, s15, s17, $0xb8;
	[tilespmem:$0x1E580] =	vst v63  }
0x3c3: {  	_ =	swait.ge [sflag:s4], $0x4000  }
0x3c4: {  	[sflag:s4] =	ssyncset.done $0x0  }
0x3c5: {  	[sflag:s4] =	ssyncadd.s32 $0xFFFFC000  }
0x3c6: {  	[spmem:s19] =	stream.indirect.scatter.add.f32 [tilespmem:s8], [sflag:$0x4], $0x1, s15, s17, $0xb8;
	[tilespmem:$0x1E580] =	vst v63  }
0x3c7: {  	_ =	swait.ge [sflag:s10], $0x4000  }
0x3c8: {  	[sflag:s10] =	ssyncset.done $0x0  }
0x3c9: {  	s18 =	simm.s32 $0x1780;
	[sflag:s10] =	ssyncadd.s32 $0xFFFFC000  }
0x3ca: {  	[spmem:s16] =	stream.indirect.scatter.add.f32 [tilespmem:s3], [sflag:$0x5], $0x80, s18, s17, $0xb8;
	[tilespmem:$0x1E580] =	vst v63  }
0x3cb: {  	_ =	swait.ge [sflag:s4], $0x4000  }
0x3cc: {  	[sflag:s4] =	ssyncset.done $0x0  }
0x3cd: {  	[sflag:s4] =	ssyncadd.s32 $0xFFFFC000  }
0x3ce: {  	[spmem:s19] =	stream.indirect.scatter.add.f32 [tilespmem:s8], [sflag:$0x4], $0x1, s18, s17, $0xb8;
	[tilespmem:$0x1E580] =	vst v63  }
0x3cf: {  	_ =	swait.ge [sflag:s5], $0x80  }
0x3d0: {  	s2 =	simm.s32 $0x1000;
	s6 =	simm.s32 $0x4F;
	[sflag:s5] =	ssyncset.done $0x0  }
.LBB2_4:
0x3d1: {  	p0 =	sne.s32 s6, $0x1;
	s6 =	sadd.s32 $0xFFFFFFFF, s6;
	[sflag:s5] =	ssyncadd.s32 $0xFFFFFF80  }
.Ltmp1:
0x3d2: {  	(pc) =	sbr.rel @p0 .LBB2_4-.Ltmp1, $3  }
0x3d3: {  	_ =	sdelay $0x1  }
0x3d4: {  	_ =	swait.ge [sflag:s5], $0x80  }
0x3d5: {  	[sflag:s5] =	ssyncset.done $0x0  }
0x3d6: {  	[sflag:s5] =	ssyncadd.s32 $0xFFFFFF80  }
0x3d7: {  	s6 =	stileid.u32;
	[bflag:$0x0] =	sbarrier.arrive $0xFFFF  }
0x3d8: {  	s6 =	sshll.u32 s6, $0x6;
	s11 =	rddreg [dreg:$0x14]  }
0x3d9: {  	s6 =	sor.u32 $0x1C05, s6;
	s13 =	rddreg [dreg:$0xf];
	s11 =	sshrl.u32 s11, $0x3  }
0x3da: {  	[hbm:s13], [sflag:s6] =	dma.local [spmem:s11], $0x800  }
0x3db: {  	_ =	swait.ge [sflag:s4], $0x800  }
0x3dc: {  	[sflag:s4] =	ssyncset.done $0x0;
	s18 =	rddreg [dreg:$0x15]  }
0x3dd: {  	s12 =	rddreg [dreg:$0x10];
	[sflag:s4] =	ssyncadd.s32 $0xFFFFF800;
	s11 =	sshrl.u32 s18, $0x3  }
0x3de: {  	[hbm:s12], [sflag:s6] =	dma.local [spmem:s11], $0x800  }
0x3df: {  	_ =	swait.ge [sflag:s4], $0x800  }
0x3e0: {  	[sflag:s4] =	ssyncset.done $0x0;
	s14 =	rddreg [dreg:$0x16]  }
0x3e1: {  	s15 =	rddreg [dreg:$0x11];
	[sflag:s4] =	ssyncadd.s32 $0xFFFFF800;
	s11 =	sshrl.u32 s14, $0x3  }
0x3e2: {  	[hbm:s15], [sflag:s6] =	dma.local [spmem:s11], $0x800  }
0x3e3: {  	_ =	swait.ge [sflag:s4], $0x800  }
0x3e4: {  	[sflag:s4] =	ssyncset.done $0x0;
	s18 =	rddreg [dreg:$0x17]  }
0x3e5: {  	s12 =	rddreg [dreg:$0x12];
	[sflag:s4] =	ssyncadd.s32 $0xFFFFF800;
	s11 =	sshrl.u32 s18, $0x3  }
0x3e6: {  	[hbm:s12], [sflag:s6] =	dma.local [spmem:s11], $0x800  }
0x3e7: {  	_ =	swait.ge [sflag:s4], $0x800  }
0x3e8: {  	[sflag:s4] =	ssyncset.done $0x0;
	s14 =	rddreg [dreg:$0x18]  }
0x3e9: {  	s15 =	rddreg [dreg:$0x13];
	[sflag:s4] =	ssyncadd.s32 $0xFFFFF800;
	s11 =	sshrl.u32 s14, $0x3  }
0x3ea: {  	[hbm:s15], [sflag:s6] =	dma.local [spmem:s11], $0x800  }
0x3eb: {  	s12 =	simm.s32 $0x20;
	_ =	swait.ge [sflag:s4], $0x800  }
0x3ec: {  	s14 =	simm.s32 $0x10;
	[sflag:s4] =	ssyncset.done $0x0;
	s13 =	rddreg [dreg:$0x19]  }
0x3ed: {  	s15 =	rddreg [dreg:$0x1a];
	[sflag:s4] =	ssyncadd.s32 $0xFFFFF800;
	s18 =	sshrl.u32 s13, $0x3  }
0x3ee: {  	[hbm:s15@s12], [sflag:s6] =	dma.strided [spmem:s18@s14], $0x50, s7, $0x10   }
0x3ef: {  	_ =	swait.ge [sflag:s4], $0x50  }
0x3f0: {  	s26 =	sadd.s32 $0x1, s26;
	s18 =	rddreg [dreg:$0x1b]  }
0x3f1: {  	p0 =	sne.s32 s26, s18  }
.Ltmp2:
0x3f2: {  	_ = 	snop;
	(pc) =	sbr.rel @p0 .LBB2_1-.Ltmp2, $3  }
0x3f3: {  	_ =	sdelay $0x1  }
0x3f4: {  	[sflag:s4] =	ssyncset.done $0x0  }
0x3f5: {  	[sflag:s4] =	ssyncadd.s32 $0xFFFFFFB0  }
0x3f6: {  	_ =	sfence.sel $0x180000  }
0x3f7: {  	[bflag:$0x0] =	sbarrier.arrive $0xFFFF  }
0x3f8: {  	_ =	strace $0x90000047  }
0x3f9: {  	s0 =	stileid.u32;
	[bflag:$0x2] =	sbarrier.arrive $0xFFFF  }
0x3fa: {  	p0 =	sne.s32 s0, $0x0;
	s0 =	rddreg [dreg:$0x4]  }
0x3fb: {  	s0 =	sadd.s32 @!p0 $0x100000, s0  }
0x3fc: {  	[sflag:s0] =	ssyncadd.tile.s32 @!p0 $0x1;
	_ =	shalt  }
.Lfunc_end2:
_tile_overlayer_lowered:
.L_overlay_start_2:
0x3fd: {  	(tag) =	ssettag $0x2  }
0x3fe: {  	s0 =	rddreg [dreg:$0x0];
	s2 =	stileid.u32  }
0x3ff: {  	s1 =	rddreg [dreg:$0x1];
	p0 =	sne.s32 s2, $0x0  }
0x400: {  	s3 =	rddreg [dreg:$0x2];
	[bflag:$0x3] =	sbarrier.arrive $0xFFFF;
	s2 =	simm.s32 @!p0 $0x1C05  }
0x401: {  	[timem:s3], [sflag:s2] =	dma.local @!p0 [hbm:s0], s1  }
0x402: {  	s0 =	simm.s32 @!p0 $0x5  }
0x403: {  	_ =	swait.ge @!p0 [sflag:s0], s1  }
0x404: {  	s1 =	ssub.s32 @!p0 $0x0, s1;
	[sflag:s0] =	ssyncset.done @!p0 $0x0  }
0x405: {  	[sflag:s0] =	ssyncadd.s32 @!p0 s1  }
0x406: {  	[bflag:$0x3] =	sbarrier.arrive $0xFFFF  }
0x407: {  	_ =	shalt  }

</sc_bundles>
